<compile_context>
chip_gen: v7x
topology: tpu7x:2x2x1
jax: 0.10.2.dev20260603
libtpu: 0.0.44.dev20260713+nightly
codegen_flags: <defaults>
</compile_context>

<pallas_src>
import functools

import jax
import jax.numpy as jnp
from jax import lax
from jax.experimental import pallas as pl
from jax.experimental.pallas import tpu as pltpu
from jax.experimental.pallas import tpu_sc as plsc

N = 50000
DEG = 16
D = 100
DP = 128
V = 100000

NC = 2
NS = 16
NW = NC * NS
LANE = 128
SPW = 2
CHUNK = SPW * LANE
NBUF = 3

IT_N = 9
PAD_N = NW * IT_N * CHUNK

BLK = 512
STAGES = (6, 30, 30, 33)
OFFS = (0, 6, 36, 66)
NB = sum(STAGES)
NP = NB * BLK
PAD_E = NP * DEG


def _run_gather(emb_hbm, idx_v, out_hbm, rows, gsem, osem, wid, iters):
    def gather(t, b):
        for j in range(SPW):
            pltpu.async_copy(emb_hbm.at[idx_v.at[t, j]],
                             rows[b].at[pl.ds(j * LANE, LANE)],
                             gsem[b])

    def gather_wait(t, b):
        for j in range(SPW):
            pltpu.make_async_copy(emb_hbm.at[idx_v.at[t, j]],
                                  rows[b].at[pl.ds(j * LANE, LANE)],
                                  gsem[b]).wait()

    def store(t, b):
        row0 = (t * NW + wid) * CHUNK
        pltpu.async_copy(rows[b], out_hbm.at[pl.ds(row0, CHUNK)], osem[b])

    def store_wait(t, b):
        row0 = (t * NW + wid) * CHUNK
        pltpu.make_async_copy(rows[b], out_hbm.at[pl.ds(row0, CHUNK)],
                              osem[b]).wait()

    gather(0, 0)
    gather(1, 1)

    def step(i, carry):
        for b in range(NBUF):
            t = i * NBUF + b
            gather_wait(t, b)
            store(t, b)
            nb = (b + 2) % NBUF

            @pl.when(t == 0)
            def _():
                gather(2, 2)

            @pl.when((t >= 1) & (t + 2 < iters))
            def _():
                store_wait(t - 1, nb)
                gather(t + 2, nb)
        return carry

    lax.fori_loop(0, iters // NBUF, step, 0)
    store_wait(iters - 3, 0)
    store_wait(iters - 2, 1)
    store_wait(iters - 1, 2)


def _sc_body_a(emb_hbm, idx_hbm, outn_hbm, oute_hbm,
               idxn_v, idxe_v, rows0, rows1, rows2,
               gsem0, gsem1, gsem2, osem0, osem1, osem2):
    wid = lax.axis_index("c") * NS + lax.axis_index("s")
    pltpu.sync_copy(idx_hbm.at[pl.ds(0, STAGES[0]), wid], idxe_v)
    pltpu.sync_copy(idx_hbm.at[pl.ds(NB, IT_N), wid], idxn_v)
    rows = (rows0, rows1, rows2)
    gsem = (gsem0, gsem1, gsem2)
    osem = (osem0, osem1, osem2)
    _run_gather(emb_hbm, idxe_v, oute_hbm, rows, gsem, osem, wid, STAGES[0])
    _run_gather(emb_hbm, idxn_v, outn_hbm, rows, gsem, osem, wid, IT_N)


def _make_sc_body_b(base, nb):
    def body(emb_hbm, idx_hbm, oute_hbm,
             idxe_v, rows0, rows1, rows2,
             gsem0, gsem1, gsem2, osem0, osem1, osem2):
        wid = lax.axis_index("c") * NS + lax.axis_index("s")
        pltpu.sync_copy(idx_hbm.at[pl.ds(base, nb), wid], idxe_v)
        rows = (rows0, rows1, rows2)
        gsem = (gsem0, gsem1, gsem2)
        osem = (osem0, osem1, osem2)
        _run_gather(emb_hbm, idxe_v, oute_hbm, rows, gsem, osem, wid, nb)
    return body


_SC_SCRATCH_TAIL = [
    pltpu.SemaphoreType.DMA,
    pltpu.SemaphoreType.DMA,
    pltpu.SemaphoreType.DMA,
    pltpu.SemaphoreType.DMA,
    pltpu.SemaphoreType.DMA,
    pltpu.SemaphoreType.DMA,
]


def _mesh():
    return plsc.VectorSubcoreMesh(core_axis_name="c", subcore_axis_name="s",
                                  num_cores=NC, num_subcores=NS)


@functools.cache
def _sc_gather_a():
    return pl.kernel(
        _sc_body_a,
        out_type=[
            jax.ShapeDtypeStruct((PAD_N, DP), jnp.float32),
            jax.ShapeDtypeStruct((STAGES[0] * BLK * DEG, DP), jnp.float32),
        ],
        mesh=_mesh(),
        scratch_types=[
            pltpu.VMEM((IT_N, SPW, LANE), jnp.int32),
            pltpu.VMEM((STAGES[0], SPW, LANE), jnp.int32),
            pltpu.VMEM((CHUNK, DP), jnp.float32),
            pltpu.VMEM((CHUNK, DP), jnp.float32),
            pltpu.VMEM((CHUNK, DP), jnp.float32),
        ] + _SC_SCRATCH_TAIL,
        compiler_params=pltpu.CompilerParams(use_tc_tiling_on_sc=True),
    )


@functools.cache
def _sc_gather_b(base, nb):
    return pl.kernel(
        _make_sc_body_b(base, nb),
        out_type=[jax.ShapeDtypeStruct((nb * BLK * DEG, DP), jnp.float32)],
        mesh=_mesh(),
        scratch_types=[
            pltpu.VMEM((nb, SPW, LANE), jnp.int32),
            pltpu.VMEM((CHUNK, DP), jnp.float32),
            pltpu.VMEM((CHUNK, DP), jnp.float32),
            pltpu.VMEM((CHUNK, DP), jnp.float32),
        ] + _SC_SCRATCH_TAIL,
        compiler_params=pltpu.CompilerParams(use_tc_tiling_on_sc=True),
    )


def _tc_body(x0_ref, hne_ref, s_ref, wei_ref, w1a_ref, w2x_ref, w2m_ref,
             p_ref, o_ref):
    f32 = jnp.float32
    h3 = hne_ref[...]
    s = s_ref[...]
    wei = wei_ref[...]
    w1last = p_ref[0, :]
    b1 = p_ref[1, :]
    q1 = p_ref[2, :]
    b2 = p_ref[3, :]

    a2 = (h3[..., :D] * s[:, None, :]).reshape(BLK * DEG, D)
    lin = jnp.dot(a2, w1a_ref[...], preferred_element_type=f32)
    pre = (lin.reshape(BLK, DEG, D)
           + wei[:, :, None] * w1last[None, None, :]
           + b1[None, None, :])
    h = jnp.tanh(pre)
    score = jnp.sum(h * q1[None, None, :], axis=2, keepdims=True)
    e = jnp.exp(score)
    ws = jnp.sum(e * h3, axis=1)
    msg = (lax.slice(ws, (0, 0), (BLK, D))
           * (1.0 / lax.slice(ws, (0, D), (BLK, D + 1))))

    msgw = jnp.dot(msg, w2m_ref[...], preferred_element_type=f32) + b2[None, :]
    x = x0_ref[...][:, :D]
    x = jnp.maximum(
        jnp.dot(x, w2x_ref[...], preferred_element_type=f32) + msgw, 0.0)
    x = jnp.maximum(
        jnp.dot(x, w2x_ref[...], preferred_element_type=f32) + msgw, 0.0)
    o_ref[...] = x


def _tc_call(x0g, hne3, s_pad, wei_pad, w1a, w2x, w2m, p, nb, off):
    return pl.pallas_call(
        _tc_body,
        grid=(nb,),
        in_specs=[
            pl.BlockSpec((BLK, DP), lambda i: (i + off, 0)),
            pl.BlockSpec((BLK, DEG, DP), lambda i: (i, 0, 0)),
            pl.BlockSpec((BLK, D), lambda i: (i + off, 0)),
            pl.BlockSpec((BLK, DEG), lambda i: (i + off, 0)),
            pl.BlockSpec((D, D), lambda i: (0, 0)),
            pl.BlockSpec((D, D), lambda i: (0, 0)),
            pl.BlockSpec((D, D), lambda i: (0, 0)),
            pl.BlockSpec((8, D), lambda i: (0, 0)),
        ],
        out_specs=pl.BlockSpec((BLK, D), lambda i: (i, 0)),
        out_shape=jax.ShapeDtypeStruct((nb * BLK, D), jnp.float32),
        compiler_params=pltpu.CompilerParams(
            dimension_semantics=("arbitrary",)),
    )(x0g, hne3, s_pad, wei_pad, w1a, w2x, w2m, p)


def kernel(nodes, nei, wei, s_vec, emb, W1_w, W1_b, q1_w, W2_w, W2_b):
    i32 = jnp.int32
    f32 = jnp.float32
    idx_all = jnp.concatenate(
        [nei.reshape(-1).astype(i32),
         jnp.arange(PAD_E - N * DEG, dtype=i32),
         nodes.astype(i32),
         jnp.arange(PAD_N - N, dtype=i32)]).reshape(
             NB + IT_N, NW, SPW, LANE)
    onescol = jnp.zeros((DP - D,), f32).at[0].set(1.0)
    embp = jnp.concatenate(
        [emb, jnp.broadcast_to(onescol[None, :], (V, DP - D))], axis=1)

    x0g, hne0 = _sc_gather_a()(embp, idx_all)
    hnes = [hne0]
    for k in range(1, len(STAGES)):
        h, = _sc_gather_b(OFFS[k], STAGES[k])(embp, idx_all)
        hnes.append(h)

    w1a = W1_w[:, :D].T
    w2x = W2_w[:, :D].T
    w2m = W2_w[:, D:].T
    p = jnp.zeros((8, D), f32)
    p = p.at[0].set(W1_w[:, D])
    p = p.at[1].set(W1_b)
    p = p.at[2].set(q1_w[0])
    p = p.at[3].set(W2_b)

    args = (jnp.pad(s_vec, ((0, NP - N), (0, 0))),
            jnp.pad(wei, ((0, NP - N), (0, 0))),
            w1a, w2x, w2m, p)
    outs = [
        _tc_call(x0g, h.reshape(STAGES[k] * BLK, DEG, DP), *args,
                 nb=STAGES[k], off=OFFS[k])
        for k, h in enumerate(hnes)
    ]
    return jnp.concatenate(outs, axis=0)[:N]

# --- scband reference (transcript-rebuilt; emitter-appended) ---
"""Pipeline reference for scband-global-encoder-13116830122156 (READ-ONLY COPY).

The authoritative reference and input builder live on the scoring server;
editing this copy changes nothing except your own understanding.
"""

import jax, jax.numpy as jnp
import numpy as np

N = 50000
DEG = 16
D = 100
V = 100000
LAYERS = 2

def setup_inputs(seed: int = 0):
    key = jax.random.key(seed)
    ks = jax.random.split(key, 10)
    nodes = jax.random.randint(ks[0], (N,), 0, V)
    nei = jax.random.randint(ks[1], (N, DEG), 0, V)
    wei = jax.random.uniform(ks[2], (N, DEG), dtype=jnp.float32)
    s_vec = jax.random.normal(ks[3], (N, D), dtype=jnp.float32)
    emb = jax.random.normal(ks[4], (V, D), dtype=jnp.float32) * 0.02
    emb = emb.at[0].set(0.0)  # padding_idx=0
    W1_w = jax.random.normal(ks[5], (D, D + 1), dtype=jnp.float32) * 0.1
    W1_b = jnp.zeros((D,), dtype=jnp.float32)
    q1_w = jax.random.normal(ks[6], (1, D), dtype=jnp.float32) * 0.1
    W2_w = jax.random.normal(ks[7], (D, 2 * D), dtype=jnp.float32) * 0.1
    W2_b = jnp.zeros((D,), dtype=jnp.float32)
    return {"nodes": nodes, "nei": nei, "wei": wei, "s_vec": s_vec,
            "emb": emb, "W1_w": W1_w, "W1_b": W1_b, "q1_w": q1_w,
            "W2_w": W2_w, "W2_b": W2_b}

def reference(nodes, nei, wei, s_vec, emb, W1_w, W1_b, q1_w, W2_w, W2_b):
    # x = emb(nodes)
    x = jnp.take(emb, nodes, axis=0)
    for _ in range(LAYERS):
        # neighbor list is static across layers (derived from `nodes` + adjacency)
        h_nei = jnp.take(emb, nei, axis=0)                       # [N, DEG, D]
        feat = jnp.concatenate([h_nei * s_vec[:, None, :],
                                wei[..., None]], axis=-1)        # [N, DEG, D+1]
        h = jnp.tanh(feat @ W1_w.T + W1_b)                       # [N, DEG, D]
        score = jnp.squeeze(h @ q1_w.T, -1)                      # [N, DEG]
        att = jax.nn.softmax(score, axis=-1)
        msg = jnp.sum(att[..., None] * h_nei, axis=1)            # [N, D]
        x = jax.nn.relu(jnp.concatenate([x, msg], axis=-1) @ W2_w.T + W2_b)
    return x

if __name__ == "__main__":
    import jax
    _d = setup_inputs()
    print(jax.jit(kernel)(*tuple(_d.values())))

</pallas_src>

<mosaic_0001>
#map = affine_map<(d0, d1) -> (0, 0)>
#map1 = affine_map<(d0, d1) -> (0, 0, 0, 0)>
module attributes {stable_mosaic.version = 14 : i64} {
  func.func @body(%arg0: i32, %arg1: i32, %arg2: memref<100000x128xf32, #tpu.memory_space<hbm>>, %arg3: memref<108x32x2x128xi32, #tpu.memory_space<hbm>>, %arg4: memref<270336x128xf32, #tpu.memory_space<hbm>>, %arg5: memref<33x2x128xi32, #tpu.memory_space<vmem>>, %arg6: memref<256x128xf32, #tpu.memory_space<vmem>>, %arg7: memref<256x128xf32, #tpu.memory_space<vmem>>, %arg8: memref<256x128xf32, #tpu.memory_space<vmem>>, %arg9: memref<!tpu.dma_semaphore, #tpu.memory_space<semaphore_mem>>, %arg10: memref<!tpu.dma_semaphore, #tpu.memory_space<semaphore_mem>>, %arg11: memref<!tpu.dma_semaphore, #tpu.memory_space<semaphore_mem>>, %arg12: memref<!tpu.dma_semaphore, #tpu.memory_space<semaphore_mem>>, %arg13: memref<!tpu.dma_semaphore, #tpu.memory_space<semaphore_mem>>, %arg14: memref<!tpu.dma_semaphore, #tpu.memory_space<semaphore_mem>>) attributes {dimension_semantics = [#tpu.dimension_semantics<core_parallel>, #tpu.dimension_semantics<subcore_parallel>], iteration_bounds = array<i64: 2, 16>, scalar_prefetch = 0 : i64, scratch_operands = 10 : i64, tpu.core_type = #tpu.core_type<sc_vector_subcore>, window_params = [{transform_indices = #map}, {transform_indices = #map1}, {transform_indices = #map}]} {
    %mul3A = arith.constant 16 : i32
    %mul3A_0 = arith.muli %arg0, %mul3A : i32
    %add3A = arith.addi %mul3A_0, %arg1 : i32
    "tpu.region"() ({
      %run_scoped3A = tpu.sem_alloc : memref<!tpu.dma_semaphore, #tpu.memory_space<semaphore_mem>>
      %dma_start3A_72 = arith.constant 66 : i32
      %dma_start3A_73 = arith.constant 0 : i32
      %dma_start3A_74 = arith.constant 0 : i32
      %dma_start3A_75 = tpu.memref_slice %arg3[%dma_start3A_72, %add3A, %dma_start3A_73, %dma_start3A_74] : memref<108x32x2x128xi32, #tpu.memory_space<hbm>> -> memref<33x1x2x128xi32, #tpu.memory_space<hbm>>
      %dma_start3A_76 = tpu.memref_squeeze %dma_start3A_75 : memref<33x1x2x128xi32, #tpu.memory_space<hbm>> -> memref<33x2x128xi32, #tpu.memory_space<hbm>>
      %dma_start3A_77 = arith.constant 66 : i32
      %dma_start3A_78 = arith.constant 0 : i32
      %dma_start3A_79 = arith.constant 0 : i32
      %dma_start3A_80 = tpu.memref_slice %arg3[%dma_start3A_77, %add3A, %dma_start3A_78, %dma_start3A_79] : memref<108x32x2x128xi32, #tpu.memory_space<hbm>> -> memref<33x1x2x128xi32, #tpu.memory_space<hbm>>
      %dma_start3A_81 = tpu.memref_squeeze %dma_start3A_80 : memref<33x1x2x128xi32, #tpu.memory_space<hbm>> -> memref<33x2x128xi32, #tpu.memory_space<hbm>>
      tpu.enqueue_dma source(%dma_start3A_81 : memref<33x2x128xi32, #tpu.memory_space<hbm>>) target(%arg5 : memref<33x2x128xi32, #tpu.memory_space<vmem>>) target_semaphore(%run_scoped3A : memref<!tpu.dma_semaphore, #tpu.memory_space<semaphore_mem>>)
      %dma_wait3A_82 = arith.constant 66 : i32
      %dma_wait3A_83 = arith.constant 0 : i32
      %dma_wait3A_84 = arith.constant 0 : i32
      %dma_wait3A_85 = tpu.memref_slice %arg3[%dma_wait3A_82, %add3A, %dma_wait3A_83, %dma_wait3A_84] : memref<108x32x2x128xi32, #tpu.memory_space<hbm>> -> memref<33x1x2x128xi32, #tpu.memory_space<hbm>>
      %dma_wait3A_86 = tpu.memref_squeeze %dma_wait3A_85 : memref<33x1x2x128xi32, #tpu.memory_space<hbm>> -> memref<33x2x128xi32, #tpu.memory_space<hbm>>
      %dma_wait3A_87 = arith.constant 66 : i32
      %dma_wait3A_88 = arith.constant 0 : i32
      %dma_wait3A_89 = arith.constant 0 : i32
      %dma_wait3A_90 = tpu.memref_slice %arg3[%dma_wait3A_87, %add3A, %dma_wait3A_88, %dma_wait3A_89] : memref<108x32x2x128xi32, #tpu.memory_space<hbm>> -> memref<33x1x2x128xi32, #tpu.memory_space<hbm>>
      %dma_wait3A_91 = tpu.memref_squeeze %dma_wait3A_90 : memref<33x1x2x128xi32, #tpu.memory_space<hbm>> -> memref<33x2x128xi32, #tpu.memory_space<hbm>>
      tpu.wait_dma2 semaphore(%run_scoped3A : memref<!tpu.dma_semaphore, #tpu.memory_space<semaphore_mem>>) src(%dma_wait3A_91 : memref<33x2x128xi32, #tpu.memory_space<hbm>>) dst(%arg5 : memref<33x2x128xi32, #tpu.memory_space<vmem>>)
      tpu.yield
    }) : () -> ()
    %dma_start3A = arith.constant 0 : i32
    %dma_start3A_1 = arith.constant 0 : i32
    %dma_start3A_2 = arith.constant 0 : i32
    %dma_start3A_3 = arith.constant 0 : i32
    %dma_start3A_4 = tpu.memref_slice %arg6[%dma_start3A_2, %dma_start3A_3] : memref<256x128xf32, #tpu.memory_space<vmem>> -> memref<128x128xf32, #tpu.memory_space<vmem>>
    %dma_start3A_5 = arith.constant 0 : i32
    %dma_start3A_6 = tpu.memref_slice %arg5[%dma_start3A, %dma_start3A_1, %dma_start3A_5] : memref<33x2x128xi32, #tpu.memory_space<vmem>> -> memref<1x1x128xi32, #tpu.memory_space<vmem>>
    %dma_start3A_7 = tpu.memref_squeeze %dma_start3A_6 : memref<1x1x128xi32, #tpu.memory_space<vmem>> -> memref<128xi32, #tpu.memory_space<vmem>>
    %dma_start3A_8 = arith.constant 0 : i32
    %dma_start3A_9 = arith.constant 0 : i32
    %dma_start3A_10 = tpu.memref_slice %arg2[%dma_start3A_8, %dma_start3A_9] : memref<100000x128xf32, #tpu.memory_space<hbm>> -> memref<100000x128xf32, #tpu.memory_space<hbm>>
    tpu.enqueue_indirect_dma source(%dma_start3A_10 : memref<100000x128xf32, #tpu.memory_space<hbm>>) target(%dma_start3A_4 : memref<128x128xf32, #tpu.memory_space<vmem>>) offsets(%dma_start3A_7 : memref<128xi32, #tpu.memory_space<vmem>>) semaphore(%arg9 : memref<!tpu.dma_semaphore, #tpu.memory_space<semaphore_mem>>)
    %dma_start3A_11 = arith.constant 0 : i32
    %dma_start3A_12 = arith.constant 1 : i32
    %dma_start3A_13 = arith.constant 128 : i32
    %dma_start3A_14 = arith.constant 0 : i32
    %dma_start3A_15 = tpu.memref_slice %arg6[%dma_start3A_13, %dma_start3A_14] : memref<256x128xf32, #tpu.memory_space<vmem>> -> memref<128x128xf32, #tpu.memory_space<vmem>>
    %dma_start3A_16 = arith.constant 0 : i32
    %dma_start3A_17 = tpu.memref_slice %arg5[%dma_start3A_11, %dma_start3A_12, %dma_start3A_16] : memref<33x2x128xi32, #tpu.memory_space<vmem>> -> memref<1x1x128xi32, #tpu.memory_space<vmem>>
    %dma_start3A_18 = tpu.memref_squeeze %dma_start3A_17 : memref<1x1x128xi32, #tpu.memory_space<vmem>> -> memref<128xi32, #tpu.memory_space<vmem>>
    %dma_start3A_19 = arith.constant 0 : i32
    %dma_start3A_20 = arith.constant 0 : i32
    %dma_start3A_21 = tpu.memref_slice %arg2[%dma_start3A_19, %dma_start3A_20] : memref<100000x128xf32, #tpu.memory_space<hbm>> -> memref<100000x128xf32, #tpu.memory_space<hbm>>
    tpu.enqueue_indirect_dma source(%dma_start3A_21 : memref<100000x128xf32, #tpu.memory_space<hbm>>) target(%dma_start3A_15 : memref<128x128xf32, #tpu.memory_space<vmem>>) offsets(%dma_start3A_18 : memref<128xi32, #tpu.memory_space<vmem>>) semaphore(%arg9 : memref<!tpu.dma_semaphore, #tpu.memory_space<semaphore_mem>>)
    %dma_start3A_22 = arith.constant 1 : i32
    %dma_start3A_23 = arith.constant 0 : i32
    %dma_start3A_24 = arith.constant 0 : i32
    %dma_start3A_25 = arith.constant 0 : i32
    %dma_start3A_26 = tpu.memref_slice %arg7[%dma_start3A_24, %dma_start3A_25] : memref<256x128xf32, #tpu.memory_space<vmem>> -> memref<128x128xf32, #tpu.memory_space<vmem>>
    %dma_start3A_27 = arith.constant 0 : i32
    %dma_start3A_28 = tpu.memref_slice %arg5[%dma_start3A_22, %dma_start3A_23, %dma_start3A_27] : memref<33x2x128xi32, #tpu.memory_space<vmem>> -> memref<1x1x128xi32, #tpu.memory_space<vmem>>
    %dma_start3A_29 = tpu.memref_squeeze %dma_start3A_28 : memref<1x1x128xi32, #tpu.memory_space<vmem>> -> memref<128xi32, #tpu.memory_space<vmem>>
    %dma_start3A_30 = arith.constant 0 : i32
    %dma_start3A_31 = arith.constant 0 : i32
    %dma_start3A_32 = tpu.memref_slice %arg2[%dma_start3A_30, %dma_start3A_31] : memref<100000x128xf32, #tpu.memory_space<hbm>> -> memref<100000x128xf32, #tpu.memory_space<hbm>>
    tpu.enqueue_indirect_dma source(%dma_start3A_32 : memref<100000x128xf32, #tpu.memory_space<hbm>>) target(%dma_start3A_26 : memref<128x128xf32, #tpu.memory_space<vmem>>) offsets(%dma_start3A_29 : memref<128xi32, #tpu.memory_space<vmem>>) semaphore(%arg10 : memref<!tpu.dma_semaphore, #tpu.memory_space<semaphore_mem>>)
    %dma_start3A_33 = arith.constant 1 : i32
    %dma_start3A_34 = arith.constant 1 : i32
    %dma_start3A_35 = arith.constant 128 : i32
    %dma_start3A_36 = arith.constant 0 : i32
    %dma_start3A_37 = tpu.memref_slice %arg7[%dma_start3A_35, %dma_start3A_36] : memref<256x128xf32, #tpu.memory_space<vmem>> -> memref<128x128xf32, #tpu.memory_space<vmem>>
    %dma_start3A_38 = arith.constant 0 : i32
    %dma_start3A_39 = tpu.memref_slice %arg5[%dma_start3A_33, %dma_start3A_34, %dma_start3A_38] : memref<33x2x128xi32, #tpu.memory_space<vmem>> -> memref<1x1x128xi32, #tpu.memory_space<vmem>>
    %dma_start3A_40 = tpu.memref_squeeze %dma_start3A_39 : memref<1x1x128xi32, #tpu.memory_space<vmem>> -> memref<128xi32, #tpu.memory_space<vmem>>
    %dma_start3A_41 = arith.constant 0 : i32
    %dma_start3A_42 = arith.constant 0 : i32
    %dma_start3A_43 = tpu.memref_slice %arg2[%dma_start3A_41, %dma_start3A_42] : memref<100000x128xf32, #tpu.memory_space<hbm>> -> memref<100000x128xf32, #tpu.memory_space<hbm>>
    tpu.enqueue_indirect_dma source(%dma_start3A_43 : memref<100000x128xf32, #tpu.memory_space<hbm>>) target(%dma_start3A_37 : memref<128x128xf32, #tpu.memory_space<vmem>>) offsets(%dma_start3A_40 : memref<128xi32, #tpu.memory_space<vmem>>) semaphore(%arg10 : memref<!tpu.dma_semaphore, #tpu.memory_space<semaphore_mem>>)
    %scan3A = arith.constant 0 : i32
    %scan3A_44 = arith.constant 0 : i32
    %scan3A_45 = arith.constant 11 : i32
    %scan3A_46 = arith.addi %scan3A_44, %scan3A_45 : i32
    %scan3A_47 = arith.constant 1 : i32
    scf.for %scan3A_72 = %scan3A_44 to %scan3A_46 step %scan3A_47  : i32 {
      %mul3A_73 = arith.constant 3 : i32
      %mul3A_74 = arith.muli %scan3A_72, %mul3A_73 : i32
      %add3A_75 = arith.constant 0 : i32
      %add3A_76 = arith.addi %mul3A_74, %add3A_75 : i32
      %dma_wait3A_77 = arith.constant 0 : i32
      %dma_wait3A_78 = arith.constant 0 : i32
      %dma_wait3A_79 = arith.constant 0 : i32
      %dma_wait3A_80 = tpu.memref_slice %arg6[%dma_wait3A_78, %dma_wait3A_79] : memref<256x128xf32, #tpu.memory_space<vmem>> -> memref<128x128xf32, #tpu.memory_space<vmem>>
      %dma_wait3A_81 = arith.constant 0 : i32
      %dma_wait3A_82 = tpu.memref_slice %arg5[%add3A_76, %dma_wait3A_77, %dma_wait3A_81] : memref<33x2x128xi32, #tpu.memory_space<vmem>> -> memref<1x1x128xi32, #tpu.memory_space<vmem>>
      %dma_wait3A_83 = tpu.memref_squeeze %dma_wait3A_82 : memref<1x1x128xi32, #tpu.memory_space<vmem>> -> memref<128xi32, #tpu.memory_space<vmem>>
      %dma_wait3A_84 = arith.constant 0 : i32
      %dma_wait3A_85 = arith.constant 0 : i32
      %dma_wait3A_86 = tpu.memref_slice %arg2[%dma_wait3A_84, %dma_wait3A_85] : memref<100000x128xf32, #tpu.memory_space<hbm>> -> memref<100000x128xf32, #tpu.memory_space<hbm>>
      tpu.wait_indirect_dma semaphore(%arg9 : memref<!tpu.dma_semaphore, #tpu.memory_space<semaphore_mem>>) src(%dma_wait3A_86 : memref<100000x128xf32, #tpu.memory_space<hbm>>) dst(%dma_wait3A_80 : memref<128x128xf32, #tpu.memory_space<vmem>>)
      %dma_wait3A_87 = arith.constant 1 : i32
      %dma_wait3A_88 = arith.constant 128 : i32
      %dma_wait3A_89 = arith.constant 0 : i32
      %dma_wait3A_90 = tpu.memref_slice %arg6[%dma_wait3A_88, %dma_wait3A_89] : memref<256x128xf32, #tpu.memory_space<vmem>> -> memref<128x128xf32, #tpu.memory_space<vmem>>
      %dma_wait3A_91 = arith.constant 0 : i32
      %dma_wait3A_92 = tpu.memref_slice %arg5[%add3A_76, %dma_wait3A_87, %dma_wait3A_91] : memref<33x2x128xi32, #tpu.memory_space<vmem>> -> memref<1x1x128xi32, #tpu.memory_space<vmem>>
      %dma_wait3A_93 = tpu.memref_squeeze %dma_wait3A_92 : memref<1x1x128xi32, #tpu.memory_space<vmem>> -> memref<128xi32, #tpu.memory_space<vmem>>
      %dma_wait3A_94 = arith.constant 0 : i32
      %dma_wait3A_95 = arith.constant 0 : i32
      %dma_wait3A_96 = tpu.memref_slice %arg2[%dma_wait3A_94, %dma_wait3A_95] : memref<100000x128xf32, #tpu.memory_space<hbm>> -> memref<100000x128xf32, #tpu.memory_space<hbm>>
      tpu.wait_indirect_dma semaphore(%arg9 : memref<!tpu.dma_semaphore, #tpu.memory_space<semaphore_mem>>) src(%dma_wait3A_96 : memref<100000x128xf32, #tpu.memory_space<hbm>>) dst(%dma_wait3A_90 : memref<128x128xf32, #tpu.memory_space<vmem>>)
      %mul3A_97 = arith.constant 32 : i32
      %mul3A_98 = arith.muli %add3A_76, %mul3A_97 : i32
      %add3A_99 = arith.addi %mul3A_98, %add3A : i32
      %mul3A_100 = arith.constant 256 : i32
      %mul3A_101 = arith.muli %add3A_99, %mul3A_100 : i32
      %dma_start3A_102 = arith.constant 0 : i32
      %dma_start3A_103 = tpu.memref_slice %arg4[%mul3A_101, %dma_start3A_102] : memref<270336x128xf32, #tpu.memory_space<hbm>> -> memref<256x128xf32, #tpu.memory_space<hbm>>
      %dma_start3A_104 = arith.constant 0 : i32
      %dma_start3A_105 = tpu.memref_slice %arg4[%mul3A_101, %dma_start3A_104] : memref<270336x128xf32, #tpu.memory_space<hbm>> -> memref<256x128xf32, #tpu.memory_space<hbm>>
      tpu.enqueue_dma source(%arg6 : memref<256x128xf32, #tpu.memory_space<vmem>>) target(%dma_start3A_105 : memref<256x128xf32, #tpu.memory_space<hbm>>) target_semaphore(%arg12 : memref<!tpu.dma_semaphore, #tpu.memory_space<semaphore_mem>>)
      %eq3A = arith.constant 0 : i32
      %eq3A_106 = arith.cmpi eq, %add3A_76, %eq3A : i32
      %convert_element_type3A = arith.extui %eq3A_106 : i1 to i32
      %cond3A = arith.constant 0 : i32
      %cond3A_107 = arith.cmpi ne, %convert_element_type3A, %cond3A : i32
      scf.if %cond3A_107 {
        %dma_start3A_211 = arith.constant 2 : i32
        %dma_start3A_212 = arith.constant 0 : i32
        %dma_start3A_213 = arith.constant 0 : i32
        %dma_start3A_214 = arith.constant 0 : i32
        %dma_start3A_215 = tpu.memref_slice %arg8[%dma_start3A_213, %dma_start3A_214] : memref<256x128xf32, #tpu.memory_space<vmem>> -> memref<128x128xf32, #tpu.memory_space<vmem>>
        %dma_start3A_216 = arith.constant 0 : i32
        %dma_start3A_217 = tpu.memref_slice %arg5[%dma_start3A_211, %dma_start3A_212, %dma_start3A_216] : memref<33x2x128xi32, #tpu.memory_space<vmem>> -> memref<1x1x128xi32, #tpu.memory_space<vmem>>
        %dma_start3A_218 = tpu.memref_squeeze %dma_start3A_217 : memref<1x1x128xi32, #tpu.memory_space<vmem>> -> memref<128xi32, #tpu.memory_space<vmem>>
        %dma_start3A_219 = arith.constant 0 : i32
        %dma_start3A_220 = arith.constant 0 : i32
        %dma_start3A_221 = tpu.memref_slice %arg2[%dma_start3A_219, %dma_start3A_220] : memref<100000x128xf32, #tpu.memory_space<hbm>> -> memref<100000x128xf32, #tpu.memory_space<hbm>>
        tpu.enqueue_indirect_dma source(%dma_start3A_221 : memref<100000x128xf32, #tpu.memory_space<hbm>>) target(%dma_start3A_215 : memref<128x128xf32, #tpu.memory_space<vmem>>) offsets(%dma_start3A_218 : memref<128xi32, #tpu.memory_space<vmem>>) semaphore(%arg11 : memref<!tpu.dma_semaphore, #tpu.memory_space<semaphore_mem>>)
        %dma_start3A_222 = arith.constant 2 : i32
        %dma_start3A_223 = arith.constant 1 : i32
        %dma_start3A_224 = arith.constant 128 : i32
        %dma_start3A_225 = arith.constant 0 : i32
        %dma_start3A_226 = tpu.memref_slice %arg8[%dma_start3A_224, %dma_start3A_225] : memref<256x128xf32, #tpu.memory_space<vmem>> -> memref<128x128xf32, #tpu.memory_space<vmem>>
        %dma_start3A_227 = arith.constant 0 : i32
        %dma_start3A_228 = tpu.memref_slice %arg5[%dma_start3A_222, %dma_start3A_223, %dma_start3A_227] : memref<33x2x128xi32, #tpu.memory_space<vmem>> -> memref<1x1x128xi32, #tpu.memory_space<vmem>>
        %dma_start3A_229 = tpu.memref_squeeze %dma_start3A_228 : memref<1x1x128xi32, #tpu.memory_space<vmem>> -> memref<128xi32, #tpu.memory_space<vmem>>
        %dma_start3A_230 = arith.constant 0 : i32
        %dma_start3A_231 = arith.constant 0 : i32
        %dma_start3A_232 = tpu.memref_slice %arg2[%dma_start3A_230, %dma_start3A_231] : memref<100000x128xf32, #tpu.memory_space<hbm>> -> memref<100000x128xf32, #tpu.memory_space<hbm>>
        tpu.enqueue_indirect_dma source(%dma_start3A_232 : memref<100000x128xf32, #tpu.memory_space<hbm>>) target(%dma_start3A_226 : memref<128x128xf32, #tpu.memory_space<vmem>>) offsets(%dma_start3A_229 : memref<128xi32, #tpu.memory_space<vmem>>) semaphore(%arg11 : memref<!tpu.dma_semaphore, #tpu.memory_space<semaphore_mem>>)
      } else {
      }
      %ge3A = arith.constant 1 : i32
      %ge3A_108 = arith.cmpi sge, %add3A_76, %ge3A : i32
      %add3A_109 = arith.constant 2 : i32
      %add3A_110 = arith.addi %add3A_76, %add3A_109 : i32
      %lt3A = arith.constant 33 : i32
      %lt3A_111 = arith.cmpi slt, %add3A_110, %lt3A : i32
      %and3A = arith.andi %ge3A_108, %lt3A_111 : i1
      %convert_element_type3A_112 = arith.extui %and3A : i1 to i32
      %cond3A_113 = arith.constant 0 : i32
      %cond3A_114 = arith.cmpi ne, %convert_element_type3A_112, %cond3A_113 : i32
      scf.if %cond3A_114 {
        %sub3A = arith.constant 1 : i32
        %sub3A_211 = arith.subi %add3A_76, %sub3A : i32
        %mul3A_212 = arith.constant 32 : i32
        %mul3A_213 = arith.muli %sub3A_211, %mul3A_212 : i32
        %add3A_214 = arith.addi %mul3A_213, %add3A : i32
        %mul3A_215 = arith.constant 256 : i32
        %mul3A_216 = arith.muli %add3A_214, %mul3A_215 : i32
        %dma_wait3A_217 = arith.constant 0 : i32
        %dma_wait3A_218 = tpu.memref_slice %arg4[%mul3A_216, %dma_wait3A_217] : memref<270336x128xf32, #tpu.memory_space<hbm>> -> memref<256x128xf32, #tpu.memory_space<hbm>>
        %dma_wait3A_219 = arith.constant 0 : i32
        %dma_wait3A_220 = tpu.memref_slice %arg4[%mul3A_216, %dma_wait3A_219] : memref<270336x128xf32, #tpu.memory_space<hbm>> -> memref<256x128xf32, #tpu.memory_space<hbm>>
        tpu.wait_dma2 semaphore(%arg14 : memref<!tpu.dma_semaphore, #tpu.memory_space<semaphore_mem>>) src(%arg8 : memref<256x128xf32, #tpu.memory_space<vmem>>) dst(%dma_wait3A_220 : memref<256x128xf32, #tpu.memory_space<hbm>>)
        %add3A_221 = arith.constant 2 : i32
        %add3A_222 = arith.addi %add3A_76, %add3A_221 : i32
        %dma_start3A_223 = arith.constant 0 : i32
        %dma_start3A_224 = arith.constant 0 : i32
        %dma_start3A_225 = arith.constant 0 : i32
        %dma_start3A_226 = tpu.memref_slice %arg8[%dma_start3A_224, %dma_start3A_225] : memref<256x128xf32, #tpu.memory_space<vmem>> -> memref<128x128xf32, #tpu.memory_space<vmem>>
        %dma_start3A_227 = arith.constant 0 : i32
        %dma_start3A_228 = tpu.memref_slice %arg5[%add3A_222, %dma_start3A_223, %dma_start3A_227] : memref<33x2x128xi32, #tpu.memory_space<vmem>> -> memref<1x1x128xi32, #tpu.memory_space<vmem>>
        %dma_start3A_229 = tpu.memref_squeeze %dma_start3A_228 : memref<1x1x128xi32, #tpu.memory_space<vmem>> -> memref<128xi32, #tpu.memory_space<vmem>>
        %dma_start3A_230 = arith.constant 0 : i32
        %dma_start3A_231 = arith.constant 0 : i32
        %dma_start3A_232 = tpu.memref_slice %arg2[%dma_start3A_230, %dma_start3A_231] : memref<100000x128xf32, #tpu.memory_space<hbm>> -> memref<100000x128xf32, #tpu.memory_space<hbm>>
        tpu.enqueue_indirect_dma source(%dma_start3A_232 : memref<100000x128xf32, #tpu.memory_space<hbm>>) target(%dma_start3A_226 : memref<128x128xf32, #tpu.memory_space<vmem>>) offsets(%dma_start3A_229 : memref<128xi32, #tpu.memory_space<vmem>>) semaphore(%arg11 : memref<!tpu.dma_semaphore, #tpu.memory_space<semaphore_mem>>)
        %dma_start3A_233 = arith.constant 1 : i32
        %dma_start3A_234 = arith.constant 128 : i32
        %dma_start3A_235 = arith.constant 0 : i32
        %dma_start3A_236 = tpu.memref_slice %arg8[%dma_start3A_234, %dma_start3A_235] : memref<256x128xf32, #tpu.memory_space<vmem>> -> memref<128x128xf32, #tpu.memory_space<vmem>>
        %dma_start3A_237 = arith.constant 0 : i32
        %dma_start3A_238 = tpu.memref_slice %arg5[%add3A_222, %dma_start3A_233, %dma_start3A_237] : memref<33x2x128xi32, #tpu.memory_space<vmem>> -> memref<1x1x128xi32, #tpu.memory_space<vmem>>
        %dma_start3A_239 = tpu.memref_squeeze %dma_start3A_238 : memref<1x1x128xi32, #tpu.memory_space<vmem>> -> memref<128xi32, #tpu.memory_space<vmem>>
        %dma_start3A_240 = arith.constant 0 : i32
        %dma_start3A_241 = arith.constant 0 : i32
        %dma_start3A_242 = tpu.memref_slice %arg2[%dma_start3A_240, %dma_start3A_241] : memref<100000x128xf32, #tpu.memory_space<hbm>> -> memref<100000x128xf32, #tpu.memory_space<hbm>>
        tpu.enqueue_indirect_dma source(%dma_start3A_242 : memref<100000x128xf32, #tpu.memory_space<hbm>>) target(%dma_start3A_236 : memref<128x128xf32, #tpu.memory_space<vmem>>) offsets(%dma_start3A_239 : memref<128xi32, #tpu.memory_space<vmem>>) semaphore(%arg11 : memref<!tpu.dma_semaphore, #tpu.memory_space<semaphore_mem>>)
      } else {
      }
      %mul3A_115 = arith.constant 3 : i32
      %mul3A_116 = arith.muli %scan3A_72, %mul3A_115 : i32
      %add3A_117 = arith.constant 1 : i32
      %add3A_118 = arith.addi %mul3A_116, %add3A_117 : i32
      %dma_wait3A_119 = arith.constant 0 : i32
      %dma_wait3A_120 = arith.constant 0 : i32
      %dma_wait3A_121 = arith.constant 0 : i32
      %dma_wait3A_122 = tpu.memref_slice %arg7[%dma_wait3A_120, %dma_wait3A_121] : memref<256x128xf32, #tpu.memory_space<vmem>> -> memref<128x128xf32, #tpu.memory_space<vmem>>
      %dma_wait3A_123 = arith.constant 0 : i32
      %dma_wait3A_124 = tpu.memref_slice %arg5[%add3A_118, %dma_wait3A_119, %dma_wait3A_123] : memref<33x2x128xi32, #tpu.memory_space<vmem>> -> memref<1x1x128xi32, #tpu.memory_space<vmem>>
      %dma_wait3A_125 = tpu.memref_squeeze %dma_wait3A_124 : memref<1x1x128xi32, #tpu.memory_space<vmem>> -> memref<128xi32, #tpu.memory_space<vmem>>
      %dma_wait3A_126 = arith.constant 0 : i32
      %dma_wait3A_127 = arith.constant 0 : i32
      %dma_wait3A_128 = tpu.memref_slice %arg2[%dma_wait3A_126, %dma_wait3A_127] : memref<100000x128xf32, #tpu.memory_space<hbm>> -> memref<100000x128xf32, #tpu.memory_space<hbm>>
      tpu.wait_indirect_dma semaphore(%arg10 : memref<!tpu.dma_semaphore, #tpu.memory_space<semaphore_mem>>) src(%dma_wait3A_128 : memref<100000x128xf32, #tpu.memory_space<hbm>>) dst(%dma_wait3A_122 : memref<128x128xf32, #tpu.memory_space<vmem>>)
      %dma_wait3A_129 = arith.constant 1 : i32
      %dma_wait3A_130 = arith.constant 128 : i32
      %dma_wait3A_131 = arith.constant 0 : i32
      %dma_wait3A_132 = tpu.memref_slice %arg7[%dma_wait3A_130, %dma_wait3A_131] : memref<256x128xf32, #tpu.memory_space<vmem>> -> memref<128x128xf32, #tpu.memory_space<vmem>>
      %dma_wait3A_133 = arith.constant 0 : i32
      %dma_wait3A_134 = tpu.memref_slice %arg5[%add3A_118, %dma_wait3A_129, %dma_wait3A_133] : memref<33x2x128xi32, #tpu.memory_space<vmem>> -> memref<1x1x128xi32, #tpu.memory_space<vmem>>
      %dma_wait3A_135 = tpu.memref_squeeze %dma_wait3A_134 : memref<1x1x128xi32, #tpu.memory_space<vmem>> -> memref<128xi32, #tpu.memory_space<vmem>>
      %dma_wait3A_136 = arith.constant 0 : i32
      %dma_wait3A_137 = arith.constant 0 : i32
      %dma_wait3A_138 = tpu.memref_slice %arg2[%dma_wait3A_136, %dma_wait3A_137] : memref<100000x128xf32, #tpu.memory_space<hbm>> -> memref<100000x128xf32, #tpu.memory_space<hbm>>
      tpu.wait_indirect_dma semaphore(%arg10 : memref<!tpu.dma_semaphore, #tpu.memory_space<semaphore_mem>>) src(%dma_wait3A_138 : memref<100000x128xf32, #tpu.memory_space<hbm>>) dst(%dma_wait3A_132 : memref<128x128xf32, #tpu.memory_space<vmem>>)
      %mul3A_139 = arith.constant 32 : i32
      %mul3A_140 = arith.muli %add3A_118, %mul3A_139 : i32
      %add3A_141 = arith.addi %mul3A_140, %add3A : i32
      %mul3A_142 = arith.constant 256 : i32
      %mul3A_143 = arith.muli %add3A_141, %mul3A_142 : i32
      %dma_start3A_144 = arith.constant 0 : i32
      %dma_start3A_145 = tpu.memref_slice %arg4[%mul3A_143, %dma_start3A_144] : memref<270336x128xf32, #tpu.memory_space<hbm>> -> memref<256x128xf32, #tpu.memory_space<hbm>>
      %dma_start3A_146 = arith.constant 0 : i32
      %dma_start3A_147 = tpu.memref_slice %arg4[%mul3A_143, %dma_start3A_146] : memref<270336x128xf32, #tpu.memory_space<hbm>> -> memref<256x128xf32, #tpu.memory_space<hbm>>
      tpu.enqueue_dma source(%arg7 : memref<256x128xf32, #tpu.memory_space<vmem>>) target(%dma_start3A_147 : memref<256x128xf32, #tpu.memory_space<hbm>>) target_semaphore(%arg13 : memref<!tpu.dma_semaphore, #tpu.memory_space<semaphore_mem>>)
      %eq3A_148 = arith.constant 0 : i32
      %eq3A_149 = arith.cmpi eq, %add3A_118, %eq3A_148 : i32
      %convert_element_type3A_150 = arith.extui %eq3A_149 : i1 to i32
      %cond3A_151 = arith.constant 0 : i32
      %cond3A_152 = arith.cmpi ne, %convert_element_type3A_150, %cond3A_151 : i32
      scf.if %cond3A_152 {
        %dma_start3A_211 = arith.constant 2 : i32
        %dma_start3A_212 = arith.constant 0 : i32
        %dma_start3A_213 = arith.constant 0 : i32
        %dma_start3A_214 = arith.constant 0 : i32
        %dma_start3A_215 = tpu.memref_slice %arg8[%dma_start3A_213, %dma_start3A_214] : memref<256x128xf32, #tpu.memory_space<vmem>> -> memref<128x128xf32, #tpu.memory_space<vmem>>
        %dma_start3A_216 = arith.constant 0 : i32
        %dma_start3A_217 = tpu.memref_slice %arg5[%dma_start3A_211, %dma_start3A_212, %dma_start3A_216] : memref<33x2x128xi32, #tpu.memory_space<vmem>> -> memref<1x1x128xi32, #tpu.memory_space<vmem>>
        %dma_start3A_218 = tpu.memref_squeeze %dma_start3A_217 : memref<1x1x128xi32, #tpu.memory_space<vmem>> -> memref<128xi32, #tpu.memory_space<vmem>>
        %dma_start3A_219 = arith.constant 0 : i32
        %dma_start3A_220 = arith.constant 0 : i32
        %dma_start3A_221 = tpu.memref_slice %arg2[%dma_start3A_219, %dma_start3A_220] : memref<100000x128xf32, #tpu.memory_space<hbm>> -> memref<100000x128xf32, #tpu.memory_space<hbm>>
        tpu.enqueue_indirect_dma source(%dma_start3A_221 : memref<100000x128xf32, #tpu.memory_space<hbm>>) target(%dma_start3A_215 : memref<128x128xf32, #tpu.memory_space<vmem>>) offsets(%dma_start3A_218 : memref<128xi32, #tpu.memory_space<vmem>>) semaphore(%arg11 : memref<!tpu.dma_semaphore, #tpu.memory_space<semaphore_mem>>)
        %dma_start3A_222 = arith.constant 2 : i32
        %dma_start3A_223 = arith.constant 1 : i32
        %dma_start3A_224 = arith.constant 128 : i32
        %dma_start3A_225 = arith.constant 0 : i32
        %dma_start3A_226 = tpu.memref_slice %arg8[%dma_start3A_224, %dma_start3A_225] : memref<256x128xf32, #tpu.memory_space<vmem>> -> memref<128x128xf32, #tpu.memory_space<vmem>>
        %dma_start3A_227 = arith.constant 0 : i32
        %dma_start3A_228 = tpu.memref_slice %arg5[%dma_start3A_222, %dma_start3A_223, %dma_start3A_227] : memref<33x2x128xi32, #tpu.memory_space<vmem>> -> memref<1x1x128xi32, #tpu.memory_space<vmem>>
        %dma_start3A_229 = tpu.memref_squeeze %dma_start3A_228 : memref<1x1x128xi32, #tpu.memory_space<vmem>> -> memref<128xi32, #tpu.memory_space<vmem>>
        %dma_start3A_230 = arith.constant 0 : i32
        %dma_start3A_231 = arith.constant 0 : i32
        %dma_start3A_232 = tpu.memref_slice %arg2[%dma_start3A_230, %dma_start3A_231] : memref<100000x128xf32, #tpu.memory_space<hbm>> -> memref<100000x128xf32, #tpu.memory_space<hbm>>
        tpu.enqueue_indirect_dma source(%dma_start3A_232 : memref<100000x128xf32, #tpu.memory_space<hbm>>) target(%dma_start3A_226 : memref<128x128xf32, #tpu.memory_space<vmem>>) offsets(%dma_start3A_229 : memref<128xi32, #tpu.memory_space<vmem>>) semaphore(%arg11 : memref<!tpu.dma_semaphore, #tpu.memory_space<semaphore_mem>>)
      } else {
      }
      %ge3A_153 = arith.constant 1 : i32
      %ge3A_154 = arith.cmpi sge, %add3A_118, %ge3A_153 : i32
      %add3A_155 = arith.constant 2 : i32
      %add3A_156 = arith.addi %add3A_118, %add3A_155 : i32
      %lt3A_157 = arith.constant 33 : i32
      %lt3A_158 = arith.cmpi slt, %add3A_156, %lt3A_157 : i32
      %and3A_159 = arith.andi %ge3A_154, %lt3A_158 : i1
      %convert_element_type3A_160 = arith.extui %and3A_159 : i1 to i32
      %cond3A_161 = arith.constant 0 : i32
      %cond3A_162 = arith.cmpi ne, %convert_element_type3A_160, %cond3A_161 : i32
      scf.if %cond3A_162 {
        %sub3A = arith.constant 1 : i32
        %sub3A_211 = arith.subi %add3A_118, %sub3A : i32
        %mul3A_212 = arith.constant 32 : i32
        %mul3A_213 = arith.muli %sub3A_211, %mul3A_212 : i32
        %add3A_214 = arith.addi %mul3A_213, %add3A : i32
        %mul3A_215 = arith.constant 256 : i32
        %mul3A_216 = arith.muli %add3A_214, %mul3A_215 : i32
        %dma_wait3A_217 = arith.constant 0 : i32
        %dma_wait3A_218 = tpu.memref_slice %arg4[%mul3A_216, %dma_wait3A_217] : memref<270336x128xf32, #tpu.memory_space<hbm>> -> memref<256x128xf32, #tpu.memory_space<hbm>>
        %dma_wait3A_219 = arith.constant 0 : i32
        %dma_wait3A_220 = tpu.memref_slice %arg4[%mul3A_216, %dma_wait3A_219] : memref<270336x128xf32, #tpu.memory_space<hbm>> -> memref<256x128xf32, #tpu.memory_space<hbm>>
        tpu.wait_dma2 semaphore(%arg12 : memref<!tpu.dma_semaphore, #tpu.memory_space<semaphore_mem>>) src(%arg6 : memref<256x128xf32, #tpu.memory_space<vmem>>) dst(%dma_wait3A_220 : memref<256x128xf32, #tpu.memory_space<hbm>>)
        %add3A_221 = arith.constant 2 : i32
        %add3A_222 = arith.addi %add3A_118, %add3A_221 : i32
        %dma_start3A_223 = arith.constant 0 : i32
        %dma_start3A_224 = arith.constant 0 : i32
        %dma_start3A_225 = arith.constant 0 : i32
        %dma_start3A_226 = tpu.memref_slice %arg6[%dma_start3A_224, %dma_start3A_225] : memref<256x128xf32, #tpu.memory_space<vmem>> -> memref<128x128xf32, #tpu.memory_space<vmem>>
        %dma_start3A_227 = arith.constant 0 : i32
        %dma_start3A_228 = tpu.memref_slice %arg5[%add3A_222, %dma_start3A_223, %dma_start3A_227] : memref<33x2x128xi32, #tpu.memory_space<vmem>> -> memref<1x1x128xi32, #tpu.memory_space<vmem>>
        %dma_start3A_229 = tpu.memref_squeeze %dma_start3A_228 : memref<1x1x128xi32, #tpu.memory_space<vmem>> -> memref<128xi32, #tpu.memory_space<vmem>>
        %dma_start3A_230 = arith.constant 0 : i32
        %dma_start3A_231 = arith.constant 0 : i32
        %dma_start3A_232 = tpu.memref_slice %arg2[%dma_start3A_230, %dma_start3A_231] : memref<100000x128xf32, #tpu.memory_space<hbm>> -> memref<100000x128xf32, #tpu.memory_space<hbm>>
        tpu.enqueue_indirect_dma source(%dma_start3A_232 : memref<100000x128xf32, #tpu.memory_space<hbm>>) target(%dma_start3A_226 : memref<128x128xf32, #tpu.memory_space<vmem>>) offsets(%dma_start3A_229 : memref<128xi32, #tpu.memory_space<vmem>>) semaphore(%arg9 : memref<!tpu.dma_semaphore, #tpu.memory_space<semaphore_mem>>)
        %dma_start3A_233 = arith.constant 1 : i32
        %dma_start3A_234 = arith.constant 128 : i32
        %dma_start3A_235 = arith.constant 0 : i32
        %dma_start3A_236 = tpu.memref_slice %arg6[%dma_start3A_234, %dma_start3A_235] : memref<256x128xf32, #tpu.memory_space<vmem>> -> memref<128x128xf32, #tpu.memory_space<vmem>>
        %dma_start3A_237 = arith.constant 0 : i32
        %dma_start3A_238 = tpu.memref_slice %arg5[%add3A_222, %dma_start3A_233, %dma_start3A_237] : memref<33x2x128xi32, #tpu.memory_space<vmem>> -> memref<1x1x128xi32, #tpu.memory_space<vmem>>
        %dma_start3A_239 = tpu.memref_squeeze %dma_start3A_238 : memref<1x1x128xi32, #tpu.memory_space<vmem>> -> memref<128xi32, #tpu.memory_space<vmem>>
        %dma_start3A_240 = arith.constant 0 : i32
        %dma_start3A_241 = arith.constant 0 : i32
        %dma_start3A_242 = tpu.memref_slice %arg2[%dma_start3A_240, %dma_start3A_241] : memref<100000x128xf32, #tpu.memory_space<hbm>> -> memref<100000x128xf32, #tpu.memory_space<hbm>>
        tpu.enqueue_indirect_dma source(%dma_start3A_242 : memref<100000x128xf32, #tpu.memory_space<hbm>>) target(%dma_start3A_236 : memref<128x128xf32, #tpu.memory_space<vmem>>) offsets(%dma_start3A_239 : memref<128xi32, #tpu.memory_space<vmem>>) semaphore(%arg9 : memref<!tpu.dma_semaphore, #tpu.memory_space<semaphore_mem>>)
      } else {
      }
      %mul3A_163 = arith.constant 3 : i32
      %mul3A_164 = arith.muli %scan3A_72, %mul3A_163 : i32
      %add3A_165 = arith.constant 2 : i32
      %add3A_166 = arith.addi %mul3A_164, %add3A_165 : i32
      %dma_wait3A_167 = arith.constant 0 : i32
      %dma_wait3A_168 = arith.constant 0 : i32
      %dma_wait3A_169 = arith.constant 0 : i32
      %dma_wait3A_170 = tpu.memref_slice %arg8[%dma_wait3A_168, %dma_wait3A_169] : memref<256x128xf32, #tpu.memory_space<vmem>> -> memref<128x128xf32, #tpu.memory_space<vmem>>
      %dma_wait3A_171 = arith.constant 0 : i32
      %dma_wait3A_172 = tpu.memref_slice %arg5[%add3A_166, %dma_wait3A_167, %dma_wait3A_171] : memref<33x2x128xi32, #tpu.memory_space<vmem>> -> memref<1x1x128xi32, #tpu.memory_space<vmem>>
      %dma_wait3A_173 = tpu.memref_squeeze %dma_wait3A_172 : memref<1x1x128xi32, #tpu.memory_space<vmem>> -> memref<128xi32, #tpu.memory_space<vmem>>
      %dma_wait3A_174 = arith.constant 0 : i32
      %dma_wait3A_175 = arith.constant 0 : i32
      %dma_wait3A_176 = tpu.memref_slice %arg2[%dma_wait3A_174, %dma_wait3A_175] : memref<100000x128xf32, #tpu.memory_space<hbm>> -> memref<100000x128xf32, #tpu.memory_space<hbm>>
      tpu.wait_indirect_dma semaphore(%arg11 : memref<!tpu.dma_semaphore, #tpu.memory_space<semaphore_mem>>) src(%dma_wait3A_176 : memref<100000x128xf32, #tpu.memory_space<hbm>>) dst(%dma_wait3A_170 : memref<128x128xf32, #tpu.memory_space<vmem>>)
      %dma_wait3A_177 = arith.constant 1 : i32
      %dma_wait3A_178 = arith.constant 128 : i32
      %dma_wait3A_179 = arith.constant 0 : i32
      %dma_wait3A_180 = tpu.memref_slice %arg8[%dma_wait3A_178, %dma_wait3A_179] : memref<256x128xf32, #tpu.memory_space<vmem>> -> memref<128x128xf32, #tpu.memory_space<vmem>>
      %dma_wait3A_181 = arith.constant 0 : i32
      %dma_wait3A_182 = tpu.memref_slice %arg5[%add3A_166, %dma_wait3A_177, %dma_wait3A_181] : memref<33x2x128xi32, #tpu.memory_space<vmem>> -> memref<1x1x128xi32, #tpu.memory_space<vmem>>
      %dma_wait3A_183 = tpu.memref_squeeze %dma_wait3A_182 : memref<1x1x128xi32, #tpu.memory_space<vmem>> -> memref<128xi32, #tpu.memory_space<vmem>>
      %dma_wait3A_184 = arith.constant 0 : i32
      %dma_wait3A_185 = arith.constant 0 : i32
      %dma_wait3A_186 = tpu.memref_slice %arg2[%dma_wait3A_184, %dma_wait3A_185] : memref<100000x128xf32, #tpu.memory_space<hbm>> -> memref<100000x128xf32, #tpu.memory_space<hbm>>
      tpu.wait_indirect_dma semaphore(%arg11 : memref<!tpu.dma_semaphore, #tpu.memory_space<semaphore_mem>>) src(%dma_wait3A_186 : memref<100000x128xf32, #tpu.memory_space<hbm>>) dst(%dma_wait3A_180 : memref<128x128xf32, #tpu.memory_space<vmem>>)
      %mul3A_187 = arith.constant 32 : i32
      %mul3A_188 = arith.muli %add3A_166, %mul3A_187 : i32
      %add3A_189 = arith.addi %mul3A_188, %add3A : i32
      %mul3A_190 = arith.constant 256 : i32
      %mul3A_191 = arith.muli %add3A_189, %mul3A_190 : i32
      %dma_start3A_192 = arith.constant 0 : i32
      %dma_start3A_193 = tpu.memref_slice %arg4[%mul3A_191, %dma_start3A_192] : memref<270336x128xf32, #tpu.memory_space<hbm>> -> memref<256x128xf32, #tpu.memory_space<hbm>>
      %dma_start3A_194 = arith.constant 0 : i32
      %dma_start3A_195 = tpu.memref_slice %arg4[%mul3A_191, %dma_start3A_194] : memref<270336x128xf32, #tpu.memory_space<hbm>> -> memref<256x128xf32, #tpu.memory_space<hbm>>
      tpu.enqueue_dma source(%arg8 : memref<256x128xf32, #tpu.memory_space<vmem>>) target(%dma_start3A_195 : memref<256x128xf32, #tpu.memory_space<hbm>>) target_semaphore(%arg14 : memref<!tpu.dma_semaphore, #tpu.memory_space<semaphore_mem>>)
      %eq3A_196 = arith.constant 0 : i32
      %eq3A_197 = arith.cmpi eq, %add3A_166, %eq3A_196 : i32
      %convert_element_type3A_198 = arith.extui %eq3A_197 : i1 to i32
      %cond3A_199 = arith.constant 0 : i32
      %cond3A_200 = arith.cmpi ne, %convert_element_type3A_198, %cond3A_199 : i32
      scf.if %cond3A_200 {
        %dma_start3A_211 = arith.constant 2 : i32
        %dma_start3A_212 = arith.constant 0 : i32
        %dma_start3A_213 = arith.constant 0 : i32
        %dma_start3A_214 = arith.constant 0 : i32
        %dma_start3A_215 = tpu.memref_slice %arg8[%dma_start3A_213, %dma_start3A_214] : memref<256x128xf32, #tpu.memory_space<vmem>> -> memref<128x128xf32, #tpu.memory_space<vmem>>
        %dma_start3A_216 = arith.constant 0 : i32
        %dma_start3A_217 = tpu.memref_slice %arg5[%dma_start3A_211, %dma_start3A_212, %dma_start3A_216] : memref<33x2x128xi32, #tpu.memory_space<vmem>> -> memref<1x1x128xi32, #tpu.memory_space<vmem>>
        %dma_start3A_218 = tpu.memref_squeeze %dma_start3A_217 : memref<1x1x128xi32, #tpu.memory_space<vmem>> -> memref<128xi32, #tpu.memory_space<vmem>>
        %dma_start3A_219 = arith.constant 0 : i32
        %dma_start3A_220 = arith.constant 0 : i32
        %dma_start3A_221 = tpu.memref_slice %arg2[%dma_start3A_219, %dma_start3A_220] : memref<100000x128xf32, #tpu.memory_space<hbm>> -> memref<100000x128xf32, #tpu.memory_space<hbm>>
        tpu.enqueue_indirect_dma source(%dma_start3A_221 : memref<100000x128xf32, #tpu.memory_space<hbm>>) target(%dma_start3A_215 : memref<128x128xf32, #tpu.memory_space<vmem>>) offsets(%dma_start3A_218 : memref<128xi32, #tpu.memory_space<vmem>>) semaphore(%arg11 : memref<!tpu.dma_semaphore, #tpu.memory_space<semaphore_mem>>)
        %dma_start3A_222 = arith.constant 2 : i32
        %dma_start3A_223 = arith.constant 1 : i32
        %dma_start3A_224 = arith.constant 128 : i32
        %dma_start3A_225 = arith.constant 0 : i32
        %dma_start3A_226 = tpu.memref_slice %arg8[%dma_start3A_224, %dma_start3A_225] : memref<256x128xf32, #tpu.memory_space<vmem>> -> memref<128x128xf32, #tpu.memory_space<vmem>>
        %dma_start3A_227 = arith.constant 0 : i32
        %dma_start3A_228 = tpu.memref_slice %arg5[%dma_start3A_222, %dma_start3A_223, %dma_start3A_227] : memref<33x2x128xi32, #tpu.memory_space<vmem>> -> memref<1x1x128xi32, #tpu.memory_space<vmem>>
        %dma_start3A_229 = tpu.memref_squeeze %dma_start3A_228 : memref<1x1x128xi32, #tpu.memory_space<vmem>> -> memref<128xi32, #tpu.memory_space<vmem>>
        %dma_start3A_230 = arith.constant 0 : i32
        %dma_start3A_231 = arith.constant 0 : i32
        %dma_start3A_232 = tpu.memref_slice %arg2[%dma_start3A_230, %dma_start3A_231] : memref<100000x128xf32, #tpu.memory_space<hbm>> -> memref<100000x128xf32, #tpu.memory_space<hbm>>
        tpu.enqueue_indirect_dma source(%dma_start3A_232 : memref<100000x128xf32, #tpu.memory_space<hbm>>) target(%dma_start3A_226 : memref<128x128xf32, #tpu.memory_space<vmem>>) offsets(%dma_start3A_229 : memref<128xi32, #tpu.memory_space<vmem>>) semaphore(%arg11 : memref<!tpu.dma_semaphore, #tpu.memory_space<semaphore_mem>>)
      } else {
      }
      %ge3A_201 = arith.constant 1 : i32
      %ge3A_202 = arith.cmpi sge, %add3A_166, %ge3A_201 : i32
      %add3A_203 = arith.constant 2 : i32
      %add3A_204 = arith.addi %add3A_166, %add3A_203 : i32
      %lt3A_205 = arith.constant 33 : i32
      %lt3A_206 = arith.cmpi slt, %add3A_204, %lt3A_205 : i32
      %and3A_207 = arith.andi %ge3A_202, %lt3A_206 : i1
      %convert_element_type3A_208 = arith.extui %and3A_207 : i1 to i32
      %cond3A_209 = arith.constant 0 : i32
      %cond3A_210 = arith.cmpi ne, %convert_element_type3A_208, %cond3A_209 : i32
      scf.if %cond3A_210 {
        %sub3A = arith.constant 1 : i32
        %sub3A_211 = arith.subi %add3A_166, %sub3A : i32
        %mul3A_212 = arith.constant 32 : i32
        %mul3A_213 = arith.muli %sub3A_211, %mul3A_212 : i32
        %add3A_214 = arith.addi %mul3A_213, %add3A : i32
        %mul3A_215 = arith.constant 256 : i32
        %mul3A_216 = arith.muli %add3A_214, %mul3A_215 : i32
        %dma_wait3A_217 = arith.constant 0 : i32
        %dma_wait3A_218 = tpu.memref_slice %arg4[%mul3A_216, %dma_wait3A_217] : memref<270336x128xf32, #tpu.memory_space<hbm>> -> memref<256x128xf32, #tpu.memory_space<hbm>>
        %dma_wait3A_219 = arith.constant 0 : i32
        %dma_wait3A_220 = tpu.memref_slice %arg4[%mul3A_216, %dma_wait3A_219] : memref<270336x128xf32, #tpu.memory_space<hbm>> -> memref<256x128xf32, #tpu.memory_space<hbm>>
        tpu.wait_dma2 semaphore(%arg13 : memref<!tpu.dma_semaphore, #tpu.memory_space<semaphore_mem>>) src(%arg7 : memref<256x128xf32, #tpu.memory_space<vmem>>) dst(%dma_wait3A_220 : memref<256x128xf32, #tpu.memory_space<hbm>>)
        %add3A_221 = arith.constant 2 : i32
        %add3A_222 = arith.addi %add3A_166, %add3A_221 : i32
        %dma_start3A_223 = arith.constant 0 : i32
        %dma_start3A_224 = arith.constant 0 : i32
        %dma_start3A_225 = arith.constant 0 : i32
        %dma_start3A_226 = tpu.memref_slice %arg7[%dma_start3A_224, %dma_start3A_225] : memref<256x128xf32, #tpu.memory_space<vmem>> -> memref<128x128xf32, #tpu.memory_space<vmem>>
        %dma_start3A_227 = arith.constant 0 : i32
        %dma_start3A_228 = tpu.memref_slice %arg5[%add3A_222, %dma_start3A_223, %dma_start3A_227] : memref<33x2x128xi32, #tpu.memory_space<vmem>> -> memref<1x1x128xi32, #tpu.memory_space<vmem>>
        %dma_start3A_229 = tpu.memref_squeeze %dma_start3A_228 : memref<1x1x128xi32, #tpu.memory_space<vmem>> -> memref<128xi32, #tpu.memory_space<vmem>>
        %dma_start3A_230 = arith.constant 0 : i32
        %dma_start3A_231 = arith.constant 0 : i32
        %dma_start3A_232 = tpu.memref_slice %arg2[%dma_start3A_230, %dma_start3A_231] : memref<100000x128xf32, #tpu.memory_space<hbm>> -> memref<100000x128xf32, #tpu.memory_space<hbm>>
        tpu.enqueue_indirect_dma source(%dma_start3A_232 : memref<100000x128xf32, #tpu.memory_space<hbm>>) target(%dma_start3A_226 : memref<128x128xf32, #tpu.memory_space<vmem>>) offsets(%dma_start3A_229 : memref<128xi32, #tpu.memory_space<vmem>>) semaphore(%arg10 : memref<!tpu.dma_semaphore, #tpu.memory_space<semaphore_mem>>)
        %dma_start3A_233 = arith.constant 1 : i32
        %dma_start3A_234 = arith.constant 128 : i32
        %dma_start3A_235 = arith.constant 0 : i32
        %dma_start3A_236 = tpu.memref_slice %arg7[%dma_start3A_234, %dma_start3A_235] : memref<256x128xf32, #tpu.memory_space<vmem>> -> memref<128x128xf32, #tpu.memory_space<vmem>>
        %dma_start3A_237 = arith.constant 0 : i32
        %dma_start3A_238 = tpu.memref_slice %arg5[%add3A_222, %dma_start3A_233, %dma_start3A_237] : memref<33x2x128xi32, #tpu.memory_space<vmem>> -> memref<1x1x128xi32, #tpu.memory_space<vmem>>
        %dma_start3A_239 = tpu.memref_squeeze %dma_start3A_238 : memref<1x1x128xi32, #tpu.memory_space<vmem>> -> memref<128xi32, #tpu.memory_space<vmem>>
        %dma_start3A_240 = arith.constant 0 : i32
        %dma_start3A_241 = arith.constant 0 : i32
        %dma_start3A_242 = tpu.memref_slice %arg2[%dma_start3A_240, %dma_start3A_241] : memref<100000x128xf32, #tpu.memory_space<hbm>> -> memref<100000x128xf32, #tpu.memory_space<hbm>>
        tpu.enqueue_indirect_dma source(%dma_start3A_242 : memref<100000x128xf32, #tpu.memory_space<hbm>>) target(%dma_start3A_236 : memref<128x128xf32, #tpu.memory_space<vmem>>) offsets(%dma_start3A_239 : memref<128xi32, #tpu.memory_space<vmem>>) semaphore(%arg10 : memref<!tpu.dma_semaphore, #tpu.memory_space<semaphore_mem>>)
      } else {
      }
    }
    %scan3A_48 = arith.constant 11 : i32
    %add3A_49 = arith.constant 960 : i32
    %add3A_50 = arith.addi %add3A_49, %add3A : i32
    %mul3A_51 = arith.constant 256 : i32
    %mul3A_52 = arith.muli %add3A_50, %mul3A_51 : i32
    %dma_wait3A = arith.constant 0 : i32
    %dma_wait3A_53 = tpu.memref_slice %arg4[%mul3A_52, %dma_wait3A] : memref<270336x128xf32, #tpu.memory_space<hbm>> -> memref<256x128xf32, #tpu.memory_space<hbm>>
    %dma_wait3A_54 = arith.constant 0 : i32
    %dma_wait3A_55 = tpu.memref_slice %arg4[%mul3A_52, %dma_wait3A_54] : memref<270336x128xf32, #tpu.memory_space<hbm>> -> memref<256x128xf32, #tpu.memory_space<hbm>>
    tpu.wait_dma2 semaphore(%arg12 : memref<!tpu.dma_semaphore, #tpu.memory_space<semaphore_mem>>) src(%arg6 : memref<256x128xf32, #tpu.memory_space<vmem>>) dst(%dma_wait3A_55 : memref<256x128xf32, #tpu.memory_space<hbm>>)
    %add3A_56 = arith.constant 992 : i32
    %add3A_57 = arith.addi %add3A_56, %add3A : i32
    %mul3A_58 = arith.constant 256 : i32
    %mul3A_59 = arith.muli %add3A_57, %mul3A_58 : i32
    %dma_wait3A_60 = arith.constant 0 : i32
    %dma_wait3A_61 = tpu.memref_slice %arg4[%mul3A_59, %dma_wait3A_60] : memref<270336x128xf32, #tpu.memory_space<hbm>> -> memref<256x128xf32, #tpu.memory_space<hbm>>
    %dma_wait3A_62 = arith.constant 0 : i32
    %dma_wait3A_63 = tpu.memref_slice %arg4[%mul3A_59, %dma_wait3A_62] : memref<270336x128xf32, #tpu.memory_space<hbm>> -> memref<256x128xf32, #tpu.memory_space<hbm>>
    tpu.wait_dma2 semaphore(%arg13 : memref<!tpu.dma_semaphore, #tpu.memory_space<semaphore_mem>>) src(%arg7 : memref<256x128xf32, #tpu.memory_space<vmem>>) dst(%dma_wait3A_63 : memref<256x128xf32, #tpu.memory_space<hbm>>)
    %add3A_64 = arith.constant 1024 : i32
    %add3A_65 = arith.addi %add3A_64, %add3A : i32
    %mul3A_66 = arith.constant 256 : i32
    %mul3A_67 = arith.muli %add3A_65, %mul3A_66 : i32
    %dma_wait3A_68 = arith.constant 0 : i32
    %dma_wait3A_69 = tpu.memref_slice %arg4[%mul3A_67, %dma_wait3A_68] : memref<270336x128xf32, #tpu.memory_space<hbm>> -> memref<256x128xf32, #tpu.memory_space<hbm>>
    %dma_wait3A_70 = arith.constant 0 : i32
    %dma_wait3A_71 = tpu.memref_slice %arg4[%mul3A_67, %dma_wait3A_70] : memref<270336x128xf32, #tpu.memory_space<hbm>> -> memref<256x128xf32, #tpu.memory_space<hbm>>
    tpu.wait_dma2 semaphore(%arg14 : memref<!tpu.dma_semaphore, #tpu.memory_space<semaphore_mem>>) src(%arg8 : memref<256x128xf32, #tpu.memory_space<vmem>>) dst(%dma_wait3A_71 : memref<256x128xf32, #tpu.memory_space<hbm>>)
    return
  }
}

#map = affine_map<(d0, d1) -> (0, 0)>
#map1 = affine_map<(d0, d1) -> (0, 0, 0, 0)>
module attributes {stable_mosaic.version = 14 : i64} {
  func.func @body(%arg0: i32, %arg1: i32, %arg2: memref<100000x128xf32, #tpu.memory_space<hbm>>, %arg3: memref<108x32x2x128xi32, #tpu.memory_space<hbm>>, %arg4: memref<245760x128xf32, #tpu.memory_space<hbm>>, %arg5: memref<30x2x128xi32, #tpu.memory_space<vmem>>, %arg6: memref<256x128xf32, #tpu.memory_space<vmem>>, %arg7: memref<256x128xf32, #tpu.memory_space<vmem>>, %arg8: memref<256x128xf32, #tpu.memory_space<vmem>>, %arg9: memref<!tpu.dma_semaphore, #tpu.memory_space<semaphore_mem>>, %arg10: memref<!tpu.dma_semaphore, #tpu.memory_space<semaphore_mem>>, %arg11: memref<!tpu.dma_semaphore, #tpu.memory_space<semaphore_mem>>, %arg12: memref<!tpu.dma_semaphore, #tpu.memory_space<semaphore_mem>>, %arg13: memref<!tpu.dma_semaphore, #tpu.memory_space<semaphore_mem>>, %arg14: memref<!tpu.dma_semaphore, #tpu.memory_space<semaphore_mem>>) attributes {dimension_semantics = [#tpu.dimension_semantics<core_parallel>, #tpu.dimension_semantics<subcore_parallel>], iteration_bounds = array<i64: 2, 16>, scalar_prefetch = 0 : i64, scratch_operands = 10 : i64, tpu.core_type = #tpu.core_type<sc_vector_subcore>, window_params = [{transform_indices = #map}, {transform_indices = #map1}, {transform_indices = #map}]} {
    %mul3A = arith.constant 16 : i32
    %mul3A_0 = arith.muli %arg0, %mul3A : i32
    %add3A = arith.addi %mul3A_0, %arg1 : i32
    "tpu.region"() ({
      %run_scoped3A = tpu.sem_alloc : memref<!tpu.dma_semaphore, #tpu.memory_space<semaphore_mem>>
      %dma_start3A_72 = arith.constant 36 : i32
      %dma_start3A_73 = arith.constant 0 : i32
      %dma_start3A_74 = arith.constant 0 : i32
      %dma_start3A_75 = tpu.memref_slice %arg3[%dma_start3A_72, %add3A, %dma_start3A_73, %dma_start3A_74] : memref<108x32x2x128xi32, #tpu.memory_space<hbm>> -> memref<30x1x2x128xi32, #tpu.memory_space<hbm>>
      %dma_start3A_76 = tpu.memref_squeeze %dma_start3A_75 : memref<30x1x2x128xi32, #tpu.memory_space<hbm>> -> memref<30x2x128xi32, #tpu.memory_space<hbm>>
      %dma_start3A_77 = arith.constant 36 : i32
      %dma_start3A_78 = arith.constant 0 : i32
      %dma_start3A_79 = arith.constant 0 : i32
      %dma_start3A_80 = tpu.memref_slice %arg3[%dma_start3A_77, %add3A, %dma_start3A_78, %dma_start3A_79] : memref<108x32x2x128xi32, #tpu.memory_space<hbm>> -> memref<30x1x2x128xi32, #tpu.memory_space<hbm>>
      %dma_start3A_81 = tpu.memref_squeeze %dma_start3A_80 : memref<30x1x2x128xi32, #tpu.memory_space<hbm>> -> memref<30x2x128xi32, #tpu.memory_space<hbm>>
      tpu.enqueue_dma source(%dma_start3A_81 : memref<30x2x128xi32, #tpu.memory_space<hbm>>) target(%arg5 : memref<30x2x128xi32, #tpu.memory_space<vmem>>) target_semaphore(%run_scoped3A : memref<!tpu.dma_semaphore, #tpu.memory_space<semaphore_mem>>)
      %dma_wait3A_82 = arith.constant 36 : i32
      %dma_wait3A_83 = arith.constant 0 : i32
      %dma_wait3A_84 = arith.constant 0 : i32
      %dma_wait3A_85 = tpu.memref_slice %arg3[%dma_wait3A_82, %add3A, %dma_wait3A_83, %dma_wait3A_84] : memref<108x32x2x128xi32, #tpu.memory_space<hbm>> -> memref<30x1x2x128xi32, #tpu.memory_space<hbm>>
      %dma_wait3A_86 = tpu.memref_squeeze %dma_wait3A_85 : memref<30x1x2x128xi32, #tpu.memory_space<hbm>> -> memref<30x2x128xi32, #tpu.memory_space<hbm>>
      %dma_wait3A_87 = arith.constant 36 : i32
      %dma_wait3A_88 = arith.constant 0 : i32
      %dma_wait3A_89 = arith.constant 0 : i32
      %dma_wait3A_90 = tpu.memref_slice %arg3[%dma_wait3A_87, %add3A, %dma_wait3A_88, %dma_wait3A_89] : memref<108x32x2x128xi32, #tpu.memory_space<hbm>> -> memref<30x1x2x128xi32, #tpu.memory_space<hbm>>
      %dma_wait3A_91 = tpu.memref_squeeze %dma_wait3A_90 : memref<30x1x2x128xi32, #tpu.memory_space<hbm>> -> memref<30x2x128xi32, #tpu.memory_space<hbm>>
      tpu.wait_dma2 semaphore(%run_scoped3A : memref<!tpu.dma_semaphore, #tpu.memory_space<semaphore_mem>>) src(%dma_wait3A_91 : memref<30x2x128xi32, #tpu.memory_space<hbm>>) dst(%arg5 : memref<30x2x128xi32, #tpu.memory_space<vmem>>)
      tpu.yield
    }) : () -> ()
    %dma_start3A = arith.constant 0 : i32
    %dma_start3A_1 = arith.constant 0 : i32
    %dma_start3A_2 = arith.constant 0 : i32
    %dma_start3A_3 = arith.constant 0 : i32
    %dma_start3A_4 = tpu.memref_slice %arg6[%dma_start3A_2, %dma_start3A_3] : memref<256x128xf32, #tpu.memory_space<vmem>> -> memref<128x128xf32, #tpu.memory_space<vmem>>
    %dma_start3A_5 = arith.constant 0 : i32
    %dma_start3A_6 = tpu.memref_slice %arg5[%dma_start3A, %dma_start3A_1, %dma_start3A_5] : memref<30x2x128xi32, #tpu.memory_space<vmem>> -> memref<1x1x128xi32, #tpu.memory_space<vmem>>
    %dma_start3A_7 = tpu.memref_squeeze %dma_start3A_6 : memref<1x1x128xi32, #tpu.memory_space<vmem>> -> memref<128xi32, #tpu.memory_space<vmem>>
    %dma_start3A_8 = arith.constant 0 : i32
    %dma_start3A_9 = arith.constant 0 : i32
    %dma_start3A_10 = tpu.memref_slice %arg2[%dma_start3A_8, %dma_start3A_9] : memref<100000x128xf32, #tpu.memory_space<hbm>> -> memref<100000x128xf32, #tpu.memory_space<hbm>>
    tpu.enqueue_indirect_dma source(%dma_start3A_10 : memref<100000x128xf32, #tpu.memory_space<hbm>>) target(%dma_start3A_4 : memref<128x128xf32, #tpu.memory_space<vmem>>) offsets(%dma_start3A_7 : memref<128xi32, #tpu.memory_space<vmem>>) semaphore(%arg9 : memref<!tpu.dma_semaphore, #tpu.memory_space<semaphore_mem>>)
    %dma_start3A_11 = arith.constant 0 : i32
    %dma_start3A_12 = arith.constant 1 : i32
    %dma_start3A_13 = arith.constant 128 : i32
    %dma_start3A_14 = arith.constant 0 : i32
    %dma_start3A_15 = tpu.memref_slice %arg6[%dma_start3A_13, %dma_start3A_14] : memref<256x128xf32, #tpu.memory_space<vmem>> -> memref<128x128xf32, #tpu.memory_space<vmem>>
    %dma_start3A_16 = arith.constant 0 : i32
    %dma_start3A_17 = tpu.memref_slice %arg5[%dma_start3A_11, %dma_start3A_12, %dma_start3A_16] : memref<30x2x128xi32, #tpu.memory_space<vmem>> -> memref<1x1x128xi32, #tpu.memory_space<vmem>>
    %dma_start3A_18 = tpu.memref_squeeze %dma_start3A_17 : memref<1x1x128xi32, #tpu.memory_space<vmem>> -> memref<128xi32, #tpu.memory_space<vmem>>
    %dma_start3A_19 = arith.constant 0 : i32
    %dma_start3A_20 = arith.constant 0 : i32
    %dma_start3A_21 = tpu.memref_slice %arg2[%dma_start3A_19, %dma_start3A_20] : memref<100000x128xf32, #tpu.memory_space<hbm>> -> memref<100000x128xf32, #tpu.memory_space<hbm>>
    tpu.enqueue_indirect_dma source(%dma_start3A_21 : memref<100000x128xf32, #tpu.memory_space<hbm>>) target(%dma_start3A_15 : memref<128x128xf32, #tpu.memory_space<vmem>>) offsets(%dma_start3A_18 : memref<128xi32, #tpu.memory_space<vmem>>) semaphore(%arg9 : memref<!tpu.dma_semaphore, #tpu.memory_space<semaphore_mem>>)
    %dma_start3A_22 = arith.constant 1 : i32
    %dma_start3A_23 = arith.constant 0 : i32
    %dma_start3A_24 = arith.constant 0 : i32
    %dma_start3A_25 = arith.constant 0 : i32
    %dma_start3A_26 = tpu.memref_slice %arg7[%dma_start3A_24, %dma_start3A_25] : memref<256x128xf32, #tpu.memory_space<vmem>> -> memref<128x128xf32, #tpu.memory_space<vmem>>
    %dma_start3A_27 = arith.constant 0 : i32
    %dma_start3A_28 = tpu.memref_slice %arg5[%dma_start3A_22, %dma_start3A_23, %dma_start3A_27] : memref<30x2x128xi32, #tpu.memory_space<vmem>> -> memref<1x1x128xi32, #tpu.memory_space<vmem>>
    %dma_start3A_29 = tpu.memref_squeeze %dma_start3A_28 : memref<1x1x128xi32, #tpu.memory_space<vmem>> -> memref<128xi32, #tpu.memory_space<vmem>>
    %dma_start3A_30 = arith.constant 0 : i32
    %dma_start3A_31 = arith.constant 0 : i32
    %dma_start3A_32 = tpu.memref_slice %arg2[%dma_start3A_30, %dma_start3A_31] : memref<100000x128xf32, #tpu.memory_space<hbm>> -> memref<100000x128xf32, #tpu.memory_space<hbm>>
    tpu.enqueue_indirect_dma source(%dma_start3A_32 : memref<100000x128xf32, #tpu.memory_space<hbm>>) target(%dma_start3A_26 : memref<128x128xf32, #tpu.memory_space<vmem>>) offsets(%dma_start3A_29 : memref<128xi32, #tpu.memory_space<vmem>>) semaphore(%arg10 : memref<!tpu.dma_semaphore, #tpu.memory_space<semaphore_mem>>)
    %dma_start3A_33 = arith.constant 1 : i32
    %dma_start3A_34 = arith.constant 1 : i32
    %dma_start3A_35 = arith.constant 128 : i32
    %dma_start3A_36 = arith.constant 0 : i32
    %dma_start3A_37 = tpu.memref_slice %arg7[%dma_start3A_35, %dma_start3A_36] : memref<256x128xf32, #tpu.memory_space<vmem>> -> memref<128x128xf32, #tpu.memory_space<vmem>>
    %dma_start3A_38 = arith.constant 0 : i32
    %dma_start3A_39 = tpu.memref_slice %arg5[%dma_start3A_33, %dma_start3A_34, %dma_start3A_38] : memref<30x2x128xi32, #tpu.memory_space<vmem>> -> memref<1x1x128xi32, #tpu.memory_space<vmem>>
    %dma_start3A_40 = tpu.memref_squeeze %dma_start3A_39 : memref<1x1x128xi32, #tpu.memory_space<vmem>> -> memref<128xi32, #tpu.memory_space<vmem>>
    %dma_start3A_41 = arith.constant 0 : i32
    %dma_start3A_42 = arith.constant 0 : i32
    %dma_start3A_43 = tpu.memref_slice %arg2[%dma_start3A_41, %dma_start3A_42] : memref<100000x128xf32, #tpu.memory_space<hbm>> -> memref<100000x128xf32, #tpu.memory_space<hbm>>
    tpu.enqueue_indirect_dma source(%dma_start3A_43 : memref<100000x128xf32, #tpu.memory_space<hbm>>) target(%dma_start3A_37 : memref<128x128xf32, #tpu.memory_space<vmem>>) offsets(%dma_start3A_40 : memref<128xi32, #tpu.memory_space<vmem>>) semaphore(%arg10 : memref<!tpu.dma_semaphore, #tpu.memory_space<semaphore_mem>>)
    %scan3A = arith.constant 0 : i32
    %scan3A_44 = arith.constant 0 : i32
    %scan3A_45 = arith.constant 10 : i32
    %scan3A_46 = arith.addi %scan3A_44, %scan3A_45 : i32
    %scan3A_47 = arith.constant 1 : i32
    scf.for %scan3A_72 = %scan3A_44 to %scan3A_46 step %scan3A_47  : i32 {
      %mul3A_73 = arith.constant 3 : i32
      %mul3A_74 = arith.muli %scan3A_72, %mul3A_73 : i32
      %add3A_75 = arith.constant 0 : i32
      %add3A_76 = arith.addi %mul3A_74, %add3A_75 : i32
      %dma_wait3A_77 = arith.constant 0 : i32
      %dma_wait3A_78 = arith.constant 0 : i32
      %dma_wait3A_79 = arith.constant 0 : i32
      %dma_wait3A_80 = tpu.memref_slice %arg6[%dma_wait3A_78, %dma_wait3A_79] : memref<256x128xf32, #tpu.memory_space<vmem>> -> memref<128x128xf32, #tpu.memory_space<vmem>>
      %dma_wait3A_81 = arith.constant 0 : i32
      %dma_wait3A_82 = tpu.memref_slice %arg5[%add3A_76, %dma_wait3A_77, %dma_wait3A_81] : memref<30x2x128xi32, #tpu.memory_space<vmem>> -> memref<1x1x128xi32, #tpu.memory_space<vmem>>
      %dma_wait3A_83 = tpu.memref_squeeze %dma_wait3A_82 : memref<1x1x128xi32, #tpu.memory_space<vmem>> -> memref<128xi32, #tpu.memory_space<vmem>>
      %dma_wait3A_84 = arith.constant 0 : i32
      %dma_wait3A_85 = arith.constant 0 : i32
      %dma_wait3A_86 = tpu.memref_slice %arg2[%dma_wait3A_84, %dma_wait3A_85] : memref<100000x128xf32, #tpu.memory_space<hbm>> -> memref<100000x128xf32, #tpu.memory_space<hbm>>
      tpu.wait_indirect_dma semaphore(%arg9 : memref<!tpu.dma_semaphore, #tpu.memory_space<semaphore_mem>>) src(%dma_wait3A_86 : memref<100000x128xf32, #tpu.memory_space<hbm>>) dst(%dma_wait3A_80 : memref<128x128xf32, #tpu.memory_space<vmem>>)
      %dma_wait3A_87 = arith.constant 1 : i32
      %dma_wait3A_88 = arith.constant 128 : i32
      %dma_wait3A_89 = arith.constant 0 : i32
      %dma_wait3A_90 = tpu.memref_slice %arg6[%dma_wait3A_88, %dma_wait3A_89] : memref<256x128xf32, #tpu.memory_space<vmem>> -> memref<128x128xf32, #tpu.memory_space<vmem>>
      %dma_wait3A_91 = arith.constant 0 : i32
      %dma_wait3A_92 = tpu.memref_slice %arg5[%add3A_76, %dma_wait3A_87, %dma_wait3A_91] : memref<30x2x128xi32, #tpu.memory_space<vmem>> -> memref<1x1x128xi32, #tpu.memory_space<vmem>>
      %dma_wait3A_93 = tpu.memref_squeeze %dma_wait3A_92 : memref<1x1x128xi32, #tpu.memory_space<vmem>> -> memref<128xi32, #tpu.memory_space<vmem>>
      %dma_wait3A_94 = arith.constant 0 : i32
      %dma_wait3A_95 = arith.constant 0 : i32
      %dma_wait3A_96 = tpu.memref_slice %arg2[%dma_wait3A_94, %dma_wait3A_95] : memref<100000x128xf32, #tpu.memory_space<hbm>> -> memref<100000x128xf32, #tpu.memory_space<hbm>>
      tpu.wait_indirect_dma semaphore(%arg9 : memref<!tpu.dma_semaphore, #tpu.memory_space<semaphore_mem>>) src(%dma_wait3A_96 : memref<100000x128xf32, #tpu.memory_space<hbm>>) dst(%dma_wait3A_90 : memref<128x128xf32, #tpu.memory_space<vmem>>)
      %mul3A_97 = arith.constant 32 : i32
      %mul3A_98 = arith.muli %add3A_76, %mul3A_97 : i32
      %add3A_99 = arith.addi %mul3A_98, %add3A : i32
      %mul3A_100 = arith.constant 256 : i32
      %mul3A_101 = arith.muli %add3A_99, %mul3A_100 : i32
      %dma_start3A_102 = arith.constant 0 : i32
      %dma_start3A_103 = tpu.memref_slice %arg4[%mul3A_101, %dma_start3A_102] : memref<245760x128xf32, #tpu.memory_space<hbm>> -> memref<256x128xf32, #tpu.memory_space<hbm>>
      %dma_start3A_104 = arith.constant 0 : i32
      %dma_start3A_105 = tpu.memref_slice %arg4[%mul3A_101, %dma_start3A_104] : memref<245760x128xf32, #tpu.memory_space<hbm>> -> memref<256x128xf32, #tpu.memory_space<hbm>>
      tpu.enqueue_dma source(%arg6 : memref<256x128xf32, #tpu.memory_space<vmem>>) target(%dma_start3A_105 : memref<256x128xf32, #tpu.memory_space<hbm>>) target_semaphore(%arg12 : memref<!tpu.dma_semaphore, #tpu.memory_space<semaphore_mem>>)
      %eq3A = arith.constant 0 : i32
      %eq3A_106 = arith.cmpi eq, %add3A_76, %eq3A : i32
      %convert_element_type3A = arith.extui %eq3A_106 : i1 to i32
      %cond3A = arith.constant 0 : i32
      %cond3A_107 = arith.cmpi ne, %convert_element_type3A, %cond3A : i32
      scf.if %cond3A_107 {
        %dma_start3A_211 = arith.constant 2 : i32
        %dma_start3A_212 = arith.constant 0 : i32
        %dma_start3A_213 = arith.constant 0 : i32
        %dma_start3A_214 = arith.constant 0 : i32
        %dma_start3A_215 = tpu.memref_slice %arg8[%dma_start3A_213, %dma_start3A_214] : memref<256x128xf32, #tpu.memory_space<vmem>> -> memref<128x128xf32, #tpu.memory_space<vmem>>
        %dma_start3A_216 = arith.constant 0 : i32
        %dma_start3A_217 = tpu.memref_slice %arg5[%dma_start3A_211, %dma_start3A_212, %dma_start3A_216] : memref<30x2x128xi32, #tpu.memory_space<vmem>> -> memref<1x1x128xi32, #tpu.memory_space<vmem>>
        %dma_start3A_218 = tpu.memref_squeeze %dma_start3A_217 : memref<1x1x128xi32, #tpu.memory_space<vmem>> -> memref<128xi32, #tpu.memory_space<vmem>>
        %dma_start3A_219 = arith.constant 0 : i32
        %dma_start3A_220 = arith.constant 0 : i32
        %dma_start3A_221 = tpu.memref_slice %arg2[%dma_start3A_219, %dma_start3A_220] : memref<100000x128xf32, #tpu.memory_space<hbm>> -> memref<100000x128xf32, #tpu.memory_space<hbm>>
        tpu.enqueue_indirect_dma source(%dma_start3A_221 : memref<100000x128xf32, #tpu.memory_space<hbm>>) target(%dma_start3A_215 : memref<128x128xf32, #tpu.memory_space<vmem>>) offsets(%dma_start3A_218 : memref<128xi32, #tpu.memory_space<vmem>>) semaphore(%arg11 : memref<!tpu.dma_semaphore, #tpu.memory_space<semaphore_mem>>)
        %dma_start3A_222 = arith.constant 2 : i32
        %dma_start3A_223 = arith.constant 1 : i32
        %dma_start3A_224 = arith.constant 128 : i32
        %dma_start3A_225 = arith.constant 0 : i32
        %dma_start3A_226 = tpu.memref_slice %arg8[%dma_start3A_224, %dma_start3A_225] : memref<256x128xf32, #tpu.memory_space<vmem>> -> memref<128x128xf32, #tpu.memory_space<vmem>>
        %dma_start3A_227 = arith.constant 0 : i32
        %dma_start3A_228 = tpu.memref_slice %arg5[%dma_start3A_222, %dma_start3A_223, %dma_start3A_227] : memref<30x2x128xi32, #tpu.memory_space<vmem>> -> memref<1x1x128xi32, #tpu.memory_space<vmem>>
        %dma_start3A_229 = tpu.memref_squeeze %dma_start3A_228 : memref<1x1x128xi32, #tpu.memory_space<vmem>> -> memref<128xi32, #tpu.memory_space<vmem>>
        %dma_start3A_230 = arith.constant 0 : i32
        %dma_start3A_231 = arith.constant 0 : i32
        %dma_start3A_232 = tpu.memref_slice %arg2[%dma_start3A_230, %dma_start3A_231] : memref<100000x128xf32, #tpu.memory_space<hbm>> -> memref<100000x128xf32, #tpu.memory_space<hbm>>
        tpu.enqueue_indirect_dma source(%dma_start3A_232 : memref<100000x128xf32, #tpu.memory_space<hbm>>) target(%dma_start3A_226 : memref<128x128xf32, #tpu.memory_space<vmem>>) offsets(%dma_start3A_229 : memref<128xi32, #tpu.memory_space<vmem>>) semaphore(%arg11 : memref<!tpu.dma_semaphore, #tpu.memory_space<semaphore_mem>>)
      } else {
      }
      %ge3A = arith.constant 1 : i32
      %ge3A_108 = arith.cmpi sge, %add3A_76, %ge3A : i32
      %add3A_109 = arith.constant 2 : i32
      %add3A_110 = arith.addi %add3A_76, %add3A_109 : i32
      %lt3A = arith.constant 30 : i32
      %lt3A_111 = arith.cmpi slt, %add3A_110, %lt3A : i32
      %and3A = arith.andi %ge3A_108, %lt3A_111 : i1
      %convert_element_type3A_112 = arith.extui %and3A : i1 to i32
      %cond3A_113 = arith.constant 0 : i32
      %cond3A_114 = arith.cmpi ne, %convert_element_type3A_112, %cond3A_113 : i32
      scf.if %cond3A_114 {
        %sub3A = arith.constant 1 : i32
        %sub3A_211 = arith.subi %add3A_76, %sub3A : i32
        %mul3A_212 = arith.constant 32 : i32
        %mul3A_213 = arith.muli %sub3A_211, %mul3A_212 : i32
        %add3A_214 = arith.addi %mul3A_213, %add3A : i32
        %mul3A_215 = arith.constant 256 : i32
        %mul3A_216 = arith.muli %add3A_214, %mul3A_215 : i32
        %dma_wait3A_217 = arith.constant 0 : i32
        %dma_wait3A_218 = tpu.memref_slice %arg4[%mul3A_216, %dma_wait3A_217] : memref<245760x128xf32, #tpu.memory_space<hbm>> -> memref<256x128xf32, #tpu.memory_space<hbm>>
        %dma_wait3A_219 = arith.constant 0 : i32
        %dma_wait3A_220 = tpu.memref_slice %arg4[%mul3A_216, %dma_wait3A_219] : memref<245760x128xf32, #tpu.memory_space<hbm>> -> memref<256x128xf32, #tpu.memory_space<hbm>>
        tpu.wait_dma2 semaphore(%arg14 : memref<!tpu.dma_semaphore, #tpu.memory_space<semaphore_mem>>) src(%arg8 : memref<256x128xf32, #tpu.memory_space<vmem>>) dst(%dma_wait3A_220 : memref<256x128xf32, #tpu.memory_space<hbm>>)
        %add3A_221 = arith.constant 2 : i32
        %add3A_222 = arith.addi %add3A_76, %add3A_221 : i32
        %dma_start3A_223 = arith.constant 0 : i32
        %dma_start3A_224 = arith.constant 0 : i32
        %dma_start3A_225 = arith.constant 0 : i32
        %dma_start3A_226 = tpu.memref_slice %arg8[%dma_start3A_224, %dma_start3A_225] : memref<256x128xf32, #tpu.memory_space<vmem>> -> memref<128x128xf32, #tpu.memory_space<vmem>>
        %dma_start3A_227 = arith.constant 0 : i32
        %dma_start3A_228 = tpu.memref_slice %arg5[%add3A_222, %dma_start3A_223, %dma_start3A_227] : memref<30x2x128xi32, #tpu.memory_space<vmem>> -> memref<1x1x128xi32, #tpu.memory_space<vmem>>
        %dma_start3A_229 = tpu.memref_squeeze %dma_start3A_228 : memref<1x1x128xi32, #tpu.memory_space<vmem>> -> memref<128xi32, #tpu.memory_space<vmem>>
        %dma_start3A_230 = arith.constant 0 : i32
        %dma_start3A_231 = arith.constant 0 : i32
        %dma_start3A_232 = tpu.memref_slice %arg2[%dma_start3A_230, %dma_start3A_231] : memref<100000x128xf32, #tpu.memory_space<hbm>> -> memref<100000x128xf32, #tpu.memory_space<hbm>>
        tpu.enqueue_indirect_dma source(%dma_start3A_232 : memref<100000x128xf32, #tpu.memory_space<hbm>>) target(%dma_start3A_226 : memref<128x128xf32, #tpu.memory_space<vmem>>) offsets(%dma_start3A_229 : memref<128xi32, #tpu.memory_space<vmem>>) semaphore(%arg11 : memref<!tpu.dma_semaphore, #tpu.memory_space<semaphore_mem>>)
        %dma_start3A_233 = arith.constant 1 : i32
        %dma_start3A_234 = arith.constant 128 : i32
        %dma_start3A_235 = arith.constant 0 : i32
        %dma_start3A_236 = tpu.memref_slice %arg8[%dma_start3A_234, %dma_start3A_235] : memref<256x128xf32, #tpu.memory_space<vmem>> -> memref<128x128xf32, #tpu.memory_space<vmem>>
        %dma_start3A_237 = arith.constant 0 : i32
        %dma_start3A_238 = tpu.memref_slice %arg5[%add3A_222, %dma_start3A_233, %dma_start3A_237] : memref<30x2x128xi32, #tpu.memory_space<vmem>> -> memref<1x1x128xi32, #tpu.memory_space<vmem>>
        %dma_start3A_239 = tpu.memref_squeeze %dma_start3A_238 : memref<1x1x128xi32, #tpu.memory_space<vmem>> -> memref<128xi32, #tpu.memory_space<vmem>>
        %dma_start3A_240 = arith.constant 0 : i32
        %dma_start3A_241 = arith.constant 0 : i32
        %dma_start3A_242 = tpu.memref_slice %arg2[%dma_start3A_240, %dma_start3A_241] : memref<100000x128xf32, #tpu.memory_space<hbm>> -> memref<100000x128xf32, #tpu.memory_space<hbm>>
        tpu.enqueue_indirect_dma source(%dma_start3A_242 : memref<100000x128xf32, #tpu.memory_space<hbm>>) target(%dma_start3A_236 : memref<128x128xf32, #tpu.memory_space<vmem>>) offsets(%dma_start3A_239 : memref<128xi32, #tpu.memory_space<vmem>>) semaphore(%arg11 : memref<!tpu.dma_semaphore, #tpu.memory_space<semaphore_mem>>)
      } else {
      }
      %mul3A_115 = arith.constant 3 : i32
      %mul3A_116 = arith.muli %scan3A_72, %mul3A_115 : i32
      %add3A_117 = arith.constant 1 : i32
      %add3A_118 = arith.addi %mul3A_116, %add3A_117 : i32
      %dma_wait3A_119 = arith.constant 0 : i32
      %dma_wait3A_120 = arith.constant 0 : i32
      %dma_wait3A_121 = arith.constant 0 : i32
      %dma_wait3A_122 = tpu.memref_slice %arg7[%dma_wait3A_120, %dma_wait3A_121] : memref<256x128xf32, #tpu.memory_space<vmem>> -> memref<128x128xf32, #tpu.memory_space<vmem>>
      %dma_wait3A_123 = arith.constant 0 : i32
      %dma_wait3A_124 = tpu.memref_slice %arg5[%add3A_118, %dma_wait3A_119, %dma_wait3A_123] : memref<30x2x128xi32, #tpu.memory_space<vmem>> -> memref<1x1x128xi32, #tpu.memory_space<vmem>>
      %dma_wait3A_125 = tpu.memref_squeeze %dma_wait3A_124 : memref<1x1x128xi32, #tpu.memory_space<vmem>> -> memref<128xi32, #tpu.memory_space<vmem>>
      %dma_wait3A_126 = arith.constant 0 : i32
      %dma_wait3A_127 = arith.constant 0 : i32
      %dma_wait3A_128 = tpu.memref_slice %arg2[%dma_wait3A_126, %dma_wait3A_127] : memref<100000x128xf32, #tpu.memory_space<hbm>> -> memref<100000x128xf32, #tpu.memory_space<hbm>>
      tpu.wait_indirect_dma semaphore(%arg10 : memref<!tpu.dma_semaphore, #tpu.memory_space<semaphore_mem>>) src(%dma_wait3A_128 : memref<100000x128xf32, #tpu.memory_space<hbm>>) dst(%dma_wait3A_122 : memref<128x128xf32, #tpu.memory_space<vmem>>)
      %dma_wait3A_129 = arith.constant 1 : i32
      %dma_wait3A_130 = arith.constant 128 : i32
      %dma_wait3A_131 = arith.constant 0 : i32
      %dma_wait3A_132 = tpu.memref_slice %arg7[%dma_wait3A_130, %dma_wait3A_131] : memref<256x128xf32, #tpu.memory_space<vmem>> -> memref<128x128xf32, #tpu.memory_space<vmem>>
      %dma_wait3A_133 = arith.constant 0 : i32
      %dma_wait3A_134 = tpu.memref_slice %arg5[%add3A_118, %dma_wait3A_129, %dma_wait3A_133] : memref<30x2x128xi32, #tpu.memory_space<vmem>> -> memref<1x1x128xi32, #tpu.memory_space<vmem>>
      %dma_wait3A_135 = tpu.memref_squeeze %dma_wait3A_134 : memref<1x1x128xi32, #tpu.memory_space<vmem>> -> memref<128xi32, #tpu.memory_space<vmem>>
      %dma_wait3A_136 = arith.constant 0 : i32
      %dma_wait3A_137 = arith.constant 0 : i32
      %dma_wait3A_138 = tpu.memref_slice %arg2[%dma_wait3A_136, %dma_wait3A_137] : memref<100000x128xf32, #tpu.memory_space<hbm>> -> memref<100000x128xf32, #tpu.memory_space<hbm>>
      tpu.wait_indirect_dma semaphore(%arg10 : memref<!tpu.dma_semaphore, #tpu.memory_space<semaphore_mem>>) src(%dma_wait3A_138 : memref<100000x128xf32, #tpu.memory_space<hbm>>) dst(%dma_wait3A_132 : memref<128x128xf32, #tpu.memory_space<vmem>>)
      %mul3A_139 = arith.constant 32 : i32
      %mul3A_140 = arith.muli %add3A_118, %mul3A_139 : i32
      %add3A_141 = arith.addi %mul3A_140, %add3A : i32
      %mul3A_142 = arith.constant 256 : i32
      %mul3A_143 = arith.muli %add3A_141, %mul3A_142 : i32
      %dma_start3A_144 = arith.constant 0 : i32
      %dma_start3A_145 = tpu.memref_slice %arg4[%mul3A_143, %dma_start3A_144] : memref<245760x128xf32, #tpu.memory_space<hbm>> -> memref<256x128xf32, #tpu.memory_space<hbm>>
      %dma_start3A_146 = arith.constant 0 : i32
      %dma_start3A_147 = tpu.memref_slice %arg4[%mul3A_143, %dma_start3A_146] : memref<245760x128xf32, #tpu.memory_space<hbm>> -> memref<256x128xf32, #tpu.memory_space<hbm>>
      tpu.enqueue_dma source(%arg7 : memref<256x128xf32, #tpu.memory_space<vmem>>) target(%dma_start3A_147 : memref<256x128xf32, #tpu.memory_space<hbm>>) target_semaphore(%arg13 : memref<!tpu.dma_semaphore, #tpu.memory_space<semaphore_mem>>)
      %eq3A_148 = arith.constant 0 : i32
      %eq3A_149 = arith.cmpi eq, %add3A_118, %eq3A_148 : i32
      %convert_element_type3A_150 = arith.extui %eq3A_149 : i1 to i32
      %cond3A_151 = arith.constant 0 : i32
      %cond3A_152 = arith.cmpi ne, %convert_element_type3A_150, %cond3A_151 : i32
      scf.if %cond3A_152 {
        %dma_start3A_211 = arith.constant 2 : i32
        %dma_start3A_212 = arith.constant 0 : i32
        %dma_start3A_213 = arith.constant 0 : i32
        %dma_start3A_214 = arith.constant 0 : i32
        %dma_start3A_215 = tpu.memref_slice %arg8[%dma_start3A_213, %dma_start3A_214] : memref<256x128xf32, #tpu.memory_space<vmem>> -> memref<128x128xf32, #tpu.memory_space<vmem>>
        %dma_start3A_216 = arith.constant 0 : i32
        %dma_start3A_217 = tpu.memref_slice %arg5[%dma_start3A_211, %dma_start3A_212, %dma_start3A_216] : memref<30x2x128xi32, #tpu.memory_space<vmem>> -> memref<1x1x128xi32, #tpu.memory_space<vmem>>
        %dma_start3A_218 = tpu.memref_squeeze %dma_start3A_217 : memref<1x1x128xi32, #tpu.memory_space<vmem>> -> memref<128xi32, #tpu.memory_space<vmem>>
        %dma_start3A_219 = arith.constant 0 : i32
        %dma_start3A_220 = arith.constant 0 : i32
        %dma_start3A_221 = tpu.memref_slice %arg2[%dma_start3A_219, %dma_start3A_220] : memref<100000x128xf32, #tpu.memory_space<hbm>> -> memref<100000x128xf32, #tpu.memory_space<hbm>>
        tpu.enqueue_indirect_dma source(%dma_start3A_221 : memref<100000x128xf32, #tpu.memory_space<hbm>>) target(%dma_start3A_215 : memref<128x128xf32, #tpu.memory_space<vmem>>) offsets(%dma_start3A_218 : memref<128xi32, #tpu.memory_space<vmem>>) semaphore(%arg11 : memref<!tpu.dma_semaphore, #tpu.memory_space<semaphore_mem>>)
        %dma_start3A_222 = arith.constant 2 : i32
        %dma_start3A_223 = arith.constant 1 : i32
        %dma_start3A_224 = arith.constant 128 : i32
        %dma_start3A_225 = arith.constant 0 : i32
        %dma_start3A_226 = tpu.memref_slice %arg8[%dma_start3A_224, %dma_start3A_225] : memref<256x128xf32, #tpu.memory_space<vmem>> -> memref<128x128xf32, #tpu.memory_space<vmem>>
        %dma_start3A_227 = arith.constant 0 : i32
        %dma_start3A_228 = tpu.memref_slice %arg5[%dma_start3A_222, %dma_start3A_223, %dma_start3A_227] : memref<30x2x128xi32, #tpu.memory_space<vmem>> -> memref<1x1x128xi32, #tpu.memory_space<vmem>>
        %dma_start3A_229 = tpu.memref_squeeze %dma_start3A_228 : memref<1x1x128xi32, #tpu.memory_space<vmem>> -> memref<128xi32, #tpu.memory_space<vmem>>
        %dma_start3A_230 = arith.constant 0 : i32
        %dma_start3A_231 = arith.constant 0 : i32
        %dma_start3A_232 = tpu.memref_slice %arg2[%dma_start3A_230, %dma_start3A_231] : memref<100000x128xf32, #tpu.memory_space<hbm>> -> memref<100000x128xf32, #tpu.memory_space<hbm>>
        tpu.enqueue_indirect_dma source(%dma_start3A_232 : memref<100000x128xf32, #tpu.memory_space<hbm>>) target(%dma_start3A_226 : memref<128x128xf32, #tpu.memory_space<vmem>>) offsets(%dma_start3A_229 : memref<128xi32, #tpu.memory_space<vmem>>) semaphore(%arg11 : memref<!tpu.dma_semaphore, #tpu.memory_space<semaphore_mem>>)
      } else {
      }
      %ge3A_153 = arith.constant 1 : i32
      %ge3A_154 = arith.cmpi sge, %add3A_118, %ge3A_153 : i32
      %add3A_155 = arith.constant 2 : i32
      %add3A_156 = arith.addi %add3A_118, %add3A_155 : i32
      %lt3A_157 = arith.constant 30 : i32
      %lt3A_158 = arith.cmpi slt, %add3A_156, %lt3A_157 : i32
      %and3A_159 = arith.andi %ge3A_154, %lt3A_158 : i1
      %convert_element_type3A_160 = arith.extui %and3A_159 : i1 to i32
      %cond3A_161 = arith.constant 0 : i32
      %cond3A_162 = arith.cmpi ne, %convert_element_type3A_160, %cond3A_161 : i32
      scf.if %cond3A_162 {
        %sub3A = arith.constant 1 : i32
        %sub3A_211 = arith.subi %add3A_118, %sub3A : i32
        %mul3A_212 = arith.constant 32 : i32
        %mul3A_213 = arith.muli %sub3A_211, %mul3A_212 : i32
        %add3A_214 = arith.addi %mul3A_213, %add3A : i32
        %mul3A_215 = arith.constant 256 : i32
        %mul3A_216 = arith.muli %add3A_214, %mul3A_215 : i32
        %dma_wait3A_217 = arith.constant 0 : i32
        %dma_wait3A_218 = tpu.memref_slice %arg4[%mul3A_216, %dma_wait3A_217] : memref<245760x128xf32, #tpu.memory_space<hbm>> -> memref<256x128xf32, #tpu.memory_space<hbm>>
        %dma_wait3A_219 = arith.constant 0 : i32
        %dma_wait3A_220 = tpu.memref_slice %arg4[%mul3A_216, %dma_wait3A_219] : memref<245760x128xf32, #tpu.memory_space<hbm>> -> memref<256x128xf32, #tpu.memory_space<hbm>>
        tpu.wait_dma2 semaphore(%arg12 : memref<!tpu.dma_semaphore, #tpu.memory_space<semaphore_mem>>) src(%arg6 : memref<256x128xf32, #tpu.memory_space<vmem>>) dst(%dma_wait3A_220 : memref<256x128xf32, #tpu.memory_space<hbm>>)
        %add3A_221 = arith.constant 2 : i32
        %add3A_222 = arith.addi %add3A_118, %add3A_221 : i32
        %dma_start3A_223 = arith.constant 0 : i32
        %dma_start3A_224 = arith.constant 0 : i32
        %dma_start3A_225 = arith.constant 0 : i32
        %dma_start3A_226 = tpu.memref_slice %arg6[%dma_start3A_224, %dma_start3A_225] : memref<256x128xf32, #tpu.memory_space<vmem>> -> memref<128x128xf32, #tpu.memory_space<vmem>>
        %dma_start3A_227 = arith.constant 0 : i32
        %dma_start3A_228 = tpu.memref_slice %arg5[%add3A_222, %dma_start3A_223, %dma_start3A_227] : memref<30x2x128xi32, #tpu.memory_space<vmem>> -> memref<1x1x128xi32, #tpu.memory_space<vmem>>
        %dma_start3A_229 = tpu.memref_squeeze %dma_start3A_228 : memref<1x1x128xi32, #tpu.memory_space<vmem>> -> memref<128xi32, #tpu.memory_space<vmem>>
        %dma_start3A_230 = arith.constant 0 : i32
        %dma_start3A_231 = arith.constant 0 : i32
        %dma_start3A_232 = tpu.memref_slice %arg2[%dma_start3A_230, %dma_start3A_231] : memref<100000x128xf32, #tpu.memory_space<hbm>> -> memref<100000x128xf32, #tpu.memory_space<hbm>>
        tpu.enqueue_indirect_dma source(%dma_start3A_232 : memref<100000x128xf32, #tpu.memory_space<hbm>>) target(%dma_start3A_226 : memref<128x128xf32, #tpu.memory_space<vmem>>) offsets(%dma_start3A_229 : memref<128xi32, #tpu.memory_space<vmem>>) semaphore(%arg9 : memref<!tpu.dma_semaphore, #tpu.memory_space<semaphore_mem>>)
        %dma_start3A_233 = arith.constant 1 : i32
        %dma_start3A_234 = arith.constant 128 : i32
        %dma_start3A_235 = arith.constant 0 : i32
        %dma_start3A_236 = tpu.memref_slice %arg6[%dma_start3A_234, %dma_start3A_235] : memref<256x128xf32, #tpu.memory_space<vmem>> -> memref<128x128xf32, #tpu.memory_space<vmem>>
        %dma_start3A_237 = arith.constant 0 : i32
        %dma_start3A_238 = tpu.memref_slice %arg5[%add3A_222, %dma_start3A_233, %dma_start3A_237] : memref<30x2x128xi32, #tpu.memory_space<vmem>> -> memref<1x1x128xi32, #tpu.memory_space<vmem>>
        %dma_start3A_239 = tpu.memref_squeeze %dma_start3A_238 : memref<1x1x128xi32, #tpu.memory_space<vmem>> -> memref<128xi32, #tpu.memory_space<vmem>>
        %dma_start3A_240 = arith.constant 0 : i32
        %dma_start3A_241 = arith.constant 0 : i32
        %dma_start3A_242 = tpu.memref_slice %arg2[%dma_start3A_240, %dma_start3A_241] : memref<100000x128xf32, #tpu.memory_space<hbm>> -> memref<100000x128xf32, #tpu.memory_space<hbm>>
        tpu.enqueue_indirect_dma source(%dma_start3A_242 : memref<100000x128xf32, #tpu.memory_space<hbm>>) target(%dma_start3A_236 : memref<128x128xf32, #tpu.memory_space<vmem>>) offsets(%dma_start3A_239 : memref<128xi32, #tpu.memory_space<vmem>>) semaphore(%arg9 : memref<!tpu.dma_semaphore, #tpu.memory_space<semaphore_mem>>)
      } else {
      }
      %mul3A_163 = arith.constant 3 : i32
      %mul3A_164 = arith.muli %scan3A_72, %mul3A_163 : i32
      %add3A_165 = arith.constant 2 : i32
      %add3A_166 = arith.addi %mul3A_164, %add3A_165 : i32
      %dma_wait3A_167 = arith.constant 0 : i32
      %dma_wait3A_168 = arith.constant 0 : i32
      %dma_wait3A_169 = arith.constant 0 : i32
      %dma_wait3A_170 = tpu.memref_slice %arg8[%dma_wait3A_168, %dma_wait3A_169] : memref<256x128xf32, #tpu.memory_space<vmem>> -> memref<128x128xf32, #tpu.memory_space<vmem>>
      %dma_wait3A_171 = arith.constant 0 : i32
      %dma_wait3A_172 = tpu.memref_slice %arg5[%add3A_166, %dma_wait3A_167, %dma_wait3A_171] : memref<30x2x128xi32, #tpu.memory_space<vmem>> -> memref<1x1x128xi32, #tpu.memory_space<vmem>>
      %dma_wait3A_173 = tpu.memref_squeeze %dma_wait3A_172 : memref<1x1x128xi32, #tpu.memory_space<vmem>> -> memref<128xi32, #tpu.memory_space<vmem>>
      %dma_wait3A_174 = arith.constant 0 : i32
      %dma_wait3A_175 = arith.constant 0 : i32
      %dma_wait3A_176 = tpu.memref_slice %arg2[%dma_wait3A_174, %dma_wait3A_175] : memref<100000x128xf32, #tpu.memory_space<hbm>> -> memref<100000x128xf32, #tpu.memory_space<hbm>>
      tpu.wait_indirect_dma semaphore(%arg11 : memref<!tpu.dma_semaphore, #tpu.memory_space<semaphore_mem>>) src(%dma_wait3A_176 : memref<100000x128xf32, #tpu.memory_space<hbm>>) dst(%dma_wait3A_170 : memref<128x128xf32, #tpu.memory_space<vmem>>)
      %dma_wait3A_177 = arith.constant 1 : i32
      %dma_wait3A_178 = arith.constant 128 : i32
      %dma_wait3A_179 = arith.constant 0 : i32
      %dma_wait3A_180 = tpu.memref_slice %arg8[%dma_wait3A_178, %dma_wait3A_179] : memref<256x128xf32, #tpu.memory_space<vmem>> -> memref<128x128xf32, #tpu.memory_space<vmem>>
      %dma_wait3A_181 = arith.constant 0 : i32
      %dma_wait3A_182 = tpu.memref_slice %arg5[%add3A_166, %dma_wait3A_177, %dma_wait3A_181] : memref<30x2x128xi32, #tpu.memory_space<vmem>> -> memref<1x1x128xi32, #tpu.memory_space<vmem>>
      %dma_wait3A_183 = tpu.memref_squeeze %dma_wait3A_182 : memref<1x1x128xi32, #tpu.memory_space<vmem>> -> memref<128xi32, #tpu.memory_space<vmem>>
      %dma_wait3A_184 = arith.constant 0 : i32
      %dma_wait3A_185 = arith.constant 0 : i32
      %dma_wait3A_186 = tpu.memref_slice %arg2[%dma_wait3A_184, %dma_wait3A_185] : memref<100000x128xf32, #tpu.memory_space<hbm>> -> memref<100000x128xf32, #tpu.memory_space<hbm>>
      tpu.wait_indirect_dma semaphore(%arg11 : memref<!tpu.dma_semaphore, #tpu.memory_space<semaphore_mem>>) src(%dma_wait3A_186 : memref<100000x128xf32, #tpu.memory_space<hbm>>) dst(%dma_wait3A_180 : memref<128x128xf32, #tpu.memory_space<vmem>>)
      %mul3A_187 = arith.constant 32 : i32
      %mul3A_188 = arith.muli %add3A_166, %mul3A_187 : i32
      %add3A_189 = arith.addi %mul3A_188, %add3A : i32
      %mul3A_190 = arith.constant 256 : i32
      %mul3A_191 = arith.muli %add3A_189, %mul3A_190 : i32
      %dma_start3A_192 = arith.constant 0 : i32
      %dma_start3A_193 = tpu.memref_slice %arg4[%mul3A_191, %dma_start3A_192] : memref<245760x128xf32, #tpu.memory_space<hbm>> -> memref<256x128xf32, #tpu.memory_space<hbm>>
      %dma_start3A_194 = arith.constant 0 : i32
      %dma_start3A_195 = tpu.memref_slice %arg4[%mul3A_191, %dma_start3A_194] : memref<245760x128xf32, #tpu.memory_space<hbm>> -> memref<256x128xf32, #tpu.memory_space<hbm>>
      tpu.enqueue_dma source(%arg8 : memref<256x128xf32, #tpu.memory_space<vmem>>) target(%dma_start3A_195 : memref<256x128xf32, #tpu.memory_space<hbm>>) target_semaphore(%arg14 : memref<!tpu.dma_semaphore, #tpu.memory_space<semaphore_mem>>)
      %eq3A_196 = arith.constant 0 : i32
      %eq3A_197 = arith.cmpi eq, %add3A_166, %eq3A_196 : i32
      %convert_element_type3A_198 = arith.extui %eq3A_197 : i1 to i32
      %cond3A_199 = arith.constant 0 : i32
      %cond3A_200 = arith.cmpi ne, %convert_element_type3A_198, %cond3A_199 : i32
      scf.if %cond3A_200 {
        %dma_start3A_211 = arith.constant 2 : i32
        %dma_start3A_212 = arith.constant 0 : i32
        %dma_start3A_213 = arith.constant 0 : i32
        %dma_start3A_214 = arith.constant 0 : i32
        %dma_start3A_215 = tpu.memref_slice %arg8[%dma_start3A_213, %dma_start3A_214] : memref<256x128xf32, #tpu.memory_space<vmem>> -> memref<128x128xf32, #tpu.memory_space<vmem>>
        %dma_start3A_216 = arith.constant 0 : i32
        %dma_start3A_217 = tpu.memref_slice %arg5[%dma_start3A_211, %dma_start3A_212, %dma_start3A_216] : memref<30x2x128xi32, #tpu.memory_space<vmem>> -> memref<1x1x128xi32, #tpu.memory_space<vmem>>
        %dma_start3A_218 = tpu.memref_squeeze %dma_start3A_217 : memref<1x1x128xi32, #tpu.memory_space<vmem>> -> memref<128xi32, #tpu.memory_space<vmem>>
        %dma_start3A_219 = arith.constant 0 : i32
        %dma_start3A_220 = arith.constant 0 : i32
        %dma_start3A_221 = tpu.memref_slice %arg2[%dma_start3A_219, %dma_start3A_220] : memref<100000x128xf32, #tpu.memory_space<hbm>> -> memref<100000x128xf32, #tpu.memory_space<hbm>>
        tpu.enqueue_indirect_dma source(%dma_start3A_221 : memref<100000x128xf32, #tpu.memory_space<hbm>>) target(%dma_start3A_215 : memref<128x128xf32, #tpu.memory_space<vmem>>) offsets(%dma_start3A_218 : memref<128xi32, #tpu.memory_space<vmem>>) semaphore(%arg11 : memref<!tpu.dma_semaphore, #tpu.memory_space<semaphore_mem>>)
        %dma_start3A_222 = arith.constant 2 : i32
        %dma_start3A_223 = arith.constant 1 : i32
        %dma_start3A_224 = arith.constant 128 : i32
        %dma_start3A_225 = arith.constant 0 : i32
        %dma_start3A_226 = tpu.memref_slice %arg8[%dma_start3A_224, %dma_start3A_225] : memref<256x128xf32, #tpu.memory_space<vmem>> -> memref<128x128xf32, #tpu.memory_space<vmem>>
        %dma_start3A_227 = arith.constant 0 : i32
        %dma_start3A_228 = tpu.memref_slice %arg5[%dma_start3A_222, %dma_start3A_223, %dma_start3A_227] : memref<30x2x128xi32, #tpu.memory_space<vmem>> -> memref<1x1x128xi32, #tpu.memory_space<vmem>>
        %dma_start3A_229 = tpu.memref_squeeze %dma_start3A_228 : memref<1x1x128xi32, #tpu.memory_space<vmem>> -> memref<128xi32, #tpu.memory_space<vmem>>
        %dma_start3A_230 = arith.constant 0 : i32
        %dma_start3A_231 = arith.constant 0 : i32
        %dma_start3A_232 = tpu.memref_slice %arg2[%dma_start3A_230, %dma_start3A_231] : memref<100000x128xf32, #tpu.memory_space<hbm>> -> memref<100000x128xf32, #tpu.memory_space<hbm>>
        tpu.enqueue_indirect_dma source(%dma_start3A_232 : memref<100000x128xf32, #tpu.memory_space<hbm>>) target(%dma_start3A_226 : memref<128x128xf32, #tpu.memory_space<vmem>>) offsets(%dma_start3A_229 : memref<128xi32, #tpu.memory_space<vmem>>) semaphore(%arg11 : memref<!tpu.dma_semaphore, #tpu.memory_space<semaphore_mem>>)
      } else {
      }
      %ge3A_201 = arith.constant 1 : i32
      %ge3A_202 = arith.cmpi sge, %add3A_166, %ge3A_201 : i32
      %add3A_203 = arith.constant 2 : i32
      %add3A_204 = arith.addi %add3A_166, %add3A_203 : i32
      %lt3A_205 = arith.constant 30 : i32
      %lt3A_206 = arith.cmpi slt, %add3A_204, %lt3A_205 : i32
      %and3A_207 = arith.andi %ge3A_202, %lt3A_206 : i1
      %convert_element_type3A_208 = arith.extui %and3A_207 : i1 to i32
      %cond3A_209 = arith.constant 0 : i32
      %cond3A_210 = arith.cmpi ne, %convert_element_type3A_208, %cond3A_209 : i32
      scf.if %cond3A_210 {
        %sub3A = arith.constant 1 : i32
        %sub3A_211 = arith.subi %add3A_166, %sub3A : i32
        %mul3A_212 = arith.constant 32 : i32
        %mul3A_213 = arith.muli %sub3A_211, %mul3A_212 : i32
        %add3A_214 = arith.addi %mul3A_213, %add3A : i32
        %mul3A_215 = arith.constant 256 : i32
        %mul3A_216 = arith.muli %add3A_214, %mul3A_215 : i32
        %dma_wait3A_217 = arith.constant 0 : i32
        %dma_wait3A_218 = tpu.memref_slice %arg4[%mul3A_216, %dma_wait3A_217] : memref<245760x128xf32, #tpu.memory_space<hbm>> -> memref<256x128xf32, #tpu.memory_space<hbm>>
        %dma_wait3A_219 = arith.constant 0 : i32
        %dma_wait3A_220 = tpu.memref_slice %arg4[%mul3A_216, %dma_wait3A_219] : memref<245760x128xf32, #tpu.memory_space<hbm>> -> memref<256x128xf32, #tpu.memory_space<hbm>>
        tpu.wait_dma2 semaphore(%arg13 : memref<!tpu.dma_semaphore, #tpu.memory_space<semaphore_mem>>) src(%arg7 : memref<256x128xf32, #tpu.memory_space<vmem>>) dst(%dma_wait3A_220 : memref<256x128xf32, #tpu.memory_space<hbm>>)
        %add3A_221 = arith.constant 2 : i32
        %add3A_222 = arith.addi %add3A_166, %add3A_221 : i32
        %dma_start3A_223 = arith.constant 0 : i32
        %dma_start3A_224 = arith.constant 0 : i32
        %dma_start3A_225 = arith.constant 0 : i32
        %dma_start3A_226 = tpu.memref_slice %arg7[%dma_start3A_224, %dma_start3A_225] : memref<256x128xf32, #tpu.memory_space<vmem>> -> memref<128x128xf32, #tpu.memory_space<vmem>>
        %dma_start3A_227 = arith.constant 0 : i32
        %dma_start3A_228 = tpu.memref_slice %arg5[%add3A_222, %dma_start3A_223, %dma_start3A_227] : memref<30x2x128xi32, #tpu.memory_space<vmem>> -> memref<1x1x128xi32, #tpu.memory_space<vmem>>
        %dma_start3A_229 = tpu.memref_squeeze %dma_start3A_228 : memref<1x1x128xi32, #tpu.memory_space<vmem>> -> memref<128xi32, #tpu.memory_space<vmem>>
        %dma_start3A_230 = arith.constant 0 : i32
        %dma_start3A_231 = arith.constant 0 : i32
        %dma_start3A_232 = tpu.memref_slice %arg2[%dma_start3A_230, %dma_start3A_231] : memref<100000x128xf32, #tpu.memory_space<hbm>> -> memref<100000x128xf32, #tpu.memory_space<hbm>>
        tpu.enqueue_indirect_dma source(%dma_start3A_232 : memref<100000x128xf32, #tpu.memory_space<hbm>>) target(%dma_start3A_226 : memref<128x128xf32, #tpu.memory_space<vmem>>) offsets(%dma_start3A_229 : memref<128xi32, #tpu.memory_space<vmem>>) semaphore(%arg10 : memref<!tpu.dma_semaphore, #tpu.memory_space<semaphore_mem>>)
        %dma_start3A_233 = arith.constant 1 : i32
        %dma_start3A_234 = arith.constant 128 : i32
        %dma_start3A_235 = arith.constant 0 : i32
        %dma_start3A_236 = tpu.memref_slice %arg7[%dma_start3A_234, %dma_start3A_235] : memref<256x128xf32, #tpu.memory_space<vmem>> -> memref<128x128xf32, #tpu.memory_space<vmem>>
        %dma_start3A_237 = arith.constant 0 : i32
        %dma_start3A_238 = tpu.memref_slice %arg5[%add3A_222, %dma_start3A_233, %dma_start3A_237] : memref<30x2x128xi32, #tpu.memory_space<vmem>> -> memref<1x1x128xi32, #tpu.memory_space<vmem>>
        %dma_start3A_239 = tpu.memref_squeeze %dma_start3A_238 : memref<1x1x128xi32, #tpu.memory_space<vmem>> -> memref<128xi32, #tpu.memory_space<vmem>>
        %dma_start3A_240 = arith.constant 0 : i32
        %dma_start3A_241 = arith.constant 0 : i32
        %dma_start3A_242 = tpu.memref_slice %arg2[%dma_start3A_240, %dma_start3A_241] : memref<100000x128xf32, #tpu.memory_space<hbm>> -> memref<100000x128xf32, #tpu.memory_space<hbm>>
        tpu.enqueue_indirect_dma source(%dma_start3A_242 : memref<100000x128xf32, #tpu.memory_space<hbm>>) target(%dma_start3A_236 : memref<128x128xf32, #tpu.memory_space<vmem>>) offsets(%dma_start3A_239 : memref<128xi32, #tpu.memory_space<vmem>>) semaphore(%arg10 : memref<!tpu.dma_semaphore, #tpu.memory_space<semaphore_mem>>)
      } else {
      }
    }
    %scan3A_48 = arith.constant 10 : i32
    %add3A_49 = arith.constant 864 : i32
    %add3A_50 = arith.addi %add3A_49, %add3A : i32
    %mul3A_51 = arith.constant 256 : i32
    %mul3A_52 = arith.muli %add3A_50, %mul3A_51 : i32
    %dma_wait3A = arith.constant 0 : i32
    %dma_wait3A_53 = tpu.memref_slice %arg4[%mul3A_52, %dma_wait3A] : memref<245760x128xf32, #tpu.memory_space<hbm>> -> memref<256x128xf32, #tpu.memory_space<hbm>>
    %dma_wait3A_54 = arith.constant 0 : i32
    %dma_wait3A_55 = tpu.memref_slice %arg4[%mul3A_52, %dma_wait3A_54] : memref<245760x128xf32, #tpu.memory_space<hbm>> -> memref<256x128xf32, #tpu.memory_space<hbm>>
    tpu.wait_dma2 semaphore(%arg12 : memref<!tpu.dma_semaphore, #tpu.memory_space<semaphore_mem>>) src(%arg6 : memref<256x128xf32, #tpu.memory_space<vmem>>) dst(%dma_wait3A_55 : memref<256x128xf32, #tpu.memory_space<hbm>>)
    %add3A_56 = arith.constant 896 : i32
    %add3A_57 = arith.addi %add3A_56, %add3A : i32
    %mul3A_58 = arith.constant 256 : i32
    %mul3A_59 = arith.muli %add3A_57, %mul3A_58 : i32
    %dma_wait3A_60 = arith.constant 0 : i32
    %dma_wait3A_61 = tpu.memref_slice %arg4[%mul3A_59, %dma_wait3A_60] : memref<245760x128xf32, #tpu.memory_space<hbm>> -> memref<256x128xf32, #tpu.memory_space<hbm>>
    %dma_wait3A_62 = arith.constant 0 : i32
    %dma_wait3A_63 = tpu.memref_slice %arg4[%mul3A_59, %dma_wait3A_62] : memref<245760x128xf32, #tpu.memory_space<hbm>> -> memref<256x128xf32, #tpu.memory_space<hbm>>
    tpu.wait_dma2 semaphore(%arg13 : memref<!tpu.dma_semaphore, #tpu.memory_space<semaphore_mem>>) src(%arg7 : memref<256x128xf32, #tpu.memory_space<vmem>>) dst(%dma_wait3A_63 : memref<256x128xf32, #tpu.memory_space<hbm>>)
    %add3A_64 = arith.constant 928 : i32
    %add3A_65 = arith.addi %add3A_64, %add3A : i32
    %mul3A_66 = arith.constant 256 : i32
    %mul3A_67 = arith.muli %add3A_65, %mul3A_66 : i32
    %dma_wait3A_68 = arith.constant 0 : i32
    %dma_wait3A_69 = tpu.memref_slice %arg4[%mul3A_67, %dma_wait3A_68] : memref<245760x128xf32, #tpu.memory_space<hbm>> -> memref<256x128xf32, #tpu.memory_space<hbm>>
    %dma_wait3A_70 = arith.constant 0 : i32
    %dma_wait3A_71 = tpu.memref_slice %arg4[%mul3A_67, %dma_wait3A_70] : memref<245760x128xf32, #tpu.memory_space<hbm>> -> memref<256x128xf32, #tpu.memory_space<hbm>>
    tpu.wait_dma2 semaphore(%arg14 : memref<!tpu.dma_semaphore, #tpu.memory_space<semaphore_mem>>) src(%arg8 : memref<256x128xf32, #tpu.memory_space<vmem>>) dst(%dma_wait3A_71 : memref<256x128xf32, #tpu.memory_space<hbm>>)
    return
  }
}

#map = affine_map<(d0, d1) -> (0, 0)>
#map1 = affine_map<(d0, d1) -> (0, 0, 0, 0)>
module attributes {stable_mosaic.version = 14 : i64} {
  func.func @body(%arg0: i32, %arg1: i32, %arg2: memref<100000x128xf32, #tpu.memory_space<hbm>>, %arg3: memref<108x32x2x128xi32, #tpu.memory_space<hbm>>, %arg4: memref<245760x128xf32, #tpu.memory_space<hbm>>, %arg5: memref<30x2x128xi32, #tpu.memory_space<vmem>>, %arg6: memref<256x128xf32, #tpu.memory_space<vmem>>, %arg7: memref<256x128xf32, #tpu.memory_space<vmem>>, %arg8: memref<256x128xf32, #tpu.memory_space<vmem>>, %arg9: memref<!tpu.dma_semaphore, #tpu.memory_space<semaphore_mem>>, %arg10: memref<!tpu.dma_semaphore, #tpu.memory_space<semaphore_mem>>, %arg11: memref<!tpu.dma_semaphore, #tpu.memory_space<semaphore_mem>>, %arg12: memref<!tpu.dma_semaphore, #tpu.memory_space<semaphore_mem>>, %arg13: memref<!tpu.dma_semaphore, #tpu.memory_space<semaphore_mem>>, %arg14: memref<!tpu.dma_semaphore, #tpu.memory_space<semaphore_mem>>) attributes {dimension_semantics = [#tpu.dimension_semantics<core_parallel>, #tpu.dimension_semantics<subcore_parallel>], iteration_bounds = array<i64: 2, 16>, scalar_prefetch = 0 : i64, scratch_operands = 10 : i64, tpu.core_type = #tpu.core_type<sc_vector_subcore>, window_params = [{transform_indices = #map}, {transform_indices = #map1}, {transform_indices = #map}]} {
    %mul3A = arith.constant 16 : i32
    %mul3A_0 = arith.muli %arg0, %mul3A : i32
    %add3A = arith.addi %mul3A_0, %arg1 : i32
    "tpu.region"() ({
      %run_scoped3A = tpu.sem_alloc : memref<!tpu.dma_semaphore, #tpu.memory_space<semaphore_mem>>
      %dma_start3A_72 = arith.constant 6 : i32
      %dma_start3A_73 = arith.constant 0 : i32
      %dma_start3A_74 = arith.constant 0 : i32
      %dma_start3A_75 = tpu.memref_slice %arg3[%dma_start3A_72, %add3A, %dma_start3A_73, %dma_start3A_74] : memref<108x32x2x128xi32, #tpu.memory_space<hbm>> -> memref<30x1x2x128xi32, #tpu.memory_space<hbm>>
      %dma_start3A_76 = tpu.memref_squeeze %dma_start3A_75 : memref<30x1x2x128xi32, #tpu.memory_space<hbm>> -> memref<30x2x128xi32, #tpu.memory_space<hbm>>
      %dma_start3A_77 = arith.constant 6 : i32
      %dma_start3A_78 = arith.constant 0 : i32
      %dma_start3A_79 = arith.constant 0 : i32
      %dma_start3A_80 = tpu.memref_slice %arg3[%dma_start3A_77, %add3A, %dma_start3A_78, %dma_start3A_79] : memref<108x32x2x128xi32, #tpu.memory_space<hbm>> -> memref<30x1x2x128xi32, #tpu.memory_space<hbm>>
      %dma_start3A_81 = tpu.memref_squeeze %dma_start3A_80 : memref<30x1x2x128xi32, #tpu.memory_space<hbm>> -> memref<30x2x128xi32, #tpu.memory_space<hbm>>
      tpu.enqueue_dma source(%dma_start3A_81 : memref<30x2x128xi32, #tpu.memory_space<hbm>>) target(%arg5 : memref<30x2x128xi32, #tpu.memory_space<vmem>>) target_semaphore(%run_scoped3A : memref<!tpu.dma_semaphore, #tpu.memory_space<semaphore_mem>>)
      %dma_wait3A_82 = arith.constant 6 : i32
      %dma_wait3A_83 = arith.constant 0 : i32
      %dma_wait3A_84 = arith.constant 0 : i32
      %dma_wait3A_85 = tpu.memref_slice %arg3[%dma_wait3A_82, %add3A, %dma_wait3A_83, %dma_wait3A_84] : memref<108x32x2x128xi32, #tpu.memory_space<hbm>> -> memref<30x1x2x128xi32, #tpu.memory_space<hbm>>
      %dma_wait3A_86 = tpu.memref_squeeze %dma_wait3A_85 : memref<30x1x2x128xi32, #tpu.memory_space<hbm>> -> memref<30x2x128xi32, #tpu.memory_space<hbm>>
      %dma_wait3A_87 = arith.constant 6 : i32
      %dma_wait3A_88 = arith.constant 0 : i32
      %dma_wait3A_89 = arith.constant 0 : i32
      %dma_wait3A_90 = tpu.memref_slice %arg3[%dma_wait3A_87, %add3A, %dma_wait3A_88, %dma_wait3A_89] : memref<108x32x2x128xi32, #tpu.memory_space<hbm>> -> memref<30x1x2x128xi32, #tpu.memory_space<hbm>>
      %dma_wait3A_91 = tpu.memref_squeeze %dma_wait3A_90 : memref<30x1x2x128xi32, #tpu.memory_space<hbm>> -> memref<30x2x128xi32, #tpu.memory_space<hbm>>
      tpu.wait_dma2 semaphore(%run_scoped3A : memref<!tpu.dma_semaphore, #tpu.memory_space<semaphore_mem>>) src(%dma_wait3A_91 : memref<30x2x128xi32, #tpu.memory_space<hbm>>) dst(%arg5 : memref<30x2x128xi32, #tpu.memory_space<vmem>>)
      tpu.yield
    }) : () -> ()
    %dma_start3A = arith.constant 0 : i32
    %dma_start3A_1 = arith.constant 0 : i32
    %dma_start3A_2 = arith.constant 0 : i32
    %dma_start3A_3 = arith.constant 0 : i32
    %dma_start3A_4 = tpu.memref_slice %arg6[%dma_start3A_2, %dma_start3A_3] : memref<256x128xf32, #tpu.memory_space<vmem>> -> memref<128x128xf32, #tpu.memory_space<vmem>>
    %dma_start3A_5 = arith.constant 0 : i32
    %dma_start3A_6 = tpu.memref_slice %arg5[%dma_start3A, %dma_start3A_1, %dma_start3A_5] : memref<30x2x128xi32, #tpu.memory_space<vmem>> -> memref<1x1x128xi32, #tpu.memory_space<vmem>>
    %dma_start3A_7 = tpu.memref_squeeze %dma_start3A_6 : memref<1x1x128xi32, #tpu.memory_space<vmem>> -> memref<128xi32, #tpu.memory_space<vmem>>
    %dma_start3A_8 = arith.constant 0 : i32
    %dma_start3A_9 = arith.constant 0 : i32
    %dma_start3A_10 = tpu.memref_slice %arg2[%dma_start3A_8, %dma_start3A_9] : memref<100000x128xf32, #tpu.memory_space<hbm>> -> memref<100000x128xf32, #tpu.memory_space<hbm>>
    tpu.enqueue_indirect_dma source(%dma_start3A_10 : memref<100000x128xf32, #tpu.memory_space<hbm>>) target(%dma_start3A_4 : memref<128x128xf32, #tpu.memory_space<vmem>>) offsets(%dma_start3A_7 : memref<128xi32, #tpu.memory_space<vmem>>) semaphore(%arg9 : memref<!tpu.dma_semaphore, #tpu.memory_space<semaphore_mem>>)
    %dma_start3A_11 = arith.constant 0 : i32
    %dma_start3A_12 = arith.constant 1 : i32
    %dma_start3A_13 = arith.constant 128 : i32
    %dma_start3A_14 = arith.constant 0 : i32
    %dma_start3A_15 = tpu.memref_slice %arg6[%dma_start3A_13, %dma_start3A_14] : memref<256x128xf32, #tpu.memory_space<vmem>> -> memref<128x128xf32, #tpu.memory_space<vmem>>
    %dma_start3A_16 = arith.constant 0 : i32
    %dma_start3A_17 = tpu.memref_slice %arg5[%dma_start3A_11, %dma_start3A_12, %dma_start3A_16] : memref<30x2x128xi32, #tpu.memory_space<vmem>> -> memref<1x1x128xi32, #tpu.memory_space<vmem>>
    %dma_start3A_18 = tpu.memref_squeeze %dma_start3A_17 : memref<1x1x128xi32, #tpu.memory_space<vmem>> -> memref<128xi32, #tpu.memory_space<vmem>>
    %dma_start3A_19 = arith.constant 0 : i32
    %dma_start3A_20 = arith.constant 0 : i32
    %dma_start3A_21 = tpu.memref_slice %arg2[%dma_start3A_19, %dma_start3A_20] : memref<100000x128xf32, #tpu.memory_space<hbm>> -> memref<100000x128xf32, #tpu.memory_space<hbm>>
    tpu.enqueue_indirect_dma source(%dma_start3A_21 : memref<100000x128xf32, #tpu.memory_space<hbm>>) target(%dma_start3A_15 : memref<128x128xf32, #tpu.memory_space<vmem>>) offsets(%dma_start3A_18 : memref<128xi32, #tpu.memory_space<vmem>>) semaphore(%arg9 : memref<!tpu.dma_semaphore, #tpu.memory_space<semaphore_mem>>)
    %dma_start3A_22 = arith.constant 1 : i32
    %dma_start3A_23 = arith.constant 0 : i32
    %dma_start3A_24 = arith.constant 0 : i32
    %dma_start3A_25 = arith.constant 0 : i32
    %dma_start3A_26 = tpu.memref_slice %arg7[%dma_start3A_24, %dma_start3A_25] : memref<256x128xf32, #tpu.memory_space<vmem>> -> memref<128x128xf32, #tpu.memory_space<vmem>>
    %dma_start3A_27 = arith.constant 0 : i32
    %dma_start3A_28 = tpu.memref_slice %arg5[%dma_start3A_22, %dma_start3A_23, %dma_start3A_27] : memref<30x2x128xi32, #tpu.memory_space<vmem>> -> memref<1x1x128xi32, #tpu.memory_space<vmem>>
    %dma_start3A_29 = tpu.memref_squeeze %dma_start3A_28 : memref<1x1x128xi32, #tpu.memory_space<vmem>> -> memref<128xi32, #tpu.memory_space<vmem>>
    %dma_start3A_30 = arith.constant 0 : i32
    %dma_start3A_31 = arith.constant 0 : i32
    %dma_start3A_32 = tpu.memref_slice %arg2[%dma_start3A_30, %dma_start3A_31] : memref<100000x128xf32, #tpu.memory_space<hbm>> -> memref<100000x128xf32, #tpu.memory_space<hbm>>
    tpu.enqueue_indirect_dma source(%dma_start3A_32 : memref<100000x128xf32, #tpu.memory_space<hbm>>) target(%dma_start3A_26 : memref<128x128xf32, #tpu.memory_space<vmem>>) offsets(%dma_start3A_29 : memref<128xi32, #tpu.memory_space<vmem>>) semaphore(%arg10 : memref<!tpu.dma_semaphore, #tpu.memory_space<semaphore_mem>>)
    %dma_start3A_33 = arith.constant 1 : i32
    %dma_start3A_34 = arith.constant 1 : i32
    %dma_start3A_35 = arith.constant 128 : i32
    %dma_start3A_36 = arith.constant 0 : i32
    %dma_start3A_37 = tpu.memref_slice %arg7[%dma_start3A_35, %dma_start3A_36] : memref<256x128xf32, #tpu.memory_space<vmem>> -> memref<128x128xf32, #tpu.memory_space<vmem>>
    %dma_start3A_38 = arith.constant 0 : i32
    %dma_start3A_39 = tpu.memref_slice %arg5[%dma_start3A_33, %dma_start3A_34, %dma_start3A_38] : memref<30x2x128xi32, #tpu.memory_space<vmem>> -> memref<1x1x128xi32, #tpu.memory_space<vmem>>
    %dma_start3A_40 = tpu.memref_squeeze %dma_start3A_39 : memref<1x1x128xi32, #tpu.memory_space<vmem>> -> memref<128xi32, #tpu.memory_space<vmem>>
    %dma_start3A_41 = arith.constant 0 : i32
    %dma_start3A_42 = arith.constant 0 : i32
    %dma_start3A_43 = tpu.memref_slice %arg2[%dma_start3A_41, %dma_start3A_42] : memref<100000x128xf32, #tpu.memory_space<hbm>> -> memref<100000x128xf32, #tpu.memory_space<hbm>>
    tpu.enqueue_indirect_dma source(%dma_start3A_43 : memref<100000x128xf32, #tpu.memory_space<hbm>>) target(%dma_start3A_37 : memref<128x128xf32, #tpu.memory_space<vmem>>) offsets(%dma_start3A_40 : memref<128xi32, #tpu.memory_space<vmem>>) semaphore(%arg10 : memref<!tpu.dma_semaphore, #tpu.memory_space<semaphore_mem>>)
    %scan3A = arith.constant 0 : i32
    %scan3A_44 = arith.constant 0 : i32
    %scan3A_45 = arith.constant 10 : i32
    %scan3A_46 = arith.addi %scan3A_44, %scan3A_45 : i32
    %scan3A_47 = arith.constant 1 : i32
    scf.for %scan3A_72 = %scan3A_44 to %scan3A_46 step %scan3A_47  : i32 {
      %mul3A_73 = arith.constant 3 : i32
      %mul3A_74 = arith.muli %scan3A_72, %mul3A_73 : i32
      %add3A_75 = arith.constant 0 : i32
      %add3A_76 = arith.addi %mul3A_74, %add3A_75 : i32
      %dma_wait3A_77 = arith.constant 0 : i32
      %dma_wait3A_78 = arith.constant 0 : i32
      %dma_wait3A_79 = arith.constant 0 : i32
      %dma_wait3A_80 = tpu.memref_slice %arg6[%dma_wait3A_78, %dma_wait3A_79] : memref<256x128xf32, #tpu.memory_space<vmem>> -> memref<128x128xf32, #tpu.memory_space<vmem>>
      %dma_wait3A_81 = arith.constant 0 : i32
      %dma_wait3A_82 = tpu.memref_slice %arg5[%add3A_76, %dma_wait3A_77, %dma_wait3A_81] : memref<30x2x128xi32, #tpu.memory_space<vmem>> -> memref<1x1x128xi32, #tpu.memory_space<vmem>>
      %dma_wait3A_83 = tpu.memref_squeeze %dma_wait3A_82 : memref<1x1x128xi32, #tpu.memory_space<vmem>> -> memref<128xi32, #tpu.memory_space<vmem>>
      %dma_wait3A_84 = arith.constant 0 : i32
      %dma_wait3A_85 = arith.constant 0 : i32
      %dma_wait3A_86 = tpu.memref_slice %arg2[%dma_wait3A_84, %dma_wait3A_85] : memref<100000x128xf32, #tpu.memory_space<hbm>> -> memref<100000x128xf32, #tpu.memory_space<hbm>>
      tpu.wait_indirect_dma semaphore(%arg9 : memref<!tpu.dma_semaphore, #tpu.memory_space<semaphore_mem>>) src(%dma_wait3A_86 : memref<100000x128xf32, #tpu.memory_space<hbm>>) dst(%dma_wait3A_80 : memref<128x128xf32, #tpu.memory_space<vmem>>)
      %dma_wait3A_87 = arith.constant 1 : i32
      %dma_wait3A_88 = arith.constant 128 : i32
      %dma_wait3A_89 = arith.constant 0 : i32
      %dma_wait3A_90 = tpu.memref_slice %arg6[%dma_wait3A_88, %dma_wait3A_89] : memref<256x128xf32, #tpu.memory_space<vmem>> -> memref<128x128xf32, #tpu.memory_space<vmem>>
      %dma_wait3A_91 = arith.constant 0 : i32
      %dma_wait3A_92 = tpu.memref_slice %arg5[%add3A_76, %dma_wait3A_87, %dma_wait3A_91] : memref<30x2x128xi32, #tpu.memory_space<vmem>> -> memref<1x1x128xi32, #tpu.memory_space<vmem>>
      %dma_wait3A_93 = tpu.memref_squeeze %dma_wait3A_92 : memref<1x1x128xi32, #tpu.memory_space<vmem>> -> memref<128xi32, #tpu.memory_space<vmem>>
      %dma_wait3A_94 = arith.constant 0 : i32
      %dma_wait3A_95 = arith.constant 0 : i32
      %dma_wait3A_96 = tpu.memref_slice %arg2[%dma_wait3A_94, %dma_wait3A_95] : memref<100000x128xf32, #tpu.memory_space<hbm>> -> memref<100000x128xf32, #tpu.memory_space<hbm>>
      tpu.wait_indirect_dma semaphore(%arg9 : memref<!tpu.dma_semaphore, #tpu.memory_space<semaphore_mem>>) src(%dma_wait3A_96 : memref<100000x128xf32, #tpu.memory_space<hbm>>) dst(%dma_wait3A_90 : memref<128x128xf32, #tpu.memory_space<vmem>>)
      %mul3A_97 = arith.constant 32 : i32
      %mul3A_98 = arith.muli %add3A_76, %mul3A_97 : i32
      %add3A_99 = arith.addi %mul3A_98, %add3A : i32
      %mul3A_100 = arith.constant 256 : i32
      %mul3A_101 = arith.muli %add3A_99, %mul3A_100 : i32
      %dma_start3A_102 = arith.constant 0 : i32
      %dma_start3A_103 = tpu.memref_slice %arg4[%mul3A_101, %dma_start3A_102] : memref<245760x128xf32, #tpu.memory_space<hbm>> -> memref<256x128xf32, #tpu.memory_space<hbm>>
      %dma_start3A_104 = arith.constant 0 : i32
      %dma_start3A_105 = tpu.memref_slice %arg4[%mul3A_101, %dma_start3A_104] : memref<245760x128xf32, #tpu.memory_space<hbm>> -> memref<256x128xf32, #tpu.memory_space<hbm>>
      tpu.enqueue_dma source(%arg6 : memref<256x128xf32, #tpu.memory_space<vmem>>) target(%dma_start3A_105 : memref<256x128xf32, #tpu.memory_space<hbm>>) target_semaphore(%arg12 : memref<!tpu.dma_semaphore, #tpu.memory_space<semaphore_mem>>)
      %eq3A = arith.constant 0 : i32
      %eq3A_106 = arith.cmpi eq, %add3A_76, %eq3A : i32
      %convert_element_type3A = arith.extui %eq3A_106 : i1 to i32
      %cond3A = arith.constant 0 : i32
      %cond3A_107 = arith.cmpi ne, %convert_element_type3A, %cond3A : i32
      scf.if %cond3A_107 {
        %dma_start3A_211 = arith.constant 2 : i32
        %dma_start3A_212 = arith.constant 0 : i32
        %dma_start3A_213 = arith.constant 0 : i32
        %dma_start3A_214 = arith.constant 0 : i32
        %dma_start3A_215 = tpu.memref_slice %arg8[%dma_start3A_213, %dma_start3A_214] : memref<256x128xf32, #tpu.memory_space<vmem>> -> memref<128x128xf32, #tpu.memory_space<vmem>>
        %dma_start3A_216 = arith.constant 0 : i32
        %dma_start3A_217 = tpu.memref_slice %arg5[%dma_start3A_211, %dma_start3A_212, %dma_start3A_216] : memref<30x2x128xi32, #tpu.memory_space<vmem>> -> memref<1x1x128xi32, #tpu.memory_space<vmem>>
        %dma_start3A_218 = tpu.memref_squeeze %dma_start3A_217 : memref<1x1x128xi32, #tpu.memory_space<vmem>> -> memref<128xi32, #tpu.memory_space<vmem>>
        %dma_start3A_219 = arith.constant 0 : i32
        %dma_start3A_220 = arith.constant 0 : i32
        %dma_start3A_221 = tpu.memref_slice %arg2[%dma_start3A_219, %dma_start3A_220] : memref<100000x128xf32, #tpu.memory_space<hbm>> -> memref<100000x128xf32, #tpu.memory_space<hbm>>
        tpu.enqueue_indirect_dma source(%dma_start3A_221 : memref<100000x128xf32, #tpu.memory_space<hbm>>) target(%dma_start3A_215 : memref<128x128xf32, #tpu.memory_space<vmem>>) offsets(%dma_start3A_218 : memref<128xi32, #tpu.memory_space<vmem>>) semaphore(%arg11 : memref<!tpu.dma_semaphore, #tpu.memory_space<semaphore_mem>>)
        %dma_start3A_222 = arith.constant 2 : i32
        %dma_start3A_223 = arith.constant 1 : i32
        %dma_start3A_224 = arith.constant 128 : i32
        %dma_start3A_225 = arith.constant 0 : i32
        %dma_start3A_226 = tpu.memref_slice %arg8[%dma_start3A_224, %dma_start3A_225] : memref<256x128xf32, #tpu.memory_space<vmem>> -> memref<128x128xf32, #tpu.memory_space<vmem>>
        %dma_start3A_227 = arith.constant 0 : i32
        %dma_start3A_228 = tpu.memref_slice %arg5[%dma_start3A_222, %dma_start3A_223, %dma_start3A_227] : memref<30x2x128xi32, #tpu.memory_space<vmem>> -> memref<1x1x128xi32, #tpu.memory_space<vmem>>
        %dma_start3A_229 = tpu.memref_squeeze %dma_start3A_228 : memref<1x1x128xi32, #tpu.memory_space<vmem>> -> memref<128xi32, #tpu.memory_space<vmem>>
        %dma_start3A_230 = arith.constant 0 : i32
        %dma_start3A_231 = arith.constant 0 : i32
        %dma_start3A_232 = tpu.memref_slice %arg2[%dma_start3A_230, %dma_start3A_231] : memref<100000x128xf32, #tpu.memory_space<hbm>> -> memref<100000x128xf32, #tpu.memory_space<hbm>>
        tpu.enqueue_indirect_dma source(%dma_start3A_232 : memref<100000x128xf32, #tpu.memory_space<hbm>>) target(%dma_start3A_226 : memref<128x128xf32, #tpu.memory_space<vmem>>) offsets(%dma_start3A_229 : memref<128xi32, #tpu.memory_space<vmem>>) semaphore(%arg11 : memref<!tpu.dma_semaphore, #tpu.memory_space<semaphore_mem>>)
      } else {
      }
      %ge3A = arith.constant 1 : i32
      %ge3A_108 = arith.cmpi sge, %add3A_76, %ge3A : i32
      %add3A_109 = arith.constant 2 : i32
      %add3A_110 = arith.addi %add3A_76, %add3A_109 : i32
      %lt3A = arith.constant 30 : i32
      %lt3A_111 = arith.cmpi slt, %add3A_110, %lt3A : i32
      %and3A = arith.andi %ge3A_108, %lt3A_111 : i1
      %convert_element_type3A_112 = arith.extui %and3A : i1 to i32
      %cond3A_113 = arith.constant 0 : i32
      %cond3A_114 = arith.cmpi ne, %convert_element_type3A_112, %cond3A_113 : i32
      scf.if %cond3A_114 {
        %sub3A = arith.constant 1 : i32
        %sub3A_211 = arith.subi %add3A_76, %sub3A : i32
        %mul3A_212 = arith.constant 32 : i32
        %mul3A_213 = arith.muli %sub3A_211, %mul3A_212 : i32
        %add3A_214 = arith.addi %mul3A_213, %add3A : i32
        %mul3A_215 = arith.constant 256 : i32
        %mul3A_216 = arith.muli %add3A_214, %mul3A_215 : i32
        %dma_wait3A_217 = arith.constant 0 : i32
        %dma_wait3A_218 = tpu.memref_slice %arg4[%mul3A_216, %dma_wait3A_217] : memref<245760x128xf32, #tpu.memory_space<hbm>> -> memref<256x128xf32, #tpu.memory_space<hbm>>
        %dma_wait3A_219 = arith.constant 0 : i32
        %dma_wait3A_220 = tpu.memref_slice %arg4[%mul3A_216, %dma_wait3A_219] : memref<245760x128xf32, #tpu.memory_space<hbm>> -> memref<256x128xf32, #tpu.memory_space<hbm>>
        tpu.wait_dma2 semaphore(%arg14 : memref<!tpu.dma_semaphore, #tpu.memory_space<semaphore_mem>>) src(%arg8 : memref<256x128xf32, #tpu.memory_space<vmem>>) dst(%dma_wait3A_220 : memref<256x128xf32, #tpu.memory_space<hbm>>)
        %add3A_221 = arith.constant 2 : i32
        %add3A_222 = arith.addi %add3A_76, %add3A_221 : i32
        %dma_start3A_223 = arith.constant 0 : i32
        %dma_start3A_224 = arith.constant 0 : i32
        %dma_start3A_225 = arith.constant 0 : i32
        %dma_start3A_226 = tpu.memref_slice %arg8[%dma_start3A_224, %dma_start3A_225] : memref<256x128xf32, #tpu.memory_space<vmem>> -> memref<128x128xf32, #tpu.memory_space<vmem>>
        %dma_start3A_227 = arith.constant 0 : i32
        %dma_start3A_228 = tpu.memref_slice %arg5[%add3A_222, %dma_start3A_223, %dma_start3A_227] : memref<30x2x128xi32, #tpu.memory_space<vmem>> -> memref<1x1x128xi32, #tpu.memory_space<vmem>>
        %dma_start3A_229 = tpu.memref_squeeze %dma_start3A_228 : memref<1x1x128xi32, #tpu.memory_space<vmem>> -> memref<128xi32, #tpu.memory_space<vmem>>
        %dma_start3A_230 = arith.constant 0 : i32
        %dma_start3A_231 = arith.constant 0 : i32
        %dma_start3A_232 = tpu.memref_slice %arg2[%dma_start3A_230, %dma_start3A_231] : memref<100000x128xf32, #tpu.memory_space<hbm>> -> memref<100000x128xf32, #tpu.memory_space<hbm>>
        tpu.enqueue_indirect_dma source(%dma_start3A_232 : memref<100000x128xf32, #tpu.memory_space<hbm>>) target(%dma_start3A_226 : memref<128x128xf32, #tpu.memory_space<vmem>>) offsets(%dma_start3A_229 : memref<128xi32, #tpu.memory_space<vmem>>) semaphore(%arg11 : memref<!tpu.dma_semaphore, #tpu.memory_space<semaphore_mem>>)
        %dma_start3A_233 = arith.constant 1 : i32
        %dma_start3A_234 = arith.constant 128 : i32
        %dma_start3A_235 = arith.constant 0 : i32
        %dma_start3A_236 = tpu.memref_slice %arg8[%dma_start3A_234, %dma_start3A_235] : memref<256x128xf32, #tpu.memory_space<vmem>> -> memref<128x128xf32, #tpu.memory_space<vmem>>
        %dma_start3A_237 = arith.constant 0 : i32
        %dma_start3A_238 = tpu.memref_slice %arg5[%add3A_222, %dma_start3A_233, %dma_start3A_237] : memref<30x2x128xi32, #tpu.memory_space<vmem>> -> memref<1x1x128xi32, #tpu.memory_space<vmem>>
        %dma_start3A_239 = tpu.memref_squeeze %dma_start3A_238 : memref<1x1x128xi32, #tpu.memory_space<vmem>> -> memref<128xi32, #tpu.memory_space<vmem>>
        %dma_start3A_240 = arith.constant 0 : i32
        %dma_start3A_241 = arith.constant 0 : i32
        %dma_start3A_242 = tpu.memref_slice %arg2[%dma_start3A_240, %dma_start3A_241] : memref<100000x128xf32, #tpu.memory_space<hbm>> -> memref<100000x128xf32, #tpu.memory_space<hbm>>
        tpu.enqueue_indirect_dma source(%dma_start3A_242 : memref<100000x128xf32, #tpu.memory_space<hbm>>) target(%dma_start3A_236 : memref<128x128xf32, #tpu.memory_space<vmem>>) offsets(%dma_start3A_239 : memref<128xi32, #tpu.memory_space<vmem>>) semaphore(%arg11 : memref<!tpu.dma_semaphore, #tpu.memory_space<semaphore_mem>>)
      } else {
      }
      %mul3A_115 = arith.constant 3 : i32
      %mul3A_116 = arith.muli %scan3A_72, %mul3A_115 : i32
      %add3A_117 = arith.constant 1 : i32
      %add3A_118 = arith.addi %mul3A_116, %add3A_117 : i32
      %dma_wait3A_119 = arith.constant 0 : i32
      %dma_wait3A_120 = arith.constant 0 : i32
      %dma_wait3A_121 = arith.constant 0 : i32
      %dma_wait3A_122 = tpu.memref_slice %arg7[%dma_wait3A_120, %dma_wait3A_121] : memref<256x128xf32, #tpu.memory_space<vmem>> -> memref<128x128xf32, #tpu.memory_space<vmem>>
      %dma_wait3A_123 = arith.constant 0 : i32
      %dma_wait3A_124 = tpu.memref_slice %arg5[%add3A_118, %dma_wait3A_119, %dma_wait3A_123] : memref<30x2x128xi32, #tpu.memory_space<vmem>> -> memref<1x1x128xi32, #tpu.memory_space<vmem>>
      %dma_wait3A_125 = tpu.memref_squeeze %dma_wait3A_124 : memref<1x1x128xi32, #tpu.memory_space<vmem>> -> memref<128xi32, #tpu.memory_space<vmem>>
      %dma_wait3A_126 = arith.constant 0 : i32
      %dma_wait3A_127 = arith.constant 0 : i32
      %dma_wait3A_128 = tpu.memref_slice %arg2[%dma_wait3A_126, %dma_wait3A_127] : memref<100000x128xf32, #tpu.memory_space<hbm>> -> memref<100000x128xf32, #tpu.memory_space<hbm>>
      tpu.wait_indirect_dma semaphore(%arg10 : memref<!tpu.dma_semaphore, #tpu.memory_space<semaphore_mem>>) src(%dma_wait3A_128 : memref<100000x128xf32, #tpu.memory_space<hbm>>) dst(%dma_wait3A_122 : memref<128x128xf32, #tpu.memory_space<vmem>>)
      %dma_wait3A_129 = arith.constant 1 : i32
      %dma_wait3A_130 = arith.constant 128 : i32
      %dma_wait3A_131 = arith.constant 0 : i32
      %dma_wait3A_132 = tpu.memref_slice %arg7[%dma_wait3A_130, %dma_wait3A_131] : memref<256x128xf32, #tpu.memory_space<vmem>> -> memref<128x128xf32, #tpu.memory_space<vmem>>
      %dma_wait3A_133 = arith.constant 0 : i32
      %dma_wait3A_134 = tpu.memref_slice %arg5[%add3A_118, %dma_wait3A_129, %dma_wait3A_133] : memref<30x2x128xi32, #tpu.memory_space<vmem>> -> memref<1x1x128xi32, #tpu.memory_space<vmem>>
      %dma_wait3A_135 = tpu.memref_squeeze %dma_wait3A_134 : memref<1x1x128xi32, #tpu.memory_space<vmem>> -> memref<128xi32, #tpu.memory_space<vmem>>
      %dma_wait3A_136 = arith.constant 0 : i32
      %dma_wait3A_137 = arith.constant 0 : i32
      %dma_wait3A_138 = tpu.memref_slice %arg2[%dma_wait3A_136, %dma_wait3A_137] : memref<100000x128xf32, #tpu.memory_space<hbm>> -> memref<100000x128xf32, #tpu.memory_space<hbm>>
      tpu.wait_indirect_dma semaphore(%arg10 : memref<!tpu.dma_semaphore, #tpu.memory_space<semaphore_mem>>) src(%dma_wait3A_138 : memref<100000x128xf32, #tpu.memory_space<hbm>>) dst(%dma_wait3A_132 : memref<128x128xf32, #tpu.memory_space<vmem>>)
      %mul3A_139 = arith.constant 32 : i32
      %mul3A_140 = arith.muli %add3A_118, %mul3A_139 : i32
      %add3A_141 = arith.addi %mul3A_140, %add3A : i32
      %mul3A_142 = arith.constant 256 : i32
      %mul3A_143 = arith.muli %add3A_141, %mul3A_142 : i32
      %dma_start3A_144 = arith.constant 0 : i32
      %dma_start3A_145 = tpu.memref_slice %arg4[%mul3A_143, %dma_start3A_144] : memref<245760x128xf32, #tpu.memory_space<hbm>> -> memref<256x128xf32, #tpu.memory_space<hbm>>
      %dma_start3A_146 = arith.constant 0 : i32
      %dma_start3A_147 = tpu.memref_slice %arg4[%mul3A_143, %dma_start3A_146] : memref<245760x128xf32, #tpu.memory_space<hbm>> -> memref<256x128xf32, #tpu.memory_space<hbm>>
      tpu.enqueue_dma source(%arg7 : memref<256x128xf32, #tpu.memory_space<vmem>>) target(%dma_start3A_147 : memref<256x128xf32, #tpu.memory_space<hbm>>) target_semaphore(%arg13 : memref<!tpu.dma_semaphore, #tpu.memory_space<semaphore_mem>>)
      %eq3A_148 = arith.constant 0 : i32
      %eq3A_149 = arith.cmpi eq, %add3A_118, %eq3A_148 : i32
      %convert_element_type3A_150 = arith.extui %eq3A_149 : i1 to i32
      %cond3A_151 = arith.constant 0 : i32
      %cond3A_152 = arith.cmpi ne, %convert_element_type3A_150, %cond3A_151 : i32
      scf.if %cond3A_152 {
        %dma_start3A_211 = arith.constant 2 : i32
        %dma_start3A_212 = arith.constant 0 : i32
        %dma_start3A_213 = arith.constant 0 : i32
        %dma_start3A_214 = arith.constant 0 : i32
        %dma_start3A_215 = tpu.memref_slice %arg8[%dma_start3A_213, %dma_start3A_214] : memref<256x128xf32, #tpu.memory_space<vmem>> -> memref<128x128xf32, #tpu.memory_space<vmem>>
        %dma_start3A_216 = arith.constant 0 : i32
        %dma_start3A_217 = tpu.memref_slice %arg5[%dma_start3A_211, %dma_start3A_212, %dma_start3A_216] : memref<30x2x128xi32, #tpu.memory_space<vmem>> -> memref<1x1x128xi32, #tpu.memory_space<vmem>>
        %dma_start3A_218 = tpu.memref_squeeze %dma_start3A_217 : memref<1x1x128xi32, #tpu.memory_space<vmem>> -> memref<128xi32, #tpu.memory_space<vmem>>
        %dma_start3A_219 = arith.constant 0 : i32
        %dma_start3A_220 = arith.constant 0 : i32
        %dma_start3A_221 = tpu.memref_slice %arg2[%dma_start3A_219, %dma_start3A_220] : memref<100000x128xf32, #tpu.memory_space<hbm>> -> memref<100000x128xf32, #tpu.memory_space<hbm>>
        tpu.enqueue_indirect_dma source(%dma_start3A_221 : memref<100000x128xf32, #tpu.memory_space<hbm>>) target(%dma_start3A_215 : memref<128x128xf32, #tpu.memory_space<vmem>>) offsets(%dma_start3A_218 : memref<128xi32, #tpu.memory_space<vmem>>) semaphore(%arg11 : memref<!tpu.dma_semaphore, #tpu.memory_space<semaphore_mem>>)
        %dma_start3A_222 = arith.constant 2 : i32
        %dma_start3A_223 = arith.constant 1 : i32
        %dma_start3A_224 = arith.constant 128 : i32
        %dma_start3A_225 = arith.constant 0 : i32
        %dma_start3A_226 = tpu.memref_slice %arg8[%dma_start3A_224, %dma_start3A_225] : memref<256x128xf32, #tpu.memory_space<vmem>> -> memref<128x128xf32, #tpu.memory_space<vmem>>
        %dma_start3A_227 = arith.constant 0 : i32
        %dma_start3A_228 = tpu.memref_slice %arg5[%dma_start3A_222, %dma_start3A_223, %dma_start3A_227] : memref<30x2x128xi32, #tpu.memory_space<vmem>> -> memref<1x1x128xi32, #tpu.memory_space<vmem>>
        %dma_start3A_229 = tpu.memref_squeeze %dma_start3A_228 : memref<1x1x128xi32, #tpu.memory_space<vmem>> -> memref<128xi32, #tpu.memory_space<vmem>>
        %dma_start3A_230 = arith.constant 0 : i32
        %dma_start3A_231 = arith.constant 0 : i32
        %dma_start3A_232 = tpu.memref_slice %arg2[%dma_start3A_230, %dma_start3A_231] : memref<100000x128xf32, #tpu.memory_space<hbm>> -> memref<100000x128xf32, #tpu.memory_space<hbm>>
        tpu.enqueue_indirect_dma source(%dma_start3A_232 : memref<100000x128xf32, #tpu.memory_space<hbm>>) target(%dma_start3A_226 : memref<128x128xf32, #tpu.memory_space<vmem>>) offsets(%dma_start3A_229 : memref<128xi32, #tpu.memory_space<vmem>>) semaphore(%arg11 : memref<!tpu.dma_semaphore, #tpu.memory_space<semaphore_mem>>)
      } else {
      }
      %ge3A_153 = arith.constant 1 : i32
      %ge3A_154 = arith.cmpi sge, %add3A_118, %ge3A_153 : i32
      %add3A_155 = arith.constant 2 : i32
      %add3A_156 = arith.addi %add3A_118, %add3A_155 : i32
      %lt3A_157 = arith.constant 30 : i32
      %lt3A_158 = arith.cmpi slt, %add3A_156, %lt3A_157 : i32
      %and3A_159 = arith.andi %ge3A_154, %lt3A_158 : i1
      %convert_element_type3A_160 = arith.extui %and3A_159 : i1 to i32
      %cond3A_161 = arith.constant 0 : i32
      %cond3A_162 = arith.cmpi ne, %convert_element_type3A_160, %cond3A_161 : i32
      scf.if %cond3A_162 {
        %sub3A = arith.constant 1 : i32
        %sub3A_211 = arith.subi %add3A_118, %sub3A : i32
        %mul3A_212 = arith.constant 32 : i32
        %mul3A_213 = arith.muli %sub3A_211, %mul3A_212 : i32
        %add3A_214 = arith.addi %mul3A_213, %add3A : i32
        %mul3A_215 = arith.constant 256 : i32
        %mul3A_216 = arith.muli %add3A_214, %mul3A_215 : i32
        %dma_wait3A_217 = arith.constant 0 : i32
        %dma_wait3A_218 = tpu.memref_slice %arg4[%mul3A_216, %dma_wait3A_217] : memref<245760x128xf32, #tpu.memory_space<hbm>> -> memref<256x128xf32, #tpu.memory_space<hbm>>
        %dma_wait3A_219 = arith.constant 0 : i32
        %dma_wait3A_220 = tpu.memref_slice %arg4[%mul3A_216, %dma_wait3A_219] : memref<245760x128xf32, #tpu.memory_space<hbm>> -> memref<256x128xf32, #tpu.memory_space<hbm>>
        tpu.wait_dma2 semaphore(%arg12 : memref<!tpu.dma_semaphore, #tpu.memory_space<semaphore_mem>>) src(%arg6 : memref<256x128xf32, #tpu.memory_space<vmem>>) dst(%dma_wait3A_220 : memref<256x128xf32, #tpu.memory_space<hbm>>)
        %add3A_221 = arith.constant 2 : i32
        %add3A_222 = arith.addi %add3A_118, %add3A_221 : i32
        %dma_start3A_223 = arith.constant 0 : i32
        %dma_start3A_224 = arith.constant 0 : i32
        %dma_start3A_225 = arith.constant 0 : i32
        %dma_start3A_226 = tpu.memref_slice %arg6[%dma_start3A_224, %dma_start3A_225] : memref<256x128xf32, #tpu.memory_space<vmem>> -> memref<128x128xf32, #tpu.memory_space<vmem>>
        %dma_start3A_227 = arith.constant 0 : i32
        %dma_start3A_228 = tpu.memref_slice %arg5[%add3A_222, %dma_start3A_223, %dma_start3A_227] : memref<30x2x128xi32, #tpu.memory_space<vmem>> -> memref<1x1x128xi32, #tpu.memory_space<vmem>>
        %dma_start3A_229 = tpu.memref_squeeze %dma_start3A_228 : memref<1x1x128xi32, #tpu.memory_space<vmem>> -> memref<128xi32, #tpu.memory_space<vmem>>
        %dma_start3A_230 = arith.constant 0 : i32
        %dma_start3A_231 = arith.constant 0 : i32
        %dma_start3A_232 = tpu.memref_slice %arg2[%dma_start3A_230, %dma_start3A_231] : memref<100000x128xf32, #tpu.memory_space<hbm>> -> memref<100000x128xf32, #tpu.memory_space<hbm>>
        tpu.enqueue_indirect_dma source(%dma_start3A_232 : memref<100000x128xf32, #tpu.memory_space<hbm>>) target(%dma_start3A_226 : memref<128x128xf32, #tpu.memory_space<vmem>>) offsets(%dma_start3A_229 : memref<128xi32, #tpu.memory_space<vmem>>) semaphore(%arg9 : memref<!tpu.dma_semaphore, #tpu.memory_space<semaphore_mem>>)
        %dma_start3A_233 = arith.constant 1 : i32
        %dma_start3A_234 = arith.constant 128 : i32
        %dma_start3A_235 = arith.constant 0 : i32
        %dma_start3A_236 = tpu.memref_slice %arg6[%dma_start3A_234, %dma_start3A_235] : memref<256x128xf32, #tpu.memory_space<vmem>> -> memref<128x128xf32, #tpu.memory_space<vmem>>
        %dma_start3A_237 = arith.constant 0 : i32
        %dma_start3A_238 = tpu.memref_slice %arg5[%add3A_222, %dma_start3A_233, %dma_start3A_237] : memref<30x2x128xi32, #tpu.memory_space<vmem>> -> memref<1x1x128xi32, #tpu.memory_space<vmem>>
        %dma_start3A_239 = tpu.memref_squeeze %dma_start3A_238 : memref<1x1x128xi32, #tpu.memory_space<vmem>> -> memref<128xi32, #tpu.memory_space<vmem>>
        %dma_start3A_240 = arith.constant 0 : i32
        %dma_start3A_241 = arith.constant 0 : i32
        %dma_start3A_242 = tpu.memref_slice %arg2[%dma_start3A_240, %dma_start3A_241] : memref<100000x128xf32, #tpu.memory_space<hbm>> -> memref<100000x128xf32, #tpu.memory_space<hbm>>
        tpu.enqueue_indirect_dma source(%dma_start3A_242 : memref<100000x128xf32, #tpu.memory_space<hbm>>) target(%dma_start3A_236 : memref<128x128xf32, #tpu.memory_space<vmem>>) offsets(%dma_start3A_239 : memref<128xi32, #tpu.memory_space<vmem>>) semaphore(%arg9 : memref<!tpu.dma_semaphore, #tpu.memory_space<semaphore_mem>>)
      } else {
      }
      %mul3A_163 = arith.constant 3 : i32
      %mul3A_164 = arith.muli %scan3A_72, %mul3A_163 : i32
      %add3A_165 = arith.constant 2 : i32
      %add3A_166 = arith.addi %mul3A_164, %add3A_165 : i32
      %dma_wait3A_167 = arith.constant 0 : i32
      %dma_wait3A_168 = arith.constant 0 : i32
      %dma_wait3A_169 = arith.constant 0 : i32
      %dma_wait3A_170 = tpu.memref_slice %arg8[%dma_wait3A_168, %dma_wait3A_169] : memref<256x128xf32, #tpu.memory_space<vmem>> -> memref<128x128xf32, #tpu.memory_space<vmem>>
      %dma_wait3A_171 = arith.constant 0 : i32
      %dma_wait3A_172 = tpu.memref_slice %arg5[%add3A_166, %dma_wait3A_167, %dma_wait3A_171] : memref<30x2x128xi32, #tpu.memory_space<vmem>> -> memref<1x1x128xi32, #tpu.memory_space<vmem>>
      %dma_wait3A_173 = tpu.memref_squeeze %dma_wait3A_172 : memref<1x1x128xi32, #tpu.memory_space<vmem>> -> memref<128xi32, #tpu.memory_space<vmem>>
      %dma_wait3A_174 = arith.constant 0 : i32
      %dma_wait3A_175 = arith.constant 0 : i32
      %dma_wait3A_176 = tpu.memref_slice %arg2[%dma_wait3A_174, %dma_wait3A_175] : memref<100000x128xf32, #tpu.memory_space<hbm>> -> memref<100000x128xf32, #tpu.memory_space<hbm>>
      tpu.wait_indirect_dma semaphore(%arg11 : memref<!tpu.dma_semaphore, #tpu.memory_space<semaphore_mem>>) src(%dma_wait3A_176 : memref<100000x128xf32, #tpu.memory_space<hbm>>) dst(%dma_wait3A_170 : memref<128x128xf32, #tpu.memory_space<vmem>>)
      %dma_wait3A_177 = arith.constant 1 : i32
      %dma_wait3A_178 = arith.constant 128 : i32
      %dma_wait3A_179 = arith.constant 0 : i32
      %dma_wait3A_180 = tpu.memref_slice %arg8[%dma_wait3A_178, %dma_wait3A_179] : memref<256x128xf32, #tpu.memory_space<vmem>> -> memref<128x128xf32, #tpu.memory_space<vmem>>
      %dma_wait3A_181 = arith.constant 0 : i32
      %dma_wait3A_182 = tpu.memref_slice %arg5[%add3A_166, %dma_wait3A_177, %dma_wait3A_181] : memref<30x2x128xi32, #tpu.memory_space<vmem>> -> memref<1x1x128xi32, #tpu.memory_space<vmem>>
      %dma_wait3A_183 = tpu.memref_squeeze %dma_wait3A_182 : memref<1x1x128xi32, #tpu.memory_space<vmem>> -> memref<128xi32, #tpu.memory_space<vmem>>
      %dma_wait3A_184 = arith.constant 0 : i32
      %dma_wait3A_185 = arith.constant 0 : i32
      %dma_wait3A_186 = tpu.memref_slice %arg2[%dma_wait3A_184, %dma_wait3A_185] : memref<100000x128xf32, #tpu.memory_space<hbm>> -> memref<100000x128xf32, #tpu.memory_space<hbm>>
      tpu.wait_indirect_dma semaphore(%arg11 : memref<!tpu.dma_semaphore, #tpu.memory_space<semaphore_mem>>) src(%dma_wait3A_186 : memref<100000x128xf32, #tpu.memory_space<hbm>>) dst(%dma_wait3A_180 : memref<128x128xf32, #tpu.memory_space<vmem>>)
      %mul3A_187 = arith.constant 32 : i32
      %mul3A_188 = arith.muli %add3A_166, %mul3A_187 : i32
      %add3A_189 = arith.addi %mul3A_188, %add3A : i32
      %mul3A_190 = arith.constant 256 : i32
      %mul3A_191 = arith.muli %add3A_189, %mul3A_190 : i32
      %dma_start3A_192 = arith.constant 0 : i32
      %dma_start3A_193 = tpu.memref_slice %arg4[%mul3A_191, %dma_start3A_192] : memref<245760x128xf32, #tpu.memory_space<hbm>> -> memref<256x128xf32, #tpu.memory_space<hbm>>
      %dma_start3A_194 = arith.constant 0 : i32
      %dma_start3A_195 = tpu.memref_slice %arg4[%mul3A_191, %dma_start3A_194] : memref<245760x128xf32, #tpu.memory_space<hbm>> -> memref<256x128xf32, #tpu.memory_space<hbm>>
      tpu.enqueue_dma source(%arg8 : memref<256x128xf32, #tpu.memory_space<vmem>>) target(%dma_start3A_195 : memref<256x128xf32, #tpu.memory_space<hbm>>) target_semaphore(%arg14 : memref<!tpu.dma_semaphore, #tpu.memory_space<semaphore_mem>>)
      %eq3A_196 = arith.constant 0 : i32
      %eq3A_197 = arith.cmpi eq, %add3A_166, %eq3A_196 : i32
      %convert_element_type3A_198 = arith.extui %eq3A_197 : i1 to i32
      %cond3A_199 = arith.constant 0 : i32
      %cond3A_200 = arith.cmpi ne, %convert_element_type3A_198, %cond3A_199 : i32
      scf.if %cond3A_200 {
        %dma_start3A_211 = arith.constant 2 : i32
        %dma_start3A_212 = arith.constant 0 : i32
        %dma_start3A_213 = arith.constant 0 : i32
        %dma_start3A_214 = arith.constant 0 : i32
        %dma_start3A_215 = tpu.memref_slice %arg8[%dma_start3A_213, %dma_start3A_214] : memref<256x128xf32, #tpu.memory_space<vmem>> -> memref<128x128xf32, #tpu.memory_space<vmem>>
        %dma_start3A_216 = arith.constant 0 : i32
        %dma_start3A_217 = tpu.memref_slice %arg5[%dma_start3A_211, %dma_start3A_212, %dma_start3A_216] : memref<30x2x128xi32, #tpu.memory_space<vmem>> -> memref<1x1x128xi32, #tpu.memory_space<vmem>>
        %dma_start3A_218 = tpu.memref_squeeze %dma_start3A_217 : memref<1x1x128xi32, #tpu.memory_space<vmem>> -> memref<128xi32, #tpu.memory_space<vmem>>
        %dma_start3A_219 = arith.constant 0 : i32
        %dma_start3A_220 = arith.constant 0 : i32
        %dma_start3A_221 = tpu.memref_slice %arg2[%dma_start3A_219, %dma_start3A_220] : memref<100000x128xf32, #tpu.memory_space<hbm>> -> memref<100000x128xf32, #tpu.memory_space<hbm>>
        tpu.enqueue_indirect_dma source(%dma_start3A_221 : memref<100000x128xf32, #tpu.memory_space<hbm>>) target(%dma_start3A_215 : memref<128x128xf32, #tpu.memory_space<vmem>>) offsets(%dma_start3A_218 : memref<128xi32, #tpu.memory_space<vmem>>) semaphore(%arg11 : memref<!tpu.dma_semaphore, #tpu.memory_space<semaphore_mem>>)
        %dma_start3A_222 = arith.constant 2 : i32
        %dma_start3A_223 = arith.constant 1 : i32
        %dma_start3A_224 = arith.constant 128 : i32
        %dma_start3A_225 = arith.constant 0 : i32
        %dma_start3A_226 = tpu.memref_slice %arg8[%dma_start3A_224, %dma_start3A_225] : memref<256x128xf32, #tpu.memory_space<vmem>> -> memref<128x128xf32, #tpu.memory_space<vmem>>
        %dma_start3A_227 = arith.constant 0 : i32
        %dma_start3A_228 = tpu.memref_slice %arg5[%dma_start3A_222, %dma_start3A_223, %dma_start3A_227] : memref<30x2x128xi32, #tpu.memory_space<vmem>> -> memref<1x1x128xi32, #tpu.memory_space<vmem>>
        %dma_start3A_229 = tpu.memref_squeeze %dma_start3A_228 : memref<1x1x128xi32, #tpu.memory_space<vmem>> -> memref<128xi32, #tpu.memory_space<vmem>>
        %dma_start3A_230 = arith.constant 0 : i32
        %dma_start3A_231 = arith.constant 0 : i32
        %dma_start3A_232 = tpu.memref_slice %arg2[%dma_start3A_230, %dma_start3A_231] : memref<100000x128xf32, #tpu.memory_space<hbm>> -> memref<100000x128xf32, #tpu.memory_space<hbm>>
        tpu.enqueue_indirect_dma source(%dma_start3A_232 : memref<100000x128xf32, #tpu.memory_space<hbm>>) target(%dma_start3A_226 : memref<128x128xf32, #tpu.memory_space<vmem>>) offsets(%dma_start3A_229 : memref<128xi32, #tpu.memory_space<vmem>>) semaphore(%arg11 : memref<!tpu.dma_semaphore, #tpu.memory_space<semaphore_mem>>)
      } else {
      }
      %ge3A_201 = arith.constant 1 : i32
      %ge3A_202 = arith.cmpi sge, %add3A_166, %ge3A_201 : i32
      %add3A_203 = arith.constant 2 : i32
      %add3A_204 = arith.addi %add3A_166, %add3A_203 : i32
      %lt3A_205 = arith.constant 30 : i32
      %lt3A_206 = arith.cmpi slt, %add3A_204, %lt3A_205 : i32
      %and3A_207 = arith.andi %ge3A_202, %lt3A_206 : i1
      %convert_element_type3A_208 = arith.extui %and3A_207 : i1 to i32
      %cond3A_209 = arith.constant 0 : i32
      %cond3A_210 = arith.cmpi ne, %convert_element_type3A_208, %cond3A_209 : i32
      scf.if %cond3A_210 {
        %sub3A = arith.constant 1 : i32
        %sub3A_211 = arith.subi %add3A_166, %sub3A : i32
        %mul3A_212 = arith.constant 32 : i32
        %mul3A_213 = arith.muli %sub3A_211, %mul3A_212 : i32
        %add3A_214 = arith.addi %mul3A_213, %add3A : i32
        %mul3A_215 = arith.constant 256 : i32
        %mul3A_216 = arith.muli %add3A_214, %mul3A_215 : i32
        %dma_wait3A_217 = arith.constant 0 : i32
        %dma_wait3A_218 = tpu.memref_slice %arg4[%mul3A_216, %dma_wait3A_217] : memref<245760x128xf32, #tpu.memory_space<hbm>> -> memref<256x128xf32, #tpu.memory_space<hbm>>
        %dma_wait3A_219 = arith.constant 0 : i32
        %dma_wait3A_220 = tpu.memref_slice %arg4[%mul3A_216, %dma_wait3A_219] : memref<245760x128xf32, #tpu.memory_space<hbm>> -> memref<256x128xf32, #tpu.memory_space<hbm>>
        tpu.wait_dma2 semaphore(%arg13 : memref<!tpu.dma_semaphore, #tpu.memory_space<semaphore_mem>>) src(%arg7 : memref<256x128xf32, #tpu.memory_space<vmem>>) dst(%dma_wait3A_220 : memref<256x128xf32, #tpu.memory_space<hbm>>)
        %add3A_221 = arith.constant 2 : i32
        %add3A_222 = arith.addi %add3A_166, %add3A_221 : i32
        %dma_start3A_223 = arith.constant 0 : i32
        %dma_start3A_224 = arith.constant 0 : i32
        %dma_start3A_225 = arith.constant 0 : i32
        %dma_start3A_226 = tpu.memref_slice %arg7[%dma_start3A_224, %dma_start3A_225] : memref<256x128xf32, #tpu.memory_space<vmem>> -> memref<128x128xf32, #tpu.memory_space<vmem>>
        %dma_start3A_227 = arith.constant 0 : i32
        %dma_start3A_228 = tpu.memref_slice %arg5[%add3A_222, %dma_start3A_223, %dma_start3A_227] : memref<30x2x128xi32, #tpu.memory_space<vmem>> -> memref<1x1x128xi32, #tpu.memory_space<vmem>>
        %dma_start3A_229 = tpu.memref_squeeze %dma_start3A_228 : memref<1x1x128xi32, #tpu.memory_space<vmem>> -> memref<128xi32, #tpu.memory_space<vmem>>
        %dma_start3A_230 = arith.constant 0 : i32
        %dma_start3A_231 = arith.constant 0 : i32
        %dma_start3A_232 = tpu.memref_slice %arg2[%dma_start3A_230, %dma_start3A_231] : memref<100000x128xf32, #tpu.memory_space<hbm>> -> memref<100000x128xf32, #tpu.memory_space<hbm>>
        tpu.enqueue_indirect_dma source(%dma_start3A_232 : memref<100000x128xf32, #tpu.memory_space<hbm>>) target(%dma_start3A_226 : memref<128x128xf32, #tpu.memory_space<vmem>>) offsets(%dma_start3A_229 : memref<128xi32, #tpu.memory_space<vmem>>) semaphore(%arg10 : memref<!tpu.dma_semaphore, #tpu.memory_space<semaphore_mem>>)
        %dma_start3A_233 = arith.constant 1 : i32
        %dma_start3A_234 = arith.constant 128 : i32
        %dma_start3A_235 = arith.constant 0 : i32
        %dma_start3A_236 = tpu.memref_slice %arg7[%dma_start3A_234, %dma_start3A_235] : memref<256x128xf32, #tpu.memory_space<vmem>> -> memref<128x128xf32, #tpu.memory_space<vmem>>
        %dma_start3A_237 = arith.constant 0 : i32
        %dma_start3A_238 = tpu.memref_slice %arg5[%add3A_222, %dma_start3A_233, %dma_start3A_237] : memref<30x2x128xi32, #tpu.memory_space<vmem>> -> memref<1x1x128xi32, #tpu.memory_space<vmem>>
        %dma_start3A_239 = tpu.memref_squeeze %dma_start3A_238 : memref<1x1x128xi32, #tpu.memory_space<vmem>> -> memref<128xi32, #tpu.memory_space<vmem>>
        %dma_start3A_240 = arith.constant 0 : i32
        %dma_start3A_241 = arith.constant 0 : i32
        %dma_start3A_242 = tpu.memref_slice %arg2[%dma_start3A_240, %dma_start3A_241] : memref<100000x128xf32, #tpu.memory_space<hbm>> -> memref<100000x128xf32, #tpu.memory_space<hbm>>
        tpu.enqueue_indirect_dma source(%dma_start3A_242 : memref<100000x128xf32, #tpu.memory_space<hbm>>) target(%dma_start3A_236 : memref<128x128xf32, #tpu.memory_space<vmem>>) offsets(%dma_start3A_239 : memref<128xi32, #tpu.memory_space<vmem>>) semaphore(%arg10 : memref<!tpu.dma_semaphore, #tpu.memory_space<semaphore_mem>>)
      } else {
      }
    }
    %scan3A_48 = arith.constant 10 : i32
    %add3A_49 = arith.constant 864 : i32
    %add3A_50 = arith.addi %add3A_49, %add3A : i32
    %mul3A_51 = arith.constant 256 : i32
    %mul3A_52 = arith.muli %add3A_50, %mul3A_51 : i32
    %dma_wait3A = arith.constant 0 : i32
    %dma_wait3A_53 = tpu.memref_slice %arg4[%mul3A_52, %dma_wait3A] : memref<245760x128xf32, #tpu.memory_space<hbm>> -> memref<256x128xf32, #tpu.memory_space<hbm>>
    %dma_wait3A_54 = arith.constant 0 : i32
    %dma_wait3A_55 = tpu.memref_slice %arg4[%mul3A_52, %dma_wait3A_54] : memref<245760x128xf32, #tpu.memory_space<hbm>> -> memref<256x128xf32, #tpu.memory_space<hbm>>
    tpu.wait_dma2 semaphore(%arg12 : memref<!tpu.dma_semaphore, #tpu.memory_space<semaphore_mem>>) src(%arg6 : memref<256x128xf32, #tpu.memory_space<vmem>>) dst(%dma_wait3A_55 : memref<256x128xf32, #tpu.memory_space<hbm>>)
    %add3A_56 = arith.constant 896 : i32
    %add3A_57 = arith.addi %add3A_56, %add3A : i32
    %mul3A_58 = arith.constant 256 : i32
    %mul3A_59 = arith.muli %add3A_57, %mul3A_58 : i32
    %dma_wait3A_60 = arith.constant 0 : i32
    %dma_wait3A_61 = tpu.memref_slice %arg4[%mul3A_59, %dma_wait3A_60] : memref<245760x128xf32, #tpu.memory_space<hbm>> -> memref<256x128xf32, #tpu.memory_space<hbm>>
    %dma_wait3A_62 = arith.constant 0 : i32
    %dma_wait3A_63 = tpu.memref_slice %arg4[%mul3A_59, %dma_wait3A_62] : memref<245760x128xf32, #tpu.memory_space<hbm>> -> memref<256x128xf32, #tpu.memory_space<hbm>>
    tpu.wait_dma2 semaphore(%arg13 : memref<!tpu.dma_semaphore, #tpu.memory_space<semaphore_mem>>) src(%arg7 : memref<256x128xf32, #tpu.memory_space<vmem>>) dst(%dma_wait3A_63 : memref<256x128xf32, #tpu.memory_space<hbm>>)
    %add3A_64 = arith.constant 928 : i32
    %add3A_65 = arith.addi %add3A_64, %add3A : i32
    %mul3A_66 = arith.constant 256 : i32
    %mul3A_67 = arith.muli %add3A_65, %mul3A_66 : i32
    %dma_wait3A_68 = arith.constant 0 : i32
    %dma_wait3A_69 = tpu.memref_slice %arg4[%mul3A_67, %dma_wait3A_68] : memref<245760x128xf32, #tpu.memory_space<hbm>> -> memref<256x128xf32, #tpu.memory_space<hbm>>
    %dma_wait3A_70 = arith.constant 0 : i32
    %dma_wait3A_71 = tpu.memref_slice %arg4[%mul3A_67, %dma_wait3A_70] : memref<245760x128xf32, #tpu.memory_space<hbm>> -> memref<256x128xf32, #tpu.memory_space<hbm>>
    tpu.wait_dma2 semaphore(%arg14 : memref<!tpu.dma_semaphore, #tpu.memory_space<semaphore_mem>>) src(%arg8 : memref<256x128xf32, #tpu.memory_space<vmem>>) dst(%dma_wait3A_71 : memref<256x128xf32, #tpu.memory_space<hbm>>)
    return
  }
}

#map = affine_map<(d0, d1) -> (0, 0)>
#map1 = affine_map<(d0, d1) -> (0, 0, 0, 0)>
module attributes {stable_mosaic.version = 14 : i64} {
  func.func @_sc_body_a(%arg0: i32, %arg1: i32, %arg2: memref<100000x128xf32, #tpu.memory_space<hbm>>, %arg3: memref<108x32x2x128xi32, #tpu.memory_space<hbm>>, %arg4: memref<73728x128xf32, #tpu.memory_space<hbm>>, %arg5: memref<49152x128xf32, #tpu.memory_space<hbm>>, %arg6: memref<9x2x128xi32, #tpu.memory_space<vmem>>, %arg7: memref<6x2x128xi32, #tpu.memory_space<vmem>>, %arg8: memref<256x128xf32, #tpu.memory_space<vmem>>, %arg9: memref<256x128xf32, #tpu.memory_space<vmem>>, %arg10: memref<256x128xf32, #tpu.memory_space<vmem>>, %arg11: memref<!tpu.dma_semaphore, #tpu.memory_space<semaphore_mem>>, %arg12: memref<!tpu.dma_semaphore, #tpu.memory_space<semaphore_mem>>, %arg13: memref<!tpu.dma_semaphore, #tpu.memory_space<semaphore_mem>>, %arg14: memref<!tpu.dma_semaphore, #tpu.memory_space<semaphore_mem>>, %arg15: memref<!tpu.dma_semaphore, #tpu.memory_space<semaphore_mem>>, %arg16: memref<!tpu.dma_semaphore, #tpu.memory_space<semaphore_mem>>) attributes {dimension_semantics = [#tpu.dimension_semantics<core_parallel>, #tpu.dimension_semantics<subcore_parallel>], iteration_bounds = array<i64: 2, 16>, scalar_prefetch = 0 : i64, scratch_operands = 11 : i64, tpu.core_type = #tpu.core_type<sc_vector_subcore>, window_params = [{transform_indices = #map}, {transform_indices = #map1}, {transform_indices = #map}, {transform_indices = #map}]} {
    %mul3A = arith.constant 16 : i32
    %mul3A_0 = arith.muli %arg0, %mul3A : i32
    %add3A = arith.addi %mul3A_0, %arg1 : i32
    "tpu.region"() ({
      %run_scoped3A = tpu.sem_alloc : memref<!tpu.dma_semaphore, #tpu.memory_space<semaphore_mem>>
      %dma_start3A_146 = arith.constant 0 : i32
      %dma_start3A_147 = arith.constant 0 : i32
      %dma_start3A_148 = arith.constant 0 : i32
      %dma_start3A_149 = tpu.memref_slice %arg3[%dma_start3A_146, %add3A, %dma_start3A_147, %dma_start3A_148] : memref<108x32x2x128xi32, #tpu.memory_space<hbm>> -> memref<6x1x2x128xi32, #tpu.memory_space<hbm>>
      %dma_start3A_150 = tpu.memref_squeeze %dma_start3A_149 : memref<6x1x2x128xi32, #tpu.memory_space<hbm>> -> memref<6x2x128xi32, #tpu.memory_space<hbm>>
      %dma_start3A_151 = arith.constant 0 : i32
      %dma_start3A_152 = arith.constant 0 : i32
      %dma_start3A_153 = arith.constant 0 : i32
      %dma_start3A_154 = tpu.memref_slice %arg3[%dma_start3A_151, %add3A, %dma_start3A_152, %dma_start3A_153] : memref<108x32x2x128xi32, #tpu.memory_space<hbm>> -> memref<6x1x2x128xi32, #tpu.memory_space<hbm>>
      %dma_start3A_155 = tpu.memref_squeeze %dma_start3A_154 : memref<6x1x2x128xi32, #tpu.memory_space<hbm>> -> memref<6x2x128xi32, #tpu.memory_space<hbm>>
      tpu.enqueue_dma source(%dma_start3A_155 : memref<6x2x128xi32, #tpu.memory_space<hbm>>) target(%arg7 : memref<6x2x128xi32, #tpu.memory_space<vmem>>) target_semaphore(%run_scoped3A : memref<!tpu.dma_semaphore, #tpu.memory_space<semaphore_mem>>)
      %dma_wait3A_156 = arith.constant 0 : i32
      %dma_wait3A_157 = arith.constant 0 : i32
      %dma_wait3A_158 = arith.constant 0 : i32
      %dma_wait3A_159 = tpu.memref_slice %arg3[%dma_wait3A_156, %add3A, %dma_wait3A_157, %dma_wait3A_158] : memref<108x32x2x128xi32, #tpu.memory_space<hbm>> -> memref<6x1x2x128xi32, #tpu.memory_space<hbm>>
      %dma_wait3A_160 = tpu.memref_squeeze %dma_wait3A_159 : memref<6x1x2x128xi32, #tpu.memory_space<hbm>> -> memref<6x2x128xi32, #tpu.memory_space<hbm>>
      %dma_wait3A_161 = arith.constant 0 : i32
      %dma_wait3A_162 = arith.constant 0 : i32
      %dma_wait3A_163 = arith.constant 0 : i32
      %dma_wait3A_164 = tpu.memref_slice %arg3[%dma_wait3A_161, %add3A, %dma_wait3A_162, %dma_wait3A_163] : memref<108x32x2x128xi32, #tpu.memory_space<hbm>> -> memref<6x1x2x128xi32, #tpu.memory_space<hbm>>
      %dma_wait3A_165 = tpu.memref_squeeze %dma_wait3A_164 : memref<6x1x2x128xi32, #tpu.memory_space<hbm>> -> memref<6x2x128xi32, #tpu.memory_space<hbm>>
      tpu.wait_dma2 semaphore(%run_scoped3A : memref<!tpu.dma_semaphore, #tpu.memory_space<semaphore_mem>>) src(%dma_wait3A_165 : memref<6x2x128xi32, #tpu.memory_space<hbm>>) dst(%arg7 : memref<6x2x128xi32, #tpu.memory_space<vmem>>)
      tpu.yield
    }) : () -> ()
    "tpu.region"() ({
      %run_scoped3A = tpu.sem_alloc : memref<!tpu.dma_semaphore, #tpu.memory_space<semaphore_mem>>
      %dma_start3A_146 = arith.constant 99 : i32
      %dma_start3A_147 = arith.constant 0 : i32
      %dma_start3A_148 = arith.constant 0 : i32
      %dma_start3A_149 = tpu.memref_slice %arg3[%dma_start3A_146, %add3A, %dma_start3A_147, %dma_start3A_148] : memref<108x32x2x128xi32, #tpu.memory_space<hbm>> -> memref<9x1x2x128xi32, #tpu.memory_space<hbm>>
      %dma_start3A_150 = tpu.memref_squeeze %dma_start3A_149 : memref<9x1x2x128xi32, #tpu.memory_space<hbm>> -> memref<9x2x128xi32, #tpu.memory_space<hbm>>
      %dma_start3A_151 = arith.constant 99 : i32
      %dma_start3A_152 = arith.constant 0 : i32
      %dma_start3A_153 = arith.constant 0 : i32
      %dma_start3A_154 = tpu.memref_slice %arg3[%dma_start3A_151, %add3A, %dma_start3A_152, %dma_start3A_153] : memref<108x32x2x128xi32, #tpu.memory_space<hbm>> -> memref<9x1x2x128xi32, #tpu.memory_space<hbm>>
      %dma_start3A_155 = tpu.memref_squeeze %dma_start3A_154 : memref<9x1x2x128xi32, #tpu.memory_space<hbm>> -> memref<9x2x128xi32, #tpu.memory_space<hbm>>
      tpu.enqueue_dma source(%dma_start3A_155 : memref<9x2x128xi32, #tpu.memory_space<hbm>>) target(%arg6 : memref<9x2x128xi32, #tpu.memory_space<vmem>>) target_semaphore(%run_scoped3A : memref<!tpu.dma_semaphore, #tpu.memory_space<semaphore_mem>>)
      %dma_wait3A_156 = arith.constant 99 : i32
      %dma_wait3A_157 = arith.constant 0 : i32
      %dma_wait3A_158 = arith.constant 0 : i32
      %dma_wait3A_159 = tpu.memref_slice %arg3[%dma_wait3A_156, %add3A, %dma_wait3A_157, %dma_wait3A_158] : memref<108x32x2x128xi32, #tpu.memory_space<hbm>> -> memref<9x1x2x128xi32, #tpu.memory_space<hbm>>
      %dma_wait3A_160 = tpu.memref_squeeze %dma_wait3A_159 : memref<9x1x2x128xi32, #tpu.memory_space<hbm>> -> memref<9x2x128xi32, #tpu.memory_space<hbm>>
      %dma_wait3A_161 = arith.constant 99 : i32
      %dma_wait3A_162 = arith.constant 0 : i32
      %dma_wait3A_163 = arith.constant 0 : i32
      %dma_wait3A_164 = tpu.memref_slice %arg3[%dma_wait3A_161, %add3A, %dma_wait3A_162, %dma_wait3A_163] : memref<108x32x2x128xi32, #tpu.memory_space<hbm>> -> memref<9x1x2x128xi32, #tpu.memory_space<hbm>>
      %dma_wait3A_165 = tpu.memref_squeeze %dma_wait3A_164 : memref<9x1x2x128xi32, #tpu.memory_space<hbm>> -> memref<9x2x128xi32, #tpu.memory_space<hbm>>
      tpu.wait_dma2 semaphore(%run_scoped3A : memref<!tpu.dma_semaphore, #tpu.memory_space<semaphore_mem>>) src(%dma_wait3A_165 : memref<9x2x128xi32, #tpu.memory_space<hbm>>) dst(%arg6 : memref<9x2x128xi32, #tpu.memory_space<vmem>>)
      tpu.yield
    }) : () -> ()
    %dma_start3A = arith.constant 0 : i32
    %dma_start3A_1 = arith.constant 0 : i32
    %dma_start3A_2 = arith.constant 0 : i32
    %dma_start3A_3 = arith.constant 0 : i32
    %dma_start3A_4 = tpu.memref_slice %arg8[%dma_start3A_2, %dma_start3A_3] : memref<256x128xf32, #tpu.memory_space<vmem>> -> memref<128x128xf32, #tpu.memory_space<vmem>>
    %dma_start3A_5 = arith.constant 0 : i32
    %dma_start3A_6 = tpu.memref_slice %arg7[%dma_start3A, %dma_start3A_1, %dma_start3A_5] : memref<6x2x128xi32, #tpu.memory_space<vmem>> -> memref<1x1x128xi32, #tpu.memory_space<vmem>>
    %dma_start3A_7 = tpu.memref_squeeze %dma_start3A_6 : memref<1x1x128xi32, #tpu.memory_space<vmem>> -> memref<128xi32, #tpu.memory_space<vmem>>
    %dma_start3A_8 = arith.constant 0 : i32
    %dma_start3A_9 = arith.constant 0 : i32
    %dma_start3A_10 = tpu.memref_slice %arg2[%dma_start3A_8, %dma_start3A_9] : memref<100000x128xf32, #tpu.memory_space<hbm>> -> memref<100000x128xf32, #tpu.memory_space<hbm>>
    tpu.enqueue_indirect_dma source(%dma_start3A_10 : memref<100000x128xf32, #tpu.memory_space<hbm>>) target(%dma_start3A_4 : memref<128x128xf32, #tpu.memory_space<vmem>>) offsets(%dma_start3A_7 : memref<128xi32, #tpu.memory_space<vmem>>) semaphore(%arg11 : memref<!tpu.dma_semaphore, #tpu.memory_space<semaphore_mem>>)
    %dma_start3A_11 = arith.constant 0 : i32
    %dma_start3A_12 = arith.constant 1 : i32
    %dma_start3A_13 = arith.constant 128 : i32
    %dma_start3A_14 = arith.constant 0 : i32
    %dma_start3A_15 = tpu.memref_slice %arg8[%dma_start3A_13, %dma_start3A_14] : memref<256x128xf32, #tpu.memory_space<vmem>> -> memref<128x128xf32, #tpu.memory_space<vmem>>
    %dma_start3A_16 = arith.constant 0 : i32
    %dma_start3A_17 = tpu.memref_slice %arg7[%dma_start3A_11, %dma_start3A_12, %dma_start3A_16] : memref<6x2x128xi32, #tpu.memory_space<vmem>> -> memref<1x1x128xi32, #tpu.memory_space<vmem>>
    %dma_start3A_18 = tpu.memref_squeeze %dma_start3A_17 : memref<1x1x128xi32, #tpu.memory_space<vmem>> -> memref<128xi32, #tpu.memory_space<vmem>>
    %dma_start3A_19 = arith.constant 0 : i32
    %dma_start3A_20 = arith.constant 0 : i32
    %dma_start3A_21 = tpu.memref_slice %arg2[%dma_start3A_19, %dma_start3A_20] : memref<100000x128xf32, #tpu.memory_space<hbm>> -> memref<100000x128xf32, #tpu.memory_space<hbm>>
    tpu.enqueue_indirect_dma source(%dma_start3A_21 : memref<100000x128xf32, #tpu.memory_space<hbm>>) target(%dma_start3A_15 : memref<128x128xf32, #tpu.memory_space<vmem>>) offsets(%dma_start3A_18 : memref<128xi32, #tpu.memory_space<vmem>>) semaphore(%arg11 : memref<!tpu.dma_semaphore, #tpu.memory_space<semaphore_mem>>)
    %dma_start3A_22 = arith.constant 1 : i32
    %dma_start3A_23 = arith.constant 0 : i32
    %dma_start3A_24 = arith.constant 0 : i32
    %dma_start3A_25 = arith.constant 0 : i32
    %dma_start3A_26 = tpu.memref_slice %arg9[%dma_start3A_24, %dma_start3A_25] : memref<256x128xf32, #tpu.memory_space<vmem>> -> memref<128x128xf32, #tpu.memory_space<vmem>>
    %dma_start3A_27 = arith.constant 0 : i32
    %dma_start3A_28 = tpu.memref_slice %arg7[%dma_start3A_22, %dma_start3A_23, %dma_start3A_27] : memref<6x2x128xi32, #tpu.memory_space<vmem>> -> memref<1x1x128xi32, #tpu.memory_space<vmem>>
    %dma_start3A_29 = tpu.memref_squeeze %dma_start3A_28 : memref<1x1x128xi32, #tpu.memory_space<vmem>> -> memref<128xi32, #tpu.memory_space<vmem>>
    %dma_start3A_30 = arith.constant 0 : i32
    %dma_start3A_31 = arith.constant 0 : i32
    %dma_start3A_32 = tpu.memref_slice %arg2[%dma_start3A_30, %dma_start3A_31] : memref<100000x128xf32, #tpu.memory_space<hbm>> -> memref<100000x128xf32, #tpu.memory_space<hbm>>
    tpu.enqueue_indirect_dma source(%dma_start3A_32 : memref<100000x128xf32, #tpu.memory_space<hbm>>) target(%dma_start3A_26 : memref<128x128xf32, #tpu.memory_space<vmem>>) offsets(%dma_start3A_29 : memref<128xi32, #tpu.memory_space<vmem>>) semaphore(%arg12 : memref<!tpu.dma_semaphore, #tpu.memory_space<semaphore_mem>>)
    %dma_start3A_33 = arith.constant 1 : i32
    %dma_start3A_34 = arith.constant 1 : i32
    %dma_start3A_35 = arith.constant 128 : i32
    %dma_start3A_36 = arith.constant 0 : i32
    %dma_start3A_37 = tpu.memref_slice %arg9[%dma_start3A_35, %dma_start3A_36] : memref<256x128xf32, #tpu.memory_space<vmem>> -> memref<128x128xf32, #tpu.memory_space<vmem>>
    %dma_start3A_38 = arith.constant 0 : i32
    %dma_start3A_39 = tpu.memref_slice %arg7[%dma_start3A_33, %dma_start3A_34, %dma_start3A_38] : memref<6x2x128xi32, #tpu.memory_space<vmem>> -> memref<1x1x128xi32, #tpu.memory_space<vmem>>
    %dma_start3A_40 = tpu.memref_squeeze %dma_start3A_39 : memref<1x1x128xi32, #tpu.memory_space<vmem>> -> memref<128xi32, #tpu.memory_space<vmem>>
    %dma_start3A_41 = arith.constant 0 : i32
    %dma_start3A_42 = arith.constant 0 : i32
    %dma_start3A_43 = tpu.memref_slice %arg2[%dma_start3A_41, %dma_start3A_42] : memref<100000x128xf32, #tpu.memory_space<hbm>> -> memref<100000x128xf32, #tpu.memory_space<hbm>>
    tpu.enqueue_indirect_dma source(%dma_start3A_43 : memref<100000x128xf32, #tpu.memory_space<hbm>>) target(%dma_start3A_37 : memref<128x128xf32, #tpu.memory_space<vmem>>) offsets(%dma_start3A_40 : memref<128xi32, #tpu.memory_space<vmem>>) semaphore(%arg12 : memref<!tpu.dma_semaphore, #tpu.memory_space<semaphore_mem>>)
    %scan3A = arith.constant 0 : i32
    %scan3A_44 = arith.constant 0 : i32
    %scan3A_45 = arith.constant 2 : i32
    %scan3A_46 = arith.addi %scan3A_44, %scan3A_45 : i32
    %scan3A_47 = arith.constant 1 : i32
    scf.for %scan3A_146 = %scan3A_44 to %scan3A_46 step %scan3A_47  : i32 {
      %mul3A_147 = arith.constant 3 : i32
      %mul3A_148 = arith.muli %scan3A_146, %mul3A_147 : i32
      %add3A_149 = arith.constant 0 : i32
      %add3A_150 = arith.addi %mul3A_148, %add3A_149 : i32
      %dma_wait3A_151 = arith.constant 0 : i32
      %dma_wait3A_152 = arith.constant 0 : i32
      %dma_wait3A_153 = arith.constant 0 : i32
      %dma_wait3A_154 = tpu.memref_slice %arg8[%dma_wait3A_152, %dma_wait3A_153] : memref<256x128xf32, #tpu.memory_space<vmem>> -> memref<128x128xf32, #tpu.memory_space<vmem>>
      %dma_wait3A_155 = arith.constant 0 : i32
      %dma_wait3A_156 = tpu.memref_slice %arg7[%add3A_150, %dma_wait3A_151, %dma_wait3A_155] : memref<6x2x128xi32, #tpu.memory_space<vmem>> -> memref<1x1x128xi32, #tpu.memory_space<vmem>>
      %dma_wait3A_157 = tpu.memref_squeeze %dma_wait3A_156 : memref<1x1x128xi32, #tpu.memory_space<vmem>> -> memref<128xi32, #tpu.memory_space<vmem>>
      %dma_wait3A_158 = arith.constant 0 : i32
      %dma_wait3A_159 = arith.constant 0 : i32
      %dma_wait3A_160 = tpu.memref_slice %arg2[%dma_wait3A_158, %dma_wait3A_159] : memref<100000x128xf32, #tpu.memory_space<hbm>> -> memref<100000x128xf32, #tpu.memory_space<hbm>>
      tpu.wait_indirect_dma semaphore(%arg11 : memref<!tpu.dma_semaphore, #tpu.memory_space<semaphore_mem>>) src(%dma_wait3A_160 : memref<100000x128xf32, #tpu.memory_space<hbm>>) dst(%dma_wait3A_154 : memref<128x128xf32, #tpu.memory_space<vmem>>)
      %dma_wait3A_161 = arith.constant 1 : i32
      %dma_wait3A_162 = arith.constant 128 : i32
      %dma_wait3A_163 = arith.constant 0 : i32
      %dma_wait3A_164 = tpu.memref_slice %arg8[%dma_wait3A_162, %dma_wait3A_163] : memref<256x128xf32, #tpu.memory_space<vmem>> -> memref<128x128xf32, #tpu.memory_space<vmem>>
      %dma_wait3A_165 = arith.constant 0 : i32
      %dma_wait3A_166 = tpu.memref_slice %arg7[%add3A_150, %dma_wait3A_161, %dma_wait3A_165] : memref<6x2x128xi32, #tpu.memory_space<vmem>> -> memref<1x1x128xi32, #tpu.memory_space<vmem>>
      %dma_wait3A_167 = tpu.memref_squeeze %dma_wait3A_166 : memref<1x1x128xi32, #tpu.memory_space<vmem>> -> memref<128xi32, #tpu.memory_space<vmem>>
      %dma_wait3A_168 = arith.constant 0 : i32
      %dma_wait3A_169 = arith.constant 0 : i32
      %dma_wait3A_170 = tpu.memref_slice %arg2[%dma_wait3A_168, %dma_wait3A_169] : memref<100000x128xf32, #tpu.memory_space<hbm>> -> memref<100000x128xf32, #tpu.memory_space<hbm>>
      tpu.wait_indirect_dma semaphore(%arg11 : memref<!tpu.dma_semaphore, #tpu.memory_space<semaphore_mem>>) src(%dma_wait3A_170 : memref<100000x128xf32, #tpu.memory_space<hbm>>) dst(%dma_wait3A_164 : memref<128x128xf32, #tpu.memory_space<vmem>>)
      %mul3A_171 = arith.constant 32 : i32
      %mul3A_172 = arith.muli %add3A_150, %mul3A_171 : i32
      %add3A_173 = arith.addi %mul3A_172, %add3A : i32
      %mul3A_174 = arith.constant 256 : i32
      %mul3A_175 = arith.muli %add3A_173, %mul3A_174 : i32
      %dma_start3A_176 = arith.constant 0 : i32
      %dma_start3A_177 = tpu.memref_slice %arg5[%mul3A_175, %dma_start3A_176] : memref<49152x128xf32, #tpu.memory_space<hbm>> -> memref<256x128xf32, #tpu.memory_space<hbm>>
      %dma_start3A_178 = arith.constant 0 : i32
      %dma_start3A_179 = tpu.memref_slice %arg5[%mul3A_175, %dma_start3A_178] : memref<49152x128xf32, #tpu.memory_space<hbm>> -> memref<256x128xf32, #tpu.memory_space<hbm>>
      tpu.enqueue_dma source(%arg8 : memref<256x128xf32, #tpu.memory_space<vmem>>) target(%dma_start3A_179 : memref<256x128xf32, #tpu.memory_space<hbm>>) target_semaphore(%arg14 : memref<!tpu.dma_semaphore, #tpu.memory_space<semaphore_mem>>)
      %eq3A = arith.constant 0 : i32
      %eq3A_180 = arith.cmpi eq, %add3A_150, %eq3A : i32
      %convert_element_type3A = arith.extui %eq3A_180 : i1 to i32
      %cond3A = arith.constant 0 : i32
      %cond3A_181 = arith.cmpi ne, %convert_element_type3A, %cond3A : i32
      scf.if %cond3A_181 {
        %dma_start3A_285 = arith.constant 2 : i32
        %dma_start3A_286 = arith.constant 0 : i32
        %dma_start3A_287 = arith.constant 0 : i32
        %dma_start3A_288 = arith.constant 0 : i32
        %dma_start3A_289 = tpu.memref_slice %arg10[%dma_start3A_287, %dma_start3A_288] : memref<256x128xf32, #tpu.memory_space<vmem>> -> memref<128x128xf32, #tpu.memory_space<vmem>>
        %dma_start3A_290 = arith.constant 0 : i32
        %dma_start3A_291 = tpu.memref_slice %arg7[%dma_start3A_285, %dma_start3A_286, %dma_start3A_290] : memref<6x2x128xi32, #tpu.memory_space<vmem>> -> memref<1x1x128xi32, #tpu.memory_space<vmem>>
        %dma_start3A_292 = tpu.memref_squeeze %dma_start3A_291 : memref<1x1x128xi32, #tpu.memory_space<vmem>> -> memref<128xi32, #tpu.memory_space<vmem>>
        %dma_start3A_293 = arith.constant 0 : i32
        %dma_start3A_294 = arith.constant 0 : i32
        %dma_start3A_295 = tpu.memref_slice %arg2[%dma_start3A_293, %dma_start3A_294] : memref<100000x128xf32, #tpu.memory_space<hbm>> -> memref<100000x128xf32, #tpu.memory_space<hbm>>
        tpu.enqueue_indirect_dma source(%dma_start3A_295 : memref<100000x128xf32, #tpu.memory_space<hbm>>) target(%dma_start3A_289 : memref<128x128xf32, #tpu.memory_space<vmem>>) offsets(%dma_start3A_292 : memref<128xi32, #tpu.memory_space<vmem>>) semaphore(%arg13 : memref<!tpu.dma_semaphore, #tpu.memory_space<semaphore_mem>>)
        %dma_start3A_296 = arith.constant 2 : i32
        %dma_start3A_297 = arith.constant 1 : i32
        %dma_start3A_298 = arith.constant 128 : i32
        %dma_start3A_299 = arith.constant 0 : i32
        %dma_start3A_300 = tpu.memref_slice %arg10[%dma_start3A_298, %dma_start3A_299] : memref<256x128xf32, #tpu.memory_space<vmem>> -> memref<128x128xf32, #tpu.memory_space<vmem>>
        %dma_start3A_301 = arith.constant 0 : i32
        %dma_start3A_302 = tpu.memref_slice %arg7[%dma_start3A_296, %dma_start3A_297, %dma_start3A_301] : memref<6x2x128xi32, #tpu.memory_space<vmem>> -> memref<1x1x128xi32, #tpu.memory_space<vmem>>
        %dma_start3A_303 = tpu.memref_squeeze %dma_start3A_302 : memref<1x1x128xi32, #tpu.memory_space<vmem>> -> memref<128xi32, #tpu.memory_space<vmem>>
        %dma_start3A_304 = arith.constant 0 : i32
        %dma_start3A_305 = arith.constant 0 : i32
        %dma_start3A_306 = tpu.memref_slice %arg2[%dma_start3A_304, %dma_start3A_305] : memref<100000x128xf32, #tpu.memory_space<hbm>> -> memref<100000x128xf32, #tpu.memory_space<hbm>>
        tpu.enqueue_indirect_dma source(%dma_start3A_306 : memref<100000x128xf32, #tpu.memory_space<hbm>>) target(%dma_start3A_300 : memref<128x128xf32, #tpu.memory_space<vmem>>) offsets(%dma_start3A_303 : memref<128xi32, #tpu.memory_space<vmem>>) semaphore(%arg13 : memref<!tpu.dma_semaphore, #tpu.memory_space<semaphore_mem>>)
      } else {
      }
      %ge3A = arith.constant 1 : i32
      %ge3A_182 = arith.cmpi sge, %add3A_150, %ge3A : i32
      %add3A_183 = arith.constant 2 : i32
      %add3A_184 = arith.addi %add3A_150, %add3A_183 : i32
      %lt3A = arith.constant 6 : i32
      %lt3A_185 = arith.cmpi slt, %add3A_184, %lt3A : i32
      %and3A = arith.andi %ge3A_182, %lt3A_185 : i1
      %convert_element_type3A_186 = arith.extui %and3A : i1 to i32
      %cond3A_187 = arith.constant 0 : i32
      %cond3A_188 = arith.cmpi ne, %convert_element_type3A_186, %cond3A_187 : i32
      scf.if %cond3A_188 {
        %sub3A = arith.constant 1 : i32
        %sub3A_285 = arith.subi %add3A_150, %sub3A : i32
        %mul3A_286 = arith.constant 32 : i32
        %mul3A_287 = arith.muli %sub3A_285, %mul3A_286 : i32
        %add3A_288 = arith.addi %mul3A_287, %add3A : i32
        %mul3A_289 = arith.constant 256 : i32
        %mul3A_290 = arith.muli %add3A_288, %mul3A_289 : i32
        %dma_wait3A_291 = arith.constant 0 : i32
        %dma_wait3A_292 = tpu.memref_slice %arg5[%mul3A_290, %dma_wait3A_291] : memref<49152x128xf32, #tpu.memory_space<hbm>> -> memref<256x128xf32, #tpu.memory_space<hbm>>
        %dma_wait3A_293 = arith.constant 0 : i32
        %dma_wait3A_294 = tpu.memref_slice %arg5[%mul3A_290, %dma_wait3A_293] : memref<49152x128xf32, #tpu.memory_space<hbm>> -> memref<256x128xf32, #tpu.memory_space<hbm>>
        tpu.wait_dma2 semaphore(%arg16 : memref<!tpu.dma_semaphore, #tpu.memory_space<semaphore_mem>>) src(%arg10 : memref<256x128xf32, #tpu.memory_space<vmem>>) dst(%dma_wait3A_294 : memref<256x128xf32, #tpu.memory_space<hbm>>)
        %add3A_295 = arith.constant 2 : i32
        %add3A_296 = arith.addi %add3A_150, %add3A_295 : i32
        %dma_start3A_297 = arith.constant 0 : i32
        %dma_start3A_298 = arith.constant 0 : i32
        %dma_start3A_299 = arith.constant 0 : i32
        %dma_start3A_300 = tpu.memref_slice %arg10[%dma_start3A_298, %dma_start3A_299] : memref<256x128xf32, #tpu.memory_space<vmem>> -> memref<128x128xf32, #tpu.memory_space<vmem>>
        %dma_start3A_301 = arith.constant 0 : i32
        %dma_start3A_302 = tpu.memref_slice %arg7[%add3A_296, %dma_start3A_297, %dma_start3A_301] : memref<6x2x128xi32, #tpu.memory_space<vmem>> -> memref<1x1x128xi32, #tpu.memory_space<vmem>>
        %dma_start3A_303 = tpu.memref_squeeze %dma_start3A_302 : memref<1x1x128xi32, #tpu.memory_space<vmem>> -> memref<128xi32, #tpu.memory_space<vmem>>
        %dma_start3A_304 = arith.constant 0 : i32
        %dma_start3A_305 = arith.constant 0 : i32
        %dma_start3A_306 = tpu.memref_slice %arg2[%dma_start3A_304, %dma_start3A_305] : memref<100000x128xf32, #tpu.memory_space<hbm>> -> memref<100000x128xf32, #tpu.memory_space<hbm>>
        tpu.enqueue_indirect_dma source(%dma_start3A_306 : memref<100000x128xf32, #tpu.memory_space<hbm>>) target(%dma_start3A_300 : memref<128x128xf32, #tpu.memory_space<vmem>>) offsets(%dma_start3A_303 : memref<128xi32, #tpu.memory_space<vmem>>) semaphore(%arg13 : memref<!tpu.dma_semaphore, #tpu.memory_space<semaphore_mem>>)
        %dma_start3A_307 = arith.constant 1 : i32
        %dma_start3A_308 = arith.constant 128 : i32
        %dma_start3A_309 = arith.constant 0 : i32
        %dma_start3A_310 = tpu.memref_slice %arg10[%dma_start3A_308, %dma_start3A_309] : memref<256x128xf32, #tpu.memory_space<vmem>> -> memref<128x128xf32, #tpu.memory_space<vmem>>
        %dma_start3A_311 = arith.constant 0 : i32
        %dma_start3A_312 = tpu.memref_slice %arg7[%add3A_296, %dma_start3A_307, %dma_start3A_311] : memref<6x2x128xi32, #tpu.memory_space<vmem>> -> memref<1x1x128xi32, #tpu.memory_space<vmem>>
        %dma_start3A_313 = tpu.memref_squeeze %dma_start3A_312 : memref<1x1x128xi32, #tpu.memory_space<vmem>> -> memref<128xi32, #tpu.memory_space<vmem>>
        %dma_start3A_314 = arith.constant 0 : i32
        %dma_start3A_315 = arith.constant 0 : i32
        %dma_start3A_316 = tpu.memref_slice %arg2[%dma_start3A_314, %dma_start3A_315] : memref<100000x128xf32, #tpu.memory_space<hbm>> -> memref<100000x128xf32, #tpu.memory_space<hbm>>
        tpu.enqueue_indirect_dma source(%dma_start3A_316 : memref<100000x128xf32, #tpu.memory_space<hbm>>) target(%dma_start3A_310 : memref<128x128xf32, #tpu.memory_space<vmem>>) offsets(%dma_start3A_313 : memref<128xi32, #tpu.memory_space<vmem>>) semaphore(%arg13 : memref<!tpu.dma_semaphore, #tpu.memory_space<semaphore_mem>>)
      } else {
      }
      %mul3A_189 = arith.constant 3 : i32
      %mul3A_190 = arith.muli %scan3A_146, %mul3A_189 : i32
      %add3A_191 = arith.constant 1 : i32
      %add3A_192 = arith.addi %mul3A_190, %add3A_191 : i32
      %dma_wait3A_193 = arith.constant 0 : i32
      %dma_wait3A_194 = arith.constant 0 : i32
      %dma_wait3A_195 = arith.constant 0 : i32
      %dma_wait3A_196 = tpu.memref_slice %arg9[%dma_wait3A_194, %dma_wait3A_195] : memref<256x128xf32, #tpu.memory_space<vmem>> -> memref<128x128xf32, #tpu.memory_space<vmem>>
      %dma_wait3A_197 = arith.constant 0 : i32
      %dma_wait3A_198 = tpu.memref_slice %arg7[%add3A_192, %dma_wait3A_193, %dma_wait3A_197] : memref<6x2x128xi32, #tpu.memory_space<vmem>> -> memref<1x1x128xi32, #tpu.memory_space<vmem>>
      %dma_wait3A_199 = tpu.memref_squeeze %dma_wait3A_198 : memref<1x1x128xi32, #tpu.memory_space<vmem>> -> memref<128xi32, #tpu.memory_space<vmem>>
      %dma_wait3A_200 = arith.constant 0 : i32
      %dma_wait3A_201 = arith.constant 0 : i32
      %dma_wait3A_202 = tpu.memref_slice %arg2[%dma_wait3A_200, %dma_wait3A_201] : memref<100000x128xf32, #tpu.memory_space<hbm>> -> memref<100000x128xf32, #tpu.memory_space<hbm>>
      tpu.wait_indirect_dma semaphore(%arg12 : memref<!tpu.dma_semaphore, #tpu.memory_space<semaphore_mem>>) src(%dma_wait3A_202 : memref<100000x128xf32, #tpu.memory_space<hbm>>) dst(%dma_wait3A_196 : memref<128x128xf32, #tpu.memory_space<vmem>>)
      %dma_wait3A_203 = arith.constant 1 : i32
      %dma_wait3A_204 = arith.constant 128 : i32
      %dma_wait3A_205 = arith.constant 0 : i32
      %dma_wait3A_206 = tpu.memref_slice %arg9[%dma_wait3A_204, %dma_wait3A_205] : memref<256x128xf32, #tpu.memory_space<vmem>> -> memref<128x128xf32, #tpu.memory_space<vmem>>
      %dma_wait3A_207 = arith.constant 0 : i32
      %dma_wait3A_208 = tpu.memref_slice %arg7[%add3A_192, %dma_wait3A_203, %dma_wait3A_207] : memref<6x2x128xi32, #tpu.memory_space<vmem>> -> memref<1x1x128xi32, #tpu.memory_space<vmem>>
      %dma_wait3A_209 = tpu.memref_squeeze %dma_wait3A_208 : memref<1x1x128xi32, #tpu.memory_space<vmem>> -> memref<128xi32, #tpu.memory_space<vmem>>
      %dma_wait3A_210 = arith.constant 0 : i32
      %dma_wait3A_211 = arith.constant 0 : i32
      %dma_wait3A_212 = tpu.memref_slice %arg2[%dma_wait3A_210, %dma_wait3A_211] : memref<100000x128xf32, #tpu.memory_space<hbm>> -> memref<100000x128xf32, #tpu.memory_space<hbm>>
      tpu.wait_indirect_dma semaphore(%arg12 : memref<!tpu.dma_semaphore, #tpu.memory_space<semaphore_mem>>) src(%dma_wait3A_212 : memref<100000x128xf32, #tpu.memory_space<hbm>>) dst(%dma_wait3A_206 : memref<128x128xf32, #tpu.memory_space<vmem>>)
      %mul3A_213 = arith.constant 32 : i32
      %mul3A_214 = arith.muli %add3A_192, %mul3A_213 : i32
      %add3A_215 = arith.addi %mul3A_214, %add3A : i32
      %mul3A_216 = arith.constant 256 : i32
      %mul3A_217 = arith.muli %add3A_215, %mul3A_216 : i32
      %dma_start3A_218 = arith.constant 0 : i32
      %dma_start3A_219 = tpu.memref_slice %arg5[%mul3A_217, %dma_start3A_218] : memref<49152x128xf32, #tpu.memory_space<hbm>> -> memref<256x128xf32, #tpu.memory_space<hbm>>
      %dma_start3A_220 = arith.constant 0 : i32
      %dma_start3A_221 = tpu.memref_slice %arg5[%mul3A_217, %dma_start3A_220] : memref<49152x128xf32, #tpu.memory_space<hbm>> -> memref<256x128xf32, #tpu.memory_space<hbm>>
      tpu.enqueue_dma source(%arg9 : memref<256x128xf32, #tpu.memory_space<vmem>>) target(%dma_start3A_221 : memref<256x128xf32, #tpu.memory_space<hbm>>) target_semaphore(%arg15 : memref<!tpu.dma_semaphore, #tpu.memory_space<semaphore_mem>>)
      %eq3A_222 = arith.constant 0 : i32
      %eq3A_223 = arith.cmpi eq, %add3A_192, %eq3A_222 : i32
      %convert_element_type3A_224 = arith.extui %eq3A_223 : i1 to i32
      %cond3A_225 = arith.constant 0 : i32
      %cond3A_226 = arith.cmpi ne, %convert_element_type3A_224, %cond3A_225 : i32
      scf.if %cond3A_226 {
        %dma_start3A_285 = arith.constant 2 : i32
        %dma_start3A_286 = arith.constant 0 : i32
        %dma_start3A_287 = arith.constant 0 : i32
        %dma_start3A_288 = arith.constant 0 : i32
        %dma_start3A_289 = tpu.memref_slice %arg10[%dma_start3A_287, %dma_start3A_288] : memref<256x128xf32, #tpu.memory_space<vmem>> -> memref<128x128xf32, #tpu.memory_space<vmem>>
        %dma_start3A_290 = arith.constant 0 : i32
        %dma_start3A_291 = tpu.memref_slice %arg7[%dma_start3A_285, %dma_start3A_286, %dma_start3A_290] : memref<6x2x128xi32, #tpu.memory_space<vmem>> -> memref<1x1x128xi32, #tpu.memory_space<vmem>>
        %dma_start3A_292 = tpu.memref_squeeze %dma_start3A_291 : memref<1x1x128xi32, #tpu.memory_space<vmem>> -> memref<128xi32, #tpu.memory_space<vmem>>
        %dma_start3A_293 = arith.constant 0 : i32
        %dma_start3A_294 = arith.constant 0 : i32
        %dma_start3A_295 = tpu.memref_slice %arg2[%dma_start3A_293, %dma_start3A_294] : memref<100000x128xf32, #tpu.memory_space<hbm>> -> memref<100000x128xf32, #tpu.memory_space<hbm>>
        tpu.enqueue_indirect_dma source(%dma_start3A_295 : memref<100000x128xf32, #tpu.memory_space<hbm>>) target(%dma_start3A_289 : memref<128x128xf32, #tpu.memory_space<vmem>>) offsets(%dma_start3A_292 : memref<128xi32, #tpu.memory_space<vmem>>) semaphore(%arg13 : memref<!tpu.dma_semaphore, #tpu.memory_space<semaphore_mem>>)
        %dma_start3A_296 = arith.constant 2 : i32
        %dma_start3A_297 = arith.constant 1 : i32
        %dma_start3A_298 = arith.constant 128 : i32
        %dma_start3A_299 = arith.constant 0 : i32
        %dma_start3A_300 = tpu.memref_slice %arg10[%dma_start3A_298, %dma_start3A_299] : memref<256x128xf32, #tpu.memory_space<vmem>> -> memref<128x128xf32, #tpu.memory_space<vmem>>
        %dma_start3A_301 = arith.constant 0 : i32
        %dma_start3A_302 = tpu.memref_slice %arg7[%dma_start3A_296, %dma_start3A_297, %dma_start3A_301] : memref<6x2x128xi32, #tpu.memory_space<vmem>> -> memref<1x1x128xi32, #tpu.memory_space<vmem>>
        %dma_start3A_303 = tpu.memref_squeeze %dma_start3A_302 : memref<1x1x128xi32, #tpu.memory_space<vmem>> -> memref<128xi32, #tpu.memory_space<vmem>>
        %dma_start3A_304 = arith.constant 0 : i32
        %dma_start3A_305 = arith.constant 0 : i32
        %dma_start3A_306 = tpu.memref_slice %arg2[%dma_start3A_304, %dma_start3A_305] : memref<100000x128xf32, #tpu.memory_space<hbm>> -> memref<100000x128xf32, #tpu.memory_space<hbm>>
        tpu.enqueue_indirect_dma source(%dma_start3A_306 : memref<100000x128xf32, #tpu.memory_space<hbm>>) target(%dma_start3A_300 : memref<128x128xf32, #tpu.memory_space<vmem>>) offsets(%dma_start3A_303 : memref<128xi32, #tpu.memory_space<vmem>>) semaphore(%arg13 : memref<!tpu.dma_semaphore, #tpu.memory_space<semaphore_mem>>)
      } else {
      }
      %ge3A_227 = arith.constant 1 : i32
      %ge3A_228 = arith.cmpi sge, %add3A_192, %ge3A_227 : i32
      %add3A_229 = arith.constant 2 : i32
      %add3A_230 = arith.addi %add3A_192, %add3A_229 : i32
      %lt3A_231 = arith.constant 6 : i32
      %lt3A_232 = arith.cmpi slt, %add3A_230, %lt3A_231 : i32
      %and3A_233 = arith.andi %ge3A_228, %lt3A_232 : i1
      %convert_element_type3A_234 = arith.extui %and3A_233 : i1 to i32
      %cond3A_235 = arith.constant 0 : i32
      %cond3A_236 = arith.cmpi ne, %convert_element_type3A_234, %cond3A_235 : i32
      scf.if %cond3A_236 {
        %sub3A = arith.constant 1 : i32
        %sub3A_285 = arith.subi %add3A_192, %sub3A : i32
        %mul3A_286 = arith.constant 32 : i32
        %mul3A_287 = arith.muli %sub3A_285, %mul3A_286 : i32
        %add3A_288 = arith.addi %mul3A_287, %add3A : i32
        %mul3A_289 = arith.constant 256 : i32
        %mul3A_290 = arith.muli %add3A_288, %mul3A_289 : i32
        %dma_wait3A_291 = arith.constant 0 : i32
        %dma_wait3A_292 = tpu.memref_slice %arg5[%mul3A_290, %dma_wait3A_291] : memref<49152x128xf32, #tpu.memory_space<hbm>> -> memref<256x128xf32, #tpu.memory_space<hbm>>
        %dma_wait3A_293 = arith.constant 0 : i32
        %dma_wait3A_294 = tpu.memref_slice %arg5[%mul3A_290, %dma_wait3A_293] : memref<49152x128xf32, #tpu.memory_space<hbm>> -> memref<256x128xf32, #tpu.memory_space<hbm>>
        tpu.wait_dma2 semaphore(%arg14 : memref<!tpu.dma_semaphore, #tpu.memory_space<semaphore_mem>>) src(%arg8 : memref<256x128xf32, #tpu.memory_space<vmem>>) dst(%dma_wait3A_294 : memref<256x128xf32, #tpu.memory_space<hbm>>)
        %add3A_295 = arith.constant 2 : i32
        %add3A_296 = arith.addi %add3A_192, %add3A_295 : i32
        %dma_start3A_297 = arith.constant 0 : i32
        %dma_start3A_298 = arith.constant 0 : i32
        %dma_start3A_299 = arith.constant 0 : i32
        %dma_start3A_300 = tpu.memref_slice %arg8[%dma_start3A_298, %dma_start3A_299] : memref<256x128xf32, #tpu.memory_space<vmem>> -> memref<128x128xf32, #tpu.memory_space<vmem>>
        %dma_start3A_301 = arith.constant 0 : i32
        %dma_start3A_302 = tpu.memref_slice %arg7[%add3A_296, %dma_start3A_297, %dma_start3A_301] : memref<6x2x128xi32, #tpu.memory_space<vmem>> -> memref<1x1x128xi32, #tpu.memory_space<vmem>>
        %dma_start3A_303 = tpu.memref_squeeze %dma_start3A_302 : memref<1x1x128xi32, #tpu.memory_space<vmem>> -> memref<128xi32, #tpu.memory_space<vmem>>
        %dma_start3A_304 = arith.constant 0 : i32
        %dma_start3A_305 = arith.constant 0 : i32
        %dma_start3A_306 = tpu.memref_slice %arg2[%dma_start3A_304, %dma_start3A_305] : memref<100000x128xf32, #tpu.memory_space<hbm>> -> memref<100000x128xf32, #tpu.memory_space<hbm>>
        tpu.enqueue_indirect_dma source(%dma_start3A_306 : memref<100000x128xf32, #tpu.memory_space<hbm>>) target(%dma_start3A_300 : memref<128x128xf32, #tpu.memory_space<vmem>>) offsets(%dma_start3A_303 : memref<128xi32, #tpu.memory_space<vmem>>) semaphore(%arg11 : memref<!tpu.dma_semaphore, #tpu.memory_space<semaphore_mem>>)
        %dma_start3A_307 = arith.constant 1 : i32
        %dma_start3A_308 = arith.constant 128 : i32
        %dma_start3A_309 = arith.constant 0 : i32
        %dma_start3A_310 = tpu.memref_slice %arg8[%dma_start3A_308, %dma_start3A_309] : memref<256x128xf32, #tpu.memory_space<vmem>> -> memref<128x128xf32, #tpu.memory_space<vmem>>
        %dma_start3A_311 = arith.constant 0 : i32
        %dma_start3A_312 = tpu.memref_slice %arg7[%add3A_296, %dma_start3A_307, %dma_start3A_311] : memref<6x2x128xi32, #tpu.memory_space<vmem>> -> memref<1x1x128xi32, #tpu.memory_space<vmem>>
        %dma_start3A_313 = tpu.memref_squeeze %dma_start3A_312 : memref<1x1x128xi32, #tpu.memory_space<vmem>> -> memref<128xi32, #tpu.memory_space<vmem>>
        %dma_start3A_314 = arith.constant 0 : i32
        %dma_start3A_315 = arith.constant 0 : i32
        %dma_start3A_316 = tpu.memref_slice %arg2[%dma_start3A_314, %dma_start3A_315] : memref<100000x128xf32, #tpu.memory_space<hbm>> -> memref<100000x128xf32, #tpu.memory_space<hbm>>
        tpu.enqueue_indirect_dma source(%dma_start3A_316 : memref<100000x128xf32, #tpu.memory_space<hbm>>) target(%dma_start3A_310 : memref<128x128xf32, #tpu.memory_space<vmem>>) offsets(%dma_start3A_313 : memref<128xi32, #tpu.memory_space<vmem>>) semaphore(%arg11 : memref<!tpu.dma_semaphore, #tpu.memory_space<semaphore_mem>>)
      } else {
      }
      %mul3A_237 = arith.constant 3 : i32
      %mul3A_238 = arith.muli %scan3A_146, %mul3A_237 : i32
      %add3A_239 = arith.constant 2 : i32
      %add3A_240 = arith.addi %mul3A_238, %add3A_239 : i32
      %dma_wait3A_241 = arith.constant 0 : i32
      %dma_wait3A_242 = arith.constant 0 : i32
      %dma_wait3A_243 = arith.constant 0 : i32
      %dma_wait3A_244 = tpu.memref_slice %arg10[%dma_wait3A_242, %dma_wait3A_243] : memref<256x128xf32, #tpu.memory_space<vmem>> -> memref<128x128xf32, #tpu.memory_space<vmem>>
      %dma_wait3A_245 = arith.constant 0 : i32
      %dma_wait3A_246 = tpu.memref_slice %arg7[%add3A_240, %dma_wait3A_241, %dma_wait3A_245] : memref<6x2x128xi32, #tpu.memory_space<vmem>> -> memref<1x1x128xi32, #tpu.memory_space<vmem>>
      %dma_wait3A_247 = tpu.memref_squeeze %dma_wait3A_246 : memref<1x1x128xi32, #tpu.memory_space<vmem>> -> memref<128xi32, #tpu.memory_space<vmem>>
      %dma_wait3A_248 = arith.constant 0 : i32
      %dma_wait3A_249 = arith.constant 0 : i32
      %dma_wait3A_250 = tpu.memref_slice %arg2[%dma_wait3A_248, %dma_wait3A_249] : memref<100000x128xf32, #tpu.memory_space<hbm>> -> memref<100000x128xf32, #tpu.memory_space<hbm>>
      tpu.wait_indirect_dma semaphore(%arg13 : memref<!tpu.dma_semaphore, #tpu.memory_space<semaphore_mem>>) src(%dma_wait3A_250 : memref<100000x128xf32, #tpu.memory_space<hbm>>) dst(%dma_wait3A_244 : memref<128x128xf32, #tpu.memory_space<vmem>>)
      %dma_wait3A_251 = arith.constant 1 : i32
      %dma_wait3A_252 = arith.constant 128 : i32
      %dma_wait3A_253 = arith.constant 0 : i32
      %dma_wait3A_254 = tpu.memref_slice %arg10[%dma_wait3A_252, %dma_wait3A_253] : memref<256x128xf32, #tpu.memory_space<vmem>> -> memref<128x128xf32, #tpu.memory_space<vmem>>
      %dma_wait3A_255 = arith.constant 0 : i32
      %dma_wait3A_256 = tpu.memref_slice %arg7[%add3A_240, %dma_wait3A_251, %dma_wait3A_255] : memref<6x2x128xi32, #tpu.memory_space<vmem>> -> memref<1x1x128xi32, #tpu.memory_space<vmem>>
      %dma_wait3A_257 = tpu.memref_squeeze %dma_wait3A_256 : memref<1x1x128xi32, #tpu.memory_space<vmem>> -> memref<128xi32, #tpu.memory_space<vmem>>
      %dma_wait3A_258 = arith.constant 0 : i32
      %dma_wait3A_259 = arith.constant 0 : i32
      %dma_wait3A_260 = tpu.memref_slice %arg2[%dma_wait3A_258, %dma_wait3A_259] : memref<100000x128xf32, #tpu.memory_space<hbm>> -> memref<100000x128xf32, #tpu.memory_space<hbm>>
      tpu.wait_indirect_dma semaphore(%arg13 : memref<!tpu.dma_semaphore, #tpu.memory_space<semaphore_mem>>) src(%dma_wait3A_260 : memref<100000x128xf32, #tpu.memory_space<hbm>>) dst(%dma_wait3A_254 : memref<128x128xf32, #tpu.memory_space<vmem>>)
      %mul3A_261 = arith.constant 32 : i32
      %mul3A_262 = arith.muli %add3A_240, %mul3A_261 : i32
      %add3A_263 = arith.addi %mul3A_262, %add3A : i32
      %mul3A_264 = arith.constant 256 : i32
      %mul3A_265 = arith.muli %add3A_263, %mul3A_264 : i32
      %dma_start3A_266 = arith.constant 0 : i32
      %dma_start3A_267 = tpu.memref_slice %arg5[%mul3A_265, %dma_start3A_266] : memref<49152x128xf32, #tpu.memory_space<hbm>> -> memref<256x128xf32, #tpu.memory_space<hbm>>
      %dma_start3A_268 = arith.constant 0 : i32
      %dma_start3A_269 = tpu.memref_slice %arg5[%mul3A_265, %dma_start3A_268] : memref<49152x128xf32, #tpu.memory_space<hbm>> -> memref<256x128xf32, #tpu.memory_space<hbm>>
      tpu.enqueue_dma source(%arg10 : memref<256x128xf32, #tpu.memory_space<vmem>>) target(%dma_start3A_269 : memref<256x128xf32, #tpu.memory_space<hbm>>) target_semaphore(%arg16 : memref<!tpu.dma_semaphore, #tpu.memory_space<semaphore_mem>>)
      %eq3A_270 = arith.constant 0 : i32
      %eq3A_271 = arith.cmpi eq, %add3A_240, %eq3A_270 : i32
      %convert_element_type3A_272 = arith.extui %eq3A_271 : i1 to i32
      %cond3A_273 = arith.constant 0 : i32
      %cond3A_274 = arith.cmpi ne, %convert_element_type3A_272, %cond3A_273 : i32
      scf.if %cond3A_274 {
        %dma_start3A_285 = arith.constant 2 : i32
        %dma_start3A_286 = arith.constant 0 : i32
        %dma_start3A_287 = arith.constant 0 : i32
        %dma_start3A_288 = arith.constant 0 : i32
        %dma_start3A_289 = tpu.memref_slice %arg10[%dma_start3A_287, %dma_start3A_288] : memref<256x128xf32, #tpu.memory_space<vmem>> -> memref<128x128xf32, #tpu.memory_space<vmem>>
        %dma_start3A_290 = arith.constant 0 : i32
        %dma_start3A_291 = tpu.memref_slice %arg7[%dma_start3A_285, %dma_start3A_286, %dma_start3A_290] : memref<6x2x128xi32, #tpu.memory_space<vmem>> -> memref<1x1x128xi32, #tpu.memory_space<vmem>>
        %dma_start3A_292 = tpu.memref_squeeze %dma_start3A_291 : memref<1x1x128xi32, #tpu.memory_space<vmem>> -> memref<128xi32, #tpu.memory_space<vmem>>
        %dma_start3A_293 = arith.constant 0 : i32
        %dma_start3A_294 = arith.constant 0 : i32
        %dma_start3A_295 = tpu.memref_slice %arg2[%dma_start3A_293, %dma_start3A_294] : memref<100000x128xf32, #tpu.memory_space<hbm>> -> memref<100000x128xf32, #tpu.memory_space<hbm>>
        tpu.enqueue_indirect_dma source(%dma_start3A_295 : memref<100000x128xf32, #tpu.memory_space<hbm>>) target(%dma_start3A_289 : memref<128x128xf32, #tpu.memory_space<vmem>>) offsets(%dma_start3A_292 : memref<128xi32, #tpu.memory_space<vmem>>) semaphore(%arg13 : memref<!tpu.dma_semaphore, #tpu.memory_space<semaphore_mem>>)
        %dma_start3A_296 = arith.constant 2 : i32
        %dma_start3A_297 = arith.constant 1 : i32
        %dma_start3A_298 = arith.constant 128 : i32
        %dma_start3A_299 = arith.constant 0 : i32
        %dma_start3A_300 = tpu.memref_slice %arg10[%dma_start3A_298, %dma_start3A_299] : memref<256x128xf32, #tpu.memory_space<vmem>> -> memref<128x128xf32, #tpu.memory_space<vmem>>
        %dma_start3A_301 = arith.constant 0 : i32
        %dma_start3A_302 = tpu.memref_slice %arg7[%dma_start3A_296, %dma_start3A_297, %dma_start3A_301] : memref<6x2x128xi32, #tpu.memory_space<vmem>> -> memref<1x1x128xi32, #tpu.memory_space<vmem>>
        %dma_start3A_303 = tpu.memref_squeeze %dma_start3A_302 : memref<1x1x128xi32, #tpu.memory_space<vmem>> -> memref<128xi32, #tpu.memory_space<vmem>>
        %dma_start3A_304 = arith.constant 0 : i32
        %dma_start3A_305 = arith.constant 0 : i32
        %dma_start3A_306 = tpu.memref_slice %arg2[%dma_start3A_304, %dma_start3A_305] : memref<100000x128xf32, #tpu.memory_space<hbm>> -> memref<100000x128xf32, #tpu.memory_space<hbm>>
        tpu.enqueue_indirect_dma source(%dma_start3A_306 : memref<100000x128xf32, #tpu.memory_space<hbm>>) target(%dma_start3A_300 : memref<128x128xf32, #tpu.memory_space<vmem>>) offsets(%dma_start3A_303 : memref<128xi32, #tpu.memory_space<vmem>>) semaphore(%arg13 : memref<!tpu.dma_semaphore, #tpu.memory_space<semaphore_mem>>)
      } else {
      }
      %ge3A_275 = arith.constant 1 : i32
      %ge3A_276 = arith.cmpi sge, %add3A_240, %ge3A_275 : i32
      %add3A_277 = arith.constant 2 : i32
      %add3A_278 = arith.addi %add3A_240, %add3A_277 : i32
      %lt3A_279 = arith.constant 6 : i32
      %lt3A_280 = arith.cmpi slt, %add3A_278, %lt3A_279 : i32
      %and3A_281 = arith.andi %ge3A_276, %lt3A_280 : i1
      %convert_element_type3A_282 = arith.extui %and3A_281 : i1 to i32
      %cond3A_283 = arith.constant 0 : i32
      %cond3A_284 = arith.cmpi ne, %convert_element_type3A_282, %cond3A_283 : i32
      scf.if %cond3A_284 {
        %sub3A = arith.constant 1 : i32
        %sub3A_285 = arith.subi %add3A_240, %sub3A : i32
        %mul3A_286 = arith.constant 32 : i32
        %mul3A_287 = arith.muli %sub3A_285, %mul3A_286 : i32
        %add3A_288 = arith.addi %mul3A_287, %add3A : i32
        %mul3A_289 = arith.constant 256 : i32
        %mul3A_290 = arith.muli %add3A_288, %mul3A_289 : i32
        %dma_wait3A_291 = arith.constant 0 : i32
        %dma_wait3A_292 = tpu.memref_slice %arg5[%mul3A_290, %dma_wait3A_291] : memref<49152x128xf32, #tpu.memory_space<hbm>> -> memref<256x128xf32, #tpu.memory_space<hbm>>
        %dma_wait3A_293 = arith.constant 0 : i32
        %dma_wait3A_294 = tpu.memref_slice %arg5[%mul3A_290, %dma_wait3A_293] : memref<49152x128xf32, #tpu.memory_space<hbm>> -> memref<256x128xf32, #tpu.memory_space<hbm>>
        tpu.wait_dma2 semaphore(%arg15 : memref<!tpu.dma_semaphore, #tpu.memory_space<semaphore_mem>>) src(%arg9 : memref<256x128xf32, #tpu.memory_space<vmem>>) dst(%dma_wait3A_294 : memref<256x128xf32, #tpu.memory_space<hbm>>)
        %add3A_295 = arith.constant 2 : i32
        %add3A_296 = arith.addi %add3A_240, %add3A_295 : i32
        %dma_start3A_297 = arith.constant 0 : i32
        %dma_start3A_298 = arith.constant 0 : i32
        %dma_start3A_299 = arith.constant 0 : i32
        %dma_start3A_300 = tpu.memref_slice %arg9[%dma_start3A_298, %dma_start3A_299] : memref<256x128xf32, #tpu.memory_space<vmem>> -> memref<128x128xf32, #tpu.memory_space<vmem>>
        %dma_start3A_301 = arith.constant 0 : i32
        %dma_start3A_302 = tpu.memref_slice %arg7[%add3A_296, %dma_start3A_297, %dma_start3A_301] : memref<6x2x128xi32, #tpu.memory_space<vmem>> -> memref<1x1x128xi32, #tpu.memory_space<vmem>>
        %dma_start3A_303 = tpu.memref_squeeze %dma_start3A_302 : memref<1x1x128xi32, #tpu.memory_space<vmem>> -> memref<128xi32, #tpu.memory_space<vmem>>
        %dma_start3A_304 = arith.constant 0 : i32
        %dma_start3A_305 = arith.constant 0 : i32
        %dma_start3A_306 = tpu.memref_slice %arg2[%dma_start3A_304, %dma_start3A_305] : memref<100000x128xf32, #tpu.memory_space<hbm>> -> memref<100000x128xf32, #tpu.memory_space<hbm>>
        tpu.enqueue_indirect_dma source(%dma_start3A_306 : memref<100000x128xf32, #tpu.memory_space<hbm>>) target(%dma_start3A_300 : memref<128x128xf32, #tpu.memory_space<vmem>>) offsets(%dma_start3A_303 : memref<128xi32, #tpu.memory_space<vmem>>) semaphore(%arg12 : memref<!tpu.dma_semaphore, #tpu.memory_space<semaphore_mem>>)
        %dma_start3A_307 = arith.constant 1 : i32
        %dma_start3A_308 = arith.constant 128 : i32
        %dma_start3A_309 = arith.constant 0 : i32
        %dma_start3A_310 = tpu.memref_slice %arg9[%dma_start3A_308, %dma_start3A_309] : memref<256x128xf32, #tpu.memory_space<vmem>> -> memref<128x128xf32, #tpu.memory_space<vmem>>
        %dma_start3A_311 = arith.constant 0 : i32
        %dma_start3A_312 = tpu.memref_slice %arg7[%add3A_296, %dma_start3A_307, %dma_start3A_311] : memref<6x2x128xi32, #tpu.memory_space<vmem>> -> memref<1x1x128xi32, #tpu.memory_space<vmem>>
        %dma_start3A_313 = tpu.memref_squeeze %dma_start3A_312 : memref<1x1x128xi32, #tpu.memory_space<vmem>> -> memref<128xi32, #tpu.memory_space<vmem>>
        %dma_start3A_314 = arith.constant 0 : i32
        %dma_start3A_315 = arith.constant 0 : i32
        %dma_start3A_316 = tpu.memref_slice %arg2[%dma_start3A_314, %dma_start3A_315] : memref<100000x128xf32, #tpu.memory_space<hbm>> -> memref<100000x128xf32, #tpu.memory_space<hbm>>
        tpu.enqueue_indirect_dma source(%dma_start3A_316 : memref<100000x128xf32, #tpu.memory_space<hbm>>) target(%dma_start3A_310 : memref<128x128xf32, #tpu.memory_space<vmem>>) offsets(%dma_start3A_313 : memref<128xi32, #tpu.memory_space<vmem>>) semaphore(%arg12 : memref<!tpu.dma_semaphore, #tpu.memory_space<semaphore_mem>>)
      } else {
      }
    }
    %scan3A_48 = arith.constant 2 : i32
    %add3A_49 = arith.constant 96 : i32
    %add3A_50 = arith.addi %add3A_49, %add3A : i32
    %mul3A_51 = arith.constant 256 : i32
    %mul3A_52 = arith.muli %add3A_50, %mul3A_51 : i32
    %dma_wait3A = arith.constant 0 : i32
    %dma_wait3A_53 = tpu.memref_slice %arg5[%mul3A_52, %dma_wait3A] : memref<49152x128xf32, #tpu.memory_space<hbm>> -> memref<256x128xf32, #tpu.memory_space<hbm>>
    %dma_wait3A_54 = arith.constant 0 : i32
    %dma_wait3A_55 = tpu.memref_slice %arg5[%mul3A_52, %dma_wait3A_54] : memref<49152x128xf32, #tpu.memory_space<hbm>> -> memref<256x128xf32, #tpu.memory_space<hbm>>
    tpu.wait_dma2 semaphore(%arg14 : memref<!tpu.dma_semaphore, #tpu.memory_space<semaphore_mem>>) src(%arg8 : memref<256x128xf32, #tpu.memory_space<vmem>>) dst(%dma_wait3A_55 : memref<256x128xf32, #tpu.memory_space<hbm>>)
    %add3A_56 = arith.constant 128 : i32
    %add3A_57 = arith.addi %add3A_56, %add3A : i32
    %mul3A_58 = arith.constant 256 : i32
    %mul3A_59 = arith.muli %add3A_57, %mul3A_58 : i32
    %dma_wait3A_60 = arith.constant 0 : i32
    %dma_wait3A_61 = tpu.memref_slice %arg5[%mul3A_59, %dma_wait3A_60] : memref<49152x128xf32, #tpu.memory_space<hbm>> -> memref<256x128xf32, #tpu.memory_space<hbm>>
    %dma_wait3A_62 = arith.constant 0 : i32
    %dma_wait3A_63 = tpu.memref_slice %arg5[%mul3A_59, %dma_wait3A_62] : memref<49152x128xf32, #tpu.memory_space<hbm>> -> memref<256x128xf32, #tpu.memory_space<hbm>>
    tpu.wait_dma2 semaphore(%arg15 : memref<!tpu.dma_semaphore, #tpu.memory_space<semaphore_mem>>) src(%arg9 : memref<256x128xf32, #tpu.memory_space<vmem>>) dst(%dma_wait3A_63 : memref<256x128xf32, #tpu.memory_space<hbm>>)
    %add3A_64 = arith.constant 160 : i32
    %add3A_65 = arith.addi %add3A_64, %add3A : i32
    %mul3A_66 = arith.constant 256 : i32
    %mul3A_67 = arith.muli %add3A_65, %mul3A_66 : i32
    %dma_wait3A_68 = arith.constant 0 : i32
    %dma_wait3A_69 = tpu.memref_slice %arg5[%mul3A_67, %dma_wait3A_68] : memref<49152x128xf32, #tpu.memory_space<hbm>> -> memref<256x128xf32, #tpu.memory_space<hbm>>
    %dma_wait3A_70 = arith.constant 0 : i32
    %dma_wait3A_71 = tpu.memref_slice %arg5[%mul3A_67, %dma_wait3A_70] : memref<49152x128xf32, #tpu.memory_space<hbm>> -> memref<256x128xf32, #tpu.memory_space<hbm>>
    tpu.wait_dma2 semaphore(%arg16 : memref<!tpu.dma_semaphore, #tpu.memory_space<semaphore_mem>>) src(%arg10 : memref<256x128xf32, #tpu.memory_space<vmem>>) dst(%dma_wait3A_71 : memref<256x128xf32, #tpu.memory_space<hbm>>)
    %dma_start3A_72 = arith.constant 0 : i32
    %dma_start3A_73 = arith.constant 0 : i32
    %dma_start3A_74 = arith.constant 0 : i32
    %dma_start3A_75 = arith.constant 0 : i32
    %dma_start3A_76 = tpu.memref_slice %arg8[%dma_start3A_74, %dma_start3A_75] : memref<256x128xf32, #tpu.memory_space<vmem>> -> memref<128x128xf32, #tpu.memory_space<vmem>>
    %dma_start3A_77 = arith.constant 0 : i32
    %dma_start3A_78 = tpu.memref_slice %arg6[%dma_start3A_72, %dma_start3A_73, %dma_start3A_77] : memref<9x2x128xi32, #tpu.memory_space<vmem>> -> memref<1x1x128xi32, #tpu.memory_space<vmem>>
    %dma_start3A_79 = tpu.memref_squeeze %dma_start3A_78 : memref<1x1x128xi32, #tpu.memory_space<vmem>> -> memref<128xi32, #tpu.memory_space<vmem>>
    %dma_start3A_80 = arith.constant 0 : i32
    %dma_start3A_81 = arith.constant 0 : i32
    %dma_start3A_82 = tpu.memref_slice %arg2[%dma_start3A_80, %dma_start3A_81] : memref<100000x128xf32, #tpu.memory_space<hbm>> -> memref<100000x128xf32, #tpu.memory_space<hbm>>
    tpu.enqueue_indirect_dma source(%dma_start3A_82 : memref<100000x128xf32, #tpu.memory_space<hbm>>) target(%dma_start3A_76 : memref<128x128xf32, #tpu.memory_space<vmem>>) offsets(%dma_start3A_79 : memref<128xi32, #tpu.memory_space<vmem>>) semaphore(%arg11 : memref<!tpu.dma_semaphore, #tpu.memory_space<semaphore_mem>>)
    %dma_start3A_83 = arith.constant 0 : i32
    %dma_start3A_84 = arith.constant 1 : i32
    %dma_start3A_85 = arith.constant 128 : i32
    %dma_start3A_86 = arith.constant 0 : i32
    %dma_start3A_87 = tpu.memref_slice %arg8[%dma_start3A_85, %dma_start3A_86] : memref<256x128xf32, #tpu.memory_space<vmem>> -> memref<128x128xf32, #tpu.memory_space<vmem>>
    %dma_start3A_88 = arith.constant 0 : i32
    %dma_start3A_89 = tpu.memref_slice %arg6[%dma_start3A_83, %dma_start3A_84, %dma_start3A_88] : memref<9x2x128xi32, #tpu.memory_space<vmem>> -> memref<1x1x128xi32, #tpu.memory_space<vmem>>
    %dma_start3A_90 = tpu.memref_squeeze %dma_start3A_89 : memref<1x1x128xi32, #tpu.memory_space<vmem>> -> memref<128xi32, #tpu.memory_space<vmem>>
    %dma_start3A_91 = arith.constant 0 : i32
    %dma_start3A_92 = arith.constant 0 : i32
    %dma_start3A_93 = tpu.memref_slice %arg2[%dma_start3A_91, %dma_start3A_92] : memref<100000x128xf32, #tpu.memory_space<hbm>> -> memref<100000x128xf32, #tpu.memory_space<hbm>>
    tpu.enqueue_indirect_dma source(%dma_start3A_93 : memref<100000x128xf32, #tpu.memory_space<hbm>>) target(%dma_start3A_87 : memref<128x128xf32, #tpu.memory_space<vmem>>) offsets(%dma_start3A_90 : memref<128xi32, #tpu.memory_space<vmem>>) semaphore(%arg11 : memref<!tpu.dma_semaphore, #tpu.memory_space<semaphore_mem>>)
    %dma_start3A_94 = arith.constant 1 : i32
    %dma_start3A_95 = arith.constant 0 : i32
    %dma_start3A_96 = arith.constant 0 : i32
    %dma_start3A_97 = arith.constant 0 : i32
    %dma_start3A_98 = tpu.memref_slice %arg9[%dma_start3A_96, %dma_start3A_97] : memref<256x128xf32, #tpu.memory_space<vmem>> -> memref<128x128xf32, #tpu.memory_space<vmem>>
    %dma_start3A_99 = arith.constant 0 : i32
    %dma_start3A_100 = tpu.memref_slice %arg6[%dma_start3A_94, %dma_start3A_95, %dma_start3A_99] : memref<9x2x128xi32, #tpu.memory_space<vmem>> -> memref<1x1x128xi32, #tpu.memory_space<vmem>>
    %dma_start3A_101 = tpu.memref_squeeze %dma_start3A_100 : memref<1x1x128xi32, #tpu.memory_space<vmem>> -> memref<128xi32, #tpu.memory_space<vmem>>
    %dma_start3A_102 = arith.constant 0 : i32
    %dma_start3A_103 = arith.constant 0 : i32
    %dma_start3A_104 = tpu.memref_slice %arg2[%dma_start3A_102, %dma_start3A_103] : memref<100000x128xf32, #tpu.memory_space<hbm>> -> memref<100000x128xf32, #tpu.memory_space<hbm>>
    tpu.enqueue_indirect_dma source(%dma_start3A_104 : memref<100000x128xf32, #tpu.memory_space<hbm>>) target(%dma_start3A_98 : memref<128x128xf32, #tpu.memory_space<vmem>>) offsets(%dma_start3A_101 : memref<128xi32, #tpu.memory_space<vmem>>) semaphore(%arg12 : memref<!tpu.dma_semaphore, #tpu.memory_space<semaphore_mem>>)
    %dma_start3A_105 = arith.constant 1 : i32
    %dma_start3A_106 = arith.constant 1 : i32
    %dma_start3A_107 = arith.constant 128 : i32
    %dma_start3A_108 = arith.constant 0 : i32
    %dma_start3A_109 = tpu.memref_slice %arg9[%dma_start3A_107, %dma_start3A_108] : memref<256x128xf32, #tpu.memory_space<vmem>> -> memref<128x128xf32, #tpu.memory_space<vmem>>
    %dma_start3A_110 = arith.constant 0 : i32
    %dma_start3A_111 = tpu.memref_slice %arg6[%dma_start3A_105, %dma_start3A_106, %dma_start3A_110] : memref<9x2x128xi32, #tpu.memory_space<vmem>> -> memref<1x1x128xi32, #tpu.memory_space<vmem>>
    %dma_start3A_112 = tpu.memref_squeeze %dma_start3A_111 : memref<1x1x128xi32, #tpu.memory_space<vmem>> -> memref<128xi32, #tpu.memory_space<vmem>>
    %dma_start3A_113 = arith.constant 0 : i32
    %dma_start3A_114 = arith.constant 0 : i32
    %dma_start3A_115 = tpu.memref_slice %arg2[%dma_start3A_113, %dma_start3A_114] : memref<100000x128xf32, #tpu.memory_space<hbm>> -> memref<100000x128xf32, #tpu.memory_space<hbm>>
    tpu.enqueue_indirect_dma source(%dma_start3A_115 : memref<100000x128xf32, #tpu.memory_space<hbm>>) target(%dma_start3A_109 : memref<128x128xf32, #tpu.memory_space<vmem>>) offsets(%dma_start3A_112 : memref<128xi32, #tpu.memory_space<vmem>>) semaphore(%arg12 : memref<!tpu.dma_semaphore, #tpu.memory_space<semaphore_mem>>)
    %scan3A_116 = arith.constant 0 : i32
    %scan3A_117 = arith.constant 0 : i32
    %scan3A_118 = arith.constant 3 : i32
    %scan3A_119 = arith.addi %scan3A_117, %scan3A_118 : i32
    %scan3A_120 = arith.constant 1 : i32
    scf.for %scan3A_146 = %scan3A_117 to %scan3A_119 step %scan3A_120  : i32 {
      %mul3A_147 = arith.constant 3 : i32
      %mul3A_148 = arith.muli %scan3A_146, %mul3A_147 : i32
      %add3A_149 = arith.constant 0 : i32
      %add3A_150 = arith.addi %mul3A_148, %add3A_149 : i32
      %dma_wait3A_151 = arith.constant 0 : i32
      %dma_wait3A_152 = arith.constant 0 : i32
      %dma_wait3A_153 = arith.constant 0 : i32
      %dma_wait3A_154 = tpu.memref_slice %arg8[%dma_wait3A_152, %dma_wait3A_153] : memref<256x128xf32, #tpu.memory_space<vmem>> -> memref<128x128xf32, #tpu.memory_space<vmem>>
      %dma_wait3A_155 = arith.constant 0 : i32
      %dma_wait3A_156 = tpu.memref_slice %arg6[%add3A_150, %dma_wait3A_151, %dma_wait3A_155] : memref<9x2x128xi32, #tpu.memory_space<vmem>> -> memref<1x1x128xi32, #tpu.memory_space<vmem>>
      %dma_wait3A_157 = tpu.memref_squeeze %dma_wait3A_156 : memref<1x1x128xi32, #tpu.memory_space<vmem>> -> memref<128xi32, #tpu.memory_space<vmem>>
      %dma_wait3A_158 = arith.constant 0 : i32
      %dma_wait3A_159 = arith.constant 0 : i32
      %dma_wait3A_160 = tpu.memref_slice %arg2[%dma_wait3A_158, %dma_wait3A_159] : memref<100000x128xf32, #tpu.memory_space<hbm>> -> memref<100000x128xf32, #tpu.memory_space<hbm>>
      tpu.wait_indirect_dma semaphore(%arg11 : memref<!tpu.dma_semaphore, #tpu.memory_space<semaphore_mem>>) src(%dma_wait3A_160 : memref<100000x128xf32, #tpu.memory_space<hbm>>) dst(%dma_wait3A_154 : memref<128x128xf32, #tpu.memory_space<vmem>>)
      %dma_wait3A_161 = arith.constant 1 : i32
      %dma_wait3A_162 = arith.constant 128 : i32
      %dma_wait3A_163 = arith.constant 0 : i32
      %dma_wait3A_164 = tpu.memref_slice %arg8[%dma_wait3A_162, %dma_wait3A_163] : memref<256x128xf32, #tpu.memory_space<vmem>> -> memref<128x128xf32, #tpu.memory_space<vmem>>
      %dma_wait3A_165 = arith.constant 0 : i32
      %dma_wait3A_166 = tpu.memref_slice %arg6[%add3A_150, %dma_wait3A_161, %dma_wait3A_165] : memref<9x2x128xi32, #tpu.memory_space<vmem>> -> memref<1x1x128xi32, #tpu.memory_space<vmem>>
      %dma_wait3A_167 = tpu.memref_squeeze %dma_wait3A_166 : memref<1x1x128xi32, #tpu.memory_space<vmem>> -> memref<128xi32, #tpu.memory_space<vmem>>
      %dma_wait3A_168 = arith.constant 0 : i32
      %dma_wait3A_169 = arith.constant 0 : i32
      %dma_wait3A_170 = tpu.memref_slice %arg2[%dma_wait3A_168, %dma_wait3A_169] : memref<100000x128xf32, #tpu.memory_space<hbm>> -> memref<100000x128xf32, #tpu.memory_space<hbm>>
      tpu.wait_indirect_dma semaphore(%arg11 : memref<!tpu.dma_semaphore, #tpu.memory_space<semaphore_mem>>) src(%dma_wait3A_170 : memref<100000x128xf32, #tpu.memory_space<hbm>>) dst(%dma_wait3A_164 : memref<128x128xf32, #tpu.memory_space<vmem>>)
      %mul3A_171 = arith.constant 32 : i32
      %mul3A_172 = arith.muli %add3A_150, %mul3A_171 : i32
      %add3A_173 = arith.addi %mul3A_172, %add3A : i32
      %mul3A_174 = arith.constant 256 : i32
      %mul3A_175 = arith.muli %add3A_173, %mul3A_174 : i32
      %dma_start3A_176 = arith.constant 0 : i32
      %dma_start3A_177 = tpu.memref_slice %arg4[%mul3A_175, %dma_start3A_176] : memref<73728x128xf32, #tpu.memory_space<hbm>> -> memref<256x128xf32, #tpu.memory_space<hbm>>
      %dma_start3A_178 = arith.constant 0 : i32
      %dma_start3A_179 = tpu.memref_slice %arg4[%mul3A_175, %dma_start3A_178] : memref<73728x128xf32, #tpu.memory_space<hbm>> -> memref<256x128xf32, #tpu.memory_space<hbm>>
      tpu.enqueue_dma source(%arg8 : memref<256x128xf32, #tpu.memory_space<vmem>>) target(%dma_start3A_179 : memref<256x128xf32, #tpu.memory_space<hbm>>) target_semaphore(%arg14 : memref<!tpu.dma_semaphore, #tpu.memory_space<semaphore_mem>>)
      %eq3A = arith.constant 0 : i32
      %eq3A_180 = arith.cmpi eq, %add3A_150, %eq3A : i32
      %convert_element_type3A = arith.extui %eq3A_180 : i1 to i32
      %cond3A = arith.constant 0 : i32
      %cond3A_181 = arith.cmpi ne, %convert_element_type3A, %cond3A : i32
      scf.if %cond3A_181 {
        %dma_start3A_285 = arith.constant 2 : i32
        %dma_start3A_286 = arith.constant 0 : i32
        %dma_start3A_287 = arith.constant 0 : i32
        %dma_start3A_288 = arith.constant 0 : i32
        %dma_start3A_289 = tpu.memref_slice %arg10[%dma_start3A_287, %dma_start3A_288] : memref<256x128xf32, #tpu.memory_space<vmem>> -> memref<128x128xf32, #tpu.memory_space<vmem>>
        %dma_start3A_290 = arith.constant 0 : i32
        %dma_start3A_291 = tpu.memref_slice %arg6[%dma_start3A_285, %dma_start3A_286, %dma_start3A_290] : memref<9x2x128xi32, #tpu.memory_space<vmem>> -> memref<1x1x128xi32, #tpu.memory_space<vmem>>
        %dma_start3A_292 = tpu.memref_squeeze %dma_start3A_291 : memref<1x1x128xi32, #tpu.memory_space<vmem>> -> memref<128xi32, #tpu.memory_space<vmem>>
        %dma_start3A_293 = arith.constant 0 : i32
        %dma_start3A_294 = arith.constant 0 : i32
        %dma_start3A_295 = tpu.memref_slice %arg2[%dma_start3A_293, %dma_start3A_294] : memref<100000x128xf32, #tpu.memory_space<hbm>> -> memref<100000x128xf32, #tpu.memory_space<hbm>>
        tpu.enqueue_indirect_dma source(%dma_start3A_295 : memref<100000x128xf32, #tpu.memory_space<hbm>>) target(%dma_start3A_289 : memref<128x128xf32, #tpu.memory_space<vmem>>) offsets(%dma_start3A_292 : memref<128xi32, #tpu.memory_space<vmem>>) semaphore(%arg13 : memref<!tpu.dma_semaphore, #tpu.memory_space<semaphore_mem>>)
        %dma_start3A_296 = arith.constant 2 : i32
        %dma_start3A_297 = arith.constant 1 : i32
        %dma_start3A_298 = arith.constant 128 : i32
        %dma_start3A_299 = arith.constant 0 : i32
        %dma_start3A_300 = tpu.memref_slice %arg10[%dma_start3A_298, %dma_start3A_299] : memref<256x128xf32, #tpu.memory_space<vmem>> -> memref<128x128xf32, #tpu.memory_space<vmem>>
        %dma_start3A_301 = arith.constant 0 : i32
        %dma_start3A_302 = tpu.memref_slice %arg6[%dma_start3A_296, %dma_start3A_297, %dma_start3A_301] : memref<9x2x128xi32, #tpu.memory_space<vmem>> -> memref<1x1x128xi32, #tpu.memory_space<vmem>>
        %dma_start3A_303 = tpu.memref_squeeze %dma_start3A_302 : memref<1x1x128xi32, #tpu.memory_space<vmem>> -> memref<128xi32, #tpu.memory_space<vmem>>
        %dma_start3A_304 = arith.constant 0 : i32
        %dma_start3A_305 = arith.constant 0 : i32
        %dma_start3A_306 = tpu.memref_slice %arg2[%dma_start3A_304, %dma_start3A_305] : memref<100000x128xf32, #tpu.memory_space<hbm>> -> memref<100000x128xf32, #tpu.memory_space<hbm>>
        tpu.enqueue_indirect_dma source(%dma_start3A_306 : memref<100000x128xf32, #tpu.memory_space<hbm>>) target(%dma_start3A_300 : memref<128x128xf32, #tpu.memory_space<vmem>>) offsets(%dma_start3A_303 : memref<128xi32, #tpu.memory_space<vmem>>) semaphore(%arg13 : memref<!tpu.dma_semaphore, #tpu.memory_space<semaphore_mem>>)
      } else {
      }
      %ge3A = arith.constant 1 : i32
      %ge3A_182 = arith.cmpi sge, %add3A_150, %ge3A : i32
      %add3A_183 = arith.constant 2 : i32
      %add3A_184 = arith.addi %add3A_150, %add3A_183 : i32
      %lt3A = arith.constant 9 : i32
      %lt3A_185 = arith.cmpi slt, %add3A_184, %lt3A : i32
      %and3A = arith.andi %ge3A_182, %lt3A_185 : i1
      %convert_element_type3A_186 = arith.extui %and3A : i1 to i32
      %cond3A_187 = arith.constant 0 : i32
      %cond3A_188 = arith.cmpi ne, %convert_element_type3A_186, %cond3A_187 : i32
      scf.if %cond3A_188 {
        %sub3A = arith.constant 1 : i32
        %sub3A_285 = arith.subi %add3A_150, %sub3A : i32
        %mul3A_286 = arith.constant 32 : i32
        %mul3A_287 = arith.muli %sub3A_285, %mul3A_286 : i32
        %add3A_288 = arith.addi %mul3A_287, %add3A : i32
        %mul3A_289 = arith.constant 256 : i32
        %mul3A_290 = arith.muli %add3A_288, %mul3A_289 : i32
        %dma_wait3A_291 = arith.constant 0 : i32
        %dma_wait3A_292 = tpu.memref_slice %arg4[%mul3A_290, %dma_wait3A_291] : memref<73728x128xf32, #tpu.memory_space<hbm>> -> memref<256x128xf32, #tpu.memory_space<hbm>>
        %dma_wait3A_293 = arith.constant 0 : i32
        %dma_wait3A_294 = tpu.memref_slice %arg4[%mul3A_290, %dma_wait3A_293] : memref<73728x128xf32, #tpu.memory_space<hbm>> -> memref<256x128xf32, #tpu.memory_space<hbm>>
        tpu.wait_dma2 semaphore(%arg16 : memref<!tpu.dma_semaphore, #tpu.memory_space<semaphore_mem>>) src(%arg10 : memref<256x128xf32, #tpu.memory_space<vmem>>) dst(%dma_wait3A_294 : memref<256x128xf32, #tpu.memory_space<hbm>>)
        %add3A_295 = arith.constant 2 : i32
        %add3A_296 = arith.addi %add3A_150, %add3A_295 : i32
        %dma_start3A_297 = arith.constant 0 : i32
        %dma_start3A_298 = arith.constant 0 : i32
        %dma_start3A_299 = arith.constant 0 : i32
        %dma_start3A_300 = tpu.memref_slice %arg10[%dma_start3A_298, %dma_start3A_299] : memref<256x128xf32, #tpu.memory_space<vmem>> -> memref<128x128xf32, #tpu.memory_space<vmem>>
        %dma_start3A_301 = arith.constant 0 : i32
        %dma_start3A_302 = tpu.memref_slice %arg6[%add3A_296, %dma_start3A_297, %dma_start3A_301] : memref<9x2x128xi32, #tpu.memory_space<vmem>> -> memref<1x1x128xi32, #tpu.memory_space<vmem>>
        %dma_start3A_303 = tpu.memref_squeeze %dma_start3A_302 : memref<1x1x128xi32, #tpu.memory_space<vmem>> -> memref<128xi32, #tpu.memory_space<vmem>>
        %dma_start3A_304 = arith.constant 0 : i32
        %dma_start3A_305 = arith.constant 0 : i32
        %dma_start3A_306 = tpu.memref_slice %arg2[%dma_start3A_304, %dma_start3A_305] : memref<100000x128xf32, #tpu.memory_space<hbm>> -> memref<100000x128xf32, #tpu.memory_space<hbm>>
        tpu.enqueue_indirect_dma source(%dma_start3A_306 : memref<100000x128xf32, #tpu.memory_space<hbm>>) target(%dma_start3A_300 : memref<128x128xf32, #tpu.memory_space<vmem>>) offsets(%dma_start3A_303 : memref<128xi32, #tpu.memory_space<vmem>>) semaphore(%arg13 : memref<!tpu.dma_semaphore, #tpu.memory_space<semaphore_mem>>)
        %dma_start3A_307 = arith.constant 1 : i32
        %dma_start3A_308 = arith.constant 128 : i32
        %dma_start3A_309 = arith.constant 0 : i32
        %dma_start3A_310 = tpu.memref_slice %arg10[%dma_start3A_308, %dma_start3A_309] : memref<256x128xf32, #tpu.memory_space<vmem>> -> memref<128x128xf32, #tpu.memory_space<vmem>>
        %dma_start3A_311 = arith.constant 0 : i32
        %dma_start3A_312 = tpu.memref_slice %arg6[%add3A_296, %dma_start3A_307, %dma_start3A_311] : memref<9x2x128xi32, #tpu.memory_space<vmem>> -> memref<1x1x128xi32, #tpu.memory_space<vmem>>
        %dma_start3A_313 = tpu.memref_squeeze %dma_start3A_312 : memref<1x1x128xi32, #tpu.memory_space<vmem>> -> memref<128xi32, #tpu.memory_space<vmem>>
        %dma_start3A_314 = arith.constant 0 : i32
        %dma_start3A_315 = arith.constant 0 : i32
        %dma_start3A_316 = tpu.memref_slice %arg2[%dma_start3A_314, %dma_start3A_315] : memref<100000x128xf32, #tpu.memory_space<hbm>> -> memref<100000x128xf32, #tpu.memory_space<hbm>>
        tpu.enqueue_indirect_dma source(%dma_start3A_316 : memref<100000x128xf32, #tpu.memory_space<hbm>>) target(%dma_start3A_310 : memref<128x128xf32, #tpu.memory_space<vmem>>) offsets(%dma_start3A_313 : memref<128xi32, #tpu.memory_space<vmem>>) semaphore(%arg13 : memref<!tpu.dma_semaphore, #tpu.memory_space<semaphore_mem>>)
      } else {
      }
      %mul3A_189 = arith.constant 3 : i32
      %mul3A_190 = arith.muli %scan3A_146, %mul3A_189 : i32
      %add3A_191 = arith.constant 1 : i32
      %add3A_192 = arith.addi %mul3A_190, %add3A_191 : i32
      %dma_wait3A_193 = arith.constant 0 : i32
      %dma_wait3A_194 = arith.constant 0 : i32
      %dma_wait3A_195 = arith.constant 0 : i32
      %dma_wait3A_196 = tpu.memref_slice %arg9[%dma_wait3A_194, %dma_wait3A_195] : memref<256x128xf32, #tpu.memory_space<vmem>> -> memref<128x128xf32, #tpu.memory_space<vmem>>
      %dma_wait3A_197 = arith.constant 0 : i32
      %dma_wait3A_198 = tpu.memref_slice %arg6[%add3A_192, %dma_wait3A_193, %dma_wait3A_197] : memref<9x2x128xi32, #tpu.memory_space<vmem>> -> memref<1x1x128xi32, #tpu.memory_space<vmem>>
      %dma_wait3A_199 = tpu.memref_squeeze %dma_wait3A_198 : memref<1x1x128xi32, #tpu.memory_space<vmem>> -> memref<128xi32, #tpu.memory_space<vmem>>
      %dma_wait3A_200 = arith.constant 0 : i32
      %dma_wait3A_201 = arith.constant 0 : i32
      %dma_wait3A_202 = tpu.memref_slice %arg2[%dma_wait3A_200, %dma_wait3A_201] : memref<100000x128xf32, #tpu.memory_space<hbm>> -> memref<100000x128xf32, #tpu.memory_space<hbm>>
      tpu.wait_indirect_dma semaphore(%arg12 : memref<!tpu.dma_semaphore, #tpu.memory_space<semaphore_mem>>) src(%dma_wait3A_202 : memref<100000x128xf32, #tpu.memory_space<hbm>>) dst(%dma_wait3A_196 : memref<128x128xf32, #tpu.memory_space<vmem>>)
      %dma_wait3A_203 = arith.constant 1 : i32
      %dma_wait3A_204 = arith.constant 128 : i32
      %dma_wait3A_205 = arith.constant 0 : i32
      %dma_wait3A_206 = tpu.memref_slice %arg9[%dma_wait3A_204, %dma_wait3A_205] : memref<256x128xf32, #tpu.memory_space<vmem>> -> memref<128x128xf32, #tpu.memory_space<vmem>>
      %dma_wait3A_207 = arith.constant 0 : i32
      %dma_wait3A_208 = tpu.memref_slice %arg6[%add3A_192, %dma_wait3A_203, %dma_wait3A_207] : memref<9x2x128xi32, #tpu.memory_space<vmem>> -> memref<1x1x128xi32, #tpu.memory_space<vmem>>
      %dma_wait3A_209 = tpu.memref_squeeze %dma_wait3A_208 : memref<1x1x128xi32, #tpu.memory_space<vmem>> -> memref<128xi32, #tpu.memory_space<vmem>>
      %dma_wait3A_210 = arith.constant 0 : i32
      %dma_wait3A_211 = arith.constant 0 : i32
      %dma_wait3A_212 = tpu.memref_slice %arg2[%dma_wait3A_210, %dma_wait3A_211] : memref<100000x128xf32, #tpu.memory_space<hbm>> -> memref<100000x128xf32, #tpu.memory_space<hbm>>
      tpu.wait_indirect_dma semaphore(%arg12 : memref<!tpu.dma_semaphore, #tpu.memory_space<semaphore_mem>>) src(%dma_wait3A_212 : memref<100000x128xf32, #tpu.memory_space<hbm>>) dst(%dma_wait3A_206 : memref<128x128xf32, #tpu.memory_space<vmem>>)
      %mul3A_213 = arith.constant 32 : i32
      %mul3A_214 = arith.muli %add3A_192, %mul3A_213 : i32
      %add3A_215 = arith.addi %mul3A_214, %add3A : i32
      %mul3A_216 = arith.constant 256 : i32
      %mul3A_217 = arith.muli %add3A_215, %mul3A_216 : i32
      %dma_start3A_218 = arith.constant 0 : i32
      %dma_start3A_219 = tpu.memref_slice %arg4[%mul3A_217, %dma_start3A_218] : memref<73728x128xf32, #tpu.memory_space<hbm>> -> memref<256x128xf32, #tpu.memory_space<hbm>>
      %dma_start3A_220 = arith.constant 0 : i32
      %dma_start3A_221 = tpu.memref_slice %arg4[%mul3A_217, %dma_start3A_220] : memref<73728x128xf32, #tpu.memory_space<hbm>> -> memref<256x128xf32, #tpu.memory_space<hbm>>
      tpu.enqueue_dma source(%arg9 : memref<256x128xf32, #tpu.memory_space<vmem>>) target(%dma_start3A_221 : memref<256x128xf32, #tpu.memory_space<hbm>>) target_semaphore(%arg15 : memref<!tpu.dma_semaphore, #tpu.memory_space<semaphore_mem>>)
      %eq3A_222 = arith.constant 0 : i32
      %eq3A_223 = arith.cmpi eq, %add3A_192, %eq3A_222 : i32
      %convert_element_type3A_224 = arith.extui %eq3A_223 : i1 to i32
      %cond3A_225 = arith.constant 0 : i32
      %cond3A_226 = arith.cmpi ne, %convert_element_type3A_224, %cond3A_225 : i32
      scf.if %cond3A_226 {
        %dma_start3A_285 = arith.constant 2 : i32
        %dma_start3A_286 = arith.constant 0 : i32
        %dma_start3A_287 = arith.constant 0 : i32
        %dma_start3A_288 = arith.constant 0 : i32
        %dma_start3A_289 = tpu.memref_slice %arg10[%dma_start3A_287, %dma_start3A_288] : memref<256x128xf32, #tpu.memory_space<vmem>> -> memref<128x128xf32, #tpu.memory_space<vmem>>
        %dma_start3A_290 = arith.constant 0 : i32
        %dma_start3A_291 = tpu.memref_slice %arg6[%dma_start3A_285, %dma_start3A_286, %dma_start3A_290] : memref<9x2x128xi32, #tpu.memory_space<vmem>> -> memref<1x1x128xi32, #tpu.memory_space<vmem>>
        %dma_start3A_292 = tpu.memref_squeeze %dma_start3A_291 : memref<1x1x128xi32, #tpu.memory_space<vmem>> -> memref<128xi32, #tpu.memory_space<vmem>>
        %dma_start3A_293 = arith.constant 0 : i32
        %dma_start3A_294 = arith.constant 0 : i32
        %dma_start3A_295 = tpu.memref_slice %arg2[%dma_start3A_293, %dma_start3A_294] : memref<100000x128xf32, #tpu.memory_space<hbm>> -> memref<100000x128xf32, #tpu.memory_space<hbm>>
        tpu.enqueue_indirect_dma source(%dma_start3A_295 : memref<100000x128xf32, #tpu.memory_space<hbm>>) target(%dma_start3A_289 : memref<128x128xf32, #tpu.memory_space<vmem>>) offsets(%dma_start3A_292 : memref<128xi32, #tpu.memory_space<vmem>>) semaphore(%arg13 : memref<!tpu.dma_semaphore, #tpu.memory_space<semaphore_mem>>)
        %dma_start3A_296 = arith.constant 2 : i32
        %dma_start3A_297 = arith.constant 1 : i32
        %dma_start3A_298 = arith.constant 128 : i32
        %dma_start3A_299 = arith.constant 0 : i32
        %dma_start3A_300 = tpu.memref_slice %arg10[%dma_start3A_298, %dma_start3A_299] : memref<256x128xf32, #tpu.memory_space<vmem>> -> memref<128x128xf32, #tpu.memory_space<vmem>>
        %dma_start3A_301 = arith.constant 0 : i32
        %dma_start3A_302 = tpu.memref_slice %arg6[%dma_start3A_296, %dma_start3A_297, %dma_start3A_301] : memref<9x2x128xi32, #tpu.memory_space<vmem>> -> memref<1x1x128xi32, #tpu.memory_space<vmem>>
        %dma_start3A_303 = tpu.memref_squeeze %dma_start3A_302 : memref<1x1x128xi32, #tpu.memory_space<vmem>> -> memref<128xi32, #tpu.memory_space<vmem>>
        %dma_start3A_304 = arith.constant 0 : i32
        %dma_start3A_305 = arith.constant 0 : i32
        %dma_start3A_306 = tpu.memref_slice %arg2[%dma_start3A_304, %dma_start3A_305] : memref<100000x128xf32, #tpu.memory_space<hbm>> -> memref<100000x128xf32, #tpu.memory_space<hbm>>
        tpu.enqueue_indirect_dma source(%dma_start3A_306 : memref<100000x128xf32, #tpu.memory_space<hbm>>) target(%dma_start3A_300 : memref<128x128xf32, #tpu.memory_space<vmem>>) offsets(%dma_start3A_303 : memref<128xi32, #tpu.memory_space<vmem>>) semaphore(%arg13 : memref<!tpu.dma_semaphore, #tpu.memory_space<semaphore_mem>>)
      } else {
      }
      %ge3A_227 = arith.constant 1 : i32
      %ge3A_228 = arith.cmpi sge, %add3A_192, %ge3A_227 : i32
      %add3A_229 = arith.constant 2 : i32
      %add3A_230 = arith.addi %add3A_192, %add3A_229 : i32
      %lt3A_231 = arith.constant 9 : i32
      %lt3A_232 = arith.cmpi slt, %add3A_230, %lt3A_231 : i32
      %and3A_233 = arith.andi %ge3A_228, %lt3A_232 : i1
      %convert_element_type3A_234 = arith.extui %and3A_233 : i1 to i32
      %cond3A_235 = arith.constant 0 : i32
      %cond3A_236 = arith.cmpi ne, %convert_element_type3A_234, %cond3A_235 : i32
      scf.if %cond3A_236 {
        %sub3A = arith.constant 1 : i32
        %sub3A_285 = arith.subi %add3A_192, %sub3A : i32
        %mul3A_286 = arith.constant 32 : i32
        %mul3A_287 = arith.muli %sub3A_285, %mul3A_286 : i32
        %add3A_288 = arith.addi %mul3A_287, %add3A : i32
        %mul3A_289 = arith.constant 256 : i32
        %mul3A_290 = arith.muli %add3A_288, %mul3A_289 : i32
        %dma_wait3A_291 = arith.constant 0 : i32
        %dma_wait3A_292 = tpu.memref_slice %arg4[%mul3A_290, %dma_wait3A_291] : memref<73728x128xf32, #tpu.memory_space<hbm>> -> memref<256x128xf32, #tpu.memory_space<hbm>>
        %dma_wait3A_293 = arith.constant 0 : i32
        %dma_wait3A_294 = tpu.memref_slice %arg4[%mul3A_290, %dma_wait3A_293] : memref<73728x128xf32, #tpu.memory_space<hbm>> -> memref<256x128xf32, #tpu.memory_space<hbm>>
        tpu.wait_dma2 semaphore(%arg14 : memref<!tpu.dma_semaphore, #tpu.memory_space<semaphore_mem>>) src(%arg8 : memref<256x128xf32, #tpu.memory_space<vmem>>) dst(%dma_wait3A_294 : memref<256x128xf32, #tpu.memory_space<hbm>>)
        %add3A_295 = arith.constant 2 : i32
        %add3A_296 = arith.addi %add3A_192, %add3A_295 : i32
        %dma_start3A_297 = arith.constant 0 : i32
        %dma_start3A_298 = arith.constant 0 : i32
        %dma_start3A_299 = arith.constant 0 : i32
        %dma_start3A_300 = tpu.memref_slice %arg8[%dma_start3A_298, %dma_start3A_299] : memref<256x128xf32, #tpu.memory_space<vmem>> -> memref<128x128xf32, #tpu.memory_space<vmem>>
        %dma_start3A_301 = arith.constant 0 : i32
        %dma_start3A_302 = tpu.memref_slice %arg6[%add3A_296, %dma_start3A_297, %dma_start3A_301] : memref<9x2x128xi32, #tpu.memory_space<vmem>> -> memref<1x1x128xi32, #tpu.memory_space<vmem>>
        %dma_start3A_303 = tpu.memref_squeeze %dma_start3A_302 : memref<1x1x128xi32, #tpu.memory_space<vmem>> -> memref<128xi32, #tpu.memory_space<vmem>>
        %dma_start3A_304 = arith.constant 0 : i32
        %dma_start3A_305 = arith.constant 0 : i32
        %dma_start3A_306 = tpu.memref_slice %arg2[%dma_start3A_304, %dma_start3A_305] : memref<100000x128xf32, #tpu.memory_space<hbm>> -> memref<100000x128xf32, #tpu.memory_space<hbm>>
        tpu.enqueue_indirect_dma source(%dma_start3A_306 : memref<100000x128xf32, #tpu.memory_space<hbm>>) target(%dma_start3A_300 : memref<128x128xf32, #tpu.memory_space<vmem>>) offsets(%dma_start3A_303 : memref<128xi32, #tpu.memory_space<vmem>>) semaphore(%arg11 : memref<!tpu.dma_semaphore, #tpu.memory_space<semaphore_mem>>)
        %dma_start3A_307 = arith.constant 1 : i32
        %dma_start3A_308 = arith.constant 128 : i32
        %dma_start3A_309 = arith.constant 0 : i32
        %dma_start3A_310 = tpu.memref_slice %arg8[%dma_start3A_308, %dma_start3A_309] : memref<256x128xf32, #tpu.memory_space<vmem>> -> memref<128x128xf32, #tpu.memory_space<vmem>>
        %dma_start3A_311 = arith.constant 0 : i32
        %dma_start3A_312 = tpu.memref_slice %arg6[%add3A_296, %dma_start3A_307, %dma_start3A_311] : memref<9x2x128xi32, #tpu.memory_space<vmem>> -> memref<1x1x128xi32, #tpu.memory_space<vmem>>
        %dma_start3A_313 = tpu.memref_squeeze %dma_start3A_312 : memref<1x1x128xi32, #tpu.memory_space<vmem>> -> memref<128xi32, #tpu.memory_space<vmem>>
        %dma_start3A_314 = arith.constant 0 : i32
        %dma_start3A_315 = arith.constant 0 : i32
        %dma_start3A_316 = tpu.memref_slice %arg2[%dma_start3A_314, %dma_start3A_315] : memref<100000x128xf32, #tpu.memory_space<hbm>> -> memref<100000x128xf32, #tpu.memory_space<hbm>>
        tpu.enqueue_indirect_dma source(%dma_start3A_316 : memref<100000x128xf32, #tpu.memory_space<hbm>>) target(%dma_start3A_310 : memref<128x128xf32, #tpu.memory_space<vmem>>) offsets(%dma_start3A_313 : memref<128xi32, #tpu.memory_space<vmem>>) semaphore(%arg11 : memref<!tpu.dma_semaphore, #tpu.memory_space<semaphore_mem>>)
      } else {
      }
      %mul3A_237 = arith.constant 3 : i32
      %mul3A_238 = arith.muli %scan3A_146, %mul3A_237 : i32
      %add3A_239 = arith.constant 2 : i32
      %add3A_240 = arith.addi %mul3A_238, %add3A_239 : i32
      %dma_wait3A_241 = arith.constant 0 : i32
      %dma_wait3A_242 = arith.constant 0 : i32
      %dma_wait3A_243 = arith.constant 0 : i32
      %dma_wait3A_244 = tpu.memref_slice %arg10[%dma_wait3A_242, %dma_wait3A_243] : memref<256x128xf32, #tpu.memory_space<vmem>> -> memref<128x128xf32, #tpu.memory_space<vmem>>
      %dma_wait3A_245 = arith.constant 0 : i32
      %dma_wait3A_246 = tpu.memref_slice %arg6[%add3A_240, %dma_wait3A_241, %dma_wait3A_245] : memref<9x2x128xi32, #tpu.memory_space<vmem>> -> memref<1x1x128xi32, #tpu.memory_space<vmem>>
      %dma_wait3A_247 = tpu.memref_squeeze %dma_wait3A_246 : memref<1x1x128xi32, #tpu.memory_space<vmem>> -> memref<128xi32, #tpu.memory_space<vmem>>
      %dma_wait3A_248 = arith.constant 0 : i32
      %dma_wait3A_249 = arith.constant 0 : i32
      %dma_wait3A_250 = tpu.memref_slice %arg2[%dma_wait3A_248, %dma_wait3A_249] : memref<100000x128xf32, #tpu.memory_space<hbm>> -> memref<100000x128xf32, #tpu.memory_space<hbm>>
      tpu.wait_indirect_dma semaphore(%arg13 : memref<!tpu.dma_semaphore, #tpu.memory_space<semaphore_mem>>) src(%dma_wait3A_250 : memref<100000x128xf32, #tpu.memory_space<hbm>>) dst(%dma_wait3A_244 : memref<128x128xf32, #tpu.memory_space<vmem>>)
      %dma_wait3A_251 = arith.constant 1 : i32
      %dma_wait3A_252 = arith.constant 128 : i32
      %dma_wait3A_253 = arith.constant 0 : i32
      %dma_wait3A_254 = tpu.memref_slice %arg10[%dma_wait3A_252, %dma_wait3A_253] : memref<256x128xf32, #tpu.memory_space<vmem>> -> memref<128x128xf32, #tpu.memory_space<vmem>>
      %dma_wait3A_255 = arith.constant 0 : i32
      %dma_wait3A_256 = tpu.memref_slice %arg6[%add3A_240, %dma_wait3A_251, %dma_wait3A_255] : memref<9x2x128xi32, #tpu.memory_space<vmem>> -> memref<1x1x128xi32, #tpu.memory_space<vmem>>
      %dma_wait3A_257 = tpu.memref_squeeze %dma_wait3A_256 : memref<1x1x128xi32, #tpu.memory_space<vmem>> -> memref<128xi32, #tpu.memory_space<vmem>>
      %dma_wait3A_258 = arith.constant 0 : i32
      %dma_wait3A_259 = arith.constant 0 : i32
      %dma_wait3A_260 = tpu.memref_slice %arg2[%dma_wait3A_258, %dma_wait3A_259] : memref<100000x128xf32, #tpu.memory_space<hbm>> -> memref<100000x128xf32, #tpu.memory_space<hbm>>
      tpu.wait_indirect_dma semaphore(%arg13 : memref<!tpu.dma_semaphore, #tpu.memory_space<semaphore_mem>>) src(%dma_wait3A_260 : memref<100000x128xf32, #tpu.memory_space<hbm>>) dst(%dma_wait3A_254 : memref<128x128xf32, #tpu.memory_space<vmem>>)
      %mul3A_261 = arith.constant 32 : i32
      %mul3A_262 = arith.muli %add3A_240, %mul3A_261 : i32
      %add3A_263 = arith.addi %mul3A_262, %add3A : i32
      %mul3A_264 = arith.constant 256 : i32
      %mul3A_265 = arith.muli %add3A_263, %mul3A_264 : i32
      %dma_start3A_266 = arith.constant 0 : i32
      %dma_start3A_267 = tpu.memref_slice %arg4[%mul3A_265, %dma_start3A_266] : memref<73728x128xf32, #tpu.memory_space<hbm>> -> memref<256x128xf32, #tpu.memory_space<hbm>>
      %dma_start3A_268 = arith.constant 0 : i32
      %dma_start3A_269 = tpu.memref_slice %arg4[%mul3A_265, %dma_start3A_268] : memref<73728x128xf32, #tpu.memory_space<hbm>> -> memref<256x128xf32, #tpu.memory_space<hbm>>
      tpu.enqueue_dma source(%arg10 : memref<256x128xf32, #tpu.memory_space<vmem>>) target(%dma_start3A_269 : memref<256x128xf32, #tpu.memory_space<hbm>>) target_semaphore(%arg16 : memref<!tpu.dma_semaphore, #tpu.memory_space<semaphore_mem>>)
      %eq3A_270 = arith.constant 0 : i32
      %eq3A_271 = arith.cmpi eq, %add3A_240, %eq3A_270 : i32
      %convert_element_type3A_272 = arith.extui %eq3A_271 : i1 to i32
      %cond3A_273 = arith.constant 0 : i32
      %cond3A_274 = arith.cmpi ne, %convert_element_type3A_272, %cond3A_273 : i32
      scf.if %cond3A_274 {
        %dma_start3A_285 = arith.constant 2 : i32
        %dma_start3A_286 = arith.constant 0 : i32
        %dma_start3A_287 = arith.constant 0 : i32
        %dma_start3A_288 = arith.constant 0 : i32
        %dma_start3A_289 = tpu.memref_slice %arg10[%dma_start3A_287, %dma_start3A_288] : memref<256x128xf32, #tpu.memory_space<vmem>> -> memref<128x128xf32, #tpu.memory_space<vmem>>
        %dma_start3A_290 = arith.constant 0 : i32
        %dma_start3A_291 = tpu.memref_slice %arg6[%dma_start3A_285, %dma_start3A_286, %dma_start3A_290] : memref<9x2x128xi32, #tpu.memory_space<vmem>> -> memref<1x1x128xi32, #tpu.memory_space<vmem>>
        %dma_start3A_292 = tpu.memref_squeeze %dma_start3A_291 : memref<1x1x128xi32, #tpu.memory_space<vmem>> -> memref<128xi32, #tpu.memory_space<vmem>>
        %dma_start3A_293 = arith.constant 0 : i32
        %dma_start3A_294 = arith.constant 0 : i32
        %dma_start3A_295 = tpu.memref_slice %arg2[%dma_start3A_293, %dma_start3A_294] : memref<100000x128xf32, #tpu.memory_space<hbm>> -> memref<100000x128xf32, #tpu.memory_space<hbm>>
        tpu.enqueue_indirect_dma source(%dma_start3A_295 : memref<100000x128xf32, #tpu.memory_space<hbm>>) target(%dma_start3A_289 : memref<128x128xf32, #tpu.memory_space<vmem>>) offsets(%dma_start3A_292 : memref<128xi32, #tpu.memory_space<vmem>>) semaphore(%arg13 : memref<!tpu.dma_semaphore, #tpu.memory_space<semaphore_mem>>)
        %dma_start3A_296 = arith.constant 2 : i32
        %dma_start3A_297 = arith.constant 1 : i32
        %dma_start3A_298 = arith.constant 128 : i32
        %dma_start3A_299 = arith.constant 0 : i32
        %dma_start3A_300 = tpu.memref_slice %arg10[%dma_start3A_298, %dma_start3A_299] : memref<256x128xf32, #tpu.memory_space<vmem>> -> memref<128x128xf32, #tpu.memory_space<vmem>>
        %dma_start3A_301 = arith.constant 0 : i32
        %dma_start3A_302 = tpu.memref_slice %arg6[%dma_start3A_296, %dma_start3A_297, %dma_start3A_301] : memref<9x2x128xi32, #tpu.memory_space<vmem>> -> memref<1x1x128xi32, #tpu.memory_space<vmem>>
        %dma_start3A_303 = tpu.memref_squeeze %dma_start3A_302 : memref<1x1x128xi32, #tpu.memory_space<vmem>> -> memref<128xi32, #tpu.memory_space<vmem>>
        %dma_start3A_304 = arith.constant 0 : i32
        %dma_start3A_305 = arith.constant 0 : i32
        %dma_start3A_306 = tpu.memref_slice %arg2[%dma_start3A_304, %dma_start3A_305] : memref<100000x128xf32, #tpu.memory_space<hbm>> -> memref<100000x128xf32, #tpu.memory_space<hbm>>
        tpu.enqueue_indirect_dma source(%dma_start3A_306 : memref<100000x128xf32, #tpu.memory_space<hbm>>) target(%dma_start3A_300 : memref<128x128xf32, #tpu.memory_space<vmem>>) offsets(%dma_start3A_303 : memref<128xi32, #tpu.memory_space<vmem>>) semaphore(%arg13 : memref<!tpu.dma_semaphore, #tpu.memory_space<semaphore_mem>>)
      } else {
      }
      %ge3A_275 = arith.constant 1 : i32
      %ge3A_276 = arith.cmpi sge, %add3A_240, %ge3A_275 : i32
      %add3A_277 = arith.constant 2 : i32
      %add3A_278 = arith.addi %add3A_240, %add3A_277 : i32
      %lt3A_279 = arith.constant 9 : i32
      %lt3A_280 = arith.cmpi slt, %add3A_278, %lt3A_279 : i32
      %and3A_281 = arith.andi %ge3A_276, %lt3A_280 : i1
      %convert_element_type3A_282 = arith.extui %and3A_281 : i1 to i32
      %cond3A_283 = arith.constant 0 : i32
      %cond3A_284 = arith.cmpi ne, %convert_element_type3A_282, %cond3A_283 : i32
      scf.if %cond3A_284 {
        %sub3A = arith.constant 1 : i32
        %sub3A_285 = arith.subi %add3A_240, %sub3A : i32
        %mul3A_286 = arith.constant 32 : i32
        %mul3A_287 = arith.muli %sub3A_285, %mul3A_286 : i32
        %add3A_288 = arith.addi %mul3A_287, %add3A : i32
        %mul3A_289 = arith.constant 256 : i32
        %mul3A_290 = arith.muli %add3A_288, %mul3A_289 : i32
        %dma_wait3A_291 = arith.constant 0 : i32
        %dma_wait3A_292 = tpu.memref_slice %arg4[%mul3A_290, %dma_wait3A_291] : memref<73728x128xf32, #tpu.memory_space<hbm>> -> memref<256x128xf32, #tpu.memory_space<hbm>>
        %dma_wait3A_293 = arith.constant 0 : i32
        %dma_wait3A_294 = tpu.memref_slice %arg4[%mul3A_290, %dma_wait3A_293] : memref<73728x128xf32, #tpu.memory_space<hbm>> -> memref<256x128xf32, #tpu.memory_space<hbm>>
        tpu.wait_dma2 semaphore(%arg15 : memref<!tpu.dma_semaphore, #tpu.memory_space<semaphore_mem>>) src(%arg9 : memref<256x128xf32, #tpu.memory_space<vmem>>) dst(%dma_wait3A_294 : memref<256x128xf32, #tpu.memory_space<hbm>>)
        %add3A_295 = arith.constant 2 : i32
        %add3A_296 = arith.addi %add3A_240, %add3A_295 : i32
        %dma_start3A_297 = arith.constant 0 : i32
        %dma_start3A_298 = arith.constant 0 : i32
        %dma_start3A_299 = arith.constant 0 : i32
        %dma_start3A_300 = tpu.memref_slice %arg9[%dma_start3A_298, %dma_start3A_299] : memref<256x128xf32, #tpu.memory_space<vmem>> -> memref<128x128xf32, #tpu.memory_space<vmem>>
        %dma_start3A_301 = arith.constant 0 : i32
        %dma_start3A_302 = tpu.memref_slice %arg6[%add3A_296, %dma_start3A_297, %dma_start3A_301] : memref<9x2x128xi32, #tpu.memory_space<vmem>> -> memref<1x1x128xi32, #tpu.memory_space<vmem>>
        %dma_start3A_303 = tpu.memref_squeeze %dma_start3A_302 : memref<1x1x128xi32, #tpu.memory_space<vmem>> -> memref<128xi32, #tpu.memory_space<vmem>>
        %dma_start3A_304 = arith.constant 0 : i32
        %dma_start3A_305 = arith.constant 0 : i32
        %dma_start3A_306 = tpu.memref_slice %arg2[%dma_start3A_304, %dma_start3A_305] : memref<100000x128xf32, #tpu.memory_space<hbm>> -> memref<100000x128xf32, #tpu.memory_space<hbm>>
        tpu.enqueue_indirect_dma source(%dma_start3A_306 : memref<100000x128xf32, #tpu.memory_space<hbm>>) target(%dma_start3A_300 : memref<128x128xf32, #tpu.memory_space<vmem>>) offsets(%dma_start3A_303 : memref<128xi32, #tpu.memory_space<vmem>>) semaphore(%arg12 : memref<!tpu.dma_semaphore, #tpu.memory_space<semaphore_mem>>)
        %dma_start3A_307 = arith.constant 1 : i32
        %dma_start3A_308 = arith.constant 128 : i32
        %dma_start3A_309 = arith.constant 0 : i32
        %dma_start3A_310 = tpu.memref_slice %arg9[%dma_start3A_308, %dma_start3A_309] : memref<256x128xf32, #tpu.memory_space<vmem>> -> memref<128x128xf32, #tpu.memory_space<vmem>>
        %dma_start3A_311 = arith.constant 0 : i32
        %dma_start3A_312 = tpu.memref_slice %arg6[%add3A_296, %dma_start3A_307, %dma_start3A_311] : memref<9x2x128xi32, #tpu.memory_space<vmem>> -> memref<1x1x128xi32, #tpu.memory_space<vmem>>
        %dma_start3A_313 = tpu.memref_squeeze %dma_start3A_312 : memref<1x1x128xi32, #tpu.memory_space<vmem>> -> memref<128xi32, #tpu.memory_space<vmem>>
        %dma_start3A_314 = arith.constant 0 : i32
        %dma_start3A_315 = arith.constant 0 : i32
        %dma_start3A_316 = tpu.memref_slice %arg2[%dma_start3A_314, %dma_start3A_315] : memref<100000x128xf32, #tpu.memory_space<hbm>> -> memref<100000x128xf32, #tpu.memory_space<hbm>>
        tpu.enqueue_indirect_dma source(%dma_start3A_316 : memref<100000x128xf32, #tpu.memory_space<hbm>>) target(%dma_start3A_310 : memref<128x128xf32, #tpu.memory_space<vmem>>) offsets(%dma_start3A_313 : memref<128xi32, #tpu.memory_space<vmem>>) semaphore(%arg12 : memref<!tpu.dma_semaphore, #tpu.memory_space<semaphore_mem>>)
      } else {
      }
    }
    %scan3A_121 = arith.constant 3 : i32
    %add3A_122 = arith.constant 192 : i32
    %add3A_123 = arith.addi %add3A_122, %add3A : i32
    %mul3A_124 = arith.constant 256 : i32
    %mul3A_125 = arith.muli %add3A_123, %mul3A_124 : i32
    %dma_wait3A_126 = arith.constant 0 : i32
    %dma_wait3A_127 = tpu.memref_slice %arg4[%mul3A_125, %dma_wait3A_126] : memref<73728x128xf32, #tpu.memory_space<hbm>> -> memref<256x128xf32, #tpu.memory_space<hbm>>
    %dma_wait3A_128 = arith.constant 0 : i32
    %dma_wait3A_129 = tpu.memref_slice %arg4[%mul3A_125, %dma_wait3A_128] : memref<73728x128xf32, #tpu.memory_space<hbm>> -> memref<256x128xf32, #tpu.memory_space<hbm>>
    tpu.wait_dma2 semaphore(%arg14 : memref<!tpu.dma_semaphore, #tpu.memory_space<semaphore_mem>>) src(%arg8 : memref<256x128xf32, #tpu.memory_space<vmem>>) dst(%dma_wait3A_129 : memref<256x128xf32, #tpu.memory_space<hbm>>)
    %add3A_130 = arith.constant 224 : i32
    %add3A_131 = arith.addi %add3A_130, %add3A : i32
    %mul3A_132 = arith.constant 256 : i32
    %mul3A_133 = arith.muli %add3A_131, %mul3A_132 : i32
    %dma_wait3A_134 = arith.constant 0 : i32
    %dma_wait3A_135 = tpu.memref_slice %arg4[%mul3A_133, %dma_wait3A_134] : memref<73728x128xf32, #tpu.memory_space<hbm>> -> memref<256x128xf32, #tpu.memory_space<hbm>>
    %dma_wait3A_136 = arith.constant 0 : i32
    %dma_wait3A_137 = tpu.memref_slice %arg4[%mul3A_133, %dma_wait3A_136] : memref<73728x128xf32, #tpu.memory_space<hbm>> -> memref<256x128xf32, #tpu.memory_space<hbm>>
    tpu.wait_dma2 semaphore(%arg15 : memref<!tpu.dma_semaphore, #tpu.memory_space<semaphore_mem>>) src(%arg9 : memref<256x128xf32, #tpu.memory_space<vmem>>) dst(%dma_wait3A_137 : memref<256x128xf32, #tpu.memory_space<hbm>>)
    %add3A_138 = arith.constant 256 : i32
    %add3A_139 = arith.addi %add3A_138, %add3A : i32
    %mul3A_140 = arith.constant 256 : i32
    %mul3A_141 = arith.muli %add3A_139, %mul3A_140 : i32
    %dma_wait3A_142 = arith.constant 0 : i32
    %dma_wait3A_143 = tpu.memref_slice %arg4[%mul3A_141, %dma_wait3A_142] : memref<73728x128xf32, #tpu.memory_space<hbm>> -> memref<256x128xf32, #tpu.memory_space<hbm>>
    %dma_wait3A_144 = arith.constant 0 : i32
    %dma_wait3A_145 = tpu.memref_slice %arg4[%mul3A_141, %dma_wait3A_144] : memref<73728x128xf32, #tpu.memory_space<hbm>> -> memref<256x128xf32, #tpu.memory_space<hbm>>
    tpu.wait_dma2 semaphore(%arg16 : memref<!tpu.dma_semaphore, #tpu.memory_space<semaphore_mem>>) src(%arg10 : memref<256x128xf32, #tpu.memory_space<vmem>>) dst(%dma_wait3A_145 : memref<256x128xf32, #tpu.memory_space<hbm>>)
    return
  }
}

module attributes {stable_mosaic.version = 14 : i64} {
  func.func @_tc_body(%arg0: i32, %arg1: memref<512x128xf32, #tpu.memory_space<vmem>>, %arg2: memref<512x16x128xf32, #tpu.memory_space<vmem>>, %arg3: memref<512x100xf32, #tpu.memory_space<vmem>>, %arg4: memref<512x16xf32, #tpu.memory_space<vmem>>, %arg5: memref<100x100xf32, #tpu.memory_space<vmem>>, %arg6: memref<100x100xf32, #tpu.memory_space<vmem>>, %arg7: memref<100x100xf32, #tpu.memory_space<vmem>>, %arg8: memref<8x100xf32, #tpu.memory_space<vmem>>, %arg9: memref<512x100xf32, #tpu.memory_space<vmem>>) attributes {dimension_semantics = [#tpu.dimension_semantics<arbitrary>], iteration_bounds = array<i64: 6>, scalar_prefetch = 0 : i64, scratch_operands = 0 : i64, tpu.core_type = #tpu.core_type<tc>, window_params = [{transform_indices = @transform_0, window_bounds = array<i64: 512, 128>}, {transform_indices = @transform_1, window_bounds = array<i64: 512, 16, 128>}, {transform_indices = @transform_2, window_bounds = array<i64: 512, 100>}, {transform_indices = @transform_3, window_bounds = array<i64: 512, 16>}, {pipeline_mode = #tpu.pipeline_mode<synchronous>, transform_indices = @transform_4, window_bounds = array<i64: 100, 100>}, {pipeline_mode = #tpu.pipeline_mode<synchronous>, transform_indices = @transform_5, window_bounds = array<i64: 100, 100>}, {pipeline_mode = #tpu.pipeline_mode<synchronous>, transform_indices = @transform_6, window_bounds = array<i64: 100, 100>}, {pipeline_mode = #tpu.pipeline_mode<synchronous>, transform_indices = @transform_7, window_bounds = array<i64: 8, 100>}, {transform_indices = @transform_8, window_bounds = array<i64: 512, 100>}]} {
    %get3A = arith.constant 0 : index
    %get3A_0 = arith.constant 0 : index
    %get3A_1 = arith.constant 0 : index
    %get3A_2 = vector.load %arg2[%get3A, %get3A_0, %get3A_1] : memref<512x16x128xf32, #tpu.memory_space<vmem>>, vector<512x16x128xf32>
    %get3A_3 = arith.constant 0 : index
    %get3A_4 = arith.constant 0 : index
    %get3A_5 = vector.load %arg3[%get3A_3, %get3A_4] : memref<512x100xf32, #tpu.memory_space<vmem>>, vector<512x100xf32>
    %get3A_6 = arith.constant 0 : index
    %get3A_7 = arith.constant 0 : index
    %get3A_8 = vector.load %arg4[%get3A_6, %get3A_7] : memref<512x16xf32, #tpu.memory_space<vmem>>, vector<512x16xf32>
    %get3A_9 = arith.constant 0 : index
    %get3A_10 = arith.constant 0 : index
    %get3A_11 = vector.load %arg8[%get3A_9, %get3A_10] : memref<8x100xf32, #tpu.memory_space<vmem>>, vector<1x100xf32>
    %get3A_12 = vector.shape_cast %get3A_11 : vector<1x100xf32> to vector<100xf32>
    %get3A_13 = arith.constant 1 : index
    %get3A_14 = arith.constant 0 : index
    %get3A_15 = vector.load %arg8[%get3A_13, %get3A_14] : memref<8x100xf32, #tpu.memory_space<vmem>>, vector<1x100xf32>
    %get3A_16 = vector.shape_cast %get3A_15 : vector<1x100xf32> to vector<100xf32>
    %get3A_17 = arith.constant 2 : index
    %get3A_18 = arith.constant 0 : index
    %get3A_19 = vector.load %arg8[%get3A_17, %get3A_18] : memref<8x100xf32, #tpu.memory_space<vmem>>, vector<1x100xf32>
    %get3A_20 = vector.shape_cast %get3A_19 : vector<1x100xf32> to vector<100xf32>
    %get3A_21 = arith.constant 3 : index
    %get3A_22 = arith.constant 0 : index
    %get3A_23 = vector.load %arg8[%get3A_21, %get3A_22] : memref<8x100xf32, #tpu.memory_space<vmem>>, vector<1x100xf32>
    %get3A_24 = vector.shape_cast %get3A_23 : vector<1x100xf32> to vector<100xf32>
    %slice3A = vector.extract_strided_slice %get3A_2 {offsets = [0, 0, 0], sizes = [512, 16, 100], strides = [1, 1, 1]} : vector<512x16x128xf32> to vector<512x16x100xf32>
    %broadcast_in_dim3A = vector.shape_cast %get3A_5 : vector<512x100xf32> to vector<512x1x100xf32>
    %mul3A = vector.broadcast %broadcast_in_dim3A : vector<512x1x100xf32> to vector<512x16x100xf32>
    %mul3A_25 = arith.mulf %slice3A, %mul3A : vector<512x16x100xf32>
    %reshape3A = vector.shape_cast %mul3A_25 : vector<512x16x100xf32> to vector<8192x100xf32>
    %get3A_26 = arith.constant 0 : index
    %get3A_27 = arith.constant 0 : index
    %get3A_28 = vector.load %arg5[%get3A_26, %get3A_27] : memref<100x100xf32, #tpu.memory_space<vmem>>, vector<100x100xf32>
    %dot_general3A = arith.constant dense<0.000000e+00> : vector<8192x100xf32>
    %dot_general3A_29 = tpu.matmul %reshape3A, %get3A_28, %dot_general3A {dimension_numbers = #tpu.dot_dimension_numbers<[1], [0], [0], [1], [0, 0, 1, 1], [], []>, transpose_lhs_hint = false} : vector<8192x100xf32>, vector<100x100xf32>, vector<8192x100xf32> -> vector<8192x100xf32>
    %reshape3A_30 = vector.shape_cast %dot_general3A_29 : vector<8192x100xf32> to vector<512x16x100xf32>
    %broadcast_in_dim3A_31 = vector.shape_cast %get3A_8 : vector<512x16xf32> to vector<512x16x1xf32>
    %broadcast_in_dim3A_32 = vector.shape_cast %get3A_12 : vector<100xf32> to vector<1x1x100xf32>
    %mul3A_33 = vector.broadcast %broadcast_in_dim3A_31 : vector<512x16x1xf32> to vector<512x16x100xf32>
    %mul3A_34 = vector.broadcast %broadcast_in_dim3A_32 : vector<1x1x100xf32> to vector<512x16x100xf32>
    %mul3A_35 = arith.mulf %mul3A_33, %mul3A_34 : vector<512x16x100xf32>
    %add3A = arith.addf %reshape3A_30, %mul3A_35 : vector<512x16x100xf32>
    %broadcast_in_dim3A_36 = vector.shape_cast %get3A_16 : vector<100xf32> to vector<1x1x100xf32>
    %add3A_37 = vector.broadcast %broadcast_in_dim3A_36 : vector<1x1x100xf32> to vector<512x16x100xf32>
    %add3A_38 = arith.addf %add3A, %add3A_37 : vector<512x16x100xf32>
    %tanh3A = math.tanh %add3A_38 : vector<512x16x100xf32>
    %broadcast_in_dim3A_39 = vector.shape_cast %get3A_20 : vector<100xf32> to vector<1x1x100xf32>
    %mul3A_40 = vector.broadcast %broadcast_in_dim3A_39 : vector<1x1x100xf32> to vector<512x16x100xf32>
    %mul3A_41 = arith.mulf %tanh3A, %mul3A_40 : vector<512x16x100xf32>
    %reduce_sum3A = arith.constant dense<0.000000e+00> : vector<512x16xf32>
    %reduce_sum3A_42 = vector.multi_reduction <add>, %mul3A_41, %reduce_sum3A [2] : vector<512x16x100xf32> to vector<512x16xf32>
    %broadcast_in_dim3A_43 = vector.shape_cast %reduce_sum3A_42 : vector<512x16xf32> to vector<512x16x1xf32>
    %exp3A = math.exp %broadcast_in_dim3A_43 : vector<512x16x1xf32>
    %mul3A_44 = vector.broadcast %exp3A : vector<512x16x1xf32> to vector<512x16x128xf32>
    %mul3A_45 = arith.mulf %mul3A_44, %get3A_2 : vector<512x16x128xf32>
    %reduce_sum3A_46 = arith.constant dense<0.000000e+00> : vector<512x128xf32>
    %reduce_sum3A_47 = vector.multi_reduction <add>, %mul3A_45, %reduce_sum3A_46 [1] : vector<512x16x128xf32> to vector<512x128xf32>
    %slice3A_48 = vector.extract_strided_slice %reduce_sum3A_47 {offsets = [0, 0], sizes = [512, 100], strides = [1, 1]} : vector<512x128xf32> to vector<512x100xf32>
    %slice3A_49 = vector.extract_strided_slice %reduce_sum3A_47 {offsets = [0, 100], sizes = [512, 1], strides = [1, 1]} : vector<512x128xf32> to vector<512x1xf32>
    %div3A = arith.constant 1.000000e+00 : f32
    %div3A_50 = vector.broadcast %div3A : f32 to vector<512x1xf32>
    %div3A_51 = arith.divf %div3A_50, %slice3A_49 : vector<512x1xf32>
    %mul3A_52 = vector.broadcast %div3A_51 : vector<512x1xf32> to vector<512x100xf32>
    %mul3A_53 = arith.mulf %slice3A_48, %mul3A_52 : vector<512x100xf32>
    %get3A_54 = arith.constant 0 : index
    %get3A_55 = arith.constant 0 : index
    %get3A_56 = vector.load %arg7[%get3A_54, %get3A_55] : memref<100x100xf32, #tpu.memory_space<vmem>>, vector<100x100xf32>
    %dot_general3A_57 = arith.constant dense<0.000000e+00> : vector<512x100xf32>
    %dot_general3A_58 = tpu.matmul %mul3A_53, %get3A_56, %dot_general3A_57 {dimension_numbers = #tpu.dot_dimension_numbers<[1], [0], [0], [1], [0, 0, 1, 1], [], []>, transpose_lhs_hint = false} : vector<512x100xf32>, vector<100x100xf32>, vector<512x100xf32> -> vector<512x100xf32>
    %broadcast_in_dim3A_59 = vector.shape_cast %get3A_24 : vector<100xf32> to vector<1x100xf32>
    %add3A_60 = vector.broadcast %broadcast_in_dim3A_59 : vector<1x100xf32> to vector<512x100xf32>
    %add3A_61 = arith.addf %dot_general3A_58, %add3A_60 : vector<512x100xf32>
    %get3A_62 = arith.constant 0 : index
    %get3A_63 = arith.constant 0 : index
    %get3A_64 = vector.load %arg1[%get3A_62, %get3A_63] : memref<512x128xf32, #tpu.memory_space<vmem>>, vector<512x128xf32>
    %slice3A_65 = vector.extract_strided_slice %get3A_64 {offsets = [0, 0], sizes = [512, 100], strides = [1, 1]} : vector<512x128xf32> to vector<512x100xf32>
    %get3A_66 = arith.constant 0 : index
    %get3A_67 = arith.constant 0 : index
    %get3A_68 = vector.load %arg6[%get3A_66, %get3A_67] : memref<100x100xf32, #tpu.memory_space<vmem>>, vector<100x100xf32>
    %dot_general3A_69 = arith.constant dense<0.000000e+00> : vector<512x100xf32>
    %dot_general3A_70 = tpu.matmul %slice3A_65, %get3A_68, %dot_general3A_69 {dimension_numbers = #tpu.dot_dimension_numbers<[1], [0], [0], [1], [0, 0, 1, 1], [], []>, transpose_lhs_hint = false} : vector<512x100xf32>, vector<100x100xf32>, vector<512x100xf32> -> vector<512x100xf32>
    %add3A_71 = arith.addf %dot_general3A_70, %add3A_61 : vector<512x100xf32>
    %max3A = arith.constant 0.000000e+00 : f32
    %max3A_72 = vector.broadcast %max3A : f32 to vector<512x100xf32>
    %max3A_73 = arith.maximumf %add3A_71, %max3A_72 : vector<512x100xf32>
    %get3A_74 = arith.constant 0 : index
    %get3A_75 = arith.constant 0 : index
    %get3A_76 = vector.load %arg6[%get3A_74, %get3A_75] : memref<100x100xf32, #tpu.memory_space<vmem>>, vector<100x100xf32>
    %dot_general3A_77 = arith.constant dense<0.000000e+00> : vector<512x100xf32>
    %dot_general3A_78 = tpu.matmul %max3A_73, %get3A_76, %dot_general3A_77 {dimension_numbers = #tpu.dot_dimension_numbers<[1], [0], [0], [1], [0, 0, 1, 1], [], []>, transpose_lhs_hint = false} : vector<512x100xf32>, vector<100x100xf32>, vector<512x100xf32> -> vector<512x100xf32>
    %add3A_79 = arith.addf %dot_general3A_78, %add3A_61 : vector<512x100xf32>
    %max3A_80 = arith.constant 0.000000e+00 : f32
    %max3A_81 = vector.broadcast %max3A_80 : f32 to vector<512x100xf32>
    %max3A_82 = arith.maximumf %add3A_79, %max3A_81 : vector<512x100xf32>
    %swap3A = arith.constant 0 : index
    %swap3A_83 = arith.constant 0 : index
    %swap3A_84 = vector.load %arg9[%swap3A, %swap3A_83] : memref<512x100xf32, #tpu.memory_space<vmem>>, vector<512x100xf32>
    tpu.vector_store %arg9[%swap3A, %swap3A_83], %max3A_82 {strides = array<i32>} : memref<512x100xf32, #tpu.memory_space<vmem>>, vector<512x100xf32>,
    return
  }
  func.func @transform_0(%arg0: i32) -> (i32, i32) {
    %add3A = arith.constant 0 : i32
    %add3A_0 = arith.addi %arg0, %add3A : i32
    %c0_i32 = arith.constant 0 : i32
    %c0_i32_1 = arith.constant 0 : i32
    return %add3A_0, %c0_i32 : i32, i32
  }
  func.func @transform_1(%arg0: i32) -> (i32, i32, i32) {
    %c0_i32 = arith.constant 0 : i32
    %c0_i32_0 = arith.constant 0 : i32
    %c0_i32_1 = arith.constant 0 : i32
    return %arg0, %c0_i32, %c0_i32_0 : i32, i32, i32
  }
  func.func @transform_2(%arg0: i32) -> (i32, i32) {
    %add3A = arith.constant 0 : i32
    %add3A_0 = arith.addi %arg0, %add3A : i32
    %c0_i32 = arith.constant 0 : i32
    %c0_i32_1 = arith.constant 0 : i32
    return %add3A_0, %c0_i32 : i32, i32
  }
  func.func @transform_3(%arg0: i32) -> (i32, i32) {
    %add3A = arith.constant 0 : i32
    %add3A_0 = arith.addi %arg0, %add3A : i32
    %c0_i32 = arith.constant 0 : i32
    %c0_i32_1 = arith.constant 0 : i32
    return %add3A_0, %c0_i32 : i32, i32
  }
  func.func @transform_4(%arg0: i32) -> (i32, i32) {
    %c0_i32 = arith.constant 0 : i32
    %c0_i32_0 = arith.constant 0 : i32
    %c0_i32_1 = arith.constant 0 : i32
    return %c0_i32, %c0_i32_0 : i32, i32
  }
  func.func @transform_5(%arg0: i32) -> (i32, i32) {
    %c0_i32 = arith.constant 0 : i32
    %c0_i32_0 = arith.constant 0 : i32
    %c0_i32_1 = arith.constant 0 : i32
    return %c0_i32, %c0_i32_0 : i32, i32
  }
  func.func @transform_6(%arg0: i32) -> (i32, i32) {
    %c0_i32 = arith.constant 0 : i32
    %c0_i32_0 = arith.constant 0 : i32
    %c0_i32_1 = arith.constant 0 : i32
    return %c0_i32, %c0_i32_0 : i32, i32
  }
  func.func @transform_7(%arg0: i32) -> (i32, i32) {
    %c0_i32 = arith.constant 0 : i32
    %c0_i32_0 = arith.constant 0 : i32
    %c0_i32_1 = arith.constant 0 : i32
    return %c0_i32, %c0_i32_0 : i32, i32
  }
  func.func @transform_8(%arg0: i32) -> (i32, i32) {
    %c0_i32 = arith.constant 0 : i32
    %c0_i32_0 = arith.constant 0 : i32
    return %arg0, %c0_i32 : i32, i32
  }
}

module attributes {stable_mosaic.version = 14 : i64} {
  func.func @_tc_body(%arg0: i32, %arg1: memref<512x128xf32, #tpu.memory_space<vmem>>, %arg2: memref<512x16x128xf32, #tpu.memory_space<vmem>>, %arg3: memref<512x100xf32, #tpu.memory_space<vmem>>, %arg4: memref<512x16xf32, #tpu.memory_space<vmem>>, %arg5: memref<100x100xf32, #tpu.memory_space<vmem>>, %arg6: memref<100x100xf32, #tpu.memory_space<vmem>>, %arg7: memref<100x100xf32, #tpu.memory_space<vmem>>, %arg8: memref<8x100xf32, #tpu.memory_space<vmem>>, %arg9: memref<512x100xf32, #tpu.memory_space<vmem>>) attributes {dimension_semantics = [#tpu.dimension_semantics<arbitrary>], iteration_bounds = array<i64: 30>, scalar_prefetch = 0 : i64, scratch_operands = 0 : i64, tpu.core_type = #tpu.core_type<tc>, window_params = [{transform_indices = @transform_0, window_bounds = array<i64: 512, 128>}, {transform_indices = @transform_1, window_bounds = array<i64: 512, 16, 128>}, {transform_indices = @transform_2, window_bounds = array<i64: 512, 100>}, {transform_indices = @transform_3, window_bounds = array<i64: 512, 16>}, {pipeline_mode = #tpu.pipeline_mode<synchronous>, transform_indices = @transform_4, window_bounds = array<i64: 100, 100>}, {pipeline_mode = #tpu.pipeline_mode<synchronous>, transform_indices = @transform_5, window_bounds = array<i64: 100, 100>}, {pipeline_mode = #tpu.pipeline_mode<synchronous>, transform_indices = @transform_6, window_bounds = array<i64: 100, 100>}, {pipeline_mode = #tpu.pipeline_mode<synchronous>, transform_indices = @transform_7, window_bounds = array<i64: 8, 100>}, {transform_indices = @transform_8, window_bounds = array<i64: 512, 100>}]} {
    %get3A = arith.constant 0 : index
    %get3A_0 = arith.constant 0 : index
    %get3A_1 = arith.constant 0 : index
    %get3A_2 = vector.load %arg2[%get3A, %get3A_0, %get3A_1] : memref<512x16x128xf32, #tpu.memory_space<vmem>>, vector<512x16x128xf32>
    %get3A_3 = arith.constant 0 : index
    %get3A_4 = arith.constant 0 : index
    %get3A_5 = vector.load %arg3[%get3A_3, %get3A_4] : memref<512x100xf32, #tpu.memory_space<vmem>>, vector<512x100xf32>
    %get3A_6 = arith.constant 0 : index
    %get3A_7 = arith.constant 0 : index
    %get3A_8 = vector.load %arg4[%get3A_6, %get3A_7] : memref<512x16xf32, #tpu.memory_space<vmem>>, vector<512x16xf32>
    %get3A_9 = arith.constant 0 : index
    %get3A_10 = arith.constant 0 : index
    %get3A_11 = vector.load %arg8[%get3A_9, %get3A_10] : memref<8x100xf32, #tpu.memory_space<vmem>>, vector<1x100xf32>
    %get3A_12 = vector.shape_cast %get3A_11 : vector<1x100xf32> to vector<100xf32>
    %get3A_13 = arith.constant 1 : index
    %get3A_14 = arith.constant 0 : index
    %get3A_15 = vector.load %arg8[%get3A_13, %get3A_14] : memref<8x100xf32, #tpu.memory_space<vmem>>, vector<1x100xf32>
    %get3A_16 = vector.shape_cast %get3A_15 : vector<1x100xf32> to vector<100xf32>
    %get3A_17 = arith.constant 2 : index
    %get3A_18 = arith.constant 0 : index
    %get3A_19 = vector.load %arg8[%get3A_17, %get3A_18] : memref<8x100xf32, #tpu.memory_space<vmem>>, vector<1x100xf32>
    %get3A_20 = vector.shape_cast %get3A_19 : vector<1x100xf32> to vector<100xf32>
    %get3A_21 = arith.constant 3 : index
    %get3A_22 = arith.constant 0 : index
    %get3A_23 = vector.load %arg8[%get3A_21, %get3A_22] : memref<8x100xf32, #tpu.memory_space<vmem>>, vector<1x100xf32>
    %get3A_24 = vector.shape_cast %get3A_23 : vector<1x100xf32> to vector<100xf32>
    %slice3A = vector.extract_strided_slice %get3A_2 {offsets = [0, 0, 0], sizes = [512, 16, 100], strides = [1, 1, 1]} : vector<512x16x128xf32> to vector<512x16x100xf32>
    %broadcast_in_dim3A = vector.shape_cast %get3A_5 : vector<512x100xf32> to vector<512x1x100xf32>
    %mul3A = vector.broadcast %broadcast_in_dim3A : vector<512x1x100xf32> to vector<512x16x100xf32>
    %mul3A_25 = arith.mulf %slice3A, %mul3A : vector<512x16x100xf32>
    %reshape3A = vector.shape_cast %mul3A_25 : vector<512x16x100xf32> to vector<8192x100xf32>
    %get3A_26 = arith.constant 0 : index
    %get3A_27 = arith.constant 0 : index
    %get3A_28 = vector.load %arg5[%get3A_26, %get3A_27] : memref<100x100xf32, #tpu.memory_space<vmem>>, vector<100x100xf32>
    %dot_general3A = arith.constant dense<0.000000e+00> : vector<8192x100xf32>
    %dot_general3A_29 = tpu.matmul %reshape3A, %get3A_28, %dot_general3A {dimension_numbers = #tpu.dot_dimension_numbers<[1], [0], [0], [1], [0, 0, 1, 1], [], []>, transpose_lhs_hint = false} : vector<8192x100xf32>, vector<100x100xf32>, vector<8192x100xf32> -> vector<8192x100xf32>
    %reshape3A_30 = vector.shape_cast %dot_general3A_29 : vector<8192x100xf32> to vector<512x16x100xf32>
    %broadcast_in_dim3A_31 = vector.shape_cast %get3A_8 : vector<512x16xf32> to vector<512x16x1xf32>
    %broadcast_in_dim3A_32 = vector.shape_cast %get3A_12 : vector<100xf32> to vector<1x1x100xf32>
    %mul3A_33 = vector.broadcast %broadcast_in_dim3A_31 : vector<512x16x1xf32> to vector<512x16x100xf32>
    %mul3A_34 = vector.broadcast %broadcast_in_dim3A_32 : vector<1x1x100xf32> to vector<512x16x100xf32>
    %mul3A_35 = arith.mulf %mul3A_33, %mul3A_34 : vector<512x16x100xf32>
    %add3A = arith.addf %reshape3A_30, %mul3A_35 : vector<512x16x100xf32>
    %broadcast_in_dim3A_36 = vector.shape_cast %get3A_16 : vector<100xf32> to vector<1x1x100xf32>
    %add3A_37 = vector.broadcast %broadcast_in_dim3A_36 : vector<1x1x100xf32> to vector<512x16x100xf32>
    %add3A_38 = arith.addf %add3A, %add3A_37 : vector<512x16x100xf32>
    %tanh3A = math.tanh %add3A_38 : vector<512x16x100xf32>
    %broadcast_in_dim3A_39 = vector.shape_cast %get3A_20 : vector<100xf32> to vector<1x1x100xf32>
    %mul3A_40 = vector.broadcast %broadcast_in_dim3A_39 : vector<1x1x100xf32> to vector<512x16x100xf32>
    %mul3A_41 = arith.mulf %tanh3A, %mul3A_40 : vector<512x16x100xf32>
    %reduce_sum3A = arith.constant dense<0.000000e+00> : vector<512x16xf32>
    %reduce_sum3A_42 = vector.multi_reduction <add>, %mul3A_41, %reduce_sum3A [2] : vector<512x16x100xf32> to vector<512x16xf32>
    %broadcast_in_dim3A_43 = vector.shape_cast %reduce_sum3A_42 : vector<512x16xf32> to vector<512x16x1xf32>
    %exp3A = math.exp %broadcast_in_dim3A_43 : vector<512x16x1xf32>
    %mul3A_44 = vector.broadcast %exp3A : vector<512x16x1xf32> to vector<512x16x128xf32>
    %mul3A_45 = arith.mulf %mul3A_44, %get3A_2 : vector<512x16x128xf32>
    %reduce_sum3A_46 = arith.constant dense<0.000000e+00> : vector<512x128xf32>
    %reduce_sum3A_47 = vector.multi_reduction <add>, %mul3A_45, %reduce_sum3A_46 [1] : vector<512x16x128xf32> to vector<512x128xf32>
    %slice3A_48 = vector.extract_strided_slice %reduce_sum3A_47 {offsets = [0, 0], sizes = [512, 100], strides = [1, 1]} : vector<512x128xf32> to vector<512x100xf32>
    %slice3A_49 = vector.extract_strided_slice %reduce_sum3A_47 {offsets = [0, 100], sizes = [512, 1], strides = [1, 1]} : vector<512x128xf32> to vector<512x1xf32>
    %div3A = arith.constant 1.000000e+00 : f32
    %div3A_50 = vector.broadcast %div3A : f32 to vector<512x1xf32>
    %div3A_51 = arith.divf %div3A_50, %slice3A_49 : vector<512x1xf32>
    %mul3A_52 = vector.broadcast %div3A_51 : vector<512x1xf32> to vector<512x100xf32>
    %mul3A_53 = arith.mulf %slice3A_48, %mul3A_52 : vector<512x100xf32>
    %get3A_54 = arith.constant 0 : index
    %get3A_55 = arith.constant 0 : index
    %get3A_56 = vector.load %arg7[%get3A_54, %get3A_55] : memref<100x100xf32, #tpu.memory_space<vmem>>, vector<100x100xf32>
    %dot_general3A_57 = arith.constant dense<0.000000e+00> : vector<512x100xf32>
    %dot_general3A_58 = tpu.matmul %mul3A_53, %get3A_56, %dot_general3A_57 {dimension_numbers = #tpu.dot_dimension_numbers<[1], [0], [0], [1], [0, 0, 1, 1], [], []>, transpose_lhs_hint = false} : vector<512x100xf32>, vector<100x100xf32>, vector<512x100xf32> -> vector<512x100xf32>
    %broadcast_in_dim3A_59 = vector.shape_cast %get3A_24 : vector<100xf32> to vector<1x100xf32>
    %add3A_60 = vector.broadcast %broadcast_in_dim3A_59 : vector<1x100xf32> to vector<512x100xf32>
    %add3A_61 = arith.addf %dot_general3A_58, %add3A_60 : vector<512x100xf32>
    %get3A_62 = arith.constant 0 : index
    %get3A_63 = arith.constant 0 : index
    %get3A_64 = vector.load %arg1[%get3A_62, %get3A_63] : memref<512x128xf32, #tpu.memory_space<vmem>>, vector<512x128xf32>
    %slice3A_65 = vector.extract_strided_slice %get3A_64 {offsets = [0, 0], sizes = [512, 100], strides = [1, 1]} : vector<512x128xf32> to vector<512x100xf32>
    %get3A_66 = arith.constant 0 : index
    %get3A_67 = arith.constant 0 : index
    %get3A_68 = vector.load %arg6[%get3A_66, %get3A_67] : memref<100x100xf32, #tpu.memory_space<vmem>>, vector<100x100xf32>
    %dot_general3A_69 = arith.constant dense<0.000000e+00> : vector<512x100xf32>
    %dot_general3A_70 = tpu.matmul %slice3A_65, %get3A_68, %dot_general3A_69 {dimension_numbers = #tpu.dot_dimension_numbers<[1], [0], [0], [1], [0, 0, 1, 1], [], []>, transpose_lhs_hint = false} : vector<512x100xf32>, vector<100x100xf32>, vector<512x100xf32> -> vector<512x100xf32>
    %add3A_71 = arith.addf %dot_general3A_70, %add3A_61 : vector<512x100xf32>
    %max3A = arith.constant 0.000000e+00 : f32
    %max3A_72 = vector.broadcast %max3A : f32 to vector<512x100xf32>
    %max3A_73 = arith.maximumf %add3A_71, %max3A_72 : vector<512x100xf32>
    %get3A_74 = arith.constant 0 : index
    %get3A_75 = arith.constant 0 : index
    %get3A_76 = vector.load %arg6[%get3A_74, %get3A_75] : memref<100x100xf32, #tpu.memory_space<vmem>>, vector<100x100xf32>
    %dot_general3A_77 = arith.constant dense<0.000000e+00> : vector<512x100xf32>
    %dot_general3A_78 = tpu.matmul %max3A_73, %get3A_76, %dot_general3A_77 {dimension_numbers = #tpu.dot_dimension_numbers<[1], [0], [0], [1], [0, 0, 1, 1], [], []>, transpose_lhs_hint = false} : vector<512x100xf32>, vector<100x100xf32>, vector<512x100xf32> -> vector<512x100xf32>
    %add3A_79 = arith.addf %dot_general3A_78, %add3A_61 : vector<512x100xf32>
    %max3A_80 = arith.constant 0.000000e+00 : f32
    %max3A_81 = vector.broadcast %max3A_80 : f32 to vector<512x100xf32>
    %max3A_82 = arith.maximumf %add3A_79, %max3A_81 : vector<512x100xf32>
    %swap3A = arith.constant 0 : index
    %swap3A_83 = arith.constant 0 : index
    %swap3A_84 = vector.load %arg9[%swap3A, %swap3A_83] : memref<512x100xf32, #tpu.memory_space<vmem>>, vector<512x100xf32>
    tpu.vector_store %arg9[%swap3A, %swap3A_83], %max3A_82 {strides = array<i32>} : memref<512x100xf32, #tpu.memory_space<vmem>>, vector<512x100xf32>,
    return
  }
  func.func @transform_0(%arg0: i32) -> (i32, i32) {
    %add3A = arith.constant 36 : i32
    %add3A_0 = arith.addi %arg0, %add3A : i32
    %c0_i32 = arith.constant 0 : i32
    %c0_i32_1 = arith.constant 0 : i32
    return %add3A_0, %c0_i32 : i32, i32
  }
  func.func @transform_1(%arg0: i32) -> (i32, i32, i32) {
    %c0_i32 = arith.constant 0 : i32
    %c0_i32_0 = arith.constant 0 : i32
    %c0_i32_1 = arith.constant 0 : i32
    return %arg0, %c0_i32, %c0_i32_0 : i32, i32, i32
  }
  func.func @transform_2(%arg0: i32) -> (i32, i32) {
    %add3A = arith.constant 36 : i32
    %add3A_0 = arith.addi %arg0, %add3A : i32
    %c0_i32 = arith.constant 0 : i32
    %c0_i32_1 = arith.constant 0 : i32
    return %add3A_0, %c0_i32 : i32, i32
  }
  func.func @transform_3(%arg0: i32) -> (i32, i32) {
    %add3A = arith.constant 36 : i32
    %add3A_0 = arith.addi %arg0, %add3A : i32
    %c0_i32 = arith.constant 0 : i32
    %c0_i32_1 = arith.constant 0 : i32
    return %add3A_0, %c0_i32 : i32, i32
  }
  func.func @transform_4(%arg0: i32) -> (i32, i32) {
    %c0_i32 = arith.constant 0 : i32
    %c0_i32_0 = arith.constant 0 : i32
    %c0_i32_1 = arith.constant 0 : i32
    return %c0_i32, %c0_i32_0 : i32, i32
  }
  func.func @transform_5(%arg0: i32) -> (i32, i32) {
    %c0_i32 = arith.constant 0 : i32
    %c0_i32_0 = arith.constant 0 : i32
    %c0_i32_1 = arith.constant 0 : i32
    return %c0_i32, %c0_i32_0 : i32, i32
  }
  func.func @transform_6(%arg0: i32) -> (i32, i32) {
    %c0_i32 = arith.constant 0 : i32
    %c0_i32_0 = arith.constant 0 : i32
    %c0_i32_1 = arith.constant 0 : i32
    return %c0_i32, %c0_i32_0 : i32, i32
  }
  func.func @transform_7(%arg0: i32) -> (i32, i32) {
    %c0_i32 = arith.constant 0 : i32
    %c0_i32_0 = arith.constant 0 : i32
    %c0_i32_1 = arith.constant 0 : i32
    return %c0_i32, %c0_i32_0 : i32, i32
  }
  func.func @transform_8(%arg0: i32) -> (i32, i32) {
    %c0_i32 = arith.constant 0 : i32
    %c0_i32_0 = arith.constant 0 : i32
    return %arg0, %c0_i32 : i32, i32
  }
}

module attributes {stable_mosaic.version = 14 : i64} {
  func.func @_tc_body(%arg0: i32, %arg1: memref<512x128xf32, #tpu.memory_space<vmem>>, %arg2: memref<512x16x128xf32, #tpu.memory_space<vmem>>, %arg3: memref<512x100xf32, #tpu.memory_space<vmem>>, %arg4: memref<512x16xf32, #tpu.memory_space<vmem>>, %arg5: memref<100x100xf32, #tpu.memory_space<vmem>>, %arg6: memref<100x100xf32, #tpu.memory_space<vmem>>, %arg7: memref<100x100xf32, #tpu.memory_space<vmem>>, %arg8: memref<8x100xf32, #tpu.memory_space<vmem>>, %arg9: memref<512x100xf32, #tpu.memory_space<vmem>>) attributes {dimension_semantics = [#tpu.dimension_semantics<arbitrary>], iteration_bounds = array<i64: 30>, scalar_prefetch = 0 : i64, scratch_operands = 0 : i64, tpu.core_type = #tpu.core_type<tc>, window_params = [{transform_indices = @transform_0, window_bounds = array<i64: 512, 128>}, {transform_indices = @transform_1, window_bounds = array<i64: 512, 16, 128>}, {transform_indices = @transform_2, window_bounds = array<i64: 512, 100>}, {transform_indices = @transform_3, window_bounds = array<i64: 512, 16>}, {pipeline_mode = #tpu.pipeline_mode<synchronous>, transform_indices = @transform_4, window_bounds = array<i64: 100, 100>}, {pipeline_mode = #tpu.pipeline_mode<synchronous>, transform_indices = @transform_5, window_bounds = array<i64: 100, 100>}, {pipeline_mode = #tpu.pipeline_mode<synchronous>, transform_indices = @transform_6, window_bounds = array<i64: 100, 100>}, {pipeline_mode = #tpu.pipeline_mode<synchronous>, transform_indices = @transform_7, window_bounds = array<i64: 8, 100>}, {transform_indices = @transform_8, window_bounds = array<i64: 512, 100>}]} {
    %get3A = arith.constant 0 : index
    %get3A_0 = arith.constant 0 : index
    %get3A_1 = arith.constant 0 : index
    %get3A_2 = vector.load %arg2[%get3A, %get3A_0, %get3A_1] : memref<512x16x128xf32, #tpu.memory_space<vmem>>, vector<512x16x128xf32>
    %get3A_3 = arith.constant 0 : index
    %get3A_4 = arith.constant 0 : index
    %get3A_5 = vector.load %arg3[%get3A_3, %get3A_4] : memref<512x100xf32, #tpu.memory_space<vmem>>, vector<512x100xf32>
    %get3A_6 = arith.constant 0 : index
    %get3A_7 = arith.constant 0 : index
    %get3A_8 = vector.load %arg4[%get3A_6, %get3A_7] : memref<512x16xf32, #tpu.memory_space<vmem>>, vector<512x16xf32>
    %get3A_9 = arith.constant 0 : index
    %get3A_10 = arith.constant 0 : index
    %get3A_11 = vector.load %arg8[%get3A_9, %get3A_10] : memref<8x100xf32, #tpu.memory_space<vmem>>, vector<1x100xf32>
    %get3A_12 = vector.shape_cast %get3A_11 : vector<1x100xf32> to vector<100xf32>
    %get3A_13 = arith.constant 1 : index
    %get3A_14 = arith.constant 0 : index
    %get3A_15 = vector.load %arg8[%get3A_13, %get3A_14] : memref<8x100xf32, #tpu.memory_space<vmem>>, vector<1x100xf32>
    %get3A_16 = vector.shape_cast %get3A_15 : vector<1x100xf32> to vector<100xf32>
    %get3A_17 = arith.constant 2 : index
    %get3A_18 = arith.constant 0 : index
    %get3A_19 = vector.load %arg8[%get3A_17, %get3A_18] : memref<8x100xf32, #tpu.memory_space<vmem>>, vector<1x100xf32>
    %get3A_20 = vector.shape_cast %get3A_19 : vector<1x100xf32> to vector<100xf32>
    %get3A_21 = arith.constant 3 : index
    %get3A_22 = arith.constant 0 : index
    %get3A_23 = vector.load %arg8[%get3A_21, %get3A_22] : memref<8x100xf32, #tpu.memory_space<vmem>>, vector<1x100xf32>
    %get3A_24 = vector.shape_cast %get3A_23 : vector<1x100xf32> to vector<100xf32>
    %slice3A = vector.extract_strided_slice %get3A_2 {offsets = [0, 0, 0], sizes = [512, 16, 100], strides = [1, 1, 1]} : vector<512x16x128xf32> to vector<512x16x100xf32>
    %broadcast_in_dim3A = vector.shape_cast %get3A_5 : vector<512x100xf32> to vector<512x1x100xf32>
    %mul3A = vector.broadcast %broadcast_in_dim3A : vector<512x1x100xf32> to vector<512x16x100xf32>
    %mul3A_25 = arith.mulf %slice3A, %mul3A : vector<512x16x100xf32>
    %reshape3A = vector.shape_cast %mul3A_25 : vector<512x16x100xf32> to vector<8192x100xf32>
    %get3A_26 = arith.constant 0 : index
    %get3A_27 = arith.constant 0 : index
    %get3A_28 = vector.load %arg5[%get3A_26, %get3A_27] : memref<100x100xf32, #tpu.memory_space<vmem>>, vector<100x100xf32>
    %dot_general3A = arith.constant dense<0.000000e+00> : vector<8192x100xf32>
    %dot_general3A_29 = tpu.matmul %reshape3A, %get3A_28, %dot_general3A {dimension_numbers = #tpu.dot_dimension_numbers<[1], [0], [0], [1], [0, 0, 1, 1], [], []>, transpose_lhs_hint = false} : vector<8192x100xf32>, vector<100x100xf32>, vector<8192x100xf32> -> vector<8192x100xf32>
    %reshape3A_30 = vector.shape_cast %dot_general3A_29 : vector<8192x100xf32> to vector<512x16x100xf32>
    %broadcast_in_dim3A_31 = vector.shape_cast %get3A_8 : vector<512x16xf32> to vector<512x16x1xf32>
    %broadcast_in_dim3A_32 = vector.shape_cast %get3A_12 : vector<100xf32> to vector<1x1x100xf32>
    %mul3A_33 = vector.broadcast %broadcast_in_dim3A_31 : vector<512x16x1xf32> to vector<512x16x100xf32>
    %mul3A_34 = vector.broadcast %broadcast_in_dim3A_32 : vector<1x1x100xf32> to vector<512x16x100xf32>
    %mul3A_35 = arith.mulf %mul3A_33, %mul3A_34 : vector<512x16x100xf32>
    %add3A = arith.addf %reshape3A_30, %mul3A_35 : vector<512x16x100xf32>
    %broadcast_in_dim3A_36 = vector.shape_cast %get3A_16 : vector<100xf32> to vector<1x1x100xf32>
    %add3A_37 = vector.broadcast %broadcast_in_dim3A_36 : vector<1x1x100xf32> to vector<512x16x100xf32>
    %add3A_38 = arith.addf %add3A, %add3A_37 : vector<512x16x100xf32>
    %tanh3A = math.tanh %add3A_38 : vector<512x16x100xf32>
    %broadcast_in_dim3A_39 = vector.shape_cast %get3A_20 : vector<100xf32> to vector<1x1x100xf32>
    %mul3A_40 = vector.broadcast %broadcast_in_dim3A_39 : vector<1x1x100xf32> to vector<512x16x100xf32>
    %mul3A_41 = arith.mulf %tanh3A, %mul3A_40 : vector<512x16x100xf32>
    %reduce_sum3A = arith.constant dense<0.000000e+00> : vector<512x16xf32>
    %reduce_sum3A_42 = vector.multi_reduction <add>, %mul3A_41, %reduce_sum3A [2] : vector<512x16x100xf32> to vector<512x16xf32>
    %broadcast_in_dim3A_43 = vector.shape_cast %reduce_sum3A_42 : vector<512x16xf32> to vector<512x16x1xf32>
    %exp3A = math.exp %broadcast_in_dim3A_43 : vector<512x16x1xf32>
    %mul3A_44 = vector.broadcast %exp3A : vector<512x16x1xf32> to vector<512x16x128xf32>
    %mul3A_45 = arith.mulf %mul3A_44, %get3A_2 : vector<512x16x128xf32>
    %reduce_sum3A_46 = arith.constant dense<0.000000e+00> : vector<512x128xf32>
    %reduce_sum3A_47 = vector.multi_reduction <add>, %mul3A_45, %reduce_sum3A_46 [1] : vector<512x16x128xf32> to vector<512x128xf32>
    %slice3A_48 = vector.extract_strided_slice %reduce_sum3A_47 {offsets = [0, 0], sizes = [512, 100], strides = [1, 1]} : vector<512x128xf32> to vector<512x100xf32>
    %slice3A_49 = vector.extract_strided_slice %reduce_sum3A_47 {offsets = [0, 100], sizes = [512, 1], strides = [1, 1]} : vector<512x128xf32> to vector<512x1xf32>
    %div3A = arith.constant 1.000000e+00 : f32
    %div3A_50 = vector.broadcast %div3A : f32 to vector<512x1xf32>
    %div3A_51 = arith.divf %div3A_50, %slice3A_49 : vector<512x1xf32>
    %mul3A_52 = vector.broadcast %div3A_51 : vector<512x1xf32> to vector<512x100xf32>
    %mul3A_53 = arith.mulf %slice3A_48, %mul3A_52 : vector<512x100xf32>
    %get3A_54 = arith.constant 0 : index
    %get3A_55 = arith.constant 0 : index
    %get3A_56 = vector.load %arg7[%get3A_54, %get3A_55] : memref<100x100xf32, #tpu.memory_space<vmem>>, vector<100x100xf32>
    %dot_general3A_57 = arith.constant dense<0.000000e+00> : vector<512x100xf32>
    %dot_general3A_58 = tpu.matmul %mul3A_53, %get3A_56, %dot_general3A_57 {dimension_numbers = #tpu.dot_dimension_numbers<[1], [0], [0], [1], [0, 0, 1, 1], [], []>, transpose_lhs_hint = false} : vector<512x100xf32>, vector<100x100xf32>, vector<512x100xf32> -> vector<512x100xf32>
    %broadcast_in_dim3A_59 = vector.shape_cast %get3A_24 : vector<100xf32> to vector<1x100xf32>
    %add3A_60 = vector.broadcast %broadcast_in_dim3A_59 : vector<1x100xf32> to vector<512x100xf32>
    %add3A_61 = arith.addf %dot_general3A_58, %add3A_60 : vector<512x100xf32>
    %get3A_62 = arith.constant 0 : index
    %get3A_63 = arith.constant 0 : index
    %get3A_64 = vector.load %arg1[%get3A_62, %get3A_63] : memref<512x128xf32, #tpu.memory_space<vmem>>, vector<512x128xf32>
    %slice3A_65 = vector.extract_strided_slice %get3A_64 {offsets = [0, 0], sizes = [512, 100], strides = [1, 1]} : vector<512x128xf32> to vector<512x100xf32>
    %get3A_66 = arith.constant 0 : index
    %get3A_67 = arith.constant 0 : index
    %get3A_68 = vector.load %arg6[%get3A_66, %get3A_67] : memref<100x100xf32, #tpu.memory_space<vmem>>, vector<100x100xf32>
    %dot_general3A_69 = arith.constant dense<0.000000e+00> : vector<512x100xf32>
    %dot_general3A_70 = tpu.matmul %slice3A_65, %get3A_68, %dot_general3A_69 {dimension_numbers = #tpu.dot_dimension_numbers<[1], [0], [0], [1], [0, 0, 1, 1], [], []>, transpose_lhs_hint = false} : vector<512x100xf32>, vector<100x100xf32>, vector<512x100xf32> -> vector<512x100xf32>
    %add3A_71 = arith.addf %dot_general3A_70, %add3A_61 : vector<512x100xf32>
    %max3A = arith.constant 0.000000e+00 : f32
    %max3A_72 = vector.broadcast %max3A : f32 to vector<512x100xf32>
    %max3A_73 = arith.maximumf %add3A_71, %max3A_72 : vector<512x100xf32>
    %get3A_74 = arith.constant 0 : index
    %get3A_75 = arith.constant 0 : index
    %get3A_76 = vector.load %arg6[%get3A_74, %get3A_75] : memref<100x100xf32, #tpu.memory_space<vmem>>, vector<100x100xf32>
    %dot_general3A_77 = arith.constant dense<0.000000e+00> : vector<512x100xf32>
    %dot_general3A_78 = tpu.matmul %max3A_73, %get3A_76, %dot_general3A_77 {dimension_numbers = #tpu.dot_dimension_numbers<[1], [0], [0], [1], [0, 0, 1, 1], [], []>, transpose_lhs_hint = false} : vector<512x100xf32>, vector<100x100xf32>, vector<512x100xf32> -> vector<512x100xf32>
    %add3A_79 = arith.addf %dot_general3A_78, %add3A_61 : vector<512x100xf32>
    %max3A_80 = arith.constant 0.000000e+00 : f32
    %max3A_81 = vector.broadcast %max3A_80 : f32 to vector<512x100xf32>
    %max3A_82 = arith.maximumf %add3A_79, %max3A_81 : vector<512x100xf32>
    %swap3A = arith.constant 0 : index
    %swap3A_83 = arith.constant 0 : index
    %swap3A_84 = vector.load %arg9[%swap3A, %swap3A_83] : memref<512x100xf32, #tpu.memory_space<vmem>>, vector<512x100xf32>
    tpu.vector_store %arg9[%swap3A, %swap3A_83], %max3A_82 {strides = array<i32>} : memref<512x100xf32, #tpu.memory_space<vmem>>, vector<512x100xf32>,
    return
  }
  func.func @transform_0(%arg0: i32) -> (i32, i32) {
    %add3A = arith.constant 6 : i32
    %add3A_0 = arith.addi %arg0, %add3A : i32
    %c0_i32 = arith.constant 0 : i32
    %c0_i32_1 = arith.constant 0 : i32
    return %add3A_0, %c0_i32 : i32, i32
  }
  func.func @transform_1(%arg0: i32) -> (i32, i32, i32) {
    %c0_i32 = arith.constant 0 : i32
    %c0_i32_0 = arith.constant 0 : i32
    %c0_i32_1 = arith.constant 0 : i32
    return %arg0, %c0_i32, %c0_i32_0 : i32, i32, i32
  }
  func.func @transform_2(%arg0: i32) -> (i32, i32) {
    %add3A = arith.constant 6 : i32
    %add3A_0 = arith.addi %arg0, %add3A : i32
    %c0_i32 = arith.constant 0 : i32
    %c0_i32_1 = arith.constant 0 : i32
    return %add3A_0, %c0_i32 : i32, i32
  }
  func.func @transform_3(%arg0: i32) -> (i32, i32) {
    %add3A = arith.constant 6 : i32
    %add3A_0 = arith.addi %arg0, %add3A : i32
    %c0_i32 = arith.constant 0 : i32
    %c0_i32_1 = arith.constant 0 : i32
    return %add3A_0, %c0_i32 : i32, i32
  }
  func.func @transform_4(%arg0: i32) -> (i32, i32) {
    %c0_i32 = arith.constant 0 : i32
    %c0_i32_0 = arith.constant 0 : i32
    %c0_i32_1 = arith.constant 0 : i32
    return %c0_i32, %c0_i32_0 : i32, i32
  }
  func.func @transform_5(%arg0: i32) -> (i32, i32) {
    %c0_i32 = arith.constant 0 : i32
    %c0_i32_0 = arith.constant 0 : i32
    %c0_i32_1 = arith.constant 0 : i32
    return %c0_i32, %c0_i32_0 : i32, i32
  }
  func.func @transform_6(%arg0: i32) -> (i32, i32) {
    %c0_i32 = arith.constant 0 : i32
    %c0_i32_0 = arith.constant 0 : i32
    %c0_i32_1 = arith.constant 0 : i32
    return %c0_i32, %c0_i32_0 : i32, i32
  }
  func.func @transform_7(%arg0: i32) -> (i32, i32) {
    %c0_i32 = arith.constant 0 : i32
    %c0_i32_0 = arith.constant 0 : i32
    %c0_i32_1 = arith.constant 0 : i32
    return %c0_i32, %c0_i32_0 : i32, i32
  }
  func.func @transform_8(%arg0: i32) -> (i32, i32) {
    %c0_i32 = arith.constant 0 : i32
    %c0_i32_0 = arith.constant 0 : i32
    return %arg0, %c0_i32 : i32, i32
  }
}

module attributes {stable_mosaic.version = 14 : i64} {
  func.func @_tc_body(%arg0: i32, %arg1: memref<512x128xf32, #tpu.memory_space<vmem>>, %arg2: memref<512x16x128xf32, #tpu.memory_space<vmem>>, %arg3: memref<512x100xf32, #tpu.memory_space<vmem>>, %arg4: memref<512x16xf32, #tpu.memory_space<vmem>>, %arg5: memref<100x100xf32, #tpu.memory_space<vmem>>, %arg6: memref<100x100xf32, #tpu.memory_space<vmem>>, %arg7: memref<100x100xf32, #tpu.memory_space<vmem>>, %arg8: memref<8x100xf32, #tpu.memory_space<vmem>>, %arg9: memref<512x100xf32, #tpu.memory_space<vmem>>) attributes {dimension_semantics = [#tpu.dimension_semantics<arbitrary>], iteration_bounds = array<i64: 33>, scalar_prefetch = 0 : i64, scratch_operands = 0 : i64, tpu.core_type = #tpu.core_type<tc>, window_params = [{transform_indices = @transform_0, window_bounds = array<i64: 512, 128>}, {transform_indices = @transform_1, window_bounds = array<i64: 512, 16, 128>}, {transform_indices = @transform_2, window_bounds = array<i64: 512, 100>}, {transform_indices = @transform_3, window_bounds = array<i64: 512, 16>}, {pipeline_mode = #tpu.pipeline_mode<synchronous>, transform_indices = @transform_4, window_bounds = array<i64: 100, 100>}, {pipeline_mode = #tpu.pipeline_mode<synchronous>, transform_indices = @transform_5, window_bounds = array<i64: 100, 100>}, {pipeline_mode = #tpu.pipeline_mode<synchronous>, transform_indices = @transform_6, window_bounds = array<i64: 100, 100>}, {pipeline_mode = #tpu.pipeline_mode<synchronous>, transform_indices = @transform_7, window_bounds = array<i64: 8, 100>}, {transform_indices = @transform_8, window_bounds = array<i64: 512, 100>}]} {
    %get3A = arith.constant 0 : index
    %get3A_0 = arith.constant 0 : index
    %get3A_1 = arith.constant 0 : index
    %get3A_2 = vector.load %arg2[%get3A, %get3A_0, %get3A_1] : memref<512x16x128xf32, #tpu.memory_space<vmem>>, vector<512x16x128xf32>
    %get3A_3 = arith.constant 0 : index
    %get3A_4 = arith.constant 0 : index
    %get3A_5 = vector.load %arg3[%get3A_3, %get3A_4] : memref<512x100xf32, #tpu.memory_space<vmem>>, vector<512x100xf32>
    %get3A_6 = arith.constant 0 : index
    %get3A_7 = arith.constant 0 : index
    %get3A_8 = vector.load %arg4[%get3A_6, %get3A_7] : memref<512x16xf32, #tpu.memory_space<vmem>>, vector<512x16xf32>
    %get3A_9 = arith.constant 0 : index
    %get3A_10 = arith.constant 0 : index
    %get3A_11 = vector.load %arg8[%get3A_9, %get3A_10] : memref<8x100xf32, #tpu.memory_space<vmem>>, vector<1x100xf32>
    %get3A_12 = vector.shape_cast %get3A_11 : vector<1x100xf32> to vector<100xf32>
    %get3A_13 = arith.constant 1 : index
    %get3A_14 = arith.constant 0 : index
    %get3A_15 = vector.load %arg8[%get3A_13, %get3A_14] : memref<8x100xf32, #tpu.memory_space<vmem>>, vector<1x100xf32>
    %get3A_16 = vector.shape_cast %get3A_15 : vector<1x100xf32> to vector<100xf32>
    %get3A_17 = arith.constant 2 : index
    %get3A_18 = arith.constant 0 : index
    %get3A_19 = vector.load %arg8[%get3A_17, %get3A_18] : memref<8x100xf32, #tpu.memory_space<vmem>>, vector<1x100xf32>
    %get3A_20 = vector.shape_cast %get3A_19 : vector<1x100xf32> to vector<100xf32>
    %get3A_21 = arith.constant 3 : index
    %get3A_22 = arith.constant 0 : index
    %get3A_23 = vector.load %arg8[%get3A_21, %get3A_22] : memref<8x100xf32, #tpu.memory_space<vmem>>, vector<1x100xf32>
    %get3A_24 = vector.shape_cast %get3A_23 : vector<1x100xf32> to vector<100xf32>
    %slice3A = vector.extract_strided_slice %get3A_2 {offsets = [0, 0, 0], sizes = [512, 16, 100], strides = [1, 1, 1]} : vector<512x16x128xf32> to vector<512x16x100xf32>
    %broadcast_in_dim3A = vector.shape_cast %get3A_5 : vector<512x100xf32> to vector<512x1x100xf32>
    %mul3A = vector.broadcast %broadcast_in_dim3A : vector<512x1x100xf32> to vector<512x16x100xf32>
    %mul3A_25 = arith.mulf %slice3A, %mul3A : vector<512x16x100xf32>
    %reshape3A = vector.shape_cast %mul3A_25 : vector<512x16x100xf32> to vector<8192x100xf32>
    %get3A_26 = arith.constant 0 : index
    %get3A_27 = arith.constant 0 : index
    %get3A_28 = vector.load %arg5[%get3A_26, %get3A_27] : memref<100x100xf32, #tpu.memory_space<vmem>>, vector<100x100xf32>
    %dot_general3A = arith.constant dense<0.000000e+00> : vector<8192x100xf32>
    %dot_general3A_29 = tpu.matmul %reshape3A, %get3A_28, %dot_general3A {dimension_numbers = #tpu.dot_dimension_numbers<[1], [0], [0], [1], [0, 0, 1, 1], [], []>, transpose_lhs_hint = false} : vector<8192x100xf32>, vector<100x100xf32>, vector<8192x100xf32> -> vector<8192x100xf32>
    %reshape3A_30 = vector.shape_cast %dot_general3A_29 : vector<8192x100xf32> to vector<512x16x100xf32>
    %broadcast_in_dim3A_31 = vector.shape_cast %get3A_8 : vector<512x16xf32> to vector<512x16x1xf32>
    %broadcast_in_dim3A_32 = vector.shape_cast %get3A_12 : vector<100xf32> to vector<1x1x100xf32>
    %mul3A_33 = vector.broadcast %broadcast_in_dim3A_31 : vector<512x16x1xf32> to vector<512x16x100xf32>
    %mul3A_34 = vector.broadcast %broadcast_in_dim3A_32 : vector<1x1x100xf32> to vector<512x16x100xf32>
    %mul3A_35 = arith.mulf %mul3A_33, %mul3A_34 : vector<512x16x100xf32>
    %add3A = arith.addf %reshape3A_30, %mul3A_35 : vector<512x16x100xf32>
    %broadcast_in_dim3A_36 = vector.shape_cast %get3A_16 : vector<100xf32> to vector<1x1x100xf32>
    %add3A_37 = vector.broadcast %broadcast_in_dim3A_36 : vector<1x1x100xf32> to vector<512x16x100xf32>
    %add3A_38 = arith.addf %add3A, %add3A_37 : vector<512x16x100xf32>
    %tanh3A = math.tanh %add3A_38 : vector<512x16x100xf32>
    %broadcast_in_dim3A_39 = vector.shape_cast %get3A_20 : vector<100xf32> to vector<1x1x100xf32>
    %mul3A_40 = vector.broadcast %broadcast_in_dim3A_39 : vector<1x1x100xf32> to vector<512x16x100xf32>
    %mul3A_41 = arith.mulf %tanh3A, %mul3A_40 : vector<512x16x100xf32>
    %reduce_sum3A = arith.constant dense<0.000000e+00> : vector<512x16xf32>
    %reduce_sum3A_42 = vector.multi_reduction <add>, %mul3A_41, %reduce_sum3A [2] : vector<512x16x100xf32> to vector<512x16xf32>
    %broadcast_in_dim3A_43 = vector.shape_cast %reduce_sum3A_42 : vector<512x16xf32> to vector<512x16x1xf32>
    %exp3A = math.exp %broadcast_in_dim3A_43 : vector<512x16x1xf32>
    %mul3A_44 = vector.broadcast %exp3A : vector<512x16x1xf32> to vector<512x16x128xf32>
    %mul3A_45 = arith.mulf %mul3A_44, %get3A_2 : vector<512x16x128xf32>
    %reduce_sum3A_46 = arith.constant dense<0.000000e+00> : vector<512x128xf32>
    %reduce_sum3A_47 = vector.multi_reduction <add>, %mul3A_45, %reduce_sum3A_46 [1] : vector<512x16x128xf32> to vector<512x128xf32>
    %slice3A_48 = vector.extract_strided_slice %reduce_sum3A_47 {offsets = [0, 0], sizes = [512, 100], strides = [1, 1]} : vector<512x128xf32> to vector<512x100xf32>
    %slice3A_49 = vector.extract_strided_slice %reduce_sum3A_47 {offsets = [0, 100], sizes = [512, 1], strides = [1, 1]} : vector<512x128xf32> to vector<512x1xf32>
    %div3A = arith.constant 1.000000e+00 : f32
    %div3A_50 = vector.broadcast %div3A : f32 to vector<512x1xf32>
    %div3A_51 = arith.divf %div3A_50, %slice3A_49 : vector<512x1xf32>
    %mul3A_52 = vector.broadcast %div3A_51 : vector<512x1xf32> to vector<512x100xf32>
    %mul3A_53 = arith.mulf %slice3A_48, %mul3A_52 : vector<512x100xf32>
    %get3A_54 = arith.constant 0 : index
    %get3A_55 = arith.constant 0 : index
    %get3A_56 = vector.load %arg7[%get3A_54, %get3A_55] : memref<100x100xf32, #tpu.memory_space<vmem>>, vector<100x100xf32>
    %dot_general3A_57 = arith.constant dense<0.000000e+00> : vector<512x100xf32>
    %dot_general3A_58 = tpu.matmul %mul3A_53, %get3A_56, %dot_general3A_57 {dimension_numbers = #tpu.dot_dimension_numbers<[1], [0], [0], [1], [0, 0, 1, 1], [], []>, transpose_lhs_hint = false} : vector<512x100xf32>, vector<100x100xf32>, vector<512x100xf32> -> vector<512x100xf32>
    %broadcast_in_dim3A_59 = vector.shape_cast %get3A_24 : vector<100xf32> to vector<1x100xf32>
    %add3A_60 = vector.broadcast %broadcast_in_dim3A_59 : vector<1x100xf32> to vector<512x100xf32>
    %add3A_61 = arith.addf %dot_general3A_58, %add3A_60 : vector<512x100xf32>
    %get3A_62 = arith.constant 0 : index
    %get3A_63 = arith.constant 0 : index
    %get3A_64 = vector.load %arg1[%get3A_62, %get3A_63] : memref<512x128xf32, #tpu.memory_space<vmem>>, vector<512x128xf32>
    %slice3A_65 = vector.extract_strided_slice %get3A_64 {offsets = [0, 0], sizes = [512, 100], strides = [1, 1]} : vector<512x128xf32> to vector<512x100xf32>
    %get3A_66 = arith.constant 0 : index
    %get3A_67 = arith.constant 0 : index
    %get3A_68 = vector.load %arg6[%get3A_66, %get3A_67] : memref<100x100xf32, #tpu.memory_space<vmem>>, vector<100x100xf32>
    %dot_general3A_69 = arith.constant dense<0.000000e+00> : vector<512x100xf32>
    %dot_general3A_70 = tpu.matmul %slice3A_65, %get3A_68, %dot_general3A_69 {dimension_numbers = #tpu.dot_dimension_numbers<[1], [0], [0], [1], [0, 0, 1, 1], [], []>, transpose_lhs_hint = false} : vector<512x100xf32>, vector<100x100xf32>, vector<512x100xf32> -> vector<512x100xf32>
    %add3A_71 = arith.addf %dot_general3A_70, %add3A_61 : vector<512x100xf32>
    %max3A = arith.constant 0.000000e+00 : f32
    %max3A_72 = vector.broadcast %max3A : f32 to vector<512x100xf32>
    %max3A_73 = arith.maximumf %add3A_71, %max3A_72 : vector<512x100xf32>
    %get3A_74 = arith.constant 0 : index
    %get3A_75 = arith.constant 0 : index
    %get3A_76 = vector.load %arg6[%get3A_74, %get3A_75] : memref<100x100xf32, #tpu.memory_space<vmem>>, vector<100x100xf32>
    %dot_general3A_77 = arith.constant dense<0.000000e+00> : vector<512x100xf32>
    %dot_general3A_78 = tpu.matmul %max3A_73, %get3A_76, %dot_general3A_77 {dimension_numbers = #tpu.dot_dimension_numbers<[1], [0], [0], [1], [0, 0, 1, 1], [], []>, transpose_lhs_hint = false} : vector<512x100xf32>, vector<100x100xf32>, vector<512x100xf32> -> vector<512x100xf32>
    %add3A_79 = arith.addf %dot_general3A_78, %add3A_61 : vector<512x100xf32>
    %max3A_80 = arith.constant 0.000000e+00 : f32
    %max3A_81 = vector.broadcast %max3A_80 : f32 to vector<512x100xf32>
    %max3A_82 = arith.maximumf %add3A_79, %max3A_81 : vector<512x100xf32>
    %swap3A = arith.constant 0 : index
    %swap3A_83 = arith.constant 0 : index
    %swap3A_84 = vector.load %arg9[%swap3A, %swap3A_83] : memref<512x100xf32, #tpu.memory_space<vmem>>, vector<512x100xf32>
    tpu.vector_store %arg9[%swap3A, %swap3A_83], %max3A_82 {strides = array<i32>} : memref<512x100xf32, #tpu.memory_space<vmem>>, vector<512x100xf32>,
    return
  }
  func.func @transform_0(%arg0: i32) -> (i32, i32) {
    %add3A = arith.constant 66 : i32
    %add3A_0 = arith.addi %arg0, %add3A : i32
    %c0_i32 = arith.constant 0 : i32
    %c0_i32_1 = arith.constant 0 : i32
    return %add3A_0, %c0_i32 : i32, i32
  }
  func.func @transform_1(%arg0: i32) -> (i32, i32, i32) {
    %c0_i32 = arith.constant 0 : i32
    %c0_i32_0 = arith.constant 0 : i32
    %c0_i32_1 = arith.constant 0 : i32
    return %arg0, %c0_i32, %c0_i32_0 : i32, i32, i32
  }
  func.func @transform_2(%arg0: i32) -> (i32, i32) {
    %add3A = arith.constant 66 : i32
    %add3A_0 = arith.addi %arg0, %add3A : i32
    %c0_i32 = arith.constant 0 : i32
    %c0_i32_1 = arith.constant 0 : i32
    return %add3A_0, %c0_i32 : i32, i32
  }
  func.func @transform_3(%arg0: i32) -> (i32, i32) {
    %add3A = arith.constant 66 : i32
    %add3A_0 = arith.addi %arg0, %add3A : i32
    %c0_i32 = arith.constant 0 : i32
    %c0_i32_1 = arith.constant 0 : i32
    return %add3A_0, %c0_i32 : i32, i32
  }
  func.func @transform_4(%arg0: i32) -> (i32, i32) {
    %c0_i32 = arith.constant 0 : i32
    %c0_i32_0 = arith.constant 0 : i32
    %c0_i32_1 = arith.constant 0 : i32
    return %c0_i32, %c0_i32_0 : i32, i32
  }
  func.func @transform_5(%arg0: i32) -> (i32, i32) {
    %c0_i32 = arith.constant 0 : i32
    %c0_i32_0 = arith.constant 0 : i32
    %c0_i32_1 = arith.constant 0 : i32
    return %c0_i32, %c0_i32_0 : i32, i32
  }
  func.func @transform_6(%arg0: i32) -> (i32, i32) {
    %c0_i32 = arith.constant 0 : i32
    %c0_i32_0 = arith.constant 0 : i32
    %c0_i32_1 = arith.constant 0 : i32
    return %c0_i32, %c0_i32_0 : i32, i32
  }
  func.func @transform_7(%arg0: i32) -> (i32, i32) {
    %c0_i32 = arith.constant 0 : i32
    %c0_i32_0 = arith.constant 0 : i32
    %c0_i32_1 = arith.constant 0 : i32
    return %c0_i32, %c0_i32_0 : i32, i32
  }
  func.func @transform_8(%arg0: i32) -> (i32, i32) {
    %c0_i32 = arith.constant 0 : i32
    %c0_i32_0 = arith.constant 0 : i32
    return %arg0, %c0_i32 : i32, i32
  }
}

</mosaic_0001>

<sc_bundles>
// kernel: kernel.10.cloned.1.call-start
scs
__scs_entry_jumppad:
0x0: {  	(pc) =	sbr.rel $0x88, $3  }
0x1: {  	(tag) =	ssettag $0x0;
	lr =	simm.s32 $0x1  }
0x2: {  	[smem:$0x3F97] =	sst lr;
	_ =	strace $0xD0000000  }
0x3: {  	_ = 	snop  }
0x4: {  	_ = 	snop  }
0x5: {  	_ = 	snop  }
0x6: {  	_ = 	snop  }
0x7: {  	_ = 	snop  }
__scs_overlays_trampoline_lowered:
0x8: {  	[smem:$0x3FA6] =	sst s0  }
0x9: {  	[smem:$0x3FA7] =	sst s1  }
0xa: {  	[smem:$0x3FA8] =	sst s2  }
0xb: {  	[smem:$0x3FA9] =	sst s3  }
0xc: {  	[smem:$0x3FAA] =	sst s4  }
0xd: {  	[smem:$0x3FAB] =	sst s5  }
0xe: {  	[smem:$0x3FAC] =	sst s6  }
0xf: {  	[smem:$0x3FAD] =	sst s7  }
0x10: {  	[smem:$0x3FAE] =	sst s8  }
0x11: {  	[smem:$0x3FAF] =	sst s9;
	s0 =	simm.s32 @!p0 $0x0  }
0x12: {  	s1 =	sld [smem:$0x3F95];
	s0 =	simm.s32 @p0 $0x1  }
0x13: {  	[smem:$0x3FB0] =	sst s0;
	s0 =	simm.s32 @!p1 $0x0  }
0x14: {  	s2 =	sld [smem:$0x3F94];
	s0 =	simm.s32 @p1 $0x1  }
0x15: {  	[smem:$0x3FB1] =	sst s0;
	s0 =	simm.s32 @!p2 $0x0  }
0x16: {  	s3 =	sld [smem:$0x3FDB];
	s0 =	simm.s32 @p2 $0x1  }
0x17: {  	s4 =	simm.s32 $0x1BF5;
	[smem:$0x3FB3] =	sst s0  }
0x18: {  	s0 =	sld [smem:$0x3F96];
	_ =	swait.ge [sflag:s4], $0x0  }
0x19: {  	s7 =	sld [smem:$0x3F97]  }
0x1a: {  	s8 =	sadd.s32 $0xFFFFE003, lr  }
0x1b: {  	s9 =	sadd.s32 $0xFFFFFEF7, lr;
	s5 =	simm.s32 $0xFFFFFFFF;
	p2 =	slt.u32 s8, $0xFFFFF086  }
0x1c: {  	p1 =	slt.u32 s9, $0xF7A;
	s5 =	simm.s32 @!p2 $0x0  }
0x1d: {  	s5 =	simm.s32 @p1 $0x1;
	p0 =	seq.s32 s7, s2  }
0x1e: {  	s7 =	smul.u32 @!p0 $0xF7A, s2;
	p2 =	seq.s32 @!p0 s5, $0x0  }
0x1f: {  	s9 =	smul.u32 $0xF7A, s1;
	s8 =	simm.s32 @!p0 $0x1BF5;
	p2 =	por !p2, p0  }
0x20: {  	[sflag:s8] =	ssyncset.s32 @!p0 $0xFFFFF086;
	s6 =	sadd.s32 @!p0 s3, s7;
	s7 =	simm.s32 @!p0 $0x108  }
0x21: {  	s3 =	sadd.s32 s3, s9;
	s6 =	sadd.s32 @!p0 $0x88, s6;
	s7 =	simm.s32 @p2 $0x1082  }
0x22: {  	[simem:s7], [sflag:s8] =	dma.local @!p0 [hbm:s6], $0xF7A  }
0x23: {  	s9 =	sor.u32 $0xD0000000, s2;
	s6 =	simm.s32 $0x108;
	_ =	swait.ge @!p0 [sflag:s8], $0x0  }
0x24: {  	s3 =	sadd.s32 $0x88, s3;
	s6 =	simm.s32 @!p1 $0x1082;
	[sflag:s4] =	ssyncset.s32 $0xFFFFF086  }
0x25: {  	[simem:s6], [sflag:s4] =	dma.local [hbm:s3], $0xF7A  }
0x26: {  	[smem:$0x3F97] =	sst s1;
	(tag) =	ssettag s2;
	_ =	strace s9  }
0x27: {  	s1 =	sld [smem:$0x3FA7]  }
0x28: {  	s2 =	sld [smem:$0x3FA8]  }
0x29: {  	s4 =	sld [smem:$0x3FAA]  }
0x2a: {  	p0 =	seq.s32 s5, $0x0;
	s5 =	sld [smem:$0x3FAB]  }
0x2b: {  	s6 =	sld [smem:$0x3FAC]  }
0x2c: {  	s7 =	sld [smem:$0x3FAD]  }
0x2d: {  	s3 =	simm.s32 $0x108;
	s8 =	sld [smem:$0x3FAE]  }
0x2e: {  	s3 =	simm.s32 @!p0 $0x1082;
	s9 =	sld [smem:$0x3FAF]  }
0x2f: {  	lr =	sadd.s32 s0, s3;
	s0 =	sld [smem:$0x3FA6]  }
0x30: {  	s3 =	sld [smem:$0x3FA9]  }
0x31: {  	[smem:$0x3FB2] =	sst s10  }
0x32: {  	s10 =	sld [smem:$0x3FB0];
	_ =	sdelay $0x3  }
0x33: {  	p0 =	seq.s32 s10, $0x1;
	s10 =	sld [smem:$0x3FB2];
	_ =	sdelay $0x3  }
0x34: {  	[smem:$0x3FB2] =	sst s10  }
0x35: {  	s10 =	sld [smem:$0x3FB1];
	_ =	sdelay $0x3  }
0x36: {  	p1 =	seq.s32 s10, $0x1;
	s10 =	sld [smem:$0x3FB2];
	_ =	sdelay $0x3  }
0x37: {  	[smem:$0x3FB2] =	sst s10  }
0x38: {  	s10 =	sld [smem:$0x3FB3]  }
0x39: {  	_ = 	snop;
	(pc) =	sbr.ind lr, $3  }
0x3a: {  	_ = 	snop  }
0x3b: {  	_ = 	snop  }
0x3c: {  	p2 =	seq.s32 s10, $0x1;
	s10 =	sld [smem:$0x3FB2]  }
0x3d: {  	_ =	shalt  }
0x3e: {  	_ =	shalt  }
0x3f: {  	_ =	shalt  }
0x40: {  	_ =	shalt  }
0x41: {  	_ =	shalt  }
0x42: {  	_ =	shalt  }
0x43: {  	_ =	shalt  }
0x44: {  	_ =	shalt  }
0x45: {  	_ =	shalt  }
0x46: {  	_ =	shalt  }
0x47: {  	_ =	shalt  }
0x48: {  	_ =	shalt  }
0x49: {  	_ =	shalt  }
0x4a: {  	_ =	shalt  }
0x4b: {  	_ =	shalt  }
0x4c: {  	_ =	shalt  }
0x4d: {  	_ =	shalt  }
0x4e: {  	_ =	shalt  }
0x4f: {  	_ =	shalt  }
0x50: {  	_ =	shalt  }
0x51: {  	_ =	shalt  }
0x52: {  	_ =	shalt  }
0x53: {  	_ =	shalt  }
0x54: {  	_ =	shalt  }
0x55: {  	_ =	shalt  }
0x56: {  	_ =	shalt  }
0x57: {  	_ =	shalt  }
0x58: {  	_ =	shalt  }
0x59: {  	_ =	shalt  }
0x5a: {  	_ =	shalt  }
0x5b: {  	_ =	shalt  }
0x5c: {  	_ =	shalt  }
0x5d: {  	_ =	shalt  }
0x5e: {  	_ =	shalt  }
0x5f: {  	_ =	shalt  }
0x60: {  	_ =	shalt  }
0x61: {  	_ =	shalt  }
0x62: {  	_ =	shalt  }
0x63: {  	_ =	shalt  }
0x64: {  	_ =	shalt  }
0x65: {  	_ =	shalt  }
0x66: {  	_ =	shalt  }
0x67: {  	_ =	shalt  }
0x68: {  	_ =	shalt  }
0x69: {  	_ =	shalt  }
0x6a: {  	_ =	shalt  }
0x6b: {  	_ =	shalt  }
0x6c: {  	_ =	shalt  }
0x6d: {  	_ =	shalt  }
0x6e: {  	_ =	shalt  }
0x6f: {  	_ =	shalt  }
0x70: {  	_ =	shalt  }
0x71: {  	_ =	shalt  }
0x72: {  	_ =	shalt  }
0x73: {  	_ =	shalt  }
0x74: {  	_ =	shalt  }
0x75: {  	_ =	shalt  }
0x76: {  	_ =	shalt  }
0x77: {  	_ =	shalt  }
0x78: {  	_ =	shalt  }
0x79: {  	_ =	shalt  }
0x7a: {  	_ =	shalt  }
0x7b: {  	_ =	shalt  }
0x7c: {  	_ =	shalt  }
0x7d: {  	_ =	shalt  }
0x7e: {  	_ =	shalt  }
0x7f: {  	_ =	shalt  }
0x80: {  	_ =	shalt  }
0x81: {  	_ =	shalt  }
0x82: {  	_ =	shalt  }
0x83: {  	_ =	shalt  }
0x84: {  	_ =	shalt  }
0x85: {  	_ =	shalt  }
0x86: {  	_ =	shalt  }
0x87: {  	_ =	shalt  }
.Lfunc_end0:
.L_simem_size_0:
called_computation_lowered:
.L_overlay_start_0:
0x88: {  	s2 =	sld [smem:$0x3FD9]  }
0x89: {  	s3 =	sld [smem:$0x3FFE];
	_ =	sdelay $0x1  }
0x8a: {  	s1 =	srdreg.scid  }
0x8b: {  	s0 =	sand.u32 $0x1, s1  }
0x8c: {  	s17 =	sshll.u32 s0, $0xA;
	s2 =	sadd.s32 s3, s2  }
0x8d: {  	s2 =	sadd.s32 s2, s17  }
0x8e: {  	[smem:$0x3FBE] =	sst s2  }
0x8f: {  	_ = 	snop  }
0x90: {  	s2 =	sld [smem:$0x3FD0];
	(tm) =	ssettm $0x1  }
0x91: {  	s18 =	sld [smem:$0x3FFB];
	_ =	sdelay $0x3  }
0x92: {  	_ =	strace s18  }
0x93: {  	s3 =	sld [smem:$0x3FFC];
	_ =	sdelay $0x3  }
0x94: {  	_ =	strace s3  }
0x95: {  	s3 =	sld [smem:$0x3FFD];
	_ =	sdelay $0x3  }
0x96: {  	_ =	strace s3  }
0x97: {  	_ =	strace $0x8FFFFFFF  }
0x98: {  	s19 =	sld [smem:$0x3FDB];
	_ =	sdelay $0x1  }
0x99: {  	s4 =	simm.s32 $_scs_section_size  }
0x9a: {  	s5 =	simm.s32 $_size__tile_overlayer_lowered;
	s6 =	simm.s32 $_tile_overlayer_lowered  }
0x9b: {  	s22 =	simm.s32 $0x1BFF;
	s21 =	sshll.u32 s6, $0x1;
	s3 =	sadd.s32 s4, s19  }
0x9c: {  	s7 =	simm.s32 $0x0;
	s20 =	sshll.u32 s5, $0x1;
	s5 =	sadd.s32 s21, s3  }
0x9d: {  	[timem:s7], [sflag:s22] =	dma.local [hbm:s5], s20  }
0x9e: {  	_ =	swait.ge [sflag:s22], s20  }
0x9f: {  	s4 =	ssub.s32 $0x0, s20;
	[sflag:s22] =	ssyncset.done $0x0  }
0xa0: {  	[sflag:s22] =	ssyncadd.s32 s4;
	_ =	sdelay $0x1  }
0xa1: {  	s23 =	simm.s32 $0x1B8B  }
0xa2: {  	_ =	swait.ge [sflag:s23], $0x1  }
0xa3: {  	[sflag:s23] =	ssyncset.done $0x0  }
0xa4: {  	s25 =	simm.s32 $0x1B8E;
	s24 =	sld [smem:$0x3FFE];
	[sflag:s23] =	ssyncadd.s32 $0xFFFFFFFF  }
0xa5: {  	s26 =	simm.s32 $execute0_lowered;
	[smem:$0x3FD2] =	sst s25  }
0xa6: {  	s5 =	sshll.u32 s26, $0x1;
	_ =	strace $0x80000046;
	[dreg:$0x1] =	wrdreg $0xFFFFFFFF  }
0xa7: {  	s28 =	simm.s32 $_size_execute0_lowered;
	s3 =	sadd.s32 s3, s5;
	[dreg:$0x0] =	wrdreg $0x0  }
0xa8: {  	s5 =	sshll.u32 s28, $0x1;
	[dreg:$0x2] =	wrdreg s3  }
0xa9: {  	[dreg:$0x3] =	wrdreg s5  }
0xaa: {  	[dreg:$0x4] =	wrdreg $0xC0  }
0xab: {  	_ =	task [dreg:s7], $0x5FFFF  }
0xac: {  	[dreg:$0x1] =	wrdreg $0xFFFFFFFF  }
0xad: {  	[dreg:$0x0] =	wrdreg $0x60  }
0xae: {  	[dreg:$0x2] =	wrdreg s24  }
0xaf: {  	[dreg:$0x3] =	wrdreg s2  }
0xb0: {  	[dreg:$0x4] =	wrdreg $0x9  }
0xb1: {  	_ =	task.clear_ibuf [dreg:s7], $0x5FFFF;
	_ =	strace $0x90000046  }
0xb2: {  	s29 =	simm.s32 $0x9;
	_ =	strace $0x80000048  }
0xb3: {  	_ =	swait.ge [sflag:s29], $0x1  }
0xb4: {  	[sflag:s29] =	ssyncadd.s32 $0xFFFFFFFF  }
0xb5: {  	_ =	strace $0x90000048  }
0xb6: {  	_ =	sfence  }
0xb7: {  	s30 =	sld [smem:$0x0];
	_ =	sdelay $0x2  }
0xb8: {  	s31 =	sshll.u32 s1, $0xD;
	s1 =	sshrl.u32 s1, $0x2  }
0xb9: {  	s3 =	sand.u32 $0x4000, s31;
	s1 =	sadd.s32 s1, s30  }
0xba: {  	s0 =	sor.u32 s3, s0;
	s1 =	sshll.u32 s1, $0x11  }
0xbb: {  	s0 =	sor.u32 s1, s0  }
0xbc: {  	s0 =	sadd.s32 $0x8F2B, s0  }
0xbd: {  	[sflag:s0] =	ssyncadd.remote.s32 $0x1  }
0xbe: {  	_ =	sfence.sel $0xFFFF  }
0xbf: {  	[dreg:$0x0] =	wrdreg $0xFFFFFFFF;
	(pc) =	sbr.abs _section_cstart, $3  }
0xc0: {  	[dreg:$0x1] =	wrdreg $0xFFFFFFFF  }
0xc1: {  	_ =	task.clear_ibuf [dreg:s7], $0x2FFFF;
	_ =	strace $0x9FFFFFFF  }
0xc2: {  	(tm) =	ssettm $0x7FFFFFFF  }
0xc3: {  	_ =	shalt  }
tec
execute0_lowered:
.L_overlay_start_1:
0x0: {  	(tag) =	ssettag $0x1  }
0x1: {  	s10 =	rddreg [dreg:$0x0]  }
0x2: {  	s3 =	rddreg [dreg:$0x1];
	s2 =	simm.s32 $0x0  }
0x3: {  	s25 =	simm.s32 $0x980;
	[smem:$0x7FF] =	sst s2  }
0x4: {  	s26 =	simm.s32 $0xA00;
	_ =	strace $0x80000047;
	[dreg:$0x11] =	wrdreg s25  }
0x5: {  	s0 =	srdreg.scid;
	s11 =	simm.s32 $0xC80;
	[dreg:$0x12] =	wrdreg s26  }
0x6: {  	s1 =	stileid.u32;
	s12 =	simm.s32 $0xD00;
	[dreg:$0x17] =	wrdreg s11  }
0x7: {  	s13 =	simm.s32 $0xD80;
	s0 =	sand.u32 $0x1, s0;
	[dreg:$0x18] =	wrdreg s12  }
0x8: {  	s14 =	simm.s32 $0xE00;
	s4 =	sshll.u32 s0, $0x4;
	[dreg:$0x19] =	wrdreg s13  }
0x9: {  	s6 =	sadd.s32 $0x30FA00, s10;
	[dreg:$0x1a] =	wrdreg s14;
	s4 =	sor.u32 s1, s4  }
0xa: {  	s11 =	simm.s32 $0x500;
	s1 =	simm.s32 $0xA80;
	s5 =	sshll.u32 s4, $0x5  }
0xb: {  	[smem:$0x7FD] =	sst s11;
	s7 =	sshll.u32 s4, $0xC;
	s3 =	sadd.s32 s3, s5  }
0xc: {  	[dreg:$0x13] =	wrdreg s1;
	s4 =	sadd.s32 s6, s7;
	s5 =	sadd.s32 $0x18C00, s3  }
0xd: {  	s9 =	sadd.s32 $0x20000, s4;
	[dreg:$0x3] =	wrdreg s5  }
0xe: {  	s19 =	sadd.s32 $0x40000, s4;
	[dreg:$0x4] =	wrdreg s9  }
0xf: {  	s20 =	sadd.s32 $0x80000, s4;
	[dreg:$0xa] =	wrdreg s19  }
0x10: {  	s21 =	sadd.s32 $0xA0000, s4;
	[dreg:$0xc] =	wrdreg s20  }
0x11: {  	s22 =	sadd.s32 $0xC0000, s4;
	[dreg:$0xd] =	wrdreg s21  }
0x12: {  	s23 =	sadd.s32 $0xE0000, s4;
	[dreg:$0xe] =	wrdreg s22  }
0x13: {  	s24 =	sadd.s32 $0x100000, s4;
	[dreg:$0xf] =	wrdreg s23  }
0x14: {  	[dreg:$0x10] =	wrdreg s24;
	s9 =	simm.s32 $0xC00  }
0x15: {  	s19 =	simm.s32 $0x300;
	[dreg:$0x16] =	wrdreg s9  }
0x16: {  	s20 =	simm.s32 $0x380;
	[dreg:$0x1f] =	wrdreg s19  }
0x17: {  	s8 =	sadd.s32 $0x2600, s10;
	s21 =	simm.s32 $0x400;
	[smem:$0x7FA] =	sst s20  }
0x18: {  	s5 =	sadd.s32 s8, s7;
	s22 =	simm.s32 $0x480;
	[smem:$0x7FB] =	sst s21  }
0x19: {  	s15 =	sadd.s32 $0x20000, s5;
	[smem:$0x7FC] =	sst s22  }
0x1a: {  	s7 =	sor.u32 $0x60000, s7;
	s16 =	sadd.s32 $0x40000, s5;
	[dreg:$0x5] =	wrdreg s15  }
0x1b: {  	s8 =	sadd.s32 s8, s7;
	[dreg:$0x6] =	wrdreg s16  }
0x1c: {  	s17 =	sadd.s32 $0x80000, s5;
	[dreg:$0x7] =	wrdreg s8  }
0x1d: {  	s18 =	sadd.s32 $0xA0000, s5;
	[dreg:$0x8] =	wrdreg s17  }
0x1e: {  	s6 =	sadd.s32 s6, s7;
	[dreg:$0x9] =	wrdreg s18  }
0x1f: {  	s7 =	simm.s32 $0xB00;
	[dreg:$0xb] =	wrdreg s6  }
0x20: {  	[dreg:$0x14] =	wrdreg s7;
	s8 =	simm.s32 $0xB80  }
0x21: {  	s15 =	simm.s32 $0xE80;
	[dreg:$0x15] =	wrdreg s8  }
0x22: {  	s16 =	simm.s32 $0x180;
	[dreg:$0x1b] =	wrdreg s15  }
0x23: {  	s9 =	simm.s32 $0x7;
	s17 =	simm.s32 $0x200;
	[dreg:$0x1c] =	wrdreg s16  }
0x24: {  	s18 =	simm.s32 $0x280;
	s6 =	simm.s32 $0x100;
	[dreg:$0x1d] =	wrdreg s17  }
0x25: {  	s7 =	simm.s32 $0x2000;
	[dreg:$0x1e] =	wrdreg s18;
	s8 =	simm.s32 $0x900  }
0x26: {  	[tilespmem:s8], [sflag:$0x7] =	stream.strided.gather [hbm4b:s3+s6], $0x600, s7, s6, $0x38;
	[tilespmem:$0x18F00] =	vst v63  }
0x27: {  	_ =	swait.ge [sflag:s9], $0x600  }
0x28: {  	[sflag:s9] =	ssyncset.done $0x0  }
0x29: {  	s23 =	rddreg [dreg:$0x3];
	[sflag:s9] =	ssyncadd.s32 $0xFFFFFA00  }
0x2a: {  	[tilespmem:s2], [sflag:$0x7] =	stream.strided.gather [hbm4b:s23+s6], $0x900, s7, s6, $0x38;
	[tilespmem:$0x18F00] =	vst v63  }
0x2b: {  	_ =	swait.ge [sflag:s9], $0x900  }
0x2c: {  	s10 =	sadd.s32 $0x189000, s10;
	[sflag:s9] =	ssyncset.done $0x0  }
0x2d: {  	s12 =	simm.s32 $0xF00;
	s11 =	simm.s32 $0x80;
	[sflag:s9] =	ssyncadd.s32 $0xFFFFF700  }
0x2e: {  	[tilespmem:s12], [sflag:$0x1] =	stream.indirect.gather [hbm4b:s10+s11], $0x80, s8, s11, $0xb8;
	[tilespmem:$0x18F00] =	vst v63  }
0x2f: {  	s13 =	simm.s32 $0x4F00;
	s14 =	rddreg [dreg:$0x11]  }
0x30: {  	[tilespmem:s13], [sflag:$0x1] =	stream.indirect.gather [hbm4b:s10+s11], $0x80, s14, s11, $0xb8;
	[tilespmem:$0x18F00] =	vst v63  }
0x31: {  	s15 =	rddreg [dreg:$0x12];
	s14 =	simm.s32 $0x8F00  }
0x32: {  	[tilespmem:s14], [sflag:$0x2] =	stream.indirect.gather [hbm4b:s10+s11], $0x80, s15, s11, $0xb8;
	[tilespmem:$0x18F00] =	vst v63  }
0x33: {  	s16 =	simm.s32 $0x1;
	s17 =	rddreg [dreg:$0x13];
	s15 =	simm.s32 $0xCF00  }
0x34: {  	[tilespmem:s15], [sflag:$0x2] =	stream.indirect.gather [hbm4b:s10+s11], $0x80, s17, s11, $0xb8;
	[tilespmem:$0x18F00] =	vst v63  }
0x35: {  	_ =	swait.ge [sflag:s16], $0x4000  }
0x36: {  	[sflag:s16] =	ssyncset.done $0x0  }
0x37: {  	[sflag:s16] =	ssyncadd.s32 $0xFFFFC000  }
0x38: {  	_ =	swait.ge [sflag:s16], $0x4000  }
0x39: {  	[sflag:s16] =	ssyncset.done $0x0  }
0x3a: {  	[sflag:s16] =	ssyncadd.s32 $0xFFFFC000  }
0x3b: {  	[hbm4b:s5+s2] =	stream.linear.scatter [tilespmem:s12], [sflag:$0x4], $0x8000, $0x38;
	[tilespmem:$0x18F00] =	vst v63  }
0x3c: {  	s17 =	simm.s32 $0x10F00;
	s18 =	rddreg [dreg:$0x14]  }
0x3d: {  	[tilespmem:s17], [sflag:$0x3] =	stream.indirect.gather [hbm4b:s10+s11], $0x80, s18, s11, $0xb8;
	[tilespmem:$0x18F00] =	vst v63  }
0x3e: {  	s19 =	simm.s32 $0x2;
	s20 =	rddreg [dreg:$0x15];
	s18 =	simm.s32 $0x14F00  }
0x3f: {  	[tilespmem:s18], [sflag:$0x3] =	stream.indirect.gather [hbm4b:s10+s11], $0x80, s20, s11, $0xb8;
	[tilespmem:$0x18F00] =	vst v63  }
0x40: {  	_ =	swait.ge [sflag:s19], $0x4000  }
0x41: {  	[sflag:s19] =	ssyncset.done $0x0  }
0x42: {  	[sflag:s19] =	ssyncadd.s32 $0xFFFFC000  }
0x43: {  	_ =	swait.ge [sflag:s19], $0x4000  }
0x44: {  	[sflag:s19] =	ssyncset.done $0x0  }
0x45: {  	s20 =	simm.s32 $0x4;
	s21 =	rddreg [dreg:$0x5];
	[sflag:s19] =	ssyncadd.s32 $0xFFFFC000  }
0x46: {  	[hbm4b:s21+s2] =	stream.linear.scatter [tilespmem:s14], [sflag:$0x5], $0x8000, $0x38;
	[tilespmem:$0x18F00] =	vst v63  }
0x47: {  	_ =	swait.ge [sflag:s20], $0x8000  }
0x48: {  	[sflag:s20] =	ssyncset.done $0x0  }
0x49: {  	s24 =	rddreg [dreg:$0x16];
	[sflag:s20] =	ssyncadd.s32 $0xFFFF8000  }
0x4a: {  	[tilespmem:s12], [sflag:$0x1] =	stream.indirect.gather [hbm4b:s10+s11], $0x80, s24, s11, $0xb8;
	[tilespmem:$0x18F00] =	vst v63  }
0x4b: {  	s21 =	simm.s32 $0x3;
	s22 =	rddreg [dreg:$0x17]  }
0x4c: {  	[tilespmem:s13], [sflag:$0x1] =	stream.indirect.gather [hbm4b:s10+s11], $0x80, s22, s11, $0xb8;
	[tilespmem:$0x18F00] =	vst v63  }
0x4d: {  	_ =	swait.ge [sflag:s21], $0x4000  }
0x4e: {  	[sflag:s21] =	ssyncset.done $0x0  }
0x4f: {  	[sflag:s21] =	ssyncadd.s32 $0xFFFFC000  }
0x50: {  	_ =	swait.ge [sflag:s21], $0x4000  }
0x51: {  	[sflag:s21] =	ssyncset.done $0x0  }
0x52: {  	s22 =	simm.s32 $0x5;
	s23 =	rddreg [dreg:$0x6];
	[sflag:s21] =	ssyncadd.s32 $0xFFFFC000  }
0x53: {  	[hbm4b:s23+s2] =	stream.linear.scatter [tilespmem:s17], [sflag:$0x6], $0x8000, $0x38;
	[tilespmem:$0x18F00] =	vst v63  }
0x54: {  	_ =	swait.ge [sflag:s22], $0x8000  }
0x55: {  	[sflag:s22] =	ssyncset.done $0x0  }
0x56: {  	s25 =	rddreg [dreg:$0x18];
	[sflag:s22] =	ssyncadd.s32 $0xFFFF8000  }
0x57: {  	[tilespmem:s14], [sflag:$0x2] =	stream.indirect.gather [hbm4b:s10+s11], $0x80, s25, s11, $0xb8;
	[tilespmem:$0x18F00] =	vst v63  }
0x58: {  	s24 =	rddreg [dreg:$0x19]  }
0x59: {  	[tilespmem:s15], [sflag:$0x2] =	stream.indirect.gather [hbm4b:s10+s11], $0x80, s24, s11, $0xb8;
	[tilespmem:$0x18F00] =	vst v63  }
0x5a: {  	_ =	swait.ge [sflag:s16], $0x4000  }
0x5b: {  	[sflag:s16] =	ssyncset.done $0x0  }
0x5c: {  	[sflag:s16] =	ssyncadd.s32 $0xFFFFC000  }
0x5d: {  	_ =	swait.ge [sflag:s16], $0x4000  }
0x5e: {  	[sflag:s16] =	ssyncset.done $0x0  }
0x5f: {  	s23 =	simm.s32 $0x6;
	s26 =	rddreg [dreg:$0x7];
	[sflag:s16] =	ssyncadd.s32 $0xFFFFC000  }
0x60: {  	[hbm4b:s26+s2] =	stream.linear.scatter [tilespmem:s12], [sflag:$0x4], $0x8000, $0x38;
	[tilespmem:$0x18F00] =	vst v63  }
0x61: {  	_ =	swait.ge [sflag:s23], $0x8000  }
0x62: {  	[sflag:s23] =	ssyncset.done $0x0  }
0x63: {  	s1 =	rddreg [dreg:$0x1a];
	[sflag:s23] =	ssyncadd.s32 $0xFFFF8000  }
0x64: {  	[tilespmem:s17], [sflag:$0x3] =	stream.indirect.gather [hbm4b:s10+s11], $0x80, s1, s11, $0xb8;
	[tilespmem:$0x18F00] =	vst v63  }
0x65: {  	s25 =	rddreg [dreg:$0x1b]  }
0x66: {  	[tilespmem:s18], [sflag:$0x3] =	stream.indirect.gather [hbm4b:s10+s11], $0x80, s25, s11, $0xb8;
	[tilespmem:$0x18F00] =	vst v63  }
0x67: {  	_ =	swait.ge [sflag:s19], $0x4000  }
0x68: {  	[sflag:s19] =	ssyncset.done $0x0  }
0x69: {  	[sflag:s19] =	ssyncadd.s32 $0xFFFFC000  }
0x6a: {  	_ =	swait.ge [sflag:s19], $0x4000  }
0x6b: {  	[sflag:s19] =	ssyncset.done $0x0  }
0x6c: {  	s25 =	rddreg [dreg:$0x8];
	[sflag:s19] =	ssyncadd.s32 $0xFFFFC000  }
0x6d: {  	[hbm4b:s25+s2] =	stream.linear.scatter [tilespmem:s14], [sflag:$0x5], $0x8000, $0x38;
	[tilespmem:$0x18F00] =	vst v63  }
0x6e: {  	_ =	swait.ge [sflag:s21], $0x4000  }
0x6f: {  	[sflag:s21] =	ssyncset.done $0x0  }
0x70: {  	[sflag:s21] =	ssyncadd.s32 $0xFFFFC000  }
0x71: {  	_ =	swait.ge [sflag:s21], $0x4000  }
0x72: {  	[sflag:s21] =	ssyncset.done $0x0  }
0x73: {  	s26 =	rddreg [dreg:$0x9];
	[sflag:s21] =	ssyncadd.s32 $0xFFFFC000  }
0x74: {  	[hbm4b:s26+s2] =	stream.linear.scatter [tilespmem:s17], [sflag:$0x6], $0x8000, $0x38;
	[tilespmem:$0x18F00] =	vst v63  }
0x75: {  	_ =	swait.ge [sflag:s20], $0x8000  }
0x76: {  	[sflag:s20] =	ssyncset.done $0x0  }
0x77: {  	[sflag:s20] =	ssyncadd.s32 $0xFFFF8000  }
0x78: {  	_ =	swait.ge [sflag:s22], $0x8000  }
0x79: {  	[sflag:s22] =	ssyncset.done $0x0  }
0x7a: {  	[sflag:s22] =	ssyncadd.s32 $0xFFFF8000  }
0x7b: {  	_ =	swait.ge [sflag:s23], $0x8000  }
0x7c: {  	[sflag:s23] =	ssyncset.done $0x0  }
0x7d: {  	[sflag:s23] =	ssyncadd.s32 $0xFFFF8000  }
0x7e: {  	[tilespmem:s12], [sflag:$0x1] =	stream.indirect.gather [hbm4b:s10+s11], $0x80, s2, s11, $0xb8;
	[tilespmem:$0x18F00] =	vst v63  }
0x7f: {  	_ = 	snop  }
0x80: {  	[tilespmem:s13], [sflag:$0x1] =	stream.indirect.gather [hbm4b:s10+s11], $0x80, s11, s11, $0xb8;
	[tilespmem:$0x18F00] =	vst v63  }
0x81: {  	_ = 	snop  }
0x82: {  	[tilespmem:s14], [sflag:$0x2] =	stream.indirect.gather [hbm4b:s10+s11], $0x80, s6, s11, $0xb8;
	[tilespmem:$0x18F00] =	vst v63  }
0x83: {  	s1 =	rddreg [dreg:$0x1c]  }
0x84: {  	[tilespmem:s15], [sflag:$0x2] =	stream.indirect.gather [hbm4b:s10+s11], $0x80, s1, s11, $0xb8;
	[tilespmem:$0x18F00] =	vst v63  }
0x85: {  	_ =	swait.ge [sflag:s16], $0x4000  }
0x86: {  	[sflag:s16] =	ssyncset.done $0x0  }
0x87: {  	[sflag:s16] =	ssyncadd.s32 $0xFFFFC000  }
0x88: {  	_ =	swait.ge [sflag:s16], $0x4000  }
0x89: {  	[sflag:s16] =	ssyncset.done $0x0  }
0x8a: {  	[sflag:s16] =	ssyncadd.s32 $0xFFFFC000  }
0x8b: {  	[hbm4b:s4+s2] =	stream.linear.scatter [tilespmem:s12], [sflag:$0x4], $0x8000, $0x38;
	[tilespmem:$0x18F00] =	vst v63  }
0x8c: {  	s25 =	rddreg [dreg:$0x1d]  }
0x8d: {  	[tilespmem:s17], [sflag:$0x3] =	stream.indirect.gather [hbm4b:s10+s11], $0x80, s25, s11, $0xb8;
	[tilespmem:$0x18F00] =	vst v63  }
0x8e: {  	s26 =	rddreg [dreg:$0x1e]  }
0x8f: {  	[tilespmem:s18], [sflag:$0x3] =	stream.indirect.gather [hbm4b:s10+s11], $0x80, s26, s11, $0xb8;
	[tilespmem:$0x18F00] =	vst v63  }
0x90: {  	_ =	swait.ge [sflag:s19], $0x4000  }
0x91: {  	[sflag:s19] =	ssyncset.done $0x0  }
0x92: {  	[sflag:s19] =	ssyncadd.s32 $0xFFFFC000  }
0x93: {  	_ =	swait.ge [sflag:s19], $0x4000  }
0x94: {  	[sflag:s19] =	ssyncset.done $0x0  }
0x95: {  	s1 =	rddreg [dreg:$0x4];
	[sflag:s19] =	ssyncadd.s32 $0xFFFFC000  }
0x96: {  	[hbm4b:s1+s2] =	stream.linear.scatter [tilespmem:s14], [sflag:$0x5], $0x8000, $0x38;
	[tilespmem:$0x18F00] =	vst v63  }
0x97: {  	_ =	swait.ge [sflag:s20], $0x8000  }
0x98: {  	s25 =	rddreg [dreg:$0x1f];
	[sflag:s20] =	ssyncset.done $0x0  }
0x99: {  	s26 =	sld [smem:$0x7FA];
	[sflag:s20] =	ssyncadd.s32 $0xFFFF8000  }
0x9a: {  	[tilespmem:s12], [sflag:$0x1] =	stream.indirect.gather [hbm4b:s10+s11], $0x80, s25, s11, $0xb8;
	[tilespmem:$0x18F00] =	vst v63  }
0x9b: {  	_ = 	snop  }
0x9c: {  	[tilespmem:s13], [sflag:$0x1] =	stream.indirect.gather [hbm4b:s10+s11], $0x80, s26, s11, $0xb8;
	[tilespmem:$0x18F00] =	vst v63  }
0x9d: {  	_ =	swait.ge [sflag:s21], $0x4000  }
0x9e: {  	[sflag:s21] =	ssyncset.done $0x0  }
0x9f: {  	[sflag:s21] =	ssyncadd.s32 $0xFFFFC000  }
0xa0: {  	_ =	swait.ge [sflag:s21], $0x4000  }
0xa1: {  	[sflag:s21] =	ssyncset.done $0x0  }
0xa2: {  	s1 =	rddreg [dreg:$0xa];
	[sflag:s21] =	ssyncadd.s32 $0xFFFFC000  }
0xa3: {  	[hbm4b:s1+s2] =	stream.linear.scatter [tilespmem:s17], [sflag:$0x6], $0x8000, $0x38;
	[tilespmem:$0x18F00] =	vst v63  }
0xa4: {  	_ =	swait.ge [sflag:s22], $0x8000  }
0xa5: {  	s25 =	sld [smem:$0x7FB]  }
0xa6: {  	[sflag:s22] =	ssyncset.done $0x0  }
0xa7: {  	s26 =	sld [smem:$0x7FC];
	[sflag:s22] =	ssyncadd.s32 $0xFFFF8000  }
0xa8: {  	[tilespmem:s14], [sflag:$0x2] =	stream.indirect.gather [hbm4b:s10+s11], $0x80, s25, s11, $0xb8;
	[tilespmem:$0x18F00] =	vst v63  }
0xa9: {  	_ = 	snop  }
0xaa: {  	[tilespmem:s15], [sflag:$0x2] =	stream.indirect.gather [hbm4b:s10+s11], $0x80, s26, s11, $0xb8;
	[tilespmem:$0x18F00] =	vst v63  }
0xab: {  	_ =	swait.ge [sflag:s16], $0x4000  }
0xac: {  	[sflag:s16] =	ssyncset.done $0x0  }
0xad: {  	[sflag:s16] =	ssyncadd.s32 $0xFFFFC000  }
0xae: {  	_ =	swait.ge [sflag:s16], $0x4000  }
0xaf: {  	[sflag:s16] =	ssyncset.done $0x0  }
0xb0: {  	s1 =	rddreg [dreg:$0xb];
	[sflag:s16] =	ssyncadd.s32 $0xFFFFC000  }
0xb1: {  	[hbm4b:s1+s2] =	stream.linear.scatter [tilespmem:s12], [sflag:$0x4], $0x8000, $0x38;
	[tilespmem:$0x18F00] =	vst v63  }
0xb2: {  	_ =	swait.ge [sflag:s23], $0x8000  }
0xb3: {  	s25 =	sld [smem:$0x7FD]  }
0xb4: {  	[sflag:s23] =	ssyncset.done $0x0  }
0xb5: {  	[sflag:s23] =	ssyncadd.s32 $0xFFFF8000  }
0xb6: {  	[tilespmem:s17], [sflag:$0x3] =	stream.indirect.gather [hbm4b:s10+s11], $0x80, s25, s11, $0xb8;
	[tilespmem:$0x18F00] =	vst v63  }
0xb7: {  	s26 =	simm.s32 $0x580  }
0xb8: {  	[tilespmem:s18], [sflag:$0x3] =	stream.indirect.gather [hbm4b:s10+s11], $0x80, s26, s11, $0xb8;
	[tilespmem:$0x18F00] =	vst v63  }
0xb9: {  	_ =	swait.ge [sflag:s19], $0x4000  }
0xba: {  	[sflag:s19] =	ssyncset.done $0x0  }
0xbb: {  	[sflag:s19] =	ssyncadd.s32 $0xFFFFC000  }
0xbc: {  	_ =	swait.ge [sflag:s19], $0x4000  }
0xbd: {  	[sflag:s19] =	ssyncset.done $0x0  }
0xbe: {  	s1 =	rddreg [dreg:$0xc];
	[sflag:s19] =	ssyncadd.s32 $0xFFFFC000  }
0xbf: {  	[hbm4b:s1+s2] =	stream.linear.scatter [tilespmem:s14], [sflag:$0x5], $0x8000, $0x38;
	[tilespmem:$0x18F00] =	vst v63  }
0xc0: {  	_ =	swait.ge [sflag:s20], $0x8000  }
0xc1: {  	[sflag:s20] =	ssyncset.done $0x0  }
0xc2: {  	s25 =	simm.s32 $0x600;
	[sflag:s20] =	ssyncadd.s32 $0xFFFF8000  }
0xc3: {  	[tilespmem:s12], [sflag:$0x1] =	stream.indirect.gather [hbm4b:s10+s11], $0x80, s25, s11, $0xb8;
	[tilespmem:$0x18F00] =	vst v63  }
0xc4: {  	s26 =	simm.s32 $0x680  }
0xc5: {  	[tilespmem:s13], [sflag:$0x1] =	stream.indirect.gather [hbm4b:s10+s11], $0x80, s26, s11, $0xb8;
	[tilespmem:$0x18F00] =	vst v63  }
0xc6: {  	_ =	swait.ge [sflag:s21], $0x4000  }
0xc7: {  	[sflag:s21] =	ssyncset.done $0x0  }
0xc8: {  	[sflag:s21] =	ssyncadd.s32 $0xFFFFC000  }
0xc9: {  	_ =	swait.ge [sflag:s21], $0x4000  }
0xca: {  	[sflag:s21] =	ssyncset.done $0x0  }
0xcb: {  	s28 =	rddreg [dreg:$0xd];
	[sflag:s21] =	ssyncadd.s32 $0xFFFFC000  }
0xcc: {  	[hbm4b:s28+s2] =	stream.linear.scatter [tilespmem:s17], [sflag:$0x6], $0x8000, $0x38;
	[tilespmem:$0x18F00] =	vst v63  }
0xcd: {  	_ =	swait.ge [sflag:s22], $0x8000  }
0xce: {  	[sflag:s22] =	ssyncset.done $0x0  }
0xcf: {  	s28 =	simm.s32 $0x700;
	[sflag:s22] =	ssyncadd.s32 $0xFFFF8000  }
0xd0: {  	[tilespmem:s14], [sflag:$0x2] =	stream.indirect.gather [hbm4b:s10+s11], $0x80, s28, s11, $0xb8;
	[tilespmem:$0x18F00] =	vst v63  }
0xd1: {  	s29 =	simm.s32 $0x780  }
0xd2: {  	[tilespmem:s15], [sflag:$0x2] =	stream.indirect.gather [hbm4b:s10+s11], $0x80, s29, s11, $0xb8;
	[tilespmem:$0x18F00] =	vst v63  }
0xd3: {  	_ =	swait.ge [sflag:s16], $0x4000  }
0xd4: {  	[sflag:s16] =	ssyncset.done $0x0  }
0xd5: {  	[sflag:s16] =	ssyncadd.s32 $0xFFFFC000  }
0xd6: {  	_ =	swait.ge [sflag:s16], $0x4000  }
0xd7: {  	[sflag:s16] =	ssyncset.done $0x0  }
0xd8: {  	s30 =	rddreg [dreg:$0xe];
	[sflag:s16] =	ssyncadd.s32 $0xFFFFC000  }
0xd9: {  	[hbm4b:s30+s2] =	stream.linear.scatter [tilespmem:s12], [sflag:$0x4], $0x8000, $0x38;
	[tilespmem:$0x18F00] =	vst v63  }
0xda: {  	_ =	swait.ge [sflag:s23], $0x8000  }
0xdb: {  	[sflag:s23] =	ssyncset.done $0x0  }
0xdc: {  	s30 =	simm.s32 $0x800;
	[sflag:s23] =	ssyncadd.s32 $0xFFFF8000  }
0xdd: {  	[tilespmem:s17], [sflag:$0x3] =	stream.indirect.gather [hbm4b:s10+s11], $0x80, s30, s11, $0xb8;
	[tilespmem:$0x18F00] =	vst v63  }
0xde: {  	s31 =	simm.s32 $0x880  }
0xdf: {  	[tilespmem:s18], [sflag:$0x3] =	stream.indirect.gather [hbm4b:s10+s11], $0x80, s31, s11, $0xb8;
	[tilespmem:$0x18F00] =	vst v63  }
0xe0: {  	_ =	swait.ge [sflag:s19], $0x4000  }
0xe1: {  	[sflag:s19] =	ssyncset.done $0x0  }
0xe2: {  	[sflag:s19] =	ssyncadd.s32 $0xFFFFC000  }
0xe3: {  	_ =	swait.ge [sflag:s19], $0x4000  }
0xe4: {  	[sflag:s19] =	ssyncset.done $0x0  }
0xe5: {  	s24 =	rddreg [dreg:$0xf];
	[sflag:s19] =	ssyncadd.s32 $0xFFFFC000  }
0xe6: {  	[hbm4b:s24+s2] =	stream.linear.scatter [tilespmem:s14], [sflag:$0x5], $0x8000, $0x38;
	[tilespmem:$0x18F00] =	vst v63  }
0xe7: {  	_ =	swait.ge [sflag:s21], $0x4000  }
0xe8: {  	[sflag:s21] =	ssyncset.done $0x0  }
0xe9: {  	[sflag:s21] =	ssyncadd.s32 $0xFFFFC000  }
0xea: {  	_ =	swait.ge [sflag:s21], $0x4000  }
0xeb: {  	[sflag:s21] =	ssyncset.done $0x0  }
0xec: {  	s0 =	ssub.s32 $0x2, s0;
	s24 =	rddreg [dreg:$0x10];
	[sflag:s21] =	ssyncadd.s32 $0xFFFFC000  }
0xed: {  	[hbm4b:s24+s2] =	stream.linear.scatter [tilespmem:s17], [sflag:$0x6], $0x8000, $0x38;
	[tilespmem:$0x18F00] =	vst v63  }
0xee: {  	s24 =	sshrl.u32 s0, $0x1  }
0xef: {  	_ =	swait.ge [sflag:s20], $0x8000;
	s0 =	ssub.s32 s0, s24  }
0xf0: {  	[sflag:s20] =	ssyncset.done $0x0;
	s0 =	smax.u32 s0, $0x1  }
0xf1: {  	[sflag:s20] =	ssyncadd.s32 $0xFFFF8000;
	p0 =	sne.s32 s0, $0x1  }
.Ltmp0:
0xf2: {  	_ =	swait.ge [sflag:s22], $0x8000;
	(pc) =	sbr.rel @!p0 .LBB2_2-.Ltmp0, $4  }
0xf3: {  	[sflag:s22] =	ssyncset.done $0x0  }
0xf4: {  	[sflag:s22] =	ssyncadd.s32 $0xFFFF8000  }
0xf5: {  	_ =	swait.ge [sflag:s23], $0x8000  }
0xf6: {  	s0 =	sadd.s32 $0xFFFFFFFF, s0;
	[sflag:s23] =	ssyncset.done $0x0  }
.LBB2_1:
0xf7: {  	[sflag:s23] =	ssyncadd.s32 $0xFFFF8000  }
0xf8: {  	[tilespmem:s8], [sflag:$0x7] =	stream.strided.gather [hbm4b:s3+s6], $0x600, s7, s6, $0x38;
	[tilespmem:$0x18F00] =	vst v63  }
0xf9: {  	_ =	swait.ge [sflag:s9], $0x600  }
0xfa: {  	[sflag:s9] =	ssyncset.done $0x0  }
0xfb: {  	s1 =	rddreg [dreg:$0x3];
	[sflag:s9] =	ssyncadd.s32 $0xFFFFFA00  }
0xfc: {  	[tilespmem:s2], [sflag:$0x7] =	stream.strided.gather [hbm4b:s1+s6], $0x900, s7, s6, $0x38;
	[tilespmem:$0x18F00] =	vst v63  }
0xfd: {  	_ =	swait.ge [sflag:s9], $0x900  }
0xfe: {  	[sflag:s9] =	ssyncset.done $0x0  }
0xff: {  	[sflag:s9] =	ssyncadd.s32 $0xFFFFF700  }
0x100: {  	[tilespmem:s12], [sflag:$0x1] =	stream.indirect.gather [hbm4b:s10+s11], $0x80, s8, s11, $0xb8;
	[tilespmem:$0x18F00] =	vst v63  }
0x101: {  	s1 =	rddreg [dreg:$0x11]  }
0x102: {  	[tilespmem:s13], [sflag:$0x1] =	stream.indirect.gather [hbm4b:s10+s11], $0x80, s1, s11, $0xb8;
	[tilespmem:$0x18F00] =	vst v63  }
0x103: {  	s24 =	rddreg [dreg:$0x12]  }
0x104: {  	[tilespmem:s14], [sflag:$0x2] =	stream.indirect.gather [hbm4b:s10+s11], $0x80, s24, s11, $0xb8;
	[tilespmem:$0x18F00] =	vst v63  }
0x105: {  	s1 =	rddreg [dreg:$0x13]  }
0x106: {  	[tilespmem:s15], [sflag:$0x2] =	stream.indirect.gather [hbm4b:s10+s11], $0x80, s1, s11, $0xb8;
	[tilespmem:$0x18F00] =	vst v63  }
0x107: {  	_ =	swait.ge [sflag:s16], $0x4000  }
0x108: {  	[sflag:s16] =	ssyncset.done $0x0  }
0x109: {  	[sflag:s16] =	ssyncadd.s32 $0xFFFFC000  }
0x10a: {  	_ =	swait.ge [sflag:s16], $0x4000  }
0x10b: {  	[sflag:s16] =	ssyncset.done $0x0  }
0x10c: {  	[sflag:s16] =	ssyncadd.s32 $0xFFFFC000  }
0x10d: {  	[hbm4b:s5+s2] =	stream.linear.scatter [tilespmem:s12], [sflag:$0x4], $0x8000, $0x38;
	[tilespmem:$0x18F00] =	vst v63  }
0x10e: {  	s1 =	rddreg [dreg:$0x14]  }
0x10f: {  	[tilespmem:s17], [sflag:$0x3] =	stream.indirect.gather [hbm4b:s10+s11], $0x80, s1, s11, $0xb8;
	[tilespmem:$0x18F00] =	vst v63  }
0x110: {  	s24 =	rddreg [dreg:$0x15]  }
0x111: {  	[tilespmem:s18], [sflag:$0x3] =	stream.indirect.gather [hbm4b:s10+s11], $0x80, s24, s11, $0xb8;
	[tilespmem:$0x18F00] =	vst v63  }
0x112: {  	_ =	swait.ge [sflag:s19], $0x4000  }
0x113: {  	[sflag:s19] =	ssyncset.done $0x0  }
0x114: {  	[sflag:s19] =	ssyncadd.s32 $0xFFFFC000  }
0x115: {  	_ =	swait.ge [sflag:s19], $0x4000  }
0x116: {  	[sflag:s19] =	ssyncset.done $0x0  }
0x117: {  	s24 =	rddreg [dreg:$0x5];
	[sflag:s19] =	ssyncadd.s32 $0xFFFFC000  }
0x118: {  	[hbm4b:s24+s2] =	stream.linear.scatter [tilespmem:s14], [sflag:$0x5], $0x8000, $0x38;
	[tilespmem:$0x18F00] =	vst v63  }
0x119: {  	_ =	swait.ge [sflag:s20], $0x8000  }
0x11a: {  	[sflag:s20] =	ssyncset.done $0x0  }
0x11b: {  	s1 =	rddreg [dreg:$0x16];
	[sflag:s20] =	ssyncadd.s32 $0xFFFF8000  }
0x11c: {  	[tilespmem:s12], [sflag:$0x1] =	stream.indirect.gather [hbm4b:s10+s11], $0x80, s1, s11, $0xb8;
	[tilespmem:$0x18F00] =	vst v63  }
0x11d: {  	s24 =	rddreg [dreg:$0x17]  }
0x11e: {  	[tilespmem:s13], [sflag:$0x1] =	stream.indirect.gather [hbm4b:s10+s11], $0x80, s24, s11, $0xb8;
	[tilespmem:$0x18F00] =	vst v63  }
0x11f: {  	_ =	swait.ge [sflag:s21], $0x4000  }
0x120: {  	[sflag:s21] =	ssyncset.done $0x0  }
0x121: {  	[sflag:s21] =	ssyncadd.s32 $0xFFFFC000  }
0x122: {  	_ =	swait.ge [sflag:s21], $0x4000  }
0x123: {  	[sflag:s21] =	ssyncset.done $0x0  }
0x124: {  	s24 =	rddreg [dreg:$0x6];
	[sflag:s21] =	ssyncadd.s32 $0xFFFFC000  }
0x125: {  	[hbm4b:s24+s2] =	stream.linear.scatter [tilespmem:s17], [sflag:$0x6], $0x8000, $0x38;
	[tilespmem:$0x18F00] =	vst v63  }
0x126: {  	_ =	swait.ge [sflag:s22], $0x8000  }
0x127: {  	[sflag:s22] =	ssyncset.done $0x0  }
0x128: {  	s1 =	rddreg [dreg:$0x18];
	[sflag:s22] =	ssyncadd.s32 $0xFFFF8000  }
0x129: {  	[tilespmem:s14], [sflag:$0x2] =	stream.indirect.gather [hbm4b:s10+s11], $0x80, s1, s11, $0xb8;
	[tilespmem:$0x18F00] =	vst v63  }
0x12a: {  	s24 =	rddreg [dreg:$0x19]  }
0x12b: {  	[tilespmem:s15], [sflag:$0x2] =	stream.indirect.gather [hbm4b:s10+s11], $0x80, s24, s11, $0xb8;
	[tilespmem:$0x18F00] =	vst v63  }
0x12c: {  	_ =	swait.ge [sflag:s16], $0x4000  }
0x12d: {  	[sflag:s16] =	ssyncset.done $0x0  }
0x12e: {  	[sflag:s16] =	ssyncadd.s32 $0xFFFFC000  }
0x12f: {  	_ =	swait.ge [sflag:s16], $0x4000  }
0x130: {  	[sflag:s16] =	ssyncset.done $0x0  }
0x131: {  	s24 =	rddreg [dreg:$0x7];
	[sflag:s16] =	ssyncadd.s32 $0xFFFFC000  }
0x132: {  	[hbm4b:s24+s2] =	stream.linear.scatter [tilespmem:s12], [sflag:$0x4], $0x8000, $0x38;
	[tilespmem:$0x18F00] =	vst v63  }
0x133: {  	_ =	swait.ge [sflag:s23], $0x8000  }
0x134: {  	[sflag:s23] =	ssyncset.done $0x0  }
0x135: {  	s1 =	rddreg [dreg:$0x1a];
	[sflag:s23] =	ssyncadd.s32 $0xFFFF8000  }
0x136: {  	[tilespmem:s17], [sflag:$0x3] =	stream.indirect.gather [hbm4b:s10+s11], $0x80, s1, s11, $0xb8;
	[tilespmem:$0x18F00] =	vst v63  }
0x137: {  	s24 =	rddreg [dreg:$0x1b]  }
0x138: {  	[tilespmem:s18], [sflag:$0x3] =	stream.indirect.gather [hbm4b:s10+s11], $0x80, s24, s11, $0xb8;
	[tilespmem:$0x18F00] =	vst v63  }
0x139: {  	_ =	swait.ge [sflag:s19], $0x4000  }
0x13a: {  	[sflag:s19] =	ssyncset.done $0x0  }
0x13b: {  	[sflag:s19] =	ssyncadd.s32 $0xFFFFC000  }
0x13c: {  	_ =	swait.ge [sflag:s19], $0x4000  }
0x13d: {  	[sflag:s19] =	ssyncset.done $0x0  }
0x13e: {  	s24 =	rddreg [dreg:$0x8];
	[sflag:s19] =	ssyncadd.s32 $0xFFFFC000  }
0x13f: {  	[hbm4b:s24+s2] =	stream.linear.scatter [tilespmem:s14], [sflag:$0x5], $0x8000, $0x38;
	[tilespmem:$0x18F00] =	vst v63  }
0x140: {  	_ =	swait.ge [sflag:s21], $0x4000  }
0x141: {  	[sflag:s21] =	ssyncset.done $0x0  }
0x142: {  	[sflag:s21] =	ssyncadd.s32 $0xFFFFC000  }
0x143: {  	_ =	swait.ge [sflag:s21], $0x4000  }
0x144: {  	[sflag:s21] =	ssyncset.done $0x0  }
0x145: {  	s24 =	rddreg [dreg:$0x9];
	[sflag:s21] =	ssyncadd.s32 $0xFFFFC000  }
0x146: {  	[hbm4b:s24+s2] =	stream.linear.scatter [tilespmem:s17], [sflag:$0x6], $0x8000, $0x38;
	[tilespmem:$0x18F00] =	vst v63  }
0x147: {  	_ =	swait.ge [sflag:s20], $0x8000  }
0x148: {  	[sflag:s20] =	ssyncset.done $0x0  }
0x149: {  	[sflag:s20] =	ssyncadd.s32 $0xFFFF8000  }
0x14a: {  	_ =	swait.ge [sflag:s22], $0x8000  }
0x14b: {  	[sflag:s22] =	ssyncset.done $0x0  }
0x14c: {  	[sflag:s22] =	ssyncadd.s32 $0xFFFF8000  }
0x14d: {  	_ =	swait.ge [sflag:s23], $0x8000  }
0x14e: {  	[sflag:s23] =	ssyncset.done $0x0  }
0x14f: {  	[sflag:s23] =	ssyncadd.s32 $0xFFFF8000  }
0x150: {  	[tilespmem:s12], [sflag:$0x1] =	stream.indirect.gather [hbm4b:s10+s11], $0x80, s2, s11, $0xb8;
	[tilespmem:$0x18F00] =	vst v63  }
0x151: {  	_ = 	snop  }
0x152: {  	[tilespmem:s13], [sflag:$0x1] =	stream.indirect.gather [hbm4b:s10+s11], $0x80, s11, s11, $0xb8;
	[tilespmem:$0x18F00] =	vst v63  }
0x153: {  	_ = 	snop  }
0x154: {  	[tilespmem:s14], [sflag:$0x2] =	stream.indirect.gather [hbm4b:s10+s11], $0x80, s6, s11, $0xb8;
	[tilespmem:$0x18F00] =	vst v63  }
0x155: {  	s24 =	rddreg [dreg:$0x1c]  }
0x156: {  	[tilespmem:s15], [sflag:$0x2] =	stream.indirect.gather [hbm4b:s10+s11], $0x80, s24, s11, $0xb8;
	[tilespmem:$0x18F00] =	vst v63  }
0x157: {  	_ =	swait.ge [sflag:s16], $0x4000  }
0x158: {  	[sflag:s16] =	ssyncset.done $0x0  }
0x159: {  	[sflag:s16] =	ssyncadd.s32 $0xFFFFC000  }
0x15a: {  	_ =	swait.ge [sflag:s16], $0x4000  }
0x15b: {  	[sflag:s16] =	ssyncset.done $0x0  }
0x15c: {  	[sflag:s16] =	ssyncadd.s32 $0xFFFFC000  }
0x15d: {  	[hbm4b:s4+s2] =	stream.linear.scatter [tilespmem:s12], [sflag:$0x4], $0x8000, $0x38;
	[tilespmem:$0x18F00] =	vst v63  }
0x15e: {  	s1 =	rddreg [dreg:$0x1d]  }
0x15f: {  	[tilespmem:s17], [sflag:$0x3] =	stream.indirect.gather [hbm4b:s10+s11], $0x80, s1, s11, $0xb8;
	[tilespmem:$0x18F00] =	vst v63  }
0x160: {  	s24 =	rddreg [dreg:$0x1e]  }
0x161: {  	[tilespmem:s18], [sflag:$0x3] =	stream.indirect.gather [hbm4b:s10+s11], $0x80, s24, s11, $0xb8;
	[tilespmem:$0x18F00] =	vst v63  }
0x162: {  	_ =	swait.ge [sflag:s19], $0x4000  }
0x163: {  	[sflag:s19] =	ssyncset.done $0x0  }
0x164: {  	[sflag:s19] =	ssyncadd.s32 $0xFFFFC000  }
0x165: {  	_ =	swait.ge [sflag:s19], $0x4000  }
0x166: {  	[sflag:s19] =	ssyncset.done $0x0  }
0x167: {  	s24 =	rddreg [dreg:$0x4];
	[sflag:s19] =	ssyncadd.s32 $0xFFFFC000  }
0x168: {  	[hbm4b:s24+s2] =	stream.linear.scatter [tilespmem:s14], [sflag:$0x5], $0x8000, $0x38;
	[tilespmem:$0x18F00] =	vst v63  }
0x169: {  	_ =	swait.ge [sflag:s20], $0x8000  }
0x16a: {  	s1 =	rddreg [dreg:$0x1f];
	[sflag:s20] =	ssyncset.done $0x0  }
0x16b: {  	s24 =	sld [smem:$0x7FA];
	[sflag:s20] =	ssyncadd.s32 $0xFFFF8000  }
0x16c: {  	[tilespmem:s12], [sflag:$0x1] =	stream.indirect.gather [hbm4b:s10+s11], $0x80, s1, s11, $0xb8;
	[tilespmem:$0x18F00] =	vst v63  }
0x16d: {  	_ = 	snop  }
0x16e: {  	[tilespmem:s13], [sflag:$0x1] =	stream.indirect.gather [hbm4b:s10+s11], $0x80, s24, s11, $0xb8;
	[tilespmem:$0x18F00] =	vst v63  }
0x16f: {  	_ =	swait.ge [sflag:s21], $0x4000  }
0x170: {  	[sflag:s21] =	ssyncset.done $0x0  }
0x171: {  	[sflag:s21] =	ssyncadd.s32 $0xFFFFC000  }
0x172: {  	_ =	swait.ge [sflag:s21], $0x4000  }
0x173: {  	[sflag:s21] =	ssyncset.done $0x0  }
0x174: {  	s24 =	rddreg [dreg:$0xa];
	[sflag:s21] =	ssyncadd.s32 $0xFFFFC000  }
0x175: {  	[hbm4b:s24+s2] =	stream.linear.scatter [tilespmem:s17], [sflag:$0x6], $0x8000, $0x38;
	[tilespmem:$0x18F00] =	vst v63  }
0x176: {  	_ =	swait.ge [sflag:s22], $0x8000  }
0x177: {  	s1 =	sld [smem:$0x7FB]  }
0x178: {  	[sflag:s22] =	ssyncset.done $0x0  }
0x179: {  	s24 =	sld [smem:$0x7FC];
	[sflag:s22] =	ssyncadd.s32 $0xFFFF8000  }
0x17a: {  	[tilespmem:s14], [sflag:$0x2] =	stream.indirect.gather [hbm4b:s10+s11], $0x80, s1, s11, $0xb8;
	[tilespmem:$0x18F00] =	vst v63  }
0x17b: {  	_ = 	snop  }
0x17c: {  	[tilespmem:s15], [sflag:$0x2] =	stream.indirect.gather [hbm4b:s10+s11], $0x80, s24, s11, $0xb8;
	[tilespmem:$0x18F00] =	vst v63  }
0x17d: {  	_ =	swait.ge [sflag:s16], $0x4000  }
0x17e: {  	[sflag:s16] =	ssyncset.done $0x0  }
0x17f: {  	[sflag:s16] =	ssyncadd.s32 $0xFFFFC000  }
0x180: {  	_ =	swait.ge [sflag:s16], $0x4000  }
0x181: {  	[sflag:s16] =	ssyncset.done $0x0  }
0x182: {  	s24 =	rddreg [dreg:$0xb];
	[sflag:s16] =	ssyncadd.s32 $0xFFFFC000  }
0x183: {  	[hbm4b:s24+s2] =	stream.linear.scatter [tilespmem:s12], [sflag:$0x4], $0x8000, $0x38;
	[tilespmem:$0x18F00] =	vst v63  }
0x184: {  	_ =	swait.ge [sflag:s23], $0x8000  }
0x185: {  	s24 =	sld [smem:$0x7FD]  }
0x186: {  	[sflag:s23] =	ssyncset.done $0x0  }
0x187: {  	[sflag:s23] =	ssyncadd.s32 $0xFFFF8000  }
0x188: {  	[tilespmem:s17], [sflag:$0x3] =	stream.indirect.gather [hbm4b:s10+s11], $0x80, s24, s11, $0xb8;
	[tilespmem:$0x18F00] =	vst v63  }
0x189: {  	s24 =	simm.s32 $0x580  }
0x18a: {  	[tilespmem:s18], [sflag:$0x3] =	stream.indirect.gather [hbm4b:s10+s11], $0x80, s24, s11, $0xb8;
	[tilespmem:$0x18F00] =	vst v63  }
0x18b: {  	_ =	swait.ge [sflag:s19], $0x4000  }
0x18c: {  	[sflag:s19] =	ssyncset.done $0x0  }
0x18d: {  	[sflag:s19] =	ssyncadd.s32 $0xFFFFC000  }
0x18e: {  	_ =	swait.ge [sflag:s19], $0x4000  }
0x18f: {  	[sflag:s19] =	ssyncset.done $0x0  }
0x190: {  	s24 =	rddreg [dreg:$0xc];
	[sflag:s19] =	ssyncadd.s32 $0xFFFFC000  }
0x191: {  	[hbm4b:s24+s2] =	stream.linear.scatter [tilespmem:s14], [sflag:$0x5], $0x8000, $0x38;
	[tilespmem:$0x18F00] =	vst v63  }
0x192: {  	_ =	swait.ge [sflag:s20], $0x8000  }
0x193: {  	[sflag:s20] =	ssyncset.done $0x0  }
0x194: {  	[sflag:s20] =	ssyncadd.s32 $0xFFFF8000  }
0x195: {  	[tilespmem:s12], [sflag:$0x1] =	stream.indirect.gather [hbm4b:s10+s11], $0x80, s25, s11, $0xb8;
	[tilespmem:$0x18F00] =	vst v63  }
0x196: {  	_ = 	snop  }
0x197: {  	[tilespmem:s13], [sflag:$0x1] =	stream.indirect.gather [hbm4b:s10+s11], $0x80, s26, s11, $0xb8;
	[tilespmem:$0x18F00] =	vst v63  }
0x198: {  	_ =	swait.ge [sflag:s21], $0x4000  }
0x199: {  	[sflag:s21] =	ssyncset.done $0x0  }
0x19a: {  	[sflag:s21] =	ssyncadd.s32 $0xFFFFC000  }
0x19b: {  	_ =	swait.ge [sflag:s21], $0x4000  }
0x19c: {  	[sflag:s21] =	ssyncset.done $0x0  }
0x19d: {  	s24 =	rddreg [dreg:$0xd];
	[sflag:s21] =	ssyncadd.s32 $0xFFFFC000  }
0x19e: {  	[hbm4b:s24+s2] =	stream.linear.scatter [tilespmem:s17], [sflag:$0x6], $0x8000, $0x38;
	[tilespmem:$0x18F00] =	vst v63  }
0x19f: {  	_ =	swait.ge [sflag:s22], $0x8000  }
0x1a0: {  	[sflag:s22] =	ssyncset.done $0x0  }
0x1a1: {  	[sflag:s22] =	ssyncadd.s32 $0xFFFF8000  }
0x1a2: {  	[tilespmem:s14], [sflag:$0x2] =	stream.indirect.gather [hbm4b:s10+s11], $0x80, s28, s11, $0xb8;
	[tilespmem:$0x18F00] =	vst v63  }
0x1a3: {  	_ = 	snop  }
0x1a4: {  	[tilespmem:s15], [sflag:$0x2] =	stream.indirect.gather [hbm4b:s10+s11], $0x80, s29, s11, $0xb8;
	[tilespmem:$0x18F00] =	vst v63  }
0x1a5: {  	_ =	swait.ge [sflag:s16], $0x4000  }
0x1a6: {  	[sflag:s16] =	ssyncset.done $0x0  }
0x1a7: {  	[sflag:s16] =	ssyncadd.s32 $0xFFFFC000  }
0x1a8: {  	_ =	swait.ge [sflag:s16], $0x4000  }
0x1a9: {  	[sflag:s16] =	ssyncset.done $0x0  }
0x1aa: {  	s24 =	rddreg [dreg:$0xe];
	[sflag:s16] =	ssyncadd.s32 $0xFFFFC000  }
0x1ab: {  	[hbm4b:s24+s2] =	stream.linear.scatter [tilespmem:s12], [sflag:$0x4], $0x8000, $0x38;
	[tilespmem:$0x18F00] =	vst v63  }
0x1ac: {  	_ =	swait.ge [sflag:s23], $0x8000  }
0x1ad: {  	[sflag:s23] =	ssyncset.done $0x0  }
0x1ae: {  	[sflag:s23] =	ssyncadd.s32 $0xFFFF8000  }
0x1af: {  	[tilespmem:s17], [sflag:$0x3] =	stream.indirect.gather [hbm4b:s10+s11], $0x80, s30, s11, $0xb8;
	[tilespmem:$0x18F00] =	vst v63  }
0x1b0: {  	_ = 	snop  }
0x1b1: {  	[tilespmem:s18], [sflag:$0x3] =	stream.indirect.gather [hbm4b:s10+s11], $0x80, s31, s11, $0xb8;
	[tilespmem:$0x18F00] =	vst v63  }
0x1b2: {  	_ =	swait.ge [sflag:s19], $0x4000  }
0x1b3: {  	[sflag:s19] =	ssyncset.done $0x0  }
0x1b4: {  	[sflag:s19] =	ssyncadd.s32 $0xFFFFC000  }
0x1b5: {  	_ =	swait.ge [sflag:s19], $0x4000  }
0x1b6: {  	[sflag:s19] =	ssyncset.done $0x0  }
0x1b7: {  	s24 =	rddreg [dreg:$0xf];
	[sflag:s19] =	ssyncadd.s32 $0xFFFFC000  }
0x1b8: {  	[hbm4b:s24+s2] =	stream.linear.scatter [tilespmem:s14], [sflag:$0x5], $0x8000, $0x38;
	[tilespmem:$0x18F00] =	vst v63  }
0x1b9: {  	_ =	swait.ge [sflag:s21], $0x4000  }
0x1ba: {  	[sflag:s21] =	ssyncset.done $0x0  }
0x1bb: {  	[sflag:s21] =	ssyncadd.s32 $0xFFFFC000  }
0x1bc: {  	_ =	swait.ge [sflag:s21], $0x4000  }
0x1bd: {  	[sflag:s21] =	ssyncset.done $0x0  }
0x1be: {  	s24 =	rddreg [dreg:$0x10];
	[sflag:s21] =	ssyncadd.s32 $0xFFFFC000  }
0x1bf: {  	[hbm4b:s24+s2] =	stream.linear.scatter [tilespmem:s17], [sflag:$0x6], $0x8000, $0x38;
	[tilespmem:$0x18F00] =	vst v63  }
0x1c0: {  	_ =	swait.ge [sflag:s20], $0x8000  }
0x1c1: {  	[sflag:s20] =	ssyncset.done $0x0  }
0x1c2: {  	p0 =	sne.s32 s0, $0x1;
	[sflag:s20] =	ssyncadd.s32 $0xFFFF8000  }
.Ltmp1:
0x1c3: {  	_ =	swait.ge [sflag:s22], $0x8000;
	(pc) =	sbr.rel @p0 .LBB2_1-.Ltmp1, $4  }
0x1c4: {  	[sflag:s22] =	ssyncset.done $0x0  }
0x1c5: {  	[sflag:s22] =	ssyncadd.s32 $0xFFFF8000  }
0x1c6: {  	_ =	swait.ge [sflag:s23], $0x8000  }
0x1c7: {  	s0 =	sadd.s32 $0xFFFFFFFF, s0;
	[sflag:s23] =	ssyncset.done $0x0  }
.LBB2_2:
0x1c8: {  	[sflag:s23] =	ssyncadd.s32 $0xFFFF8000  }
0x1c9: {  	_ =	sfence.sel $0x180000  }
0x1ca: {  	[bflag:$0x0] =	sbarrier.arrive $0xFFFF  }
0x1cb: {  	_ =	strace $0x90000047  }
0x1cc: {  	s0 =	stileid.u32;
	[bflag:$0x2] =	sbarrier.arrive $0xFFFF  }
0x1cd: {  	p0 =	sne.s32 s0, $0x0;
	s0 =	rddreg [dreg:$0x2]  }
0x1ce: {  	s0 =	sadd.s32 @!p0 $0x100000, s0  }
0x1cf: {  	[sflag:s0] =	ssyncadd.tile.s32 @!p0 $0x1;
	_ =	shalt  }
.Lfunc_end2:
_tile_overlayer_lowered:
.L_overlay_start_2:
0x1d0: {  	(tag) =	ssettag $0x2  }
0x1d1: {  	s0 =	rddreg [dreg:$0x0];
	s2 =	stileid.u32  }
0x1d2: {  	s1 =	rddreg [dreg:$0x1];
	p0 =	sne.s32 s2, $0x0  }
0x1d3: {  	s3 =	rddreg [dreg:$0x2];
	[bflag:$0x3] =	sbarrier.arrive $0xFFFF;
	s2 =	simm.s32 @!p0 $0x1C07  }
0x1d4: {  	[timem:s3], [sflag:s2] =	dma.local @!p0 [hbm:s0], s1  }
0x1d5: {  	s0 =	simm.s32 @!p0 $0x7  }
0x1d6: {  	_ =	swait.ge @!p0 [sflag:s0], s1  }
0x1d7: {  	s1 =	ssub.s32 @!p0 $0x0, s1;
	[sflag:s0] =	ssyncset.done @!p0 $0x0  }
0x1d8: {  	[sflag:s0] =	ssyncadd.s32 @!p0 s1  }
0x1d9: {  	[bflag:$0x3] =	sbarrier.arrive $0xFFFF  }
0x1da: {  	_ =	shalt  }

// kernel: kernel.13.cloned.1.call-start
scs
__scs_entry_jumppad:
0x0: {  	(pc) =	sbr.rel $0x88, $3  }
0x1: {  	(tag) =	ssettag $0x0;
	lr =	simm.s32 $0x1  }
0x2: {  	[smem:$0x3F97] =	sst lr;
	_ =	strace $0xD0000000  }
0x3: {  	_ = 	snop  }
0x4: {  	_ = 	snop  }
0x5: {  	_ = 	snop  }
0x6: {  	_ = 	snop  }
0x7: {  	_ = 	snop  }
__scs_overlays_trampoline_lowered:
0x8: {  	[smem:$0x3FA6] =	sst s0  }
0x9: {  	[smem:$0x3FA7] =	sst s1  }
0xa: {  	[smem:$0x3FA8] =	sst s2  }
0xb: {  	[smem:$0x3FA9] =	sst s3  }
0xc: {  	[smem:$0x3FAA] =	sst s4  }
0xd: {  	[smem:$0x3FAB] =	sst s5  }
0xe: {  	[smem:$0x3FAC] =	sst s6  }
0xf: {  	[smem:$0x3FAD] =	sst s7  }
0x10: {  	[smem:$0x3FAE] =	sst s8  }
0x11: {  	[smem:$0x3FAF] =	sst s9;
	s0 =	simm.s32 @!p0 $0x0  }
0x12: {  	s1 =	sld [smem:$0x3F95];
	s0 =	simm.s32 @p0 $0x1  }
0x13: {  	[smem:$0x3FB0] =	sst s0;
	s0 =	simm.s32 @!p1 $0x0  }
0x14: {  	s2 =	sld [smem:$0x3F94];
	s0 =	simm.s32 @p1 $0x1  }
0x15: {  	[smem:$0x3FB1] =	sst s0;
	s0 =	simm.s32 @!p2 $0x0  }
0x16: {  	s3 =	sld [smem:$0x3FDB];
	s0 =	simm.s32 @p2 $0x1  }
0x17: {  	s4 =	simm.s32 $0x1BF5;
	[smem:$0x3FB3] =	sst s0  }
0x18: {  	s0 =	sld [smem:$0x3F96];
	_ =	swait.ge [sflag:s4], $0x0  }
0x19: {  	s7 =	sld [smem:$0x3F97]  }
0x1a: {  	s8 =	sadd.s32 $0xFFFFE003, lr  }
0x1b: {  	s9 =	sadd.s32 $0xFFFFFEF7, lr;
	s5 =	simm.s32 $0xFFFFFFFF;
	p2 =	slt.u32 s8, $0xFFFFF086  }
0x1c: {  	p1 =	slt.u32 s9, $0xF7A;
	s5 =	simm.s32 @!p2 $0x0  }
0x1d: {  	s5 =	simm.s32 @p1 $0x1;
	p0 =	seq.s32 s7, s2  }
0x1e: {  	s7 =	smul.u32 @!p0 $0xF7A, s2;
	p2 =	seq.s32 @!p0 s5, $0x0  }
0x1f: {  	s9 =	smul.u32 $0xF7A, s1;
	s8 =	simm.s32 @!p0 $0x1BF5;
	p2 =	por !p2, p0  }
0x20: {  	[sflag:s8] =	ssyncset.s32 @!p0 $0xFFFFF086;
	s6 =	sadd.s32 @!p0 s3, s7;
	s7 =	simm.s32 @!p0 $0x108  }
0x21: {  	s3 =	sadd.s32 s3, s9;
	s6 =	sadd.s32 @!p0 $0x88, s6;
	s7 =	simm.s32 @p2 $0x1082  }
0x22: {  	[simem:s7], [sflag:s8] =	dma.local @!p0 [hbm:s6], $0xF7A  }
0x23: {  	s9 =	sor.u32 $0xD0000000, s2;
	s6 =	simm.s32 $0x108;
	_ =	swait.ge @!p0 [sflag:s8], $0x0  }
0x24: {  	s3 =	sadd.s32 $0x88, s3;
	s6 =	simm.s32 @!p1 $0x1082;
	[sflag:s4] =	ssyncset.s32 $0xFFFFF086  }
0x25: {  	[simem:s6], [sflag:s4] =	dma.local [hbm:s3], $0xF7A  }
0x26: {  	[smem:$0x3F97] =	sst s1;
	(tag) =	ssettag s2;
	_ =	strace s9  }
0x27: {  	s1 =	sld [smem:$0x3FA7]  }
0x28: {  	s2 =	sld [smem:$0x3FA8]  }
0x29: {  	s4 =	sld [smem:$0x3FAA]  }
0x2a: {  	p0 =	seq.s32 s5, $0x0;
	s5 =	sld [smem:$0x3FAB]  }
0x2b: {  	s6 =	sld [smem:$0x3FAC]  }
0x2c: {  	s7 =	sld [smem:$0x3FAD]  }
0x2d: {  	s3 =	simm.s32 $0x108;
	s8 =	sld [smem:$0x3FAE]  }
0x2e: {  	s3 =	simm.s32 @!p0 $0x1082;
	s9 =	sld [smem:$0x3FAF]  }
0x2f: {  	lr =	sadd.s32 s0, s3;
	s0 =	sld [smem:$0x3FA6]  }
0x30: {  	s3 =	sld [smem:$0x3FA9]  }
0x31: {  	[smem:$0x3FB2] =	sst s10  }
0x32: {  	s10 =	sld [smem:$0x3FB0];
	_ =	sdelay $0x3  }
0x33: {  	p0 =	seq.s32 s10, $0x1;
	s10 =	sld [smem:$0x3FB2];
	_ =	sdelay $0x3  }
0x34: {  	[smem:$0x3FB2] =	sst s10  }
0x35: {  	s10 =	sld [smem:$0x3FB1];
	_ =	sdelay $0x3  }
0x36: {  	p1 =	seq.s32 s10, $0x1;
	s10 =	sld [smem:$0x3FB2];
	_ =	sdelay $0x3  }
0x37: {  	[smem:$0x3FB2] =	sst s10  }
0x38: {  	s10 =	sld [smem:$0x3FB3]  }
0x39: {  	_ = 	snop;
	(pc) =	sbr.ind lr, $3  }
0x3a: {  	_ = 	snop  }
0x3b: {  	_ = 	snop  }
0x3c: {  	p2 =	seq.s32 s10, $0x1;
	s10 =	sld [smem:$0x3FB2]  }
0x3d: {  	_ =	shalt  }
0x3e: {  	_ =	shalt  }
0x3f: {  	_ =	shalt  }
0x40: {  	_ =	shalt  }
0x41: {  	_ =	shalt  }
0x42: {  	_ =	shalt  }
0x43: {  	_ =	shalt  }
0x44: {  	_ =	shalt  }
0x45: {  	_ =	shalt  }
0x46: {  	_ =	shalt  }
0x47: {  	_ =	shalt  }
0x48: {  	_ =	shalt  }
0x49: {  	_ =	shalt  }
0x4a: {  	_ =	shalt  }
0x4b: {  	_ =	shalt  }
0x4c: {  	_ =	shalt  }
0x4d: {  	_ =	shalt  }
0x4e: {  	_ =	shalt  }
0x4f: {  	_ =	shalt  }
0x50: {  	_ =	shalt  }
0x51: {  	_ =	shalt  }
0x52: {  	_ =	shalt  }
0x53: {  	_ =	shalt  }
0x54: {  	_ =	shalt  }
0x55: {  	_ =	shalt  }
0x56: {  	_ =	shalt  }
0x57: {  	_ =	shalt  }
0x58: {  	_ =	shalt  }
0x59: {  	_ =	shalt  }
0x5a: {  	_ =	shalt  }
0x5b: {  	_ =	shalt  }
0x5c: {  	_ =	shalt  }
0x5d: {  	_ =	shalt  }
0x5e: {  	_ =	shalt  }
0x5f: {  	_ =	shalt  }
0x60: {  	_ =	shalt  }
0x61: {  	_ =	shalt  }
0x62: {  	_ =	shalt  }
0x63: {  	_ =	shalt  }
0x64: {  	_ =	shalt  }
0x65: {  	_ =	shalt  }
0x66: {  	_ =	shalt  }
0x67: {  	_ =	shalt  }
0x68: {  	_ =	shalt  }
0x69: {  	_ =	shalt  }
0x6a: {  	_ =	shalt  }
0x6b: {  	_ =	shalt  }
0x6c: {  	_ =	shalt  }
0x6d: {  	_ =	shalt  }
0x6e: {  	_ =	shalt  }
0x6f: {  	_ =	shalt  }
0x70: {  	_ =	shalt  }
0x71: {  	_ =	shalt  }
0x72: {  	_ =	shalt  }
0x73: {  	_ =	shalt  }
0x74: {  	_ =	shalt  }
0x75: {  	_ =	shalt  }
0x76: {  	_ =	shalt  }
0x77: {  	_ =	shalt  }
0x78: {  	_ =	shalt  }
0x79: {  	_ =	shalt  }
0x7a: {  	_ =	shalt  }
0x7b: {  	_ =	shalt  }
0x7c: {  	_ =	shalt  }
0x7d: {  	_ =	shalt  }
0x7e: {  	_ =	shalt  }
0x7f: {  	_ =	shalt  }
0x80: {  	_ =	shalt  }
0x81: {  	_ =	shalt  }
0x82: {  	_ =	shalt  }
0x83: {  	_ =	shalt  }
0x84: {  	_ =	shalt  }
0x85: {  	_ =	shalt  }
0x86: {  	_ =	shalt  }
0x87: {  	_ =	shalt  }
.Lfunc_end0:
.L_simem_size_0:
called_computation.1_lowered:
.L_overlay_start_0:
0x88: {  	s2 =	sld [smem:$0x3FD9]  }
0x89: {  	s3 =	sld [smem:$0x3FFE];
	_ =	sdelay $0x1  }
0x8a: {  	s1 =	srdreg.scid  }
0x8b: {  	s0 =	sand.u32 $0x1, s1  }
0x8c: {  	s17 =	sshll.u32 s0, $0xA;
	s2 =	sadd.s32 s3, s2  }
0x8d: {  	s2 =	sadd.s32 s2, s17  }
0x8e: {  	[smem:$0x3FBE] =	sst s2  }
0x8f: {  	_ = 	snop  }
0x90: {  	s18 =	sld [smem:$0x3FD0];
	(tm) =	ssettm $0x1  }
0x91: {  	s19 =	sld [smem:$0x3FFB];
	_ =	sdelay $0x3  }
0x92: {  	_ =	strace s19  }
0x93: {  	s2 =	sld [smem:$0x3FFC];
	_ =	sdelay $0x3  }
0x94: {  	_ =	strace s2  }
0x95: {  	s2 =	sld [smem:$0x3FFD];
	_ =	sdelay $0x3  }
0x96: {  	_ =	strace s2  }
0x97: {  	_ =	strace $0x8FFFFFFF  }
0x98: {  	s20 =	sld [smem:$0x3FDB];
	_ =	sdelay $0x1  }
0x99: {  	s4 =	simm.s32 $_scs_section_size  }
0x9a: {  	s5 =	simm.s32 $_size__tile_overlayer_lowered;
	s6 =	simm.s32 $_tile_overlayer_lowered  }
0x9b: {  	s7 =	simm.s32 $0x1BFF;
	s21 =	sshll.u32 s6, $0x1;
	s4 =	sadd.s32 s4, s20  }
0x9c: {  	s22 =	simm.s32 $0x0;
	s5 =	sshll.u32 s5, $0x1;
	s6 =	sadd.s32 s21, s4  }
0x9d: {  	[timem:s22], [sflag:s7] =	dma.local [hbm:s6], s5  }
0x9e: {  	_ =	swait.ge [sflag:s7], s5  }
0x9f: {  	s5 =	ssub.s32 $0x0, s5;
	[sflag:s7] =	ssyncset.done $0x0  }
0xa0: {  	[sflag:s7] =	ssyncadd.s32 s5;
	_ =	sdelay $0x1  }
0xa1: {  	s23 =	simm.s32 $0x1B8B  }
0xa2: {  	_ =	swait.ge [sflag:s23], $0x1  }
0xa3: {  	[sflag:s23] =	ssyncset.done $0x0  }
0xa4: {  	[sflag:s23] =	ssyncadd.s32 $0xFFFFFFFF  }
0xa5: {  	s5 =	sld [smem:$0x0]  }
0xa6: {  	s6 =	sand.u32 $0xFFFFFFFE, s1  }
0xa7: {  	p0 =	sne.s32 s1, s6  }
0xa8: {  	s6 =	sshll.u32 @p0 s6, $0xE  }
0xa9: {  	s6 =	sadd.s32 @p0 $0x11B8D, s6;
	s7 =	sshll.u32 @p0 s5, $0x11  }
0xaa: {  	s6 =	sor.u32 @p0 s7, s6  }
0xab: {  	[sflag:s6] =	ssyncadd.remote.s32 @p0 $0x1;
	_ =	sdelay $0x1  }
0xac: {  	s6 =	simm.s32 @p0 $0x1B8D  }
0xad: {  	_ =	swait.eq @p0 [sflag:s6], $0x1  }
0xae: {  	[sflag:s6] =	ssyncadd.s32 @p0 $0xFFFFFFFF  }
0xaf: {  	s7 =	sshll.u32 @!p0 s1, $0xE  }
0xb0: {  	s7 =	sor.u32 @!p0 $0x4000, s7;
	s6 =	simm.s32 @!p0 $0x1B8D  }
0xb1: {  	s5 =	sshll.u32 @!p0 s5, $0x11;
	s7 =	sadd.s32 @!p0 $0x11B8D, s7;
	_ =	swait.eq @!p0 [sflag:s6], $0x1  }
0xb2: {  	s5 =	sor.u32 @!p0 s5, s7;
	[sflag:s6] =	ssyncadd.s32 @!p0 $0xFFFFFFFF  }
0xb3: {  	s25 =	simm.s32 $0x1B8E;
	s24 =	sld [smem:$0x3FFE];
	[sflag:s5] =	ssyncadd.remote.s32 @!p0 $0x1  }
0xb4: {  	s26 =	simm.s32 $execute0_lowered;
	[smem:$0x3FD2] =	sst s25  }
0xb5: {  	s6 =	sshll.u32 s26, $0x1;
	_ =	strace $0x8000004C;
	[dreg:$0x1] =	wrdreg $0xFFFFFFFF  }
0xb6: {  	s28 =	simm.s32 $_size_execute0_lowered;
	s4 =	sadd.s32 s4, s6;
	[dreg:$0x0] =	wrdreg $0x0  }
0xb7: {  	s6 =	sshll.u32 s28, $0x1;
	[dreg:$0x2] =	wrdreg s4  }
0xb8: {  	[dreg:$0x3] =	wrdreg s6  }
0xb9: {  	[dreg:$0x4] =	wrdreg $0xC0  }
0xba: {  	_ =	task [dreg:s22], $0x5FFFF  }
0xbb: {  	[dreg:$0x1] =	wrdreg $0xFFFFFFFF  }
0xbc: {  	[dreg:$0x0] =	wrdreg $0x60  }
0xbd: {  	[dreg:$0x2] =	wrdreg s24  }
0xbe: {  	[dreg:$0x3] =	wrdreg s18  }
0xbf: {  	[dreg:$0x4] =	wrdreg $0xA  }
0xc0: {  	_ =	task.clear_ibuf [dreg:s22], $0x5FFFF;
	_ =	strace $0x9000004C  }
0xc1: {  	s29 =	simm.s32 $0xA;
	_ =	strace $0x8000004E  }
0xc2: {  	_ =	swait.ge [sflag:s29], $0x1  }
0xc3: {  	[sflag:s29] =	ssyncadd.s32 $0xFFFFFFFF  }
0xc4: {  	_ =	strace $0x9000004E  }
0xc5: {  	_ =	sfence  }
0xc6: {  	s30 =	sld [smem:$0x0];
	_ =	sdelay $0x2  }
0xc7: {  	s31 =	sshll.u32 s1, $0xD;
	s1 =	sshrl.u32 s1, $0x2  }
0xc8: {  	s4 =	sand.u32 $0x4000, s31;
	s1 =	sadd.s32 s1, s30  }
0xc9: {  	s0 =	sor.u32 s4, s0;
	s1 =	sshll.u32 s1, $0x11  }
0xca: {  	s0 =	sor.u32 s1, s0  }
0xcb: {  	s0 =	sadd.s32 $0x8F2B, s0  }
0xcc: {  	[sflag:s0] =	ssyncadd.remote.s32 $0x1  }
0xcd: {  	_ =	sfence.sel $0xFFFF  }
0xce: {  	[dreg:$0x0] =	wrdreg $0xFFFFFFFF;
	(pc) =	sbr.abs _section_cstart, $3  }
0xcf: {  	[dreg:$0x1] =	wrdreg $0xFFFFFFFF  }
0xd0: {  	_ =	task.clear_ibuf [dreg:s22], $0x2FFFF;
	_ =	strace $0x9FFFFFFF  }
0xd1: {  	(tm) =	ssettm $0x7FFFFFFF  }
tec
execute0_lowered:
.L_overlay_start_1:
0x0: {  	(tag) =	ssettag $0x1  }
0x1: {  	s0 =	rddreg [dreg:$0x0]  }
0x2: {  	s2 =	rddreg [dreg:$0x1];
	s1 =	simm.s32 $0x0  }
0x3: {  	s3 =	srdreg.scid;
	s8 =	stileid.u32;
	s10 =	simm.s32 $0x100  }
0x4: {  	s12 =	simm.s32 $0x7;
	s13 =	simm.s32 $0x80;
	s14 =	simm.s32 $0x1E00  }
0x5: {  	s15 =	simm.s32 $0x5E00;
	s16 =	simm.s32 $0x9E00;
	s18 =	simm.s32 $0xDE00  }
0x6: {  	s19 =	simm.s32 $0x1;
	s21 =	simm.s32 $0x11E00;
	s23 =	simm.s32 $0x15E00  }
0x7: {  	s24 =	simm.s32 $0x2;
	s25 =	simm.s32 $0x4;
	s29 =	simm.s32 $0x3  }
0x8: {  	s30 =	simm.s32 $0x5;
	s11 =	simm.s32 $0x0;
	[smem:$0x7FF] =	sst s1  }
0x9: {  	s4 =	sand.u32 $0x1, s3;
	s3 =	sadd.s32 $0x189000, s0;
	s0 =	sadd.s32 $0x7EFA00, s0  }
0xa: {  	_ =	strace $0x8000004D;
	s5 =	ssub.s32 $0x2, s4;
	s6 =	sshll.u32 s4, $0x4  }
0xb: {  	s31 =	sshll.u32 s4, $0x10;
	s7 =	sshrl.u32 s5, $0x1;
	s6 =	sor.u32 s8, s6  }
.Ltmp0:
0xc: {  	s8 =	sshll.u32 s8, $0xC;
	s26 =	sshll.u32 s6, $0x5;
	(pc) =	sbr.rel .LBB2_1-.Ltmp0, $4  }
0xd: {  	s7 =	ssub.s32 s5, s7;
	s28 =	sshll.u32 s6, $0xC;
	s2 =	sadd.s32 s26, s2  }
0xe: {  	s4 =	sadd.s32 s0, s28;
	s0 =	sadd.s32 s31, s0;
	s7 =	smax.u32 s7, $0x1  }
0xf: {  	s5 =	sadd.s32 $0x1800, s2;
	s6 =	sadd.s32 $0x20000, s4;
	s0 =	sadd.s32 s8, s0  }
0x10: {  	s8 =	sadd.s32 $0x40000, s4;
	s2 =	simm.s32 $0x6;
	s17 =	sadd.s32 $0x60000, s0  }
.LBB2_4:
0x11: {  	_ =	swait.ge [sflag:s25], $0x8000  }
0x12: {  	[sflag:s25] =	ssyncset.done $0x0  }
0x13: {  	s11 =	sadd.s32 $0x1, s11;
	[sflag:s25] =	ssyncadd.s32 $0xFFFF8000  }
0x14: {  	p0 =	sne.s32 s11, s7;
	_ =	swait.ge [sflag:s30], $0x8000  }
.Ltmp1:
0x15: {  	[sflag:s30] =	ssyncset.done $0x0;
	(pc) =	sbr.rel @!p0 .LBB2_5-.Ltmp1, $4  }
0x16: {  	[sflag:s30] =	ssyncadd.s32 $0xFFFF8000  }
0x17: {  	_ =	swait.ge [sflag:s2], $0x8000  }
0x18: {  	[sflag:s2] =	ssyncset.done $0x0  }
0x19: {  	[sflag:s2] =	ssyncadd.s32 $0xFFFF8000  }
.LBB2_1:
0x1a: {  	s0 =	simm.s32 $0x2000  }
0x1b: {  	[tilespmem:s1], [sflag:$0x7] =	stream.strided.gather [hbm4b:s5+s10], $0x1E00, s0, s10, $0x38;
	[tilespmem:$0x19E00] =	vst v63  }
0x1c: {  	_ =	swait.ge [sflag:s12], $0x1E00  }
0x1d: {  	[sflag:s12] =	ssyncset.done $0x0  }
0x1e: {  	[sflag:s12] =	ssyncadd.s32 $0xFFFFE200  }
0x1f: {  	[tilespmem:s14], [sflag:$0x1] =	stream.indirect.gather [hbm4b:s3+s13], $0x80, s1, s13, $0xb8;
	[tilespmem:$0x19E00] =	vst v63  }
0x20: {  	_ = 	snop  }
0x21: {  	[tilespmem:s15], [sflag:$0x1] =	stream.indirect.gather [hbm4b:s3+s13], $0x80, s13, s13, $0xb8;
	[tilespmem:$0x19E00] =	vst v63  }
0x22: {  	_ = 	snop  }
0x23: {  	[tilespmem:s16], [sflag:$0x2] =	stream.indirect.gather [hbm4b:s3+s13], $0x80, s10, s13, $0xb8;
	[tilespmem:$0x19E00] =	vst v63  }
0x24: {  	s31 =	simm.s32 $0x180  }
0x25: {  	[tilespmem:s18], [sflag:$0x2] =	stream.indirect.gather [hbm4b:s3+s13], $0x80, s31, s13, $0xb8;
	[tilespmem:$0x19E00] =	vst v63  }
0x26: {  	_ =	swait.ge [sflag:s19], $0x4000  }
0x27: {  	[sflag:s19] =	ssyncset.done $0x0  }
0x28: {  	[sflag:s19] =	ssyncadd.s32 $0xFFFFC000  }
0x29: {  	_ =	swait.ge [sflag:s19], $0x4000  }
0x2a: {  	[sflag:s19] =	ssyncset.done $0x0  }
0x2b: {  	[sflag:s19] =	ssyncadd.s32 $0xFFFFC000  }
0x2c: {  	[hbm4b:s4+s1] =	stream.linear.scatter [tilespmem:s14], [sflag:$0x4], $0x8000, $0x38;
	[tilespmem:$0x19E00] =	vst v63  }
0x2d: {  	s9 =	simm.s32 $0x200  }
0x2e: {  	[tilespmem:s21], [sflag:$0x3] =	stream.indirect.gather [hbm4b:s3+s13], $0x80, s9, s13, $0xb8;
	[tilespmem:$0x19E00] =	vst v63  }
0x2f: {  	s20 =	simm.s32 $0x280  }
0x30: {  	[tilespmem:s23], [sflag:$0x3] =	stream.indirect.gather [hbm4b:s3+s13], $0x80, s20, s13, $0xb8;
	[tilespmem:$0x19E00] =	vst v63  }
0x31: {  	_ =	swait.ge [sflag:s24], $0x4000  }
0x32: {  	[sflag:s24] =	ssyncset.done $0x0  }
0x33: {  	[sflag:s24] =	ssyncadd.s32 $0xFFFFC000  }
0x34: {  	_ =	swait.ge [sflag:s24], $0x4000  }
0x35: {  	[sflag:s24] =	ssyncset.done $0x0  }
0x36: {  	[sflag:s24] =	ssyncadd.s32 $0xFFFFC000  }
0x37: {  	[hbm4b:s6+s1] =	stream.linear.scatter [tilespmem:s16], [sflag:$0x5], $0x8000, $0x38;
	[tilespmem:$0x19E00] =	vst v63  }
0x38: {  	_ =	swait.ge [sflag:s25], $0x8000  }
0x39: {  	[sflag:s25] =	ssyncset.done $0x0  }
0x3a: {  	s22 =	simm.s32 $0x300;
	[sflag:s25] =	ssyncadd.s32 $0xFFFF8000  }
0x3b: {  	[tilespmem:s14], [sflag:$0x1] =	stream.indirect.gather [hbm4b:s3+s13], $0x80, s22, s13, $0xb8;
	[tilespmem:$0x19E00] =	vst v63  }
0x3c: {  	s26 =	simm.s32 $0x380  }
0x3d: {  	[tilespmem:s15], [sflag:$0x1] =	stream.indirect.gather [hbm4b:s3+s13], $0x80, s26, s13, $0xb8;
	[tilespmem:$0x19E00] =	vst v63  }
0x3e: {  	_ =	swait.ge [sflag:s29], $0x4000  }
0x3f: {  	[sflag:s29] =	ssyncset.done $0x0  }
0x40: {  	[sflag:s29] =	ssyncadd.s32 $0xFFFFC000  }
0x41: {  	_ =	swait.ge [sflag:s29], $0x4000  }
0x42: {  	[sflag:s29] =	ssyncset.done $0x0  }
0x43: {  	[sflag:s29] =	ssyncadd.s32 $0xFFFFC000  }
0x44: {  	[hbm4b:s8+s1] =	stream.linear.scatter [tilespmem:s21], [sflag:$0x6], $0x8000, $0x38;
	[tilespmem:$0x19E00] =	vst v63  }
0x45: {  	_ =	swait.ge [sflag:s30], $0x8000  }
0x46: {  	[sflag:s30] =	ssyncset.done $0x0  }
0x47: {  	s28 =	simm.s32 $0x400;
	[sflag:s30] =	ssyncadd.s32 $0xFFFF8000  }
0x48: {  	[tilespmem:s16], [sflag:$0x2] =	stream.indirect.gather [hbm4b:s3+s13], $0x80, s28, s13, $0xb8;
	[tilespmem:$0x19E00] =	vst v63  }
0x49: {  	s31 =	simm.s32 $0x480;
	s9 =	smov.u32 s17;
	s20 =	simm.s32 $0x0  }
0x4a: {  	[tilespmem:s18], [sflag:$0x2] =	stream.indirect.gather [hbm4b:s3+s13], $0x80, s31, s13, $0xb8;
	[tilespmem:$0x19E00] =	vst v63  }
.LBB2_2:
0x4b: {  	_ =	swait.ge [sflag:s19], $0x4000  }
0x4c: {  	[sflag:s19] =	ssyncset.done $0x0  }
0x4d: {  	[sflag:s19] =	ssyncadd.s32 $0xFFFFC000  }
0x4e: {  	_ =	swait.ge [sflag:s19], $0x4000  }
0x4f: {  	[sflag:s19] =	ssyncset.done $0x0  }
0x50: {  	[sflag:s19] =	ssyncadd.s32 $0xFFFFC000  }
0x51: {  	[hbm4b:s9+s1] =	stream.linear.scatter [tilespmem:s14], [sflag:$0x4], $0x8000, $0x38;
	[tilespmem:$0x19E00] =	vst v63  }
0x52: {  	_ =	swait.ge [sflag:s2], $0x8000  }
0x53: {  	s22 =	sshra.s32 s20, $0x2;
	[sflag:s2] =	ssyncset.done $0x0  }
0x54: {  	s26 =	sadd.s32 $0x500, s22;
	[sflag:s2] =	ssyncadd.s32 $0xFFFF8000  }
0x55: {  	[tilespmem:s21], [sflag:$0x3] =	stream.indirect.gather [hbm4b:s3+s13], $0x80, s26, s13, $0xb8;
	[tilespmem:$0x19E00] =	vst v63  }
0x56: {  	s0 =	sadd.s32 $0x580, s22  }
0x57: {  	[tilespmem:s23], [sflag:$0x3] =	stream.indirect.gather [hbm4b:s3+s13], $0x80, s0, s13, $0xb8;
	[tilespmem:$0x19E00] =	vst v63  }
0x58: {  	_ =	swait.ge [sflag:s24], $0x4000  }
0x59: {  	[sflag:s24] =	ssyncset.done $0x0  }
0x5a: {  	[sflag:s24] =	ssyncadd.s32 $0xFFFFC000  }
0x5b: {  	_ =	swait.ge [sflag:s24], $0x4000  }
0x5c: {  	p0 =	seq.s32 s20, $0x6000;
	[sflag:s24] =	ssyncset.done $0x0  }
0x5d: {  	s28 =	sadd.s32 $0x20000, s9;
	s26 =	simm.s32 @!p0 $0x4;
	[sflag:s24] =	ssyncadd.s32 $0xFFFFC000  }
0x5e: {  	[hbm4b:s28+s1] =	stream.linear.scatter [tilespmem:s16], [sflag:$0x5], $0x8000, $0x38;
	[tilespmem:$0x19E00] =	vst v63  }
0x5f: {  	_ =	swait.ge @!p0 [sflag:s26], $0x8000  }
0x60: {  	[sflag:s26] =	ssyncset.done @!p0 $0x0  }
0x61: {  	[sflag:s26] =	ssyncadd.s32 @!p0 $0xFFFF8000;
	s26 =	sshra.s32 @!p0 s20, $0x2  }
0x62: {  	s31 =	simm.s32 @!p0 $0x80;
	s0 =	simm.s32 @!p0 $0x1E00;
	s28 =	sadd.s32 @!p0 $0x600, s26  }
0x63: {  	[tilespmem:s0], [sflag:$0x1] =	stream.indirect.gather @!p0 [hbm4b:s3+s31], $0x80, s28, s31, $0xb8;
	[tilespmem:$0x19E00] =	vst v63  }
0x64: {  	s0 =	sadd.s32 @!p0 $0x680, s26;
	s26 =	simm.s32 @!p0 $0x5E00  }
0x65: {  	[tilespmem:s26], [sflag:$0x1] =	stream.indirect.gather @!p0 [hbm4b:s3+s31], $0x80, s0, s31, $0xb8;
	[tilespmem:$0x19E00] =	vst v63  }
0x66: {  	_ =	swait.ge [sflag:s29], $0x4000  }
0x67: {  	[sflag:s29] =	ssyncset.done $0x0  }
.Ltmp2:
0x68: {  	[sflag:s29] =	ssyncadd.s32 $0xFFFFC000;
	(pc) =	sbr.rel @p0 .LBB2_4-.Ltmp2, $4  }
0x69: {  	_ =	swait.ge [sflag:s29], $0x4000  }
0x6a: {  	[sflag:s29] =	ssyncset.done $0x0  }
0x6b: {  	s31 =	sadd.s32 $0x40000, s9;
	[sflag:s29] =	ssyncadd.s32 $0xFFFFC000  }
0x6c: {  	[hbm4b:s31+s1] =	stream.linear.scatter [tilespmem:s21], [sflag:$0x6], $0x8000, $0x38;
	[tilespmem:$0x19E00] =	vst v63  }
0x6d: {  	_ =	swait.ge [sflag:s30], $0x8000  }
.Ltmp3:
0x6e: {  	[sflag:s30] =	ssyncset.done $0x0;
	(pc) =	sbr.rel .LBB2_2-.Ltmp3, $4  }
0x6f: {  	s0 =	sadd.s32 $0x700, s22;
	[sflag:s30] =	ssyncadd.s32 $0xFFFF8000  }
0x70: {  	[tilespmem:s16], [sflag:$0x2] =	stream.indirect.gather [hbm4b:s3+s13], $0x80, s0, s13, $0xb8;
	[tilespmem:$0x19E00] =	vst v63  }
0x71: {  	s31 =	sadd.s32 $0x780, s22;
	s20 =	sadd.s32 $0xC00, s20;
	s9 =	sadd.s32 $0x60000, s9  }
0x72: {  	[tilespmem:s18], [sflag:$0x2] =	stream.indirect.gather [hbm4b:s3+s13], $0x80, s31, s13, $0xb8;
	[tilespmem:$0x19E00] =	vst v63  }
.LBB2_5:
0x73: {  	_ =	sfence.sel $0x180000  }
0x74: {  	[bflag:$0x0] =	sbarrier.arrive $0xFFFF  }
0x75: {  	_ =	strace $0x9000004D  }
0x76: {  	s0 =	stileid.u32;
	[bflag:$0x2] =	sbarrier.arrive $0xFFFF  }
0x77: {  	p0 =	sne.s32 s0, $0x0;
	s0 =	rddreg [dreg:$0x2]  }
0x78: {  	s0 =	sadd.s32 @!p0 $0x100000, s0  }
0x79: {  	[sflag:s0] =	ssyncadd.tile.s32 @!p0 $0x1;
	_ =	shalt  }
.Lfunc_end2:
_tile_overlayer_lowered:
.L_overlay_start_2:
0x7a: {  	(tag) =	ssettag $0x2  }
0x7b: {  	s0 =	rddreg [dreg:$0x0];
	s2 =	stileid.u32  }
0x7c: {  	s1 =	rddreg [dreg:$0x1];
	p0 =	sne.s32 s2, $0x0  }
0x7d: {  	s3 =	rddreg [dreg:$0x2];
	[bflag:$0x3] =	sbarrier.arrive $0xFFFF;
	s2 =	simm.s32 @!p0 $0x1C07  }
0x7e: {  	[timem:s3], [sflag:s2] =	dma.local @!p0 [hbm:s0], s1  }
0x7f: {  	s0 =	simm.s32 @!p0 $0x7  }
0x80: {  	_ =	swait.ge @!p0 [sflag:s0], s1  }
0x81: {  	s1 =	ssub.s32 @!p0 $0x0, s1;
	[sflag:s0] =	ssyncset.done @!p0 $0x0  }
0x82: {  	[sflag:s0] =	ssyncadd.s32 @!p0 s1  }
0x83: {  	[bflag:$0x3] =	sbarrier.arrive $0xFFFF  }
0x84: {  	_ =	shalt  }

// kernel: kernel.16.cloned.1.call-start
scs
__scs_entry_jumppad:
0x0: {  	(pc) =	sbr.rel $0x88, $3  }
0x1: {  	(tag) =	ssettag $0x0;
	lr =	simm.s32 $0x1  }
0x2: {  	[smem:$0x3F97] =	sst lr;
	_ =	strace $0xD0000000  }
0x3: {  	_ = 	snop  }
0x4: {  	_ = 	snop  }
0x5: {  	_ = 	snop  }
0x6: {  	_ = 	snop  }
0x7: {  	_ = 	snop  }
__scs_overlays_trampoline_lowered:
0x8: {  	[smem:$0x3FA6] =	sst s0  }
0x9: {  	[smem:$0x3FA7] =	sst s1  }
0xa: {  	[smem:$0x3FA8] =	sst s2  }
0xb: {  	[smem:$0x3FA9] =	sst s3  }
0xc: {  	[smem:$0x3FAA] =	sst s4  }
0xd: {  	[smem:$0x3FAB] =	sst s5  }
0xe: {  	[smem:$0x3FAC] =	sst s6  }
0xf: {  	[smem:$0x3FAD] =	sst s7  }
0x10: {  	[smem:$0x3FAE] =	sst s8  }
0x11: {  	[smem:$0x3FAF] =	sst s9;
	s0 =	simm.s32 @!p0 $0x0  }
0x12: {  	s1 =	sld [smem:$0x3F95];
	s0 =	simm.s32 @p0 $0x1  }
0x13: {  	[smem:$0x3FB0] =	sst s0;
	s0 =	simm.s32 @!p1 $0x0  }
0x14: {  	s2 =	sld [smem:$0x3F94];
	s0 =	simm.s32 @p1 $0x1  }
0x15: {  	[smem:$0x3FB1] =	sst s0;
	s0 =	simm.s32 @!p2 $0x0  }
0x16: {  	s3 =	sld [smem:$0x3FDB];
	s0 =	simm.s32 @p2 $0x1  }
0x17: {  	s4 =	simm.s32 $0x1BF5;
	[smem:$0x3FB3] =	sst s0  }
0x18: {  	s0 =	sld [smem:$0x3F96];
	_ =	swait.ge [sflag:s4], $0x0  }
0x19: {  	s7 =	sld [smem:$0x3F97]  }
0x1a: {  	s8 =	sadd.s32 $0xFFFFE003, lr  }
0x1b: {  	s9 =	sadd.s32 $0xFFFFFEF7, lr;
	s5 =	simm.s32 $0xFFFFFFFF;
	p2 =	slt.u32 s8, $0xFFFFF086  }
0x1c: {  	p1 =	slt.u32 s9, $0xF7A;
	s5 =	simm.s32 @!p2 $0x0  }
0x1d: {  	s5 =	simm.s32 @p1 $0x1;
	p0 =	seq.s32 s7, s2  }
0x1e: {  	s7 =	smul.u32 @!p0 $0xF7A, s2;
	p2 =	seq.s32 @!p0 s5, $0x0  }
0x1f: {  	s9 =	smul.u32 $0xF7A, s1;
	s8 =	simm.s32 @!p0 $0x1BF5;
	p2 =	por !p2, p0  }
0x20: {  	[sflag:s8] =	ssyncset.s32 @!p0 $0xFFFFF086;
	s6 =	sadd.s32 @!p0 s3, s7;
	s7 =	simm.s32 @!p0 $0x108  }
0x21: {  	s3 =	sadd.s32 s3, s9;
	s6 =	sadd.s32 @!p0 $0x88, s6;
	s7 =	simm.s32 @p2 $0x1082  }
0x22: {  	[simem:s7], [sflag:s8] =	dma.local @!p0 [hbm:s6], $0xF7A  }
0x23: {  	s9 =	sor.u32 $0xD0000000, s2;
	s6 =	simm.s32 $0x108;
	_ =	swait.ge @!p0 [sflag:s8], $0x0  }
0x24: {  	s3 =	sadd.s32 $0x88, s3;
	s6 =	simm.s32 @!p1 $0x1082;
	[sflag:s4] =	ssyncset.s32 $0xFFFFF086  }
0x25: {  	[simem:s6], [sflag:s4] =	dma.local [hbm:s3], $0xF7A  }
0x26: {  	[smem:$0x3F97] =	sst s1;
	(tag) =	ssettag s2;
	_ =	strace s9  }
0x27: {  	s1 =	sld [smem:$0x3FA7]  }
0x28: {  	s2 =	sld [smem:$0x3FA8]  }
0x29: {  	s4 =	sld [smem:$0x3FAA]  }
0x2a: {  	p0 =	seq.s32 s5, $0x0;
	s5 =	sld [smem:$0x3FAB]  }
0x2b: {  	s6 =	sld [smem:$0x3FAC]  }
0x2c: {  	s7 =	sld [smem:$0x3FAD]  }
0x2d: {  	s3 =	simm.s32 $0x108;
	s8 =	sld [smem:$0x3FAE]  }
0x2e: {  	s3 =	simm.s32 @!p0 $0x1082;
	s9 =	sld [smem:$0x3FAF]  }
0x2f: {  	lr =	sadd.s32 s0, s3;
	s0 =	sld [smem:$0x3FA6]  }
0x30: {  	s3 =	sld [smem:$0x3FA9]  }
0x31: {  	[smem:$0x3FB2] =	sst s10  }
0x32: {  	s10 =	sld [smem:$0x3FB0];
	_ =	sdelay $0x3  }
0x33: {  	p0 =	seq.s32 s10, $0x1;
	s10 =	sld [smem:$0x3FB2];
	_ =	sdelay $0x3  }
0x34: {  	[smem:$0x3FB2] =	sst s10  }
0x35: {  	s10 =	sld [smem:$0x3FB1];
	_ =	sdelay $0x3  }
0x36: {  	p1 =	seq.s32 s10, $0x1;
	s10 =	sld [smem:$0x3FB2];
	_ =	sdelay $0x3  }
0x37: {  	[smem:$0x3FB2] =	sst s10  }
0x38: {  	s10 =	sld [smem:$0x3FB3]  }
0x39: {  	_ = 	snop;
	(pc) =	sbr.ind lr, $3  }
0x3a: {  	_ = 	snop  }
0x3b: {  	_ = 	snop  }
0x3c: {  	p2 =	seq.s32 s10, $0x1;
	s10 =	sld [smem:$0x3FB2]  }
0x3d: {  	_ =	shalt  }
0x3e: {  	_ =	shalt  }
0x3f: {  	_ =	shalt  }
0x40: {  	_ =	shalt  }
0x41: {  	_ =	shalt  }
0x42: {  	_ =	shalt  }
0x43: {  	_ =	shalt  }
0x44: {  	_ =	shalt  }
0x45: {  	_ =	shalt  }
0x46: {  	_ =	shalt  }
0x47: {  	_ =	shalt  }
0x48: {  	_ =	shalt  }
0x49: {  	_ =	shalt  }
0x4a: {  	_ =	shalt  }
0x4b: {  	_ =	shalt  }
0x4c: {  	_ =	shalt  }
0x4d: {  	_ =	shalt  }
0x4e: {  	_ =	shalt  }
0x4f: {  	_ =	shalt  }
0x50: {  	_ =	shalt  }
0x51: {  	_ =	shalt  }
0x52: {  	_ =	shalt  }
0x53: {  	_ =	shalt  }
0x54: {  	_ =	shalt  }
0x55: {  	_ =	shalt  }
0x56: {  	_ =	shalt  }
0x57: {  	_ =	shalt  }
0x58: {  	_ =	shalt  }
0x59: {  	_ =	shalt  }
0x5a: {  	_ =	shalt  }
0x5b: {  	_ =	shalt  }
0x5c: {  	_ =	shalt  }
0x5d: {  	_ =	shalt  }
0x5e: {  	_ =	shalt  }
0x5f: {  	_ =	shalt  }
0x60: {  	_ =	shalt  }
0x61: {  	_ =	shalt  }
0x62: {  	_ =	shalt  }
0x63: {  	_ =	shalt  }
0x64: {  	_ =	shalt  }
0x65: {  	_ =	shalt  }
0x66: {  	_ =	shalt  }
0x67: {  	_ =	shalt  }
0x68: {  	_ =	shalt  }
0x69: {  	_ =	shalt  }
0x6a: {  	_ =	shalt  }
0x6b: {  	_ =	shalt  }
0x6c: {  	_ =	shalt  }
0x6d: {  	_ =	shalt  }
0x6e: {  	_ =	shalt  }
0x6f: {  	_ =	shalt  }
0x70: {  	_ =	shalt  }
0x71: {  	_ =	shalt  }
0x72: {  	_ =	shalt  }
0x73: {  	_ =	shalt  }
0x74: {  	_ =	shalt  }
0x75: {  	_ =	shalt  }
0x76: {  	_ =	shalt  }
0x77: {  	_ =	shalt  }
0x78: {  	_ =	shalt  }
0x79: {  	_ =	shalt  }
0x7a: {  	_ =	shalt  }
0x7b: {  	_ =	shalt  }
0x7c: {  	_ =	shalt  }
0x7d: {  	_ =	shalt  }
0x7e: {  	_ =	shalt  }
0x7f: {  	_ =	shalt  }
0x80: {  	_ =	shalt  }
0x81: {  	_ =	shalt  }
0x82: {  	_ =	shalt  }
0x83: {  	_ =	shalt  }
0x84: {  	_ =	shalt  }
0x85: {  	_ =	shalt  }
0x86: {  	_ =	shalt  }
0x87: {  	_ =	shalt  }
.Lfunc_end0:
.L_simem_size_0:
called_computation.2_lowered:
.L_overlay_start_0:
0x88: {  	s2 =	sld [smem:$0x3FD9]  }
0x89: {  	s3 =	sld [smem:$0x3FFE];
	_ =	sdelay $0x1  }
0x8a: {  	s1 =	srdreg.scid  }
0x8b: {  	s0 =	sand.u32 $0x1, s1  }
0x8c: {  	s17 =	sshll.u32 s0, $0xA;
	s2 =	sadd.s32 s3, s2  }
0x8d: {  	s2 =	sadd.s32 s2, s17  }
0x8e: {  	[smem:$0x3FBE] =	sst s2  }
0x8f: {  	_ = 	snop  }
0x90: {  	s18 =	sld [smem:$0x3FD0];
	(tm) =	ssettm $0x1  }
0x91: {  	s19 =	sld [smem:$0x3FFB];
	_ =	sdelay $0x3  }
0x92: {  	_ =	strace s19  }
0x93: {  	s2 =	sld [smem:$0x3FFC];
	_ =	sdelay $0x3  }
0x94: {  	_ =	strace s2  }
0x95: {  	s2 =	sld [smem:$0x3FFD];
	_ =	sdelay $0x3  }
0x96: {  	_ =	strace s2  }
0x97: {  	_ =	strace $0x8FFFFFFF  }
0x98: {  	s20 =	sld [smem:$0x3FDB];
	_ =	sdelay $0x1  }
0x99: {  	s4 =	simm.s32 $_scs_section_size  }
0x9a: {  	s5 =	simm.s32 $_size__tile_overlayer_lowered;
	s6 =	simm.s32 $_tile_overlayer_lowered  }
0x9b: {  	s7 =	simm.s32 $0x1BFF;
	s21 =	sshll.u32 s6, $0x1;
	s4 =	sadd.s32 s4, s20  }
0x9c: {  	s22 =	simm.s32 $0x0;
	s5 =	sshll.u32 s5, $0x1;
	s6 =	sadd.s32 s21, s4  }
0x9d: {  	[timem:s22], [sflag:s7] =	dma.local [hbm:s6], s5  }
0x9e: {  	_ =	swait.ge [sflag:s7], s5  }
0x9f: {  	s5 =	ssub.s32 $0x0, s5;
	[sflag:s7] =	ssyncset.done $0x0  }
0xa0: {  	[sflag:s7] =	ssyncadd.s32 s5;
	_ =	sdelay $0x1  }
0xa1: {  	s23 =	simm.s32 $0x1B8B  }
0xa2: {  	_ =	swait.ge [sflag:s23], $0x1  }
0xa3: {  	[sflag:s23] =	ssyncset.done $0x0  }
0xa4: {  	[sflag:s23] =	ssyncadd.s32 $0xFFFFFFFF  }
0xa5: {  	s5 =	sld [smem:$0x0]  }
0xa6: {  	s6 =	sand.u32 $0xFFFFFFFE, s1  }
0xa7: {  	p0 =	sne.s32 s1, s6  }
0xa8: {  	s6 =	sshll.u32 @p0 s6, $0xE  }
0xa9: {  	s6 =	sadd.s32 @p0 $0x11B8D, s6;
	s7 =	sshll.u32 @p0 s5, $0x11  }
0xaa: {  	s6 =	sor.u32 @p0 s7, s6  }
0xab: {  	[sflag:s6] =	ssyncadd.remote.s32 @p0 $0x1;
	_ =	sdelay $0x1  }
0xac: {  	s6 =	simm.s32 @p0 $0x1B8D  }
0xad: {  	_ =	swait.eq @p0 [sflag:s6], $0x1  }
0xae: {  	[sflag:s6] =	ssyncadd.s32 @p0 $0xFFFFFFFF  }
0xaf: {  	s7 =	sshll.u32 @!p0 s1, $0xE  }
0xb0: {  	s7 =	sor.u32 @!p0 $0x4000, s7;
	s6 =	simm.s32 @!p0 $0x1B8D  }
0xb1: {  	s5 =	sshll.u32 @!p0 s5, $0x11;
	s7 =	sadd.s32 @!p0 $0x11B8D, s7;
	_ =	swait.eq @!p0 [sflag:s6], $0x1  }
0xb2: {  	s5 =	sor.u32 @!p0 s5, s7;
	[sflag:s6] =	ssyncadd.s32 @!p0 $0xFFFFFFFF  }
0xb3: {  	s25 =	simm.s32 $0x1B8E;
	s24 =	sld [smem:$0x3FFE];
	[sflag:s5] =	ssyncadd.remote.s32 @!p0 $0x1  }
0xb4: {  	s26 =	simm.s32 $execute0_lowered;
	[smem:$0x3FD2] =	sst s25  }
0xb5: {  	s6 =	sshll.u32 s26, $0x1;
	_ =	strace $0x80000049;
	[dreg:$0x1] =	wrdreg $0xFFFFFFFF  }
0xb6: {  	s28 =	simm.s32 $_size_execute0_lowered;
	s4 =	sadd.s32 s4, s6;
	[dreg:$0x0] =	wrdreg $0x0  }
0xb7: {  	s6 =	sshll.u32 s28, $0x1;
	[dreg:$0x2] =	wrdreg s4  }
0xb8: {  	[dreg:$0x3] =	wrdreg s6  }
0xb9: {  	[dreg:$0x4] =	wrdreg $0xC0  }
0xba: {  	_ =	task [dreg:s22], $0x5FFFF  }
0xbb: {  	[dreg:$0x1] =	wrdreg $0xFFFFFFFF  }
0xbc: {  	[dreg:$0x0] =	wrdreg $0x60  }
0xbd: {  	[dreg:$0x2] =	wrdreg s24  }
0xbe: {  	[dreg:$0x3] =	wrdreg s18  }
0xbf: {  	[dreg:$0x4] =	wrdreg $0xB  }
0xc0: {  	_ =	task.clear_ibuf [dreg:s22], $0x5FFFF;
	_ =	strace $0x90000049  }
0xc1: {  	s29 =	simm.s32 $0xB;
	_ =	strace $0x8000004B  }
0xc2: {  	_ =	swait.ge [sflag:s29], $0x1  }
0xc3: {  	[sflag:s29] =	ssyncadd.s32 $0xFFFFFFFF  }
0xc4: {  	_ =	strace $0x9000004B  }
0xc5: {  	_ =	sfence  }
0xc6: {  	s30 =	sld [smem:$0x0];
	_ =	sdelay $0x2  }
0xc7: {  	s31 =	sshll.u32 s1, $0xD;
	s1 =	sshrl.u32 s1, $0x2  }
0xc8: {  	s4 =	sand.u32 $0x4000, s31;
	s1 =	sadd.s32 s1, s30  }
0xc9: {  	s0 =	sor.u32 s4, s0;
	s1 =	sshll.u32 s1, $0x11  }
0xca: {  	s0 =	sor.u32 s1, s0  }
0xcb: {  	s0 =	sadd.s32 $0x8F2B, s0  }
0xcc: {  	[sflag:s0] =	ssyncadd.remote.s32 $0x1  }
0xcd: {  	_ =	sfence.sel $0xFFFF  }
0xce: {  	[dreg:$0x0] =	wrdreg $0xFFFFFFFF;
	(pc) =	sbr.abs _section_cstart, $3  }
0xcf: {  	[dreg:$0x1] =	wrdreg $0xFFFFFFFF  }
0xd0: {  	_ =	task.clear_ibuf [dreg:s22], $0x2FFFF;
	_ =	strace $0x9FFFFFFF  }
0xd1: {  	(tm) =	ssettm $0x7FFFFFFF  }
tec
execute0_lowered:
.L_overlay_start_1:
0x0: {  	(tag) =	ssettag $0x1  }
0x1: {  	s0 =	rddreg [dreg:$0x0]  }
0x2: {  	s2 =	rddreg [dreg:$0x1];
	s1 =	simm.s32 $0x0  }
0x3: {  	s3 =	srdreg.scid;
	s8 =	stileid.u32;
	s10 =	simm.s32 $0x100  }
0x4: {  	s12 =	simm.s32 $0x7;
	s13 =	simm.s32 $0x80;
	s14 =	simm.s32 $0x1E00  }
0x5: {  	s15 =	simm.s32 $0x5E00;
	s16 =	simm.s32 $0x9E00;
	s18 =	simm.s32 $0xDE00  }
0x6: {  	s19 =	simm.s32 $0x1;
	s21 =	simm.s32 $0x11E00;
	s23 =	simm.s32 $0x15E00  }
0x7: {  	s24 =	simm.s32 $0x2;
	s25 =	simm.s32 $0x4;
	s29 =	simm.s32 $0x3  }
0x8: {  	s30 =	simm.s32 $0x5;
	s11 =	simm.s32 $0x0;
	[smem:$0x7FF] =	sst s1  }
0x9: {  	s4 =	sand.u32 $0x1, s3;
	s3 =	sadd.s32 $0x189000, s0;
	s0 =	sadd.s32 $0x42FA00, s0  }
0xa: {  	_ =	strace $0x8000004A;
	s5 =	ssub.s32 $0x2, s4;
	s6 =	sshll.u32 s4, $0x4  }
0xb: {  	s31 =	sshll.u32 s4, $0x10;
	s7 =	sshrl.u32 s5, $0x1;
	s6 =	sor.u32 s8, s6  }
.Ltmp0:
0xc: {  	s8 =	sshll.u32 s8, $0xC;
	s26 =	sshll.u32 s6, $0x5;
	(pc) =	sbr.rel .LBB2_1-.Ltmp0, $4  }
0xd: {  	s7 =	ssub.s32 s5, s7;
	s28 =	sshll.u32 s6, $0xC;
	s2 =	sadd.s32 s26, s2  }
0xe: {  	s4 =	sadd.s32 s0, s28;
	s0 =	sadd.s32 s31, s0;
	s7 =	smax.u32 s7, $0x1  }
0xf: {  	s5 =	sadd.s32 $0x9000, s2;
	s6 =	sadd.s32 $0x20000, s4;
	s0 =	sadd.s32 s8, s0  }
0x10: {  	s8 =	sadd.s32 $0x40000, s4;
	s2 =	simm.s32 $0x6;
	s17 =	sadd.s32 $0x60000, s0  }
.LBB2_4:
0x11: {  	_ =	swait.ge [sflag:s25], $0x8000  }
0x12: {  	[sflag:s25] =	ssyncset.done $0x0  }
0x13: {  	s11 =	sadd.s32 $0x1, s11;
	[sflag:s25] =	ssyncadd.s32 $0xFFFF8000  }
0x14: {  	p0 =	sne.s32 s11, s7;
	_ =	swait.ge [sflag:s30], $0x8000  }
.Ltmp1:
0x15: {  	[sflag:s30] =	ssyncset.done $0x0;
	(pc) =	sbr.rel @!p0 .LBB2_5-.Ltmp1, $4  }
0x16: {  	[sflag:s30] =	ssyncadd.s32 $0xFFFF8000  }
0x17: {  	_ =	swait.ge [sflag:s2], $0x8000  }
0x18: {  	[sflag:s2] =	ssyncset.done $0x0  }
0x19: {  	[sflag:s2] =	ssyncadd.s32 $0xFFFF8000  }
.LBB2_1:
0x1a: {  	s0 =	simm.s32 $0x2000  }
0x1b: {  	[tilespmem:s1], [sflag:$0x7] =	stream.strided.gather [hbm4b:s5+s10], $0x1E00, s0, s10, $0x38;
	[tilespmem:$0x19E00] =	vst v63  }
0x1c: {  	_ =	swait.ge [sflag:s12], $0x1E00  }
0x1d: {  	[sflag:s12] =	ssyncset.done $0x0  }
0x1e: {  	[sflag:s12] =	ssyncadd.s32 $0xFFFFE200  }
0x1f: {  	[tilespmem:s14], [sflag:$0x1] =	stream.indirect.gather [hbm4b:s3+s13], $0x80, s1, s13, $0xb8;
	[tilespmem:$0x19E00] =	vst v63  }
0x20: {  	_ = 	snop  }
0x21: {  	[tilespmem:s15], [sflag:$0x1] =	stream.indirect.gather [hbm4b:s3+s13], $0x80, s13, s13, $0xb8;
	[tilespmem:$0x19E00] =	vst v63  }
0x22: {  	_ = 	snop  }
0x23: {  	[tilespmem:s16], [sflag:$0x2] =	stream.indirect.gather [hbm4b:s3+s13], $0x80, s10, s13, $0xb8;
	[tilespmem:$0x19E00] =	vst v63  }
0x24: {  	s31 =	simm.s32 $0x180  }
0x25: {  	[tilespmem:s18], [sflag:$0x2] =	stream.indirect.gather [hbm4b:s3+s13], $0x80, s31, s13, $0xb8;
	[tilespmem:$0x19E00] =	vst v63  }
0x26: {  	_ =	swait.ge [sflag:s19], $0x4000  }
0x27: {  	[sflag:s19] =	ssyncset.done $0x0  }
0x28: {  	[sflag:s19] =	ssyncadd.s32 $0xFFFFC000  }
0x29: {  	_ =	swait.ge [sflag:s19], $0x4000  }
0x2a: {  	[sflag:s19] =	ssyncset.done $0x0  }
0x2b: {  	[sflag:s19] =	ssyncadd.s32 $0xFFFFC000  }
0x2c: {  	[hbm4b:s4+s1] =	stream.linear.scatter [tilespmem:s14], [sflag:$0x4], $0x8000, $0x38;
	[tilespmem:$0x19E00] =	vst v63  }
0x2d: {  	s9 =	simm.s32 $0x200  }
0x2e: {  	[tilespmem:s21], [sflag:$0x3] =	stream.indirect.gather [hbm4b:s3+s13], $0x80, s9, s13, $0xb8;
	[tilespmem:$0x19E00] =	vst v63  }
0x2f: {  	s20 =	simm.s32 $0x280  }
0x30: {  	[tilespmem:s23], [sflag:$0x3] =	stream.indirect.gather [hbm4b:s3+s13], $0x80, s20, s13, $0xb8;
	[tilespmem:$0x19E00] =	vst v63  }
0x31: {  	_ =	swait.ge [sflag:s24], $0x4000  }
0x32: {  	[sflag:s24] =	ssyncset.done $0x0  }
0x33: {  	[sflag:s24] =	ssyncadd.s32 $0xFFFFC000  }
0x34: {  	_ =	swait.ge [sflag:s24], $0x4000  }
0x35: {  	[sflag:s24] =	ssyncset.done $0x0  }
0x36: {  	[sflag:s24] =	ssyncadd.s32 $0xFFFFC000  }
0x37: {  	[hbm4b:s6+s1] =	stream.linear.scatter [tilespmem:s16], [sflag:$0x5], $0x8000, $0x38;
	[tilespmem:$0x19E00] =	vst v63  }
0x38: {  	_ =	swait.ge [sflag:s25], $0x8000  }
0x39: {  	[sflag:s25] =	ssyncset.done $0x0  }
0x3a: {  	s22 =	simm.s32 $0x300;
	[sflag:s25] =	ssyncadd.s32 $0xFFFF8000  }
0x3b: {  	[tilespmem:s14], [sflag:$0x1] =	stream.indirect.gather [hbm4b:s3+s13], $0x80, s22, s13, $0xb8;
	[tilespmem:$0x19E00] =	vst v63  }
0x3c: {  	s26 =	simm.s32 $0x380  }
0x3d: {  	[tilespmem:s15], [sflag:$0x1] =	stream.indirect.gather [hbm4b:s3+s13], $0x80, s26, s13, $0xb8;
	[tilespmem:$0x19E00] =	vst v63  }
0x3e: {  	_ =	swait.ge [sflag:s29], $0x4000  }
0x3f: {  	[sflag:s29] =	ssyncset.done $0x0  }
0x40: {  	[sflag:s29] =	ssyncadd.s32 $0xFFFFC000  }
0x41: {  	_ =	swait.ge [sflag:s29], $0x4000  }
0x42: {  	[sflag:s29] =	ssyncset.done $0x0  }
0x43: {  	[sflag:s29] =	ssyncadd.s32 $0xFFFFC000  }
0x44: {  	[hbm4b:s8+s1] =	stream.linear.scatter [tilespmem:s21], [sflag:$0x6], $0x8000, $0x38;
	[tilespmem:$0x19E00] =	vst v63  }
0x45: {  	_ =	swait.ge [sflag:s30], $0x8000  }
0x46: {  	[sflag:s30] =	ssyncset.done $0x0  }
0x47: {  	s28 =	simm.s32 $0x400;
	[sflag:s30] =	ssyncadd.s32 $0xFFFF8000  }
0x48: {  	[tilespmem:s16], [sflag:$0x2] =	stream.indirect.gather [hbm4b:s3+s13], $0x80, s28, s13, $0xb8;
	[tilespmem:$0x19E00] =	vst v63  }
0x49: {  	s31 =	simm.s32 $0x480;
	s9 =	smov.u32 s17;
	s20 =	simm.s32 $0x0  }
0x4a: {  	[tilespmem:s18], [sflag:$0x2] =	stream.indirect.gather [hbm4b:s3+s13], $0x80, s31, s13, $0xb8;
	[tilespmem:$0x19E00] =	vst v63  }
.LBB2_2:
0x4b: {  	_ =	swait.ge [sflag:s19], $0x4000  }
0x4c: {  	[sflag:s19] =	ssyncset.done $0x0  }
0x4d: {  	[sflag:s19] =	ssyncadd.s32 $0xFFFFC000  }
0x4e: {  	_ =	swait.ge [sflag:s19], $0x4000  }
0x4f: {  	[sflag:s19] =	ssyncset.done $0x0  }
0x50: {  	[sflag:s19] =	ssyncadd.s32 $0xFFFFC000  }
0x51: {  	[hbm4b:s9+s1] =	stream.linear.scatter [tilespmem:s14], [sflag:$0x4], $0x8000, $0x38;
	[tilespmem:$0x19E00] =	vst v63  }
0x52: {  	_ =	swait.ge [sflag:s2], $0x8000  }
0x53: {  	s22 =	sshra.s32 s20, $0x2;
	[sflag:s2] =	ssyncset.done $0x0  }
0x54: {  	s26 =	sadd.s32 $0x500, s22;
	[sflag:s2] =	ssyncadd.s32 $0xFFFF8000  }
0x55: {  	[tilespmem:s21], [sflag:$0x3] =	stream.indirect.gather [hbm4b:s3+s13], $0x80, s26, s13, $0xb8;
	[tilespmem:$0x19E00] =	vst v63  }
0x56: {  	s0 =	sadd.s32 $0x580, s22  }
0x57: {  	[tilespmem:s23], [sflag:$0x3] =	stream.indirect.gather [hbm4b:s3+s13], $0x80, s0, s13, $0xb8;
	[tilespmem:$0x19E00] =	vst v63  }
0x58: {  	_ =	swait.ge [sflag:s24], $0x4000  }
0x59: {  	[sflag:s24] =	ssyncset.done $0x0  }
0x5a: {  	[sflag:s24] =	ssyncadd.s32 $0xFFFFC000  }
0x5b: {  	_ =	swait.ge [sflag:s24], $0x4000  }
0x5c: {  	p0 =	seq.s32 s20, $0x6000;
	[sflag:s24] =	ssyncset.done $0x0  }
0x5d: {  	s28 =	sadd.s32 $0x20000, s9;
	s26 =	simm.s32 @!p0 $0x4;
	[sflag:s24] =	ssyncadd.s32 $0xFFFFC000  }
0x5e: {  	[hbm4b:s28+s1] =	stream.linear.scatter [tilespmem:s16], [sflag:$0x5], $0x8000, $0x38;
	[tilespmem:$0x19E00] =	vst v63  }
0x5f: {  	_ =	swait.ge @!p0 [sflag:s26], $0x8000  }
0x60: {  	[sflag:s26] =	ssyncset.done @!p0 $0x0  }
0x61: {  	[sflag:s26] =	ssyncadd.s32 @!p0 $0xFFFF8000;
	s26 =	sshra.s32 @!p0 s20, $0x2  }
0x62: {  	s31 =	simm.s32 @!p0 $0x80;
	s0 =	simm.s32 @!p0 $0x1E00;
	s28 =	sadd.s32 @!p0 $0x600, s26  }
0x63: {  	[tilespmem:s0], [sflag:$0x1] =	stream.indirect.gather @!p0 [hbm4b:s3+s31], $0x80, s28, s31, $0xb8;
	[tilespmem:$0x19E00] =	vst v63  }
0x64: {  	s0 =	sadd.s32 @!p0 $0x680, s26;
	s26 =	simm.s32 @!p0 $0x5E00  }
0x65: {  	[tilespmem:s26], [sflag:$0x1] =	stream.indirect.gather @!p0 [hbm4b:s3+s31], $0x80, s0, s31, $0xb8;
	[tilespmem:$0x19E00] =	vst v63  }
0x66: {  	_ =	swait.ge [sflag:s29], $0x4000  }
0x67: {  	[sflag:s29] =	ssyncset.done $0x0  }
.Ltmp2:
0x68: {  	[sflag:s29] =	ssyncadd.s32 $0xFFFFC000;
	(pc) =	sbr.rel @p0 .LBB2_4-.Ltmp2, $4  }
0x69: {  	_ =	swait.ge [sflag:s29], $0x4000  }
0x6a: {  	[sflag:s29] =	ssyncset.done $0x0  }
0x6b: {  	s31 =	sadd.s32 $0x40000, s9;
	[sflag:s29] =	ssyncadd.s32 $0xFFFFC000  }
0x6c: {  	[hbm4b:s31+s1] =	stream.linear.scatter [tilespmem:s21], [sflag:$0x6], $0x8000, $0x38;
	[tilespmem:$0x19E00] =	vst v63  }
0x6d: {  	_ =	swait.ge [sflag:s30], $0x8000  }
.Ltmp3:
0x6e: {  	[sflag:s30] =	ssyncset.done $0x0;
	(pc) =	sbr.rel .LBB2_2-.Ltmp3, $4  }
0x6f: {  	s0 =	sadd.s32 $0x700, s22;
	[sflag:s30] =	ssyncadd.s32 $0xFFFF8000  }
0x70: {  	[tilespmem:s16], [sflag:$0x2] =	stream.indirect.gather [hbm4b:s3+s13], $0x80, s0, s13, $0xb8;
	[tilespmem:$0x19E00] =	vst v63  }
0x71: {  	s31 =	sadd.s32 $0x780, s22;
	s20 =	sadd.s32 $0xC00, s20;
	s9 =	sadd.s32 $0x60000, s9  }
0x72: {  	[tilespmem:s18], [sflag:$0x2] =	stream.indirect.gather [hbm4b:s3+s13], $0x80, s31, s13, $0xb8;
	[tilespmem:$0x19E00] =	vst v63  }
.LBB2_5:
0x73: {  	_ =	sfence.sel $0x180000  }
0x74: {  	[bflag:$0x0] =	sbarrier.arrive $0xFFFF  }
0x75: {  	_ =	strace $0x9000004A  }
0x76: {  	s0 =	stileid.u32;
	[bflag:$0x2] =	sbarrier.arrive $0xFFFF  }
0x77: {  	p0 =	sne.s32 s0, $0x0;
	s0 =	rddreg [dreg:$0x2]  }
0x78: {  	s0 =	sadd.s32 @!p0 $0x100000, s0  }
0x79: {  	[sflag:s0] =	ssyncadd.tile.s32 @!p0 $0x1;
	_ =	shalt  }
.Lfunc_end2:
_tile_overlayer_lowered:
.L_overlay_start_2:
0x7a: {  	(tag) =	ssettag $0x2  }
0x7b: {  	s0 =	rddreg [dreg:$0x0];
	s2 =	stileid.u32  }
0x7c: {  	s1 =	rddreg [dreg:$0x1];
	p0 =	sne.s32 s2, $0x0  }
0x7d: {  	s3 =	rddreg [dreg:$0x2];
	[bflag:$0x3] =	sbarrier.arrive $0xFFFF;
	s2 =	simm.s32 @!p0 $0x1C07  }
0x7e: {  	[timem:s3], [sflag:s2] =	dma.local @!p0 [hbm:s0], s1  }
0x7f: {  	s0 =	simm.s32 @!p0 $0x7  }
0x80: {  	_ =	swait.ge @!p0 [sflag:s0], s1  }
0x81: {  	s1 =	ssub.s32 @!p0 $0x0, s1;
	[sflag:s0] =	ssyncset.done @!p0 $0x0  }
0x82: {  	[sflag:s0] =	ssyncadd.s32 @!p0 s1  }
0x83: {  	[bflag:$0x3] =	sbarrier.arrive $0xFFFF  }
0x84: {  	_ =	shalt  }

// kernel: kernel.19.cloned.1.call-start
scs
__scs_entry_jumppad:
0x0: {  	(pc) =	sbr.rel $0x88, $3  }
0x1: {  	(tag) =	ssettag $0x0;
	lr =	simm.s32 $0x1  }
0x2: {  	[smem:$0x3F97] =	sst lr;
	_ =	strace $0xD0000000  }
0x3: {  	_ = 	snop  }
0x4: {  	_ = 	snop  }
0x5: {  	_ = 	snop  }
0x6: {  	_ = 	snop  }
0x7: {  	_ = 	snop  }
__scs_overlays_trampoline_lowered:
0x8: {  	[smem:$0x3FA6] =	sst s0  }
0x9: {  	[smem:$0x3FA7] =	sst s1  }
0xa: {  	[smem:$0x3FA8] =	sst s2  }
0xb: {  	[smem:$0x3FA9] =	sst s3  }
0xc: {  	[smem:$0x3FAA] =	sst s4  }
0xd: {  	[smem:$0x3FAB] =	sst s5  }
0xe: {  	[smem:$0x3FAC] =	sst s6  }
0xf: {  	[smem:$0x3FAD] =	sst s7  }
0x10: {  	[smem:$0x3FAE] =	sst s8  }
0x11: {  	[smem:$0x3FAF] =	sst s9;
	s0 =	simm.s32 @!p0 $0x0  }
0x12: {  	s1 =	sld [smem:$0x3F95];
	s0 =	simm.s32 @p0 $0x1  }
0x13: {  	[smem:$0x3FB0] =	sst s0;
	s0 =	simm.s32 @!p1 $0x0  }
0x14: {  	s2 =	sld [smem:$0x3F94];
	s0 =	simm.s32 @p1 $0x1  }
0x15: {  	[smem:$0x3FB1] =	sst s0;
	s0 =	simm.s32 @!p2 $0x0  }
0x16: {  	s3 =	sld [smem:$0x3FDB];
	s0 =	simm.s32 @p2 $0x1  }
0x17: {  	s4 =	simm.s32 $0x1BF5;
	[smem:$0x3FB3] =	sst s0  }
0x18: {  	s0 =	sld [smem:$0x3F96];
	_ =	swait.ge [sflag:s4], $0x0  }
0x19: {  	s7 =	sld [smem:$0x3F97]  }
0x1a: {  	s8 =	sadd.s32 $0xFFFFE003, lr  }
0x1b: {  	s9 =	sadd.s32 $0xFFFFFEF7, lr;
	s5 =	simm.s32 $0xFFFFFFFF;
	p2 =	slt.u32 s8, $0xFFFFF086  }
0x1c: {  	p1 =	slt.u32 s9, $0xF7A;
	s5 =	simm.s32 @!p2 $0x0  }
0x1d: {  	s5 =	simm.s32 @p1 $0x1;
	p0 =	seq.s32 s7, s2  }
0x1e: {  	s7 =	smul.u32 @!p0 $0xF7A, s2;
	p2 =	seq.s32 @!p0 s5, $0x0  }
0x1f: {  	s9 =	smul.u32 $0xF7A, s1;
	s8 =	simm.s32 @!p0 $0x1BF5;
	p2 =	por !p2, p0  }
0x20: {  	[sflag:s8] =	ssyncset.s32 @!p0 $0xFFFFF086;
	s6 =	sadd.s32 @!p0 s3, s7;
	s7 =	simm.s32 @!p0 $0x108  }
0x21: {  	s3 =	sadd.s32 s3, s9;
	s6 =	sadd.s32 @!p0 $0x88, s6;
	s7 =	simm.s32 @p2 $0x1082  }
0x22: {  	[simem:s7], [sflag:s8] =	dma.local @!p0 [hbm:s6], $0xF7A  }
0x23: {  	s9 =	sor.u32 $0xD0000000, s2;
	s6 =	simm.s32 $0x108;
	_ =	swait.ge @!p0 [sflag:s8], $0x0  }
0x24: {  	s3 =	sadd.s32 $0x88, s3;
	s6 =	simm.s32 @!p1 $0x1082;
	[sflag:s4] =	ssyncset.s32 $0xFFFFF086  }
0x25: {  	[simem:s6], [sflag:s4] =	dma.local [hbm:s3], $0xF7A  }
0x26: {  	[smem:$0x3F97] =	sst s1;
	(tag) =	ssettag s2;
	_ =	strace s9  }
0x27: {  	s1 =	sld [smem:$0x3FA7]  }
0x28: {  	s2 =	sld [smem:$0x3FA8]  }
0x29: {  	s4 =	sld [smem:$0x3FAA]  }
0x2a: {  	p0 =	seq.s32 s5, $0x0;
	s5 =	sld [smem:$0x3FAB]  }
0x2b: {  	s6 =	sld [smem:$0x3FAC]  }
0x2c: {  	s7 =	sld [smem:$0x3FAD]  }
0x2d: {  	s3 =	simm.s32 $0x108;
	s8 =	sld [smem:$0x3FAE]  }
0x2e: {  	s3 =	simm.s32 @!p0 $0x1082;
	s9 =	sld [smem:$0x3FAF]  }
0x2f: {  	lr =	sadd.s32 s0, s3;
	s0 =	sld [smem:$0x3FA6]  }
0x30: {  	s3 =	sld [smem:$0x3FA9]  }
0x31: {  	[smem:$0x3FB2] =	sst s10  }
0x32: {  	s10 =	sld [smem:$0x3FB0];
	_ =	sdelay $0x3  }
0x33: {  	p0 =	seq.s32 s10, $0x1;
	s10 =	sld [smem:$0x3FB2];
	_ =	sdelay $0x3  }
0x34: {  	[smem:$0x3FB2] =	sst s10  }
0x35: {  	s10 =	sld [smem:$0x3FB1];
	_ =	sdelay $0x3  }
0x36: {  	p1 =	seq.s32 s10, $0x1;
	s10 =	sld [smem:$0x3FB2];
	_ =	sdelay $0x3  }
0x37: {  	[smem:$0x3FB2] =	sst s10  }
0x38: {  	s10 =	sld [smem:$0x3FB3]  }
0x39: {  	_ = 	snop;
	(pc) =	sbr.ind lr, $3  }
0x3a: {  	_ = 	snop  }
0x3b: {  	_ = 	snop  }
0x3c: {  	p2 =	seq.s32 s10, $0x1;
	s10 =	sld [smem:$0x3FB2]  }
0x3d: {  	_ =	shalt  }
0x3e: {  	_ =	shalt  }
0x3f: {  	_ =	shalt  }
0x40: {  	_ =	shalt  }
0x41: {  	_ =	shalt  }
0x42: {  	_ =	shalt  }
0x43: {  	_ =	shalt  }
0x44: {  	_ =	shalt  }
0x45: {  	_ =	shalt  }
0x46: {  	_ =	shalt  }
0x47: {  	_ =	shalt  }
0x48: {  	_ =	shalt  }
0x49: {  	_ =	shalt  }
0x4a: {  	_ =	shalt  }
0x4b: {  	_ =	shalt  }
0x4c: {  	_ =	shalt  }
0x4d: {  	_ =	shalt  }
0x4e: {  	_ =	shalt  }
0x4f: {  	_ =	shalt  }
0x50: {  	_ =	shalt  }
0x51: {  	_ =	shalt  }
0x52: {  	_ =	shalt  }
0x53: {  	_ =	shalt  }
0x54: {  	_ =	shalt  }
0x55: {  	_ =	shalt  }
0x56: {  	_ =	shalt  }
0x57: {  	_ =	shalt  }
0x58: {  	_ =	shalt  }
0x59: {  	_ =	shalt  }
0x5a: {  	_ =	shalt  }
0x5b: {  	_ =	shalt  }
0x5c: {  	_ =	shalt  }
0x5d: {  	_ =	shalt  }
0x5e: {  	_ =	shalt  }
0x5f: {  	_ =	shalt  }
0x60: {  	_ =	shalt  }
0x61: {  	_ =	shalt  }
0x62: {  	_ =	shalt  }
0x63: {  	_ =	shalt  }
0x64: {  	_ =	shalt  }
0x65: {  	_ =	shalt  }
0x66: {  	_ =	shalt  }
0x67: {  	_ =	shalt  }
0x68: {  	_ =	shalt  }
0x69: {  	_ =	shalt  }
0x6a: {  	_ =	shalt  }
0x6b: {  	_ =	shalt  }
0x6c: {  	_ =	shalt  }
0x6d: {  	_ =	shalt  }
0x6e: {  	_ =	shalt  }
0x6f: {  	_ =	shalt  }
0x70: {  	_ =	shalt  }
0x71: {  	_ =	shalt  }
0x72: {  	_ =	shalt  }
0x73: {  	_ =	shalt  }
0x74: {  	_ =	shalt  }
0x75: {  	_ =	shalt  }
0x76: {  	_ =	shalt  }
0x77: {  	_ =	shalt  }
0x78: {  	_ =	shalt  }
0x79: {  	_ =	shalt  }
0x7a: {  	_ =	shalt  }
0x7b: {  	_ =	shalt  }
0x7c: {  	_ =	shalt  }
0x7d: {  	_ =	shalt  }
0x7e: {  	_ =	shalt  }
0x7f: {  	_ =	shalt  }
0x80: {  	_ =	shalt  }
0x81: {  	_ =	shalt  }
0x82: {  	_ =	shalt  }
0x83: {  	_ =	shalt  }
0x84: {  	_ =	shalt  }
0x85: {  	_ =	shalt  }
0x86: {  	_ =	shalt  }
0x87: {  	_ =	shalt  }
.Lfunc_end0:
.L_simem_size_0:
called_computation.3_lowered:
.L_overlay_start_0:
0x88: {  	s2 =	sld [smem:$0x3FD9]  }
0x89: {  	s3 =	sld [smem:$0x3FFE];
	_ =	sdelay $0x1  }
0x8a: {  	s1 =	srdreg.scid  }
0x8b: {  	s0 =	sand.u32 $0x1, s1  }
0x8c: {  	s17 =	sshll.u32 s0, $0xA;
	s2 =	sadd.s32 s3, s2  }
0x8d: {  	s2 =	sadd.s32 s2, s17  }
0x8e: {  	[smem:$0x3FBE] =	sst s2  }
0x8f: {  	_ = 	snop  }
0x90: {  	s18 =	sld [smem:$0x3FD0];
	(tm) =	ssettm $0x1  }
0x91: {  	s19 =	sld [smem:$0x3FFB];
	_ =	sdelay $0x3  }
0x92: {  	_ =	strace s19  }
0x93: {  	s2 =	sld [smem:$0x3FFC];
	_ =	sdelay $0x3  }
0x94: {  	_ =	strace s2  }
0x95: {  	s2 =	sld [smem:$0x3FFD];
	_ =	sdelay $0x3  }
0x96: {  	_ =	strace s2  }
0x97: {  	_ =	strace $0x8FFFFFFF  }
0x98: {  	s20 =	sld [smem:$0x3FDB];
	_ =	sdelay $0x1  }
0x99: {  	s4 =	simm.s32 $_scs_section_size  }
0x9a: {  	s5 =	simm.s32 $_size__tile_overlayer_lowered;
	s6 =	simm.s32 $_tile_overlayer_lowered  }
0x9b: {  	s7 =	simm.s32 $0x1BFF;
	s21 =	sshll.u32 s6, $0x1;
	s4 =	sadd.s32 s4, s20  }
0x9c: {  	s22 =	simm.s32 $0x0;
	s5 =	sshll.u32 s5, $0x1;
	s6 =	sadd.s32 s21, s4  }
0x9d: {  	[timem:s22], [sflag:s7] =	dma.local [hbm:s6], s5  }
0x9e: {  	_ =	swait.ge [sflag:s7], s5  }
0x9f: {  	s5 =	ssub.s32 $0x0, s5;
	[sflag:s7] =	ssyncset.done $0x0  }
0xa0: {  	[sflag:s7] =	ssyncadd.s32 s5;
	_ =	sdelay $0x1  }
0xa1: {  	s23 =	simm.s32 $0x1B8B  }
0xa2: {  	_ =	swait.ge [sflag:s23], $0x1  }
0xa3: {  	[sflag:s23] =	ssyncset.done $0x0  }
0xa4: {  	[sflag:s23] =	ssyncadd.s32 $0xFFFFFFFF  }
0xa5: {  	s5 =	sld [smem:$0x0]  }
0xa6: {  	s6 =	sand.u32 $0xFFFFFFFE, s1  }
0xa7: {  	p0 =	sne.s32 s1, s6  }
0xa8: {  	s6 =	sshll.u32 @p0 s6, $0xE  }
0xa9: {  	s6 =	sadd.s32 @p0 $0x11B8D, s6;
	s7 =	sshll.u32 @p0 s5, $0x11  }
0xaa: {  	s6 =	sor.u32 @p0 s7, s6  }
0xab: {  	[sflag:s6] =	ssyncadd.remote.s32 @p0 $0x1;
	_ =	sdelay $0x1  }
0xac: {  	s6 =	simm.s32 @p0 $0x1B8D  }
0xad: {  	_ =	swait.eq @p0 [sflag:s6], $0x1  }
0xae: {  	[sflag:s6] =	ssyncadd.s32 @p0 $0xFFFFFFFF  }
0xaf: {  	s7 =	sshll.u32 @!p0 s1, $0xE  }
0xb0: {  	s7 =	sor.u32 @!p0 $0x4000, s7;
	s6 =	simm.s32 @!p0 $0x1B8D  }
0xb1: {  	s5 =	sshll.u32 @!p0 s5, $0x11;
	s7 =	sadd.s32 @!p0 $0x11B8D, s7;
	_ =	swait.eq @!p0 [sflag:s6], $0x1  }
0xb2: {  	s5 =	sor.u32 @!p0 s5, s7;
	[sflag:s6] =	ssyncadd.s32 @!p0 $0xFFFFFFFF  }
0xb3: {  	s25 =	simm.s32 $0x1B8E;
	s24 =	sld [smem:$0x3FFE];
	[sflag:s5] =	ssyncadd.remote.s32 @!p0 $0x1  }
0xb4: {  	s26 =	simm.s32 $execute0_lowered;
	[smem:$0x3FD2] =	sst s25  }
0xb5: {  	s6 =	sshll.u32 s26, $0x1;
	_ =	strace $0x8000004F;
	[dreg:$0x1] =	wrdreg $0xFFFFFFFF  }
0xb6: {  	s28 =	simm.s32 $_size_execute0_lowered;
	s4 =	sadd.s32 s4, s6;
	[dreg:$0x0] =	wrdreg $0x0  }
0xb7: {  	s6 =	sshll.u32 s28, $0x1;
	[dreg:$0x2] =	wrdreg s4  }
0xb8: {  	[dreg:$0x3] =	wrdreg s6  }
0xb9: {  	[dreg:$0x4] =	wrdreg $0xC0  }
0xba: {  	_ =	task [dreg:s22], $0x5FFFF  }
0xbb: {  	[dreg:$0x1] =	wrdreg $0xFFFFFFFF  }
0xbc: {  	[dreg:$0x0] =	wrdreg $0x60  }
0xbd: {  	[dreg:$0x2] =	wrdreg s24  }
0xbe: {  	[dreg:$0x3] =	wrdreg s18  }
0xbf: {  	[dreg:$0x4] =	wrdreg $0xC  }
0xc0: {  	_ =	task.clear_ibuf [dreg:s22], $0x5FFFF;
	_ =	strace $0x9000004F  }
0xc1: {  	s29 =	simm.s32 $0xC;
	_ =	strace $0x80000051  }
0xc2: {  	_ =	swait.ge [sflag:s29], $0x1  }
0xc3: {  	[sflag:s29] =	ssyncadd.s32 $0xFFFFFFFF  }
0xc4: {  	_ =	strace $0x90000051  }
0xc5: {  	_ =	sfence  }
0xc6: {  	s30 =	sld [smem:$0x0];
	_ =	sdelay $0x2  }
0xc7: {  	s31 =	sshll.u32 s1, $0xD;
	s1 =	sshrl.u32 s1, $0x2  }
0xc8: {  	s4 =	sand.u32 $0x4000, s31;
	s1 =	sadd.s32 s1, s30  }
0xc9: {  	s0 =	sor.u32 s4, s0;
	s1 =	sshll.u32 s1, $0x11  }
0xca: {  	s0 =	sor.u32 s1, s0  }
0xcb: {  	s0 =	sadd.s32 $0x8F2B, s0  }
0xcc: {  	[sflag:s0] =	ssyncadd.remote.s32 $0x1  }
0xcd: {  	_ =	sfence.sel $0xFFFF  }
0xce: {  	[dreg:$0x0] =	wrdreg $0xFFFFFFFF;
	(pc) =	sbr.abs _section_cstart, $3  }
0xcf: {  	[dreg:$0x1] =	wrdreg $0xFFFFFFFF  }
0xd0: {  	_ =	task.clear_ibuf [dreg:s22], $0x2FFFF;
	_ =	strace $0x9FFFFFFF  }
0xd1: {  	(tm) =	ssettm $0x7FFFFFFF  }
tec
execute0_lowered:
.L_overlay_start_1:
0x0: {  	(tag) =	ssettag $0x1  }
0x1: {  	s0 =	rddreg [dreg:$0x0]  }
0x2: {  	s2 =	rddreg [dreg:$0x1];
	s1 =	simm.s32 $0x0  }
0x3: {  	s3 =	srdreg.scid;
	s8 =	stileid.u32;
	s10 =	simm.s32 $0x100  }
0x4: {  	s12 =	simm.s32 $0x7;
	s13 =	simm.s32 $0x80;
	s14 =	simm.s32 $0x2100  }
0x5: {  	s15 =	simm.s32 $0x6100;
	s16 =	simm.s32 $0xA100;
	s18 =	simm.s32 $0xE100  }
0x6: {  	s19 =	simm.s32 $0x1;
	s21 =	simm.s32 $0x12100;
	s23 =	simm.s32 $0x16100  }
0x7: {  	s24 =	simm.s32 $0x2;
	s25 =	simm.s32 $0x4;
	s29 =	simm.s32 $0x3  }
0x8: {  	s30 =	simm.s32 $0x5;
	s11 =	simm.s32 $0x0;
	[smem:$0x7FF] =	sst s1  }
0x9: {  	s4 =	sand.u32 $0x1, s3;
	s3 =	sadd.s32 $0x189000, s0;
	s0 =	sadd.s32 $0xBAFA00, s0  }
0xa: {  	_ =	strace $0x80000050;
	s5 =	ssub.s32 $0x2, s4;
	s6 =	sshll.u32 s4, $0x4  }
0xb: {  	s31 =	sshll.u32 s4, $0x10;
	s7 =	sshrl.u32 s5, $0x1;
	s6 =	sor.u32 s8, s6  }
.Ltmp0:
0xc: {  	s8 =	sshll.u32 s8, $0xC;
	s26 =	sshll.u32 s6, $0x5;
	(pc) =	sbr.rel .LBB2_1-.Ltmp0, $4  }
0xd: {  	s7 =	ssub.s32 s5, s7;
	s28 =	sshll.u32 s6, $0xC;
	s2 =	sadd.s32 s26, s2  }
0xe: {  	s4 =	sadd.s32 s0, s28;
	s0 =	sadd.s32 s31, s0;
	s7 =	smax.u32 s7, $0x1  }
0xf: {  	s5 =	sadd.s32 $0x10800, s2;
	s6 =	sadd.s32 $0x20000, s4;
	s0 =	sadd.s32 s8, s0  }
0x10: {  	s8 =	sadd.s32 $0x40000, s4;
	s2 =	simm.s32 $0x6;
	s17 =	sadd.s32 $0x60000, s0  }
.LBB2_4:
0x11: {  	_ =	swait.ge [sflag:s25], $0x8000  }
0x12: {  	[sflag:s25] =	ssyncset.done $0x0  }
0x13: {  	s11 =	sadd.s32 $0x1, s11;
	[sflag:s25] =	ssyncadd.s32 $0xFFFF8000  }
0x14: {  	p0 =	sne.s32 s11, s7;
	_ =	swait.ge [sflag:s30], $0x8000  }
.Ltmp1:
0x15: {  	[sflag:s30] =	ssyncset.done $0x0;
	(pc) =	sbr.rel @!p0 .LBB2_5-.Ltmp1, $4  }
0x16: {  	[sflag:s30] =	ssyncadd.s32 $0xFFFF8000  }
0x17: {  	_ =	swait.ge [sflag:s2], $0x8000  }
0x18: {  	[sflag:s2] =	ssyncset.done $0x0  }
0x19: {  	[sflag:s2] =	ssyncadd.s32 $0xFFFF8000  }
.LBB2_1:
0x1a: {  	s0 =	simm.s32 $0x2000  }
0x1b: {  	[tilespmem:s1], [sflag:$0x7] =	stream.strided.gather [hbm4b:s5+s10], $0x2100, s0, s10, $0x38;
	[tilespmem:$0x1A100] =	vst v63  }
0x1c: {  	_ =	swait.ge [sflag:s12], $0x2100  }
0x1d: {  	[sflag:s12] =	ssyncset.done $0x0  }
0x1e: {  	[sflag:s12] =	ssyncadd.s32 $0xFFFFDF00  }
0x1f: {  	[tilespmem:s14], [sflag:$0x1] =	stream.indirect.gather [hbm4b:s3+s13], $0x80, s1, s13, $0xb8;
	[tilespmem:$0x1A100] =	vst v63  }
0x20: {  	_ = 	snop  }
0x21: {  	[tilespmem:s15], [sflag:$0x1] =	stream.indirect.gather [hbm4b:s3+s13], $0x80, s13, s13, $0xb8;
	[tilespmem:$0x1A100] =	vst v63  }
0x22: {  	_ = 	snop  }
0x23: {  	[tilespmem:s16], [sflag:$0x2] =	stream.indirect.gather [hbm4b:s3+s13], $0x80, s10, s13, $0xb8;
	[tilespmem:$0x1A100] =	vst v63  }
0x24: {  	s31 =	simm.s32 $0x180  }
0x25: {  	[tilespmem:s18], [sflag:$0x2] =	stream.indirect.gather [hbm4b:s3+s13], $0x80, s31, s13, $0xb8;
	[tilespmem:$0x1A100] =	vst v63  }
0x26: {  	_ =	swait.ge [sflag:s19], $0x4000  }
0x27: {  	[sflag:s19] =	ssyncset.done $0x0  }
0x28: {  	[sflag:s19] =	ssyncadd.s32 $0xFFFFC000  }
0x29: {  	_ =	swait.ge [sflag:s19], $0x4000  }
0x2a: {  	[sflag:s19] =	ssyncset.done $0x0  }
0x2b: {  	[sflag:s19] =	ssyncadd.s32 $0xFFFFC000  }
0x2c: {  	[hbm4b:s4+s1] =	stream.linear.scatter [tilespmem:s14], [sflag:$0x4], $0x8000, $0x38;
	[tilespmem:$0x1A100] =	vst v63  }
0x2d: {  	s9 =	simm.s32 $0x200  }
0x2e: {  	[tilespmem:s21], [sflag:$0x3] =	stream.indirect.gather [hbm4b:s3+s13], $0x80, s9, s13, $0xb8;
	[tilespmem:$0x1A100] =	vst v63  }
0x2f: {  	s20 =	simm.s32 $0x280  }
0x30: {  	[tilespmem:s23], [sflag:$0x3] =	stream.indirect.gather [hbm4b:s3+s13], $0x80, s20, s13, $0xb8;
	[tilespmem:$0x1A100] =	vst v63  }
0x31: {  	_ =	swait.ge [sflag:s24], $0x4000  }
0x32: {  	[sflag:s24] =	ssyncset.done $0x0  }
0x33: {  	[sflag:s24] =	ssyncadd.s32 $0xFFFFC000  }
0x34: {  	_ =	swait.ge [sflag:s24], $0x4000  }
0x35: {  	[sflag:s24] =	ssyncset.done $0x0  }
0x36: {  	[sflag:s24] =	ssyncadd.s32 $0xFFFFC000  }
0x37: {  	[hbm4b:s6+s1] =	stream.linear.scatter [tilespmem:s16], [sflag:$0x5], $0x8000, $0x38;
	[tilespmem:$0x1A100] =	vst v63  }
0x38: {  	_ =	swait.ge [sflag:s25], $0x8000  }
0x39: {  	[sflag:s25] =	ssyncset.done $0x0  }
0x3a: {  	s22 =	simm.s32 $0x300;
	[sflag:s25] =	ssyncadd.s32 $0xFFFF8000  }
0x3b: {  	[tilespmem:s14], [sflag:$0x1] =	stream.indirect.gather [hbm4b:s3+s13], $0x80, s22, s13, $0xb8;
	[tilespmem:$0x1A100] =	vst v63  }
0x3c: {  	s26 =	simm.s32 $0x380  }
0x3d: {  	[tilespmem:s15], [sflag:$0x1] =	stream.indirect.gather [hbm4b:s3+s13], $0x80, s26, s13, $0xb8;
	[tilespmem:$0x1A100] =	vst v63  }
0x3e: {  	_ =	swait.ge [sflag:s29], $0x4000  }
0x3f: {  	[sflag:s29] =	ssyncset.done $0x0  }
0x40: {  	[sflag:s29] =	ssyncadd.s32 $0xFFFFC000  }
0x41: {  	_ =	swait.ge [sflag:s29], $0x4000  }
0x42: {  	[sflag:s29] =	ssyncset.done $0x0  }
0x43: {  	[sflag:s29] =	ssyncadd.s32 $0xFFFFC000  }
0x44: {  	[hbm4b:s8+s1] =	stream.linear.scatter [tilespmem:s21], [sflag:$0x6], $0x8000, $0x38;
	[tilespmem:$0x1A100] =	vst v63  }
0x45: {  	_ =	swait.ge [sflag:s30], $0x8000  }
0x46: {  	[sflag:s30] =	ssyncset.done $0x0  }
0x47: {  	s28 =	simm.s32 $0x400;
	[sflag:s30] =	ssyncadd.s32 $0xFFFF8000  }
0x48: {  	[tilespmem:s16], [sflag:$0x2] =	stream.indirect.gather [hbm4b:s3+s13], $0x80, s28, s13, $0xb8;
	[tilespmem:$0x1A100] =	vst v63  }
0x49: {  	s31 =	simm.s32 $0x480;
	s9 =	smov.u32 s17;
	s20 =	simm.s32 $0x0  }
0x4a: {  	[tilespmem:s18], [sflag:$0x2] =	stream.indirect.gather [hbm4b:s3+s13], $0x80, s31, s13, $0xb8;
	[tilespmem:$0x1A100] =	vst v63  }
.LBB2_2:
0x4b: {  	_ =	swait.ge [sflag:s19], $0x4000  }
0x4c: {  	[sflag:s19] =	ssyncset.done $0x0  }
0x4d: {  	[sflag:s19] =	ssyncadd.s32 $0xFFFFC000  }
0x4e: {  	_ =	swait.ge [sflag:s19], $0x4000  }
0x4f: {  	[sflag:s19] =	ssyncset.done $0x0  }
0x50: {  	[sflag:s19] =	ssyncadd.s32 $0xFFFFC000  }
0x51: {  	[hbm4b:s9+s1] =	stream.linear.scatter [tilespmem:s14], [sflag:$0x4], $0x8000, $0x38;
	[tilespmem:$0x1A100] =	vst v63  }
0x52: {  	_ =	swait.ge [sflag:s2], $0x8000  }
0x53: {  	s22 =	sshra.s32 s20, $0x2;
	[sflag:s2] =	ssyncset.done $0x0  }
0x54: {  	s26 =	sadd.s32 $0x500, s22;
	[sflag:s2] =	ssyncadd.s32 $0xFFFF8000  }
0x55: {  	[tilespmem:s21], [sflag:$0x3] =	stream.indirect.gather [hbm4b:s3+s13], $0x80, s26, s13, $0xb8;
	[tilespmem:$0x1A100] =	vst v63  }
0x56: {  	s0 =	sadd.s32 $0x580, s22  }
0x57: {  	[tilespmem:s23], [sflag:$0x3] =	stream.indirect.gather [hbm4b:s3+s13], $0x80, s0, s13, $0xb8;
	[tilespmem:$0x1A100] =	vst v63  }
0x58: {  	_ =	swait.ge [sflag:s24], $0x4000  }
0x59: {  	[sflag:s24] =	ssyncset.done $0x0  }
0x5a: {  	[sflag:s24] =	ssyncadd.s32 $0xFFFFC000  }
0x5b: {  	_ =	swait.ge [sflag:s24], $0x4000  }
0x5c: {  	p0 =	seq.s32 s20, $0x6C00;
	[sflag:s24] =	ssyncset.done $0x0  }
0x5d: {  	s28 =	sadd.s32 $0x20000, s9;
	s26 =	simm.s32 @!p0 $0x4;
	[sflag:s24] =	ssyncadd.s32 $0xFFFFC000  }
0x5e: {  	[hbm4b:s28+s1] =	stream.linear.scatter [tilespmem:s16], [sflag:$0x5], $0x8000, $0x38;
	[tilespmem:$0x1A100] =	vst v63  }
0x5f: {  	_ =	swait.ge @!p0 [sflag:s26], $0x8000  }
0x60: {  	[sflag:s26] =	ssyncset.done @!p0 $0x0  }
0x61: {  	[sflag:s26] =	ssyncadd.s32 @!p0 $0xFFFF8000;
	s26 =	sshra.s32 @!p0 s20, $0x2  }
0x62: {  	s31 =	simm.s32 @!p0 $0x80;
	s0 =	simm.s32 @!p0 $0x2100;
	s28 =	sadd.s32 @!p0 $0x600, s26  }
0x63: {  	[tilespmem:s0], [sflag:$0x1] =	stream.indirect.gather @!p0 [hbm4b:s3+s31], $0x80, s28, s31, $0xb8;
	[tilespmem:$0x1A100] =	vst v63  }
0x64: {  	s0 =	sadd.s32 @!p0 $0x680, s26;
	s26 =	simm.s32 @!p0 $0x6100  }
0x65: {  	[tilespmem:s26], [sflag:$0x1] =	stream.indirect.gather @!p0 [hbm4b:s3+s31], $0x80, s0, s31, $0xb8;
	[tilespmem:$0x1A100] =	vst v63  }
0x66: {  	_ =	swait.ge [sflag:s29], $0x4000  }
0x67: {  	[sflag:s29] =	ssyncset.done $0x0  }
.Ltmp2:
0x68: {  	[sflag:s29] =	ssyncadd.s32 $0xFFFFC000;
	(pc) =	sbr.rel @p0 .LBB2_4-.Ltmp2, $4  }
0x69: {  	_ =	swait.ge [sflag:s29], $0x4000  }
0x6a: {  	[sflag:s29] =	ssyncset.done $0x0  }
0x6b: {  	s31 =	sadd.s32 $0x40000, s9;
	[sflag:s29] =	ssyncadd.s32 $0xFFFFC000  }
0x6c: {  	[hbm4b:s31+s1] =	stream.linear.scatter [tilespmem:s21], [sflag:$0x6], $0x8000, $0x38;
	[tilespmem:$0x1A100] =	vst v63  }
0x6d: {  	_ =	swait.ge [sflag:s30], $0x8000  }
.Ltmp3:
0x6e: {  	[sflag:s30] =	ssyncset.done $0x0;
	(pc) =	sbr.rel .LBB2_2-.Ltmp3, $4  }
0x6f: {  	s0 =	sadd.s32 $0x700, s22;
	[sflag:s30] =	ssyncadd.s32 $0xFFFF8000  }
0x70: {  	[tilespmem:s16], [sflag:$0x2] =	stream.indirect.gather [hbm4b:s3+s13], $0x80, s0, s13, $0xb8;
	[tilespmem:$0x1A100] =	vst v63  }
0x71: {  	s31 =	sadd.s32 $0x780, s22;
	s20 =	sadd.s32 $0xC00, s20;
	s9 =	sadd.s32 $0x60000, s9  }
0x72: {  	[tilespmem:s18], [sflag:$0x2] =	stream.indirect.gather [hbm4b:s3+s13], $0x80, s31, s13, $0xb8;
	[tilespmem:$0x1A100] =	vst v63  }
.LBB2_5:
0x73: {  	_ =	sfence.sel $0x180000  }
0x74: {  	[bflag:$0x0] =	sbarrier.arrive $0xFFFF  }
0x75: {  	_ =	strace $0x90000050  }
0x76: {  	s0 =	stileid.u32;
	[bflag:$0x2] =	sbarrier.arrive $0xFFFF  }
0x77: {  	p0 =	sne.s32 s0, $0x0;
	s0 =	rddreg [dreg:$0x2]  }
0x78: {  	s0 =	sadd.s32 @!p0 $0x100000, s0  }
0x79: {  	[sflag:s0] =	ssyncadd.tile.s32 @!p0 $0x1;
	_ =	shalt  }
.Lfunc_end2:
_tile_overlayer_lowered:
.L_overlay_start_2:
0x7a: {  	(tag) =	ssettag $0x2  }
0x7b: {  	s0 =	rddreg [dreg:$0x0];
	s2 =	stileid.u32  }
0x7c: {  	s1 =	rddreg [dreg:$0x1];
	p0 =	sne.s32 s2, $0x0  }
0x7d: {  	s3 =	rddreg [dreg:$0x2];
	[bflag:$0x3] =	sbarrier.arrive $0xFFFF;
	s2 =	simm.s32 @!p0 $0x1C07  }
0x7e: {  	[timem:s3], [sflag:s2] =	dma.local @!p0 [hbm:s0], s1  }
0x7f: {  	s0 =	simm.s32 @!p0 $0x7  }
0x80: {  	_ =	swait.ge @!p0 [sflag:s0], s1  }
0x81: {  	s1 =	ssub.s32 @!p0 $0x0, s1;
	[sflag:s0] =	ssyncset.done @!p0 $0x0  }
0x82: {  	[sflag:s0] =	ssyncadd.s32 @!p0 s1  }
0x83: {  	[bflag:$0x3] =	sbarrier.arrive $0xFFFF  }
0x84: {  	_ =	shalt  }

</sc_bundles>
